<compile_context>
chip_gen: v7x
topology: tpu7x:2x2x1
jax: 0.10.2.dev20260603
libtpu: 0.0.44.dev20260713+nightly
codegen_flags: <defaults>
</compile_context>

<pallas_src>
import functools

import jax
import jax.numpy as jnp
from jax import lax
from jax.experimental import pallas as pl
from jax.experimental.pallas import tpu as pltpu
from jax.experimental.pallas import tpu_sc as plsc

N = 10000
E = 160000
D = 256
H = 512
L = 128
G = 256
T = 3

NB = 400
NBLK = N // NB
HPAD = 26 * NB
HALF_T = 5200
ACC2 = 5248
DUMMY_L = 5216
AGG_B1 = 5600
AGG_R = AGG_B1 + ACC2
ZR = ACC2 // 16
E_P = 163840
SLICE_R = 80
SLOT = 88
RB = 16

_mesh = plsc.VectorSubcoreMesh(core_axis_name="c", subcore_axis_name="s")


@functools.partial(
    pl.kernel,
    out_type=[
        jax.ShapeDtypeStruct((32 * SLOT, 128), jnp.int32),
        jax.ShapeDtypeStruct((32 * SLOT, 128), jnp.int32),
        jax.ShapeDtypeStruct((512,), jnp.int32),
    ],
    mesh=_mesh,
    compiler_params=pltpu.CompilerParams(needs_layout_passes=False),
    scratch_types=[
        pltpu.VMEM((SLICE_R, 128), jnp.int32),
        pltpu.VMEM((SLICE_R, 128), jnp.int32),
        pltpu.VMEM((SLOT, 128), jnp.int32),
        pltpu.VMEM((SLOT, 128), jnp.int32),
        pltpu.VMEM((256,), jnp.int32),
        pltpu.VMEM((256,), jnp.int32),
        pltpu.VMEM((16,), jnp.int32),
    ],
)
def _sc_partition(src_hbm, dst_hbm, slists_hbm, dlists_hbm, counts_hbm,
                  src_st, dst_st, s_list, d_list, srow, drow, cbuf):
    c = lax.axis_index("c")
    s = lax.axis_index("s")
    wid = c * 16 + s
    pltpu.sync_copy(src_hbm.at[pl.ds(s * SLICE_R, SLICE_R)], src_st)
    pltpu.sync_copy(dst_hbm.at[pl.ds(s * SLICE_R, SLICE_R)], dst_st)
    lo = c * HALF_T

    def flush(nrow):
        for k in range(8):
            sl = pl.ds(16 * k, 16)
            s_list[nrow, sl] = srow[sl]
            d_list[nrow, sl] = drow[sl]

    trash = jnp.arange(16, dtype=jnp.int32) + 240
    ones = jnp.ones((16,), jnp.int32)
    zeros = jnp.zeros((16,), jnp.int32)

    def row_loop(r, carry):
        wp, nrow = carry
        for k in range(8):
            sl = pl.ds(16 * k, 16)
            sv = src_st[r, sl]
            dv = dst_st[r, sl]
            t = dv - lo
            m = jnp.logical_and(t >= 0, t < HALF_T)
            mi = jnp.where(m, ones, zeros)
            offs = jnp.where(m, wp + jnp.cumsum(mi) - 1, trash)
            plsc.store_scatter(srow, [offs], sv)
            plsc.store_scatter(drow, [offs], t)
            wp = wp + jnp.sum(mi)
            full = wp >= 128

            @pl.when(full)
            def _():
                flush(nrow)
                srow[pl.ds(0, 16)] = srow[pl.ds(128, 16)]
                drow[pl.ds(0, 16)] = drow[pl.ds(128, 16)]

            wp = jnp.where(full, wp - 128, wp)
            nrow = nrow + full.astype(jnp.int32)
        return (wp, nrow)

    wp, nrow = lax.fori_loop(0, SLICE_R, row_loop,
                             (jnp.int32(0), jnp.int32(0)))

    dummy_s = jnp.zeros((16,), jnp.int32)
    dummy_d = jnp.full((16,), DUMMY_L, jnp.int32)
    lane = jnp.arange(16, dtype=jnp.int32)
    for k in range(8):
        offs = wp + lane + 16 * k
        plsc.store_scatter(srow, [offs], dummy_s)
        plsc.store_scatter(drow, [offs], dummy_d)
    flush(nrow)

    cbuf[pl.ds(0, 16)] = jnp.full((16,), nrow + 1, jnp.int32)
    pltpu.sync_copy(s_list, slists_hbm.at[pl.ds(wid * SLOT, SLOT)])
    pltpu.sync_copy(d_list, dlists_hbm.at[pl.ds(wid * SLOT, SLOT)])
    pltpu.sync_copy(cbuf, counts_hbm.at[pl.ds(wid * 16, 16)])


@functools.partial(
    pl.kernel,
    out_type=jax.ShapeDtypeStruct((AGG_R, 2, 128), jnp.float32),
    mesh=_mesh,
    scratch_types=[
        pltpu.VMEM((RB, 128), jnp.int32),
        pltpu.VMEM((RB, 128), jnp.int32),
        pltpu.VMEM((128, 2, 128), jnp.float32),
        pltpu.VMEM((16,), jnp.int32),
        pltpu.VMEM_SHARED((ACC2, 2, 128), jnp.float32),
        pltpu.SemaphoreType.DMA,
        pltpu.SemaphoreType.DMA,
    ],
)
def _sc_gather_scatter(h_hbm, slists_hbm, dlists_hbm, counts_hbm, agg_hbm,
                       sidx, didx, buf, cbuf, acc, sema, semb):
    c = lax.axis_index("c")
    s = lax.axis_index("s")
    wid = c * 16 + s
    slotr = wid * SLOT

    pltpu.sync_copy(counts_hbm.at[pl.ds(wid * 16, 16)], cbuf)
    nsub = cbuf[...][0]

    pltpu.sync_copy(slists_hbm.at[pl.ds(slotr, RB)], sidx)
    pltpu.sync_copy(dlists_hbm.at[pl.ds(slotr, RB)], didx)

    zero = jnp.zeros((16,), jnp.float32)

    def zrow(i, carry):
        for half in range(2):
            for k in range(128 // 16):
                buf[i, half, pl.ds(k * 16, 16)] = zero
        return carry

    lax.fori_loop(0, 128, zrow, 0)
    base = s * ZR
    for k in range(ZR // 128):
        pltpu.sync_copy(buf, acc.at[pl.ds(base + k * 128, 128)])
    rem = ZR % 128
    if rem:
        pltpu.sync_copy(buf.at[pl.ds(0, rem)],
                        acc.at[pl.ds(base + (ZR // 128) * 128, rem)])
    plsc.subcore_barrier()

    def body(g, carry):
        @pl.when(jnp.logical_and(g > 0, lax.rem(g, RB) == 0))
        def _():
            b = (g // RB) * RB
            pltpu.sync_copy(slists_hbm.at[pl.ds(slotr + b, RB)], sidx)
            pltpu.sync_copy(dlists_hbm.at[pl.ds(slotr + b, RB)], didx)

        r = lax.rem(g, RB)
        pltpu.make_async_copy(h_hbm.at[sidx.at[r, pl.ds(0, 64)]],
                              buf.at[pl.ds(0, 64)], sema).start()
        pltpu.make_async_copy(h_hbm.at[sidx.at[r, pl.ds(64, 64)]],
                              buf.at[pl.ds(64, 64)], semb).start()
        pltpu.make_async_copy(h_hbm.at[sidx.at[r, pl.ds(0, 64)]],
                              buf.at[pl.ds(0, 64)], sema).wait()
        pltpu.make_async_copy(h_hbm.at[sidx.at[r, pl.ds(64, 64)]],
                              buf.at[pl.ds(64, 64)], semb).wait()
        pltpu.sync_copy(buf, acc.at[didx.at[r]], add=True)
        return carry

    lax.fori_loop(0, nsub, body, 0)
    plsc.subcore_barrier()

    outb = c * AGG_B1 + s * ZR
    for k in range(ZR // 128):
        pltpu.sync_copy(acc.at[pl.ds(base + k * 128, 128)],
                        agg_hbm.at[pl.ds(outb + k * 128, 128)])
    if rem:
        pltpu.sync_copy(acc.at[pl.ds(base + (ZR // 128) * 128, rem)],
                        agg_hbm.at[pl.ds(outb + (ZR // 128) * 128, rem)])


def _tc_in_body(x_ref, w_ref, o_ref):
    o_ref[...] = jnp.maximum(
        jnp.dot(x_ref[...], w_ref[...], preferred_element_type=jnp.float32), 0.0)


_tc_in = pl.pallas_call(
    _tc_in_body,
    grid=(NBLK,),
    in_specs=[
        pl.BlockSpec((NB, D), lambda i: (i, 0)),
        pl.BlockSpec((D, D), lambda i: (0, 0)),
    ],
    out_specs=pl.BlockSpec((NB, D), lambda i: (i, 0)),
    out_shape=jax.ShapeDtypeStruct((HPAD, D), jnp.float32),
)


def _tc_step_body(h_ref, a_ref, w_ref, o_ref):
    o_ref[...] = jnp.maximum(
        h_ref[...] + jnp.dot(a_ref[...], w_ref[...],
                             preferred_element_type=jnp.float32), 0.0)


_tc_step = pl.pallas_call(
    _tc_step_body,
    grid=(NBLK,),
    in_specs=[
        pl.BlockSpec((NB, D), lambda i: (i, 0)),
        pl.BlockSpec((NB, D), lambda i: (jnp.where(i < HALF_T // NB, i, i + 1), 0)),
        pl.BlockSpec((D, D), lambda i: (0, 0)),
    ],
    out_specs=pl.BlockSpec((NB, D), lambda i: (i, 0)),
    out_shape=jax.ShapeDtypeStruct((HPAD, D), jnp.float32),
)


def _tc_head_body(h_ref, a_ref, wg_ref, gid_ref, wf_ref, bf_ref, wm_ref,
                  bm_ref, wl_ref, bl_ref, mu_ref, lv_ref, g_acc, c_acc):
    i = pl.program_id(0)

    @pl.when(i == 0)
    def _():
        g_acc[...] = jnp.zeros_like(g_acc)
        c_acc[...] = jnp.zeros_like(c_acc)

    hblk = jnp.maximum(
        h_ref[...] + jnp.dot(a_ref[...], wg_ref[...],
                             preferred_element_type=jnp.float32), 0.0)
    gid = gid_ref[0]
    mt = (lax.broadcasted_iota(jnp.int32, (G, NB), 0) == gid).astype(jnp.float32)
    g_acc[...] += jnp.dot(mt, hblk, preferred_element_type=jnp.float32)
    c_acc[...] += jnp.sum(mt, axis=1, keepdims=True)

    @pl.when(i == NBLK - 1)
    def _():
        cnt = jnp.maximum(c_acc[...], 1.0)
        g = g_acc[...] / cnt
        hh = jnp.maximum(
            jnp.dot(g, wf_ref[...], preferred_element_type=jnp.float32)
            + bf_ref[...], 0.0)
        mu_ref[...] = jnp.dot(hh, wm_ref[...],
                              preferred_element_type=jnp.float32) + bm_ref[...]
        lv_ref[...] = jnp.dot(hh, wl_ref[...],
                              preferred_element_type=jnp.float32) + bl_ref[...]


_tc_head = pl.pallas_call(
    _tc_head_body,
    grid=(NBLK,),
    in_specs=[
        pl.BlockSpec((NB, D), lambda i: (i, 0)),
        pl.BlockSpec((NB, D), lambda i: (jnp.where(i < HALF_T // NB, i, i + 1), 0)),
        pl.BlockSpec((D, D), lambda i: (0, 0)),
        pl.BlockSpec((1, 1, NB), lambda i: (i, 0, 0)),
        pl.BlockSpec((D, H), lambda i: (0, 0)),
        pl.BlockSpec((1, H), lambda i: (0, 0)),
        pl.BlockSpec((H, L), lambda i: (0, 0)),
        pl.BlockSpec((1, L), lambda i: (0, 0)),
        pl.BlockSpec((H, L), lambda i: (0, 0)),
        pl.BlockSpec((1, L), lambda i: (0, 0)),
    ],
    out_specs=[
        pl.BlockSpec((G, L), lambda i: (0, 0)),
        pl.BlockSpec((G, L), lambda i: (0, 0)),
    ],
    out_shape=[
        jax.ShapeDtypeStruct((G, L), jnp.float32),
        jax.ShapeDtypeStruct((G, L), jnp.float32),
    ],
    scratch_shapes=[
        pltpu.VMEM((G, D), jnp.float32),
        pltpu.VMEM((G, 1), jnp.float32),
    ],
)


@jax.jit
def kernel(x, edge_index, graph_ids, W_in, W_msg, W_fc1, b_fc1, W_mu, b_mu,
           W_lv, b_lv):
    src = edge_index[0]
    dst = edge_index[1]
    pad = E_P - E
    srcp = jnp.concatenate([src, jnp.zeros((pad,), jnp.int32)]
                           ).reshape(E_P // 128, 128)
    dstp = jnp.concatenate([dst, jnp.full((pad,), 2 * HALF_T, jnp.int32)]
                           ).reshape(E_P // 128, 128)
    gidp = graph_ids.reshape(NBLK, 1, NB)
    bf = b_fc1.reshape(1, H)
    bm = b_mu.reshape(1, L)
    bl = b_lv.reshape(1, L)

    slists, dlists, counts = _sc_partition(srcp, dstp)
    h = _tc_in(x, W_in)
    for _ in range(T - 1):
        agg = _sc_gather_scatter(h.reshape(HPAD, 2, 128), slists, dlists,
                                 counts)
        h = _tc_step(h, agg.reshape(AGG_R, D), W_msg)
    agg = _sc_gather_scatter(h.reshape(HPAD, 2, 128), slists, dlists, counts)
    mu, lv = _tc_head(h, agg.reshape(AGG_R, D), W_msg, gidp, W_fc1, bf,
                      W_mu, bm, W_lv, bl)
    return (mu, lv)

# --- scband reference (transcript-rebuilt; emitter-appended) ---
"""Pipeline reference for scband-encoder-13254269075881 (READ-ONLY COPY).

The authoritative reference and input builder live on the scoring server;
editing this copy changes nothing except your own understanding.
"""

import jax, jax.numpy as jnp
import numpy as np

N = 10000      # atoms (nodes) across the batch of molecules
E = 160000     # directed bonds (edges)
D = 256        # enc_dim / message-passing hidden dim
H = 512        # h_dim
L = 128        # l_dim (latent)
G = 256        # number of molecules (graphs) in batch
T = 3          # message-passing depth (chemprop default)


def setup_inputs(seed: int = 0) -> dict:
    key = jax.random.key(seed)
    ks = jax.random.split(key, 12)
    x = jax.random.normal(ks[0], (N, D), dtype=jnp.float32)
    edge_index = jax.random.randint(ks[1], (2, E), 0, N, dtype=jnp.int32)
    graph_ids = jnp.sort(jax.random.randint(ks[2], (N,), 0, G, dtype=jnp.int32))
    s = 1.0 / np.sqrt(D)
    W_in  = jax.random.normal(ks[3], (D, D), dtype=jnp.float32) * s
    W_msg = jax.random.normal(ks[4], (D, D), dtype=jnp.float32) * s
    W_fc1 = jax.random.normal(ks[5], (D, H), dtype=jnp.float32) * s
    b_fc1 = jnp.zeros((H,), dtype=jnp.float32)
    sh = 1.0 / np.sqrt(H)
    W_mu  = jax.random.normal(ks[6], (H, L), dtype=jnp.float32) * sh
    b_mu  = jnp.zeros((L,), dtype=jnp.float32)
    W_lv  = jax.random.normal(ks[7], (H, L), dtype=jnp.float32) * sh
    b_lv  = jnp.zeros((L,), dtype=jnp.float32)
    return {"x": x, "edge_index": edge_index, "graph_ids": graph_ids,
            "W_in": W_in, "W_msg": W_msg, "W_fc1": W_fc1, "b_fc1": b_fc1,
            "W_mu": W_mu, "b_mu": b_mu, "W_lv": W_lv, "b_lv": b_lv}


def reference(x, edge_index, graph_ids, W_in, W_msg, W_fc1, b_fc1, W_mu, b_mu, W_lv, b_lv):
    # chemprop-style MPNN encoding: message passing over bonds, then mean
    # readout per molecule, followed by VAE head fc1 -> (mu, logvar).
    src = edge_index[0]
    dst = edge_index[1]
    h = jax.nn.relu(x @ W_in)
    for _ in range(T):
        msgs = jnp.take(h, src, axis=0)                      # gather
        agg = jax.ops.segment_sum(msgs, dst, num_segments=N)  # scatter-add
        h = jax.nn.relu(h + agg @ W_msg)
    counts = jax.ops.segment_sum(jnp.ones((N, 1), jnp.float32), graph_ids, num_segments=G)
    g = jax.ops.segment_sum(h, graph_ids, num_segments=G) / jnp.maximum(counts, 1.0)
    hh = jax.nn.relu(g @ W_fc1 + b_fc1)
    mu = hh @ W_mu + b_mu
    logvar = hh @ W_lv + b_lv
    return (mu, logvar)

if __name__ == "__main__":
    import jax
    _d = setup_inputs()
    print(jax.jit(kernel)(*tuple(_d.values())))

</pallas_src>

<mosaic_0001>
#map = affine_map<(d0, d1) -> (0, 0)>
#map1 = affine_map<(d0, d1) -> (0)>
module attributes {stable_mosaic.version = 14 : i64} {
  func.func @_sc_partition(%arg0: i32, %arg1: i32, %arg2: memref<1280x128xi32, #tpu.memory_space<hbm>>, %arg3: memref<1280x128xi32, #tpu.memory_space<hbm>>, %arg4: memref<2816x128xi32, #tpu.memory_space<hbm>>, %arg5: memref<2816x128xi32, #tpu.memory_space<hbm>>, %arg6: memref<512xi32, #tpu.memory_space<hbm>>, %arg7: memref<80x128xi32, #tpu.memory_space<vmem>>, %arg8: memref<80x128xi32, #tpu.memory_space<vmem>>, %arg9: memref<88x128xi32, #tpu.memory_space<vmem>>, %arg10: memref<88x128xi32, #tpu.memory_space<vmem>>, %arg11: memref<256xi32, #tpu.memory_space<vmem>>, %arg12: memref<256xi32, #tpu.memory_space<vmem>>, %arg13: memref<16xi32, #tpu.memory_space<vmem>>) attributes {dimension_semantics = [#tpu.dimension_semantics<core_parallel>, #tpu.dimension_semantics<subcore_parallel>], iteration_bounds = array<i64: 2, 16>, scalar_prefetch = 0 : i64, scratch_operands = 7 : i64, tpu.core_type = #tpu.core_type<sc_vector_subcore>, window_params = [{transform_indices = #map}, {transform_indices = #map}, {transform_indices = #map}, {transform_indices = #map}, {transform_indices = #map1}]} {
    %mul3A = arith.constant 16 : i32
    %mul3A_0 = arith.muli %arg0, %mul3A : i32
    %add3A = arith.addi %mul3A_0, %arg1 : i32
    %mul3A_1 = arith.constant 80 : i32
    %mul3A_2 = arith.muli %arg1, %mul3A_1 : i32
    "tpu.region"() ({
      %run_scoped3A = tpu.sem_alloc : memref<!tpu.dma_semaphore, #tpu.memory_space<semaphore_mem>>
      %dma_start3A = arith.constant 0 : i32
      %dma_start3A_154 = tpu.memref_slice %arg2[%mul3A_2, %dma_start3A] : memref<1280x128xi32, #tpu.memory_space<hbm>> -> memref<80x128xi32, #tpu.memory_space<hbm>>
      %dma_start3A_155 = arith.constant 0 : i32
      %dma_start3A_156 = tpu.memref_slice %arg2[%mul3A_2, %dma_start3A_155] : memref<1280x128xi32, #tpu.memory_space<hbm>> -> memref<80x128xi32, #tpu.memory_space<hbm>>
      tpu.enqueue_dma source(%dma_start3A_156 : memref<80x128xi32, #tpu.memory_space<hbm>>) target(%arg7 : memref<80x128xi32, #tpu.memory_space<vmem>>) target_semaphore(%run_scoped3A : memref<!tpu.dma_semaphore, #tpu.memory_space<semaphore_mem>>)
      %dma_wait3A = arith.constant 0 : i32
      %dma_wait3A_157 = tpu.memref_slice %arg2[%mul3A_2, %dma_wait3A] : memref<1280x128xi32, #tpu.memory_space<hbm>> -> memref<80x128xi32, #tpu.memory_space<hbm>>
      %dma_wait3A_158 = arith.constant 0 : i32
      %dma_wait3A_159 = tpu.memref_slice %arg2[%mul3A_2, %dma_wait3A_158] : memref<1280x128xi32, #tpu.memory_space<hbm>> -> memref<80x128xi32, #tpu.memory_space<hbm>>
      tpu.wait_dma2 semaphore(%run_scoped3A : memref<!tpu.dma_semaphore, #tpu.memory_space<semaphore_mem>>) src(%dma_wait3A_159 : memref<80x128xi32, #tpu.memory_space<hbm>>) dst(%arg7 : memref<80x128xi32, #tpu.memory_space<vmem>>)
      tpu.yield
    }) : () -> ()
    %mul3A_3 = arith.constant 80 : i32
    %mul3A_4 = arith.muli %arg1, %mul3A_3 : i32
    "tpu.region"() ({
      %run_scoped3A = tpu.sem_alloc : memref<!tpu.dma_semaphore, #tpu.memory_space<semaphore_mem>>
      %dma_start3A = arith.constant 0 : i32
      %dma_start3A_154 = tpu.memref_slice %arg3[%mul3A_4, %dma_start3A] : memref<1280x128xi32, #tpu.memory_space<hbm>> -> memref<80x128xi32, #tpu.memory_space<hbm>>
      %dma_start3A_155 = arith.constant 0 : i32
      %dma_start3A_156 = tpu.memref_slice %arg3[%mul3A_4, %dma_start3A_155] : memref<1280x128xi32, #tpu.memory_space<hbm>> -> memref<80x128xi32, #tpu.memory_space<hbm>>
      tpu.enqueue_dma source(%dma_start3A_156 : memref<80x128xi32, #tpu.memory_space<hbm>>) target(%arg8 : memref<80x128xi32, #tpu.memory_space<vmem>>) target_semaphore(%run_scoped3A : memref<!tpu.dma_semaphore, #tpu.memory_space<semaphore_mem>>)
      %dma_wait3A = arith.constant 0 : i32
      %dma_wait3A_157 = tpu.memref_slice %arg3[%mul3A_4, %dma_wait3A] : memref<1280x128xi32, #tpu.memory_space<hbm>> -> memref<80x128xi32, #tpu.memory_space<hbm>>
      %dma_wait3A_158 = arith.constant 0 : i32
      %dma_wait3A_159 = tpu.memref_slice %arg3[%mul3A_4, %dma_wait3A_158] : memref<1280x128xi32, #tpu.memory_space<hbm>> -> memref<80x128xi32, #tpu.memory_space<hbm>>
      tpu.wait_dma2 semaphore(%run_scoped3A : memref<!tpu.dma_semaphore, #tpu.memory_space<semaphore_mem>>) src(%dma_wait3A_159 : memref<80x128xi32, #tpu.memory_space<hbm>>) dst(%arg8 : memref<80x128xi32, #tpu.memory_space<vmem>>)
      tpu.yield
    }) : () -> ()
    %mul3A_5 = arith.constant 5200 : i32
    %mul3A_6 = arith.muli %arg0, %mul3A_5 : i32
    %iota3A = tpu.iota {dimensions = array<i32: 0>} : vector<16xi32>
    %add3A_7 = arith.constant 240 : i32
    %add3A_8 = vector.broadcast %add3A_7 : i32 to vector<16xi32>
    %add3A_9 = arith.addi %iota3A, %add3A_8 : vector<16xi32>
    %broadcast_in_dim3A = arith.constant 1 : i32
    %broadcast_in_dim3A_10 = vector.broadcast %broadcast_in_dim3A : i32 to vector<16xi32>
    %broadcast_in_dim3A_11 = arith.constant 0 : i32
    %broadcast_in_dim3A_12 = vector.broadcast %broadcast_in_dim3A_11 : i32 to vector<16xi32>
    %scan3A = arith.constant 0 : i32
    %scan3A_13 = arith.constant 0 : i32
    %scan3A_14 = arith.constant 0 : i32
    %scan3A_15 = arith.constant 80 : i32
    %scan3A_16 = arith.addi %scan3A_14, %scan3A_15 : i32
    %scan3A_17 = arith.constant 1 : i32
    %scan3A_18:2 = scf.for %scan3A_154 = %scan3A_14 to %scan3A_16 step %scan3A_17 iter_args(%scan3A_155 = %scan3A, %scan3A_156 = %scan3A_13) -> (i32, i32)  : i32 {
      %get3A_157 = arith.index_cast %scan3A_154 : i32 to index
      %get3A_158 = arith.constant 0 : index
      %get3A_159 = tpu.vector_load %arg7[%get3A_157, %get3A_158] {strides = array<i32>} : memref<80x128xi32, #tpu.memory_space<vmem>>, vector<16xi32>,
      %get3A_160 = arith.index_cast %scan3A_154 : i32 to index
      %get3A_161 = arith.constant 0 : index
      %get3A_162 = tpu.vector_load %arg8[%get3A_160, %get3A_161] {strides = array<i32>} : memref<80x128xi32, #tpu.memory_space<vmem>>, vector<16xi32>,
      %sub3A = vector.broadcast %mul3A_6 : i32 to vector<16xi32>
      %sub3A_163 = arith.subi %get3A_162, %sub3A : vector<16xi32>
      %ge3A = arith.constant 0 : i32
      %ge3A_164 = vector.broadcast %ge3A : i32 to vector<16xi32>
      %ge3A_165 = arith.cmpi sge, %sub3A_163, %ge3A_164 : vector<16xi32>
      %lt3A = arith.constant 5200 : i32
      %lt3A_166 = vector.broadcast %lt3A : i32 to vector<16xi32>
      %lt3A_167 = arith.cmpi slt, %sub3A_163, %lt3A_166 : vector<16xi32>
      %and3A = arith.andi %ge3A_165, %lt3A_167 : vector<16xi1>
      %select_n3A = arith.select %and3A, %broadcast_in_dim3A_10, %broadcast_in_dim3A_12 : vector<16xi1>, vector<16xi32>
      %cumsum3A = arith.constant true
      %cumsum3A_168 = vector.broadcast %cumsum3A : i1 to vector<16xi1>
      %cumsum3A_169 = tpu.scan <sum>, %select_n3A masked %cumsum3A_168 : vector<16xi32>, vector<16xi1> -> vector<16xi32>
      %add3A_170 = vector.broadcast %scan3A_155 : i32 to vector<16xi32>
      %add3A_171 = arith.addi %add3A_170, %cumsum3A_169 : vector<16xi32>
      %sub3A_172 = arith.constant 1 : i32
      %sub3A_173 = vector.broadcast %sub3A_172 : i32 to vector<16xi32>
      %sub3A_174 = arith.subi %add3A_171, %sub3A_173 : vector<16xi32>
      %select_n3A_175 = arith.select %and3A, %sub3A_174, %add3A_9 : vector<16xi1>, vector<16xi32>
      tpu.vector_store_idx %arg11[%select_n3A_175], %get3A_159 : memref<256xi32, #tpu.memory_space<vmem>>[vector<16xi32>], vector<16xi32>,
      tpu.vector_store_idx %arg12[%select_n3A_175], %sub3A_163 : memref<256xi32, #tpu.memory_space<vmem>>[vector<16xi32>], vector<16xi32>,
      %reduce_sum3A = arith.constant true
      %reduce_sum3A_176 = vector.broadcast %reduce_sum3A : i1 to vector<16xi1>
      %reduce_sum3A_177 = tpu.scan <sum>, %select_n3A masked %reduce_sum3A_176 : vector<16xi32>, vector<16xi1> -> vector<16xi32>
      %reduce_sum3A_178 = vector.extract %reduce_sum3A_177[15] : i32 from vector<16xi32>
      %add3A_179 = arith.addi %scan3A_155, %reduce_sum3A_178 : i32
      %ge3A_180 = arith.constant 128 : i32
      %ge3A_181 = arith.cmpi sge, %add3A_179, %ge3A_180 : i32
      %convert_element_type3A = arith.extui %ge3A_181 : i1 to i32
      %cond3A = arith.constant 0 : i32
      %cond3A_182 = arith.cmpi ne, %convert_element_type3A, %cond3A : i32
      scf.if %cond3A_182 {
        %get3A_468 = arith.constant 0 : index
        %get3A_469 = tpu.vector_load %arg11[%get3A_468] {strides = array<i32>} : memref<256xi32, #tpu.memory_space<vmem>>, vector<16xi32>,
        %swap3A_470 = arith.index_cast %scan3A_156 : i32 to index
        %swap3A_471 = arith.constant 0 : index
        %swap3A_472 = tpu.vector_load %arg9[%swap3A_470, %swap3A_471] {strides = array<i32>} : memref<88x128xi32, #tpu.memory_space<vmem>>, vector<16xi32>,
        tpu.vector_store %arg9[%swap3A_470, %swap3A_471], %get3A_469 {strides = array<i32>} : memref<88x128xi32, #tpu.memory_space<vmem>>, vector<16xi32>,
        %get3A_473 = arith.constant 0 : index
        %get3A_474 = tpu.vector_load %arg12[%get3A_473] {strides = array<i32>} : memref<256xi32, #tpu.memory_space<vmem>>, vector<16xi32>,
        %swap3A_475 = arith.index_cast %scan3A_156 : i32 to index
        %swap3A_476 = arith.constant 0 : index
        %swap3A_477 = tpu.vector_load %arg10[%swap3A_475, %swap3A_476] {strides = array<i32>} : memref<88x128xi32, #tpu.memory_space<vmem>>, vector<16xi32>,
        tpu.vector_store %arg10[%swap3A_475, %swap3A_476], %get3A_474 {strides = array<i32>} : memref<88x128xi32, #tpu.memory_space<vmem>>, vector<16xi32>,
        %get3A_478 = arith.constant 16 : index
        %get3A_479 = tpu.vector_load %arg11[%get3A_478] {strides = array<i32>} : memref<256xi32, #tpu.memory_space<vmem>>, vector<16xi32>,
        %swap3A_480 = arith.index_cast %scan3A_156 : i32 to index
        %swap3A_481 = arith.constant 16 : index
        %swap3A_482 = tpu.vector_load %arg9[%swap3A_480, %swap3A_481] {strides = array<i32>} : memref<88x128xi32, #tpu.memory_space<vmem>>, vector<16xi32>,
        tpu.vector_store %arg9[%swap3A_480, %swap3A_481], %get3A_479 {strides = array<i32>} : memref<88x128xi32, #tpu.memory_space<vmem>>, vector<16xi32>,
        %get3A_483 = arith.constant 16 : index
        %get3A_484 = tpu.vector_load %arg12[%get3A_483] {strides = array<i32>} : memref<256xi32, #tpu.memory_space<vmem>>, vector<16xi32>,
        %swap3A_485 = arith.index_cast %scan3A_156 : i32 to index
        %swap3A_486 = arith.constant 16 : index
        %swap3A_487 = tpu.vector_load %arg10[%swap3A_485, %swap3A_486] {strides = array<i32>} : memref<88x128xi32, #tpu.memory_space<vmem>>, vector<16xi32>,
        tpu.vector_store %arg10[%swap3A_485, %swap3A_486], %get3A_484 {strides = array<i32>} : memref<88x128xi32, #tpu.memory_space<vmem>>, vector<16xi32>,
        %get3A_488 = arith.constant 32 : index
        %get3A_489 = tpu.vector_load %arg11[%get3A_488] {strides = array<i32>} : memref<256xi32, #tpu.memory_space<vmem>>, vector<16xi32>,
        %swap3A_490 = arith.index_cast %scan3A_156 : i32 to index
        %swap3A_491 = arith.constant 32 : index
        %swap3A_492 = tpu.vector_load %arg9[%swap3A_490, %swap3A_491] {strides = array<i32>} : memref<88x128xi32, #tpu.memory_space<vmem>>, vector<16xi32>,
        tpu.vector_store %arg9[%swap3A_490, %swap3A_491], %get3A_489 {strides = array<i32>} : memref<88x128xi32, #tpu.memory_space<vmem>>, vector<16xi32>,
        %get3A_493 = arith.constant 32 : index
        %get3A_494 = tpu.vector_load %arg12[%get3A_493] {strides = array<i32>} : memref<256xi32, #tpu.memory_space<vmem>>, vector<16xi32>,
        %swap3A_495 = arith.index_cast %scan3A_156 : i32 to index
        %swap3A_496 = arith.constant 32 : index
        %swap3A_497 = tpu.vector_load %arg10[%swap3A_495, %swap3A_496] {strides = array<i32>} : memref<88x128xi32, #tpu.memory_space<vmem>>, vector<16xi32>,
        tpu.vector_store %arg10[%swap3A_495, %swap3A_496], %get3A_494 {strides = array<i32>} : memref<88x128xi32, #tpu.memory_space<vmem>>, vector<16xi32>,
        %get3A_498 = arith.constant 48 : index
        %get3A_499 = tpu.vector_load %arg11[%get3A_498] {strides = array<i32>} : memref<256xi32, #tpu.memory_space<vmem>>, vector<16xi32>,
        %swap3A_500 = arith.index_cast %scan3A_156 : i32 to index
        %swap3A_501 = arith.constant 48 : index
        %swap3A_502 = tpu.vector_load %arg9[%swap3A_500, %swap3A_501] {strides = array<i32>} : memref<88x128xi32, #tpu.memory_space<vmem>>, vector<16xi32>,
        tpu.vector_store %arg9[%swap3A_500, %swap3A_501], %get3A_499 {strides = array<i32>} : memref<88x128xi32, #tpu.memory_space<vmem>>, vector<16xi32>,
        %get3A_503 = arith.constant 48 : index
        %get3A_504 = tpu.vector_load %arg12[%get3A_503] {strides = array<i32>} : memref<256xi32, #tpu.memory_space<vmem>>, vector<16xi32>,
        %swap3A_505 = arith.index_cast %scan3A_156 : i32 to index
        %swap3A_506 = arith.constant 48 : index
        %swap3A_507 = tpu.vector_load %arg10[%swap3A_505, %swap3A_506] {strides = array<i32>} : memref<88x128xi32, #tpu.memory_space<vmem>>, vector<16xi32>,
        tpu.vector_store %arg10[%swap3A_505, %swap3A_506], %get3A_504 {strides = array<i32>} : memref<88x128xi32, #tpu.memory_space<vmem>>, vector<16xi32>,
        %get3A_508 = arith.constant 64 : index
        %get3A_509 = tpu.vector_load %arg11[%get3A_508] {strides = array<i32>} : memref<256xi32, #tpu.memory_space<vmem>>, vector<16xi32>,
        %swap3A_510 = arith.index_cast %scan3A_156 : i32 to index
        %swap3A_511 = arith.constant 64 : index
        %swap3A_512 = tpu.vector_load %arg9[%swap3A_510, %swap3A_511] {strides = array<i32>} : memref<88x128xi32, #tpu.memory_space<vmem>>, vector<16xi32>,
        tpu.vector_store %arg9[%swap3A_510, %swap3A_511], %get3A_509 {strides = array<i32>} : memref<88x128xi32, #tpu.memory_space<vmem>>, vector<16xi32>,
        %get3A_513 = arith.constant 64 : index
        %get3A_514 = tpu.vector_load %arg12[%get3A_513] {strides = array<i32>} : memref<256xi32, #tpu.memory_space<vmem>>, vector<16xi32>,
        %swap3A_515 = arith.index_cast %scan3A_156 : i32 to index
        %swap3A_516 = arith.constant 64 : index
        %swap3A_517 = tpu.vector_load %arg10[%swap3A_515, %swap3A_516] {strides = array<i32>} : memref<88x128xi32, #tpu.memory_space<vmem>>, vector<16xi32>,
        tpu.vector_store %arg10[%swap3A_515, %swap3A_516], %get3A_514 {strides = array<i32>} : memref<88x128xi32, #tpu.memory_space<vmem>>, vector<16xi32>,
        %get3A_518 = arith.constant 80 : index
        %get3A_519 = tpu.vector_load %arg11[%get3A_518] {strides = array<i32>} : memref<256xi32, #tpu.memory_space<vmem>>, vector<16xi32>,
        %swap3A_520 = arith.index_cast %scan3A_156 : i32 to index
        %swap3A_521 = arith.constant 80 : index
        %swap3A_522 = tpu.vector_load %arg9[%swap3A_520, %swap3A_521] {strides = array<i32>} : memref<88x128xi32, #tpu.memory_space<vmem>>, vector<16xi32>,
        tpu.vector_store %arg9[%swap3A_520, %swap3A_521], %get3A_519 {strides = array<i32>} : memref<88x128xi32, #tpu.memory_space<vmem>>, vector<16xi32>,
        %get3A_523 = arith.constant 80 : index
        %get3A_524 = tpu.vector_load %arg12[%get3A_523] {strides = array<i32>} : memref<256xi32, #tpu.memory_space<vmem>>, vector<16xi32>,
        %swap3A_525 = arith.index_cast %scan3A_156 : i32 to index
        %swap3A_526 = arith.constant 80 : index
        %swap3A_527 = tpu.vector_load %arg10[%swap3A_525, %swap3A_526] {strides = array<i32>} : memref<88x128xi32, #tpu.memory_space<vmem>>, vector<16xi32>,
        tpu.vector_store %arg10[%swap3A_525, %swap3A_526], %get3A_524 {strides = array<i32>} : memref<88x128xi32, #tpu.memory_space<vmem>>, vector<16xi32>,
        %get3A_528 = arith.constant 96 : index
        %get3A_529 = tpu.vector_load %arg11[%get3A_528] {strides = array<i32>} : memref<256xi32, #tpu.memory_space<vmem>>, vector<16xi32>,
        %swap3A_530 = arith.index_cast %scan3A_156 : i32 to index
        %swap3A_531 = arith.constant 96 : index
        %swap3A_532 = tpu.vector_load %arg9[%swap3A_530, %swap3A_531] {strides = array<i32>} : memref<88x128xi32, #tpu.memory_space<vmem>>, vector<16xi32>,
        tpu.vector_store %arg9[%swap3A_530, %swap3A_531], %get3A_529 {strides = array<i32>} : memref<88x128xi32, #tpu.memory_space<vmem>>, vector<16xi32>,
        %get3A_533 = arith.constant 96 : index
        %get3A_534 = tpu.vector_load %arg12[%get3A_533] {strides = array<i32>} : memref<256xi32, #tpu.memory_space<vmem>>, vector<16xi32>,
        %swap3A_535 = arith.index_cast %scan3A_156 : i32 to index
        %swap3A_536 = arith.constant 96 : index
        %swap3A_537 = tpu.vector_load %arg10[%swap3A_535, %swap3A_536] {strides = array<i32>} : memref<88x128xi32, #tpu.memory_space<vmem>>, vector<16xi32>,
        tpu.vector_store %arg10[%swap3A_535, %swap3A_536], %get3A_534 {strides = array<i32>} : memref<88x128xi32, #tpu.memory_space<vmem>>, vector<16xi32>,
        %get3A_538 = arith.constant 112 : index
        %get3A_539 = tpu.vector_load %arg11[%get3A_538] {strides = array<i32>} : memref<256xi32, #tpu.memory_space<vmem>>, vector<16xi32>,
        %swap3A_540 = arith.index_cast %scan3A_156 : i32 to index
        %swap3A_541 = arith.constant 112 : index
        %swap3A_542 = tpu.vector_load %arg9[%swap3A_540, %swap3A_541] {strides = array<i32>} : memref<88x128xi32, #tpu.memory_space<vmem>>, vector<16xi32>,
        tpu.vector_store %arg9[%swap3A_540, %swap3A_541], %get3A_539 {strides = array<i32>} : memref<88x128xi32, #tpu.memory_space<vmem>>, vector<16xi32>,
        %get3A_543 = arith.constant 112 : index
        %get3A_544 = tpu.vector_load %arg12[%get3A_543] {strides = array<i32>} : memref<256xi32, #tpu.memory_space<vmem>>, vector<16xi32>,
        %swap3A_545 = arith.index_cast %scan3A_156 : i32 to index
        %swap3A_546 = arith.constant 112 : index
        %swap3A_547 = tpu.vector_load %arg10[%swap3A_545, %swap3A_546] {strides = array<i32>} : memref<88x128xi32, #tpu.memory_space<vmem>>, vector<16xi32>,
        tpu.vector_store %arg10[%swap3A_545, %swap3A_546], %get3A_544 {strides = array<i32>} : memref<88x128xi32, #tpu.memory_space<vmem>>, vector<16xi32>,
        %get3A_548 = arith.constant 128 : index
        %get3A_549 = tpu.vector_load %arg11[%get3A_548] {strides = array<i32>} : memref<256xi32, #tpu.memory_space<vmem>>, vector<16xi32>,
        %swap3A_550 = arith.constant 0 : index
        %swap3A_551 = tpu.vector_load %arg11[%swap3A_550] {strides = array<i32>} : memref<256xi32, #tpu.memory_space<vmem>>, vector<16xi32>,
        tpu.vector_store %arg11[%swap3A_550], %get3A_549 {strides = array<i32>} : memref<256xi32, #tpu.memory_space<vmem>>, vector<16xi32>,
        %get3A_552 = arith.constant 128 : index
        %get3A_553 = tpu.vector_load %arg12[%get3A_552] {strides = array<i32>} : memref<256xi32, #tpu.memory_space<vmem>>, vector<16xi32>,
        %swap3A_554 = arith.constant 0 : index
        %swap3A_555 = tpu.vector_load %arg12[%swap3A_554] {strides = array<i32>} : memref<256xi32, #tpu.memory_space<vmem>>, vector<16xi32>,
        tpu.vector_store %arg12[%swap3A_554], %get3A_553 {strides = array<i32>} : memref<256xi32, #tpu.memory_space<vmem>>, vector<16xi32>,
      } else {
      }
      %sub3A_183 = arith.constant 128 : i32
      %sub3A_184 = arith.subi %add3A_179, %sub3A_183 : i32
      %select_n3A_185 = arith.select %ge3A_181, %sub3A_184, %add3A_179 : i32
      %convert_element_type3A_186 = arith.extui %ge3A_181 : i1 to i32
      %add3A_187 = arith.addi %scan3A_156, %convert_element_type3A_186 : i32
      %get3A_188 = arith.index_cast %scan3A_154 : i32 to index
      %get3A_189 = arith.constant 16 : index
      %get3A_190 = tpu.vector_load %arg7[%get3A_188, %get3A_189] {strides = array<i32>} : memref<80x128xi32, #tpu.memory_space<vmem>>, vector<16xi32>,
      %get3A_191 = arith.index_cast %scan3A_154 : i32 to index
      %get3A_192 = arith.constant 16 : index
      %get3A_193 = tpu.vector_load %arg8[%get3A_191, %get3A_192] {strides = array<i32>} : memref<80x128xi32, #tpu.memory_space<vmem>>, vector<16xi32>,
      %sub3A_194 = vector.broadcast %mul3A_6 : i32 to vector<16xi32>
      %sub3A_195 = arith.subi %get3A_193, %sub3A_194 : vector<16xi32>
      %ge3A_196 = arith.constant 0 : i32
      %ge3A_197 = vector.broadcast %ge3A_196 : i32 to vector<16xi32>
      %ge3A_198 = arith.cmpi sge, %sub3A_195, %ge3A_197 : vector<16xi32>
      %lt3A_199 = arith.constant 5200 : i32
      %lt3A_200 = vector.broadcast %lt3A_199 : i32 to vector<16xi32>
      %lt3A_201 = arith.cmpi slt, %sub3A_195, %lt3A_200 : vector<16xi32>
      %and3A_202 = arith.andi %ge3A_198, %lt3A_201 : vector<16xi1>
      %select_n3A_203 = arith.select %and3A_202, %broadcast_in_dim3A_10, %broadcast_in_dim3A_12 : vector<16xi1>, vector<16xi32>
      %cumsum3A_204 = arith.constant true
      %cumsum3A_205 = vector.broadcast %cumsum3A_204 : i1 to vector<16xi1>
      %cumsum3A_206 = tpu.scan <sum>, %select_n3A_203 masked %cumsum3A_205 : vector<16xi32>, vector<16xi1> -> vector<16xi32>
      %add3A_207 = vector.broadcast %select_n3A_185 : i32 to vector<16xi32>
      %add3A_208 = arith.addi %add3A_207, %cumsum3A_206 : vector<16xi32>
      %sub3A_209 = arith.constant 1 : i32
      %sub3A_210 = vector.broadcast %sub3A_209 : i32 to vector<16xi32>
      %sub3A_211 = arith.subi %add3A_208, %sub3A_210 : vector<16xi32>
      %select_n3A_212 = arith.select %and3A_202, %sub3A_211, %add3A_9 : vector<16xi1>, vector<16xi32>
      tpu.vector_store_idx %arg11[%select_n3A_212], %get3A_190 : memref<256xi32, #tpu.memory_space<vmem>>[vector<16xi32>], vector<16xi32>,
      tpu.vector_store_idx %arg12[%select_n3A_212], %sub3A_195 : memref<256xi32, #tpu.memory_space<vmem>>[vector<16xi32>], vector<16xi32>,
      %reduce_sum3A_213 = arith.constant true
      %reduce_sum3A_214 = vector.broadcast %reduce_sum3A_213 : i1 to vector<16xi1>
      %reduce_sum3A_215 = tpu.scan <sum>, %select_n3A_203 masked %reduce_sum3A_214 : vector<16xi32>, vector<16xi1> -> vector<16xi32>
      %reduce_sum3A_216 = vector.extract %reduce_sum3A_215[15] : i32 from vector<16xi32>
      %add3A_217 = arith.addi %select_n3A_185, %reduce_sum3A_216 : i32
      %ge3A_218 = arith.constant 128 : i32
      %ge3A_219 = arith.cmpi sge, %add3A_217, %ge3A_218 : i32
      %convert_element_type3A_220 = arith.extui %ge3A_219 : i1 to i32
      %cond3A_221 = arith.constant 0 : i32
      %cond3A_222 = arith.cmpi ne, %convert_element_type3A_220, %cond3A_221 : i32
      scf.if %cond3A_222 {
        %get3A_468 = arith.constant 0 : index
        %get3A_469 = tpu.vector_load %arg11[%get3A_468] {strides = array<i32>} : memref<256xi32, #tpu.memory_space<vmem>>, vector<16xi32>,
        %swap3A_470 = arith.index_cast %add3A_187 : i32 to index
        %swap3A_471 = arith.constant 0 : index
        %swap3A_472 = tpu.vector_load %arg9[%swap3A_470, %swap3A_471] {strides = array<i32>} : memref<88x128xi32, #tpu.memory_space<vmem>>, vector<16xi32>,
        tpu.vector_store %arg9[%swap3A_470, %swap3A_471], %get3A_469 {strides = array<i32>} : memref<88x128xi32, #tpu.memory_space<vmem>>, vector<16xi32>,
        %get3A_473 = arith.constant 0 : index
        %get3A_474 = tpu.vector_load %arg12[%get3A_473] {strides = array<i32>} : memref<256xi32, #tpu.memory_space<vmem>>, vector<16xi32>,
        %swap3A_475 = arith.index_cast %add3A_187 : i32 to index
        %swap3A_476 = arith.constant 0 : index
        %swap3A_477 = tpu.vector_load %arg10[%swap3A_475, %swap3A_476] {strides = array<i32>} : memref<88x128xi32, #tpu.memory_space<vmem>>, vector<16xi32>,
        tpu.vector_store %arg10[%swap3A_475, %swap3A_476], %get3A_474 {strides = array<i32>} : memref<88x128xi32, #tpu.memory_space<vmem>>, vector<16xi32>,
        %get3A_478 = arith.constant 16 : index
        %get3A_479 = tpu.vector_load %arg11[%get3A_478] {strides = array<i32>} : memref<256xi32, #tpu.memory_space<vmem>>, vector<16xi32>,
        %swap3A_480 = arith.index_cast %add3A_187 : i32 to index
        %swap3A_481 = arith.constant 16 : index
        %swap3A_482 = tpu.vector_load %arg9[%swap3A_480, %swap3A_481] {strides = array<i32>} : memref<88x128xi32, #tpu.memory_space<vmem>>, vector<16xi32>,
        tpu.vector_store %arg9[%swap3A_480, %swap3A_481], %get3A_479 {strides = array<i32>} : memref<88x128xi32, #tpu.memory_space<vmem>>, vector<16xi32>,
        %get3A_483 = arith.constant 16 : index
        %get3A_484 = tpu.vector_load %arg12[%get3A_483] {strides = array<i32>} : memref<256xi32, #tpu.memory_space<vmem>>, vector<16xi32>,
        %swap3A_485 = arith.index_cast %add3A_187 : i32 to index
        %swap3A_486 = arith.constant 16 : index
        %swap3A_487 = tpu.vector_load %arg10[%swap3A_485, %swap3A_486] {strides = array<i32>} : memref<88x128xi32, #tpu.memory_space<vmem>>, vector<16xi32>,
        tpu.vector_store %arg10[%swap3A_485, %swap3A_486], %get3A_484 {strides = array<i32>} : memref<88x128xi32, #tpu.memory_space<vmem>>, vector<16xi32>,
        %get3A_488 = arith.constant 32 : index
        %get3A_489 = tpu.vector_load %arg11[%get3A_488] {strides = array<i32>} : memref<256xi32, #tpu.memory_space<vmem>>, vector<16xi32>,
        %swap3A_490 = arith.index_cast %add3A_187 : i32 to index
        %swap3A_491 = arith.constant 32 : index
        %swap3A_492 = tpu.vector_load %arg9[%swap3A_490, %swap3A_491] {strides = array<i32>} : memref<88x128xi32, #tpu.memory_space<vmem>>, vector<16xi32>,
        tpu.vector_store %arg9[%swap3A_490, %swap3A_491], %get3A_489 {strides = array<i32>} : memref<88x128xi32, #tpu.memory_space<vmem>>, vector<16xi32>,
        %get3A_493 = arith.constant 32 : index
        %get3A_494 = tpu.vector_load %arg12[%get3A_493] {strides = array<i32>} : memref<256xi32, #tpu.memory_space<vmem>>, vector<16xi32>,
        %swap3A_495 = arith.index_cast %add3A_187 : i32 to index
        %swap3A_496 = arith.constant 32 : index
        %swap3A_497 = tpu.vector_load %arg10[%swap3A_495, %swap3A_496] {strides = array<i32>} : memref<88x128xi32, #tpu.memory_space<vmem>>, vector<16xi32>,
        tpu.vector_store %arg10[%swap3A_495, %swap3A_496], %get3A_494 {strides = array<i32>} : memref<88x128xi32, #tpu.memory_space<vmem>>, vector<16xi32>,
        %get3A_498 = arith.constant 48 : index
        %get3A_499 = tpu.vector_load %arg11[%get3A_498] {strides = array<i32>} : memref<256xi32, #tpu.memory_space<vmem>>, vector<16xi32>,
        %swap3A_500 = arith.index_cast %add3A_187 : i32 to index
        %swap3A_501 = arith.constant 48 : index
        %swap3A_502 = tpu.vector_load %arg9[%swap3A_500, %swap3A_501] {strides = array<i32>} : memref<88x128xi32, #tpu.memory_space<vmem>>, vector<16xi32>,
        tpu.vector_store %arg9[%swap3A_500, %swap3A_501], %get3A_499 {strides = array<i32>} : memref<88x128xi32, #tpu.memory_space<vmem>>, vector<16xi32>,
        %get3A_503 = arith.constant 48 : index
        %get3A_504 = tpu.vector_load %arg12[%get3A_503] {strides = array<i32>} : memref<256xi32, #tpu.memory_space<vmem>>, vector<16xi32>,
        %swap3A_505 = arith.index_cast %add3A_187 : i32 to index
        %swap3A_506 = arith.constant 48 : index
        %swap3A_507 = tpu.vector_load %arg10[%swap3A_505, %swap3A_506] {strides = array<i32>} : memref<88x128xi32, #tpu.memory_space<vmem>>, vector<16xi32>,
        tpu.vector_store %arg10[%swap3A_505, %swap3A_506], %get3A_504 {strides = array<i32>} : memref<88x128xi32, #tpu.memory_space<vmem>>, vector<16xi32>,
        %get3A_508 = arith.constant 64 : index
        %get3A_509 = tpu.vector_load %arg11[%get3A_508] {strides = array<i32>} : memref<256xi32, #tpu.memory_space<vmem>>, vector<16xi32>,
        %swap3A_510 = arith.index_cast %add3A_187 : i32 to index
        %swap3A_511 = arith.constant 64 : index
        %swap3A_512 = tpu.vector_load %arg9[%swap3A_510, %swap3A_511] {strides = array<i32>} : memref<88x128xi32, #tpu.memory_space<vmem>>, vector<16xi32>,
        tpu.vector_store %arg9[%swap3A_510, %swap3A_511], %get3A_509 {strides = array<i32>} : memref<88x128xi32, #tpu.memory_space<vmem>>, vector<16xi32>,
        %get3A_513 = arith.constant 64 : index
        %get3A_514 = tpu.vector_load %arg12[%get3A_513] {strides = array<i32>} : memref<256xi32, #tpu.memory_space<vmem>>, vector<16xi32>,
        %swap3A_515 = arith.index_cast %add3A_187 : i32 to index
        %swap3A_516 = arith.constant 64 : index
        %swap3A_517 = tpu.vector_load %arg10[%swap3A_515, %swap3A_516] {strides = array<i32>} : memref<88x128xi32, #tpu.memory_space<vmem>>, vector<16xi32>,
        tpu.vector_store %arg10[%swap3A_515, %swap3A_516], %get3A_514 {strides = array<i32>} : memref<88x128xi32, #tpu.memory_space<vmem>>, vector<16xi32>,
        %get3A_518 = arith.constant 80 : index
        %get3A_519 = tpu.vector_load %arg11[%get3A_518] {strides = array<i32>} : memref<256xi32, #tpu.memory_space<vmem>>, vector<16xi32>,
        %swap3A_520 = arith.index_cast %add3A_187 : i32 to index
        %swap3A_521 = arith.constant 80 : index
        %swap3A_522 = tpu.vector_load %arg9[%swap3A_520, %swap3A_521] {strides = array<i32>} : memref<88x128xi32, #tpu.memory_space<vmem>>, vector<16xi32>,
        tpu.vector_store %arg9[%swap3A_520, %swap3A_521], %get3A_519 {strides = array<i32>} : memref<88x128xi32, #tpu.memory_space<vmem>>, vector<16xi32>,
        %get3A_523 = arith.constant 80 : index
        %get3A_524 = tpu.vector_load %arg12[%get3A_523] {strides = array<i32>} : memref<256xi32, #tpu.memory_space<vmem>>, vector<16xi32>,
        %swap3A_525 = arith.index_cast %add3A_187 : i32 to index
        %swap3A_526 = arith.constant 80 : index
        %swap3A_527 = tpu.vector_load %arg10[%swap3A_525, %swap3A_526] {strides = array<i32>} : memref<88x128xi32, #tpu.memory_space<vmem>>, vector<16xi32>,
        tpu.vector_store %arg10[%swap3A_525, %swap3A_526], %get3A_524 {strides = array<i32>} : memref<88x128xi32, #tpu.memory_space<vmem>>, vector<16xi32>,
        %get3A_528 = arith.constant 96 : index
        %get3A_529 = tpu.vector_load %arg11[%get3A_528] {strides = array<i32>} : memref<256xi32, #tpu.memory_space<vmem>>, vector<16xi32>,
        %swap3A_530 = arith.index_cast %add3A_187 : i32 to index
        %swap3A_531 = arith.constant 96 : index
        %swap3A_532 = tpu.vector_load %arg9[%swap3A_530, %swap3A_531] {strides = array<i32>} : memref<88x128xi32, #tpu.memory_space<vmem>>, vector<16xi32>,
        tpu.vector_store %arg9[%swap3A_530, %swap3A_531], %get3A_529 {strides = array<i32>} : memref<88x128xi32, #tpu.memory_space<vmem>>, vector<16xi32>,
        %get3A_533 = arith.constant 96 : index
        %get3A_534 = tpu.vector_load %arg12[%get3A_533] {strides = array<i32>} : memref<256xi32, #tpu.memory_space<vmem>>, vector<16xi32>,
        %swap3A_535 = arith.index_cast %add3A_187 : i32 to index
        %swap3A_536 = arith.constant 96 : index
        %swap3A_537 = tpu.vector_load %arg10[%swap3A_535, %swap3A_536] {strides = array<i32>} : memref<88x128xi32, #tpu.memory_space<vmem>>, vector<16xi32>,
        tpu.vector_store %arg10[%swap3A_535, %swap3A_536], %get3A_534 {strides = array<i32>} : memref<88x128xi32, #tpu.memory_space<vmem>>, vector<16xi32>,
        %get3A_538 = arith.constant 112 : index
        %get3A_539 = tpu.vector_load %arg11[%get3A_538] {strides = array<i32>} : memref<256xi32, #tpu.memory_space<vmem>>, vector<16xi32>,
        %swap3A_540 = arith.index_cast %add3A_187 : i32 to index
        %swap3A_541 = arith.constant 112 : index
        %swap3A_542 = tpu.vector_load %arg9[%swap3A_540, %swap3A_541] {strides = array<i32>} : memref<88x128xi32, #tpu.memory_space<vmem>>, vector<16xi32>,
        tpu.vector_store %arg9[%swap3A_540, %swap3A_541], %get3A_539 {strides = array<i32>} : memref<88x128xi32, #tpu.memory_space<vmem>>, vector<16xi32>,
        %get3A_543 = arith.constant 112 : index
        %get3A_544 = tpu.vector_load %arg12[%get3A_543] {strides = array<i32>} : memref<256xi32, #tpu.memory_space<vmem>>, vector<16xi32>,
        %swap3A_545 = arith.index_cast %add3A_187 : i32 to index
        %swap3A_546 = arith.constant 112 : index
        %swap3A_547 = tpu.vector_load %arg10[%swap3A_545, %swap3A_546] {strides = array<i32>} : memref<88x128xi32, #tpu.memory_space<vmem>>, vector<16xi32>,
        tpu.vector_store %arg10[%swap3A_545, %swap3A_546], %get3A_544 {strides = array<i32>} : memref<88x128xi32, #tpu.memory_space<vmem>>, vector<16xi32>,
        %get3A_548 = arith.constant 128 : index
        %get3A_549 = tpu.vector_load %arg11[%get3A_548] {strides = array<i32>} : memref<256xi32, #tpu.memory_space<vmem>>, vector<16xi32>,
        %swap3A_550 = arith.constant 0 : index
        %swap3A_551 = tpu.vector_load %arg11[%swap3A_550] {strides = array<i32>} : memref<256xi32, #tpu.memory_space<vmem>>, vector<16xi32>,
        tpu.vector_store %arg11[%swap3A_550], %get3A_549 {strides = array<i32>} : memref<256xi32, #tpu.memory_space<vmem>>, vector<16xi32>,
        %get3A_552 = arith.constant 128 : index
        %get3A_553 = tpu.vector_load %arg12[%get3A_552] {strides = array<i32>} : memref<256xi32, #tpu.memory_space<vmem>>, vector<16xi32>,
        %swap3A_554 = arith.constant 0 : index
        %swap3A_555 = tpu.vector_load %arg12[%swap3A_554] {strides = array<i32>} : memref<256xi32, #tpu.memory_space<vmem>>, vector<16xi32>,
        tpu.vector_store %arg12[%swap3A_554], %get3A_553 {strides = array<i32>} : memref<256xi32, #tpu.memory_space<vmem>>, vector<16xi32>,
      } else {
      }
      %sub3A_223 = arith.constant 128 : i32
      %sub3A_224 = arith.subi %add3A_217, %sub3A_223 : i32
      %select_n3A_225 = arith.select %ge3A_219, %sub3A_224, %add3A_217 : i32
      %convert_element_type3A_226 = arith.extui %ge3A_219 : i1 to i32
      %add3A_227 = arith.addi %add3A_187, %convert_element_type3A_226 : i32
      %get3A_228 = arith.index_cast %scan3A_154 : i32 to index
      %get3A_229 = arith.constant 32 : index
      %get3A_230 = tpu.vector_load %arg7[%get3A_228, %get3A_229] {strides = array<i32>} : memref<80x128xi32, #tpu.memory_space<vmem>>, vector<16xi32>,
      %get3A_231 = arith.index_cast %scan3A_154 : i32 to index
      %get3A_232 = arith.constant 32 : index
      %get3A_233 = tpu.vector_load %arg8[%get3A_231, %get3A_232] {strides = array<i32>} : memref<80x128xi32, #tpu.memory_space<vmem>>, vector<16xi32>,
      %sub3A_234 = vector.broadcast %mul3A_6 : i32 to vector<16xi32>
      %sub3A_235 = arith.subi %get3A_233, %sub3A_234 : vector<16xi32>
      %ge3A_236 = arith.constant 0 : i32
      %ge3A_237 = vector.broadcast %ge3A_236 : i32 to vector<16xi32>
      %ge3A_238 = arith.cmpi sge, %sub3A_235, %ge3A_237 : vector<16xi32>
      %lt3A_239 = arith.constant 5200 : i32
      %lt3A_240 = vector.broadcast %lt3A_239 : i32 to vector<16xi32>
      %lt3A_241 = arith.cmpi slt, %sub3A_235, %lt3A_240 : vector<16xi32>
      %and3A_242 = arith.andi %ge3A_238, %lt3A_241 : vector<16xi1>
      %select_n3A_243 = arith.select %and3A_242, %broadcast_in_dim3A_10, %broadcast_in_dim3A_12 : vector<16xi1>, vector<16xi32>
      %cumsum3A_244 = arith.constant true
      %cumsum3A_245 = vector.broadcast %cumsum3A_244 : i1 to vector<16xi1>
      %cumsum3A_246 = tpu.scan <sum>, %select_n3A_243 masked %cumsum3A_245 : vector<16xi32>, vector<16xi1> -> vector<16xi32>
      %add3A_247 = vector.broadcast %select_n3A_225 : i32 to vector<16xi32>
      %add3A_248 = arith.addi %add3A_247, %cumsum3A_246 : vector<16xi32>
      %sub3A_249 = arith.constant 1 : i32
      %sub3A_250 = vector.broadcast %sub3A_249 : i32 to vector<16xi32>
      %sub3A_251 = arith.subi %add3A_248, %sub3A_250 : vector<16xi32>
      %select_n3A_252 = arith.select %and3A_242, %sub3A_251, %add3A_9 : vector<16xi1>, vector<16xi32>
      tpu.vector_store_idx %arg11[%select_n3A_252], %get3A_230 : memref<256xi32, #tpu.memory_space<vmem>>[vector<16xi32>], vector<16xi32>,
      tpu.vector_store_idx %arg12[%select_n3A_252], %sub3A_235 : memref<256xi32, #tpu.memory_space<vmem>>[vector<16xi32>], vector<16xi32>,
      %reduce_sum3A_253 = arith.constant true
      %reduce_sum3A_254 = vector.broadcast %reduce_sum3A_253 : i1 to vector<16xi1>
      %reduce_sum3A_255 = tpu.scan <sum>, %select_n3A_243 masked %reduce_sum3A_254 : vector<16xi32>, vector<16xi1> -> vector<16xi32>
      %reduce_sum3A_256 = vector.extract %reduce_sum3A_255[15] : i32 from vector<16xi32>
      %add3A_257 = arith.addi %select_n3A_225, %reduce_sum3A_256 : i32
      %ge3A_258 = arith.constant 128 : i32
      %ge3A_259 = arith.cmpi sge, %add3A_257, %ge3A_258 : i32
      %convert_element_type3A_260 = arith.extui %ge3A_259 : i1 to i32
      %cond3A_261 = arith.constant 0 : i32
      %cond3A_262 = arith.cmpi ne, %convert_element_type3A_260, %cond3A_261 : i32
      scf.if %cond3A_262 {
        %get3A_468 = arith.constant 0 : index
        %get3A_469 = tpu.vector_load %arg11[%get3A_468] {strides = array<i32>} : memref<256xi32, #tpu.memory_space<vmem>>, vector<16xi32>,
        %swap3A_470 = arith.index_cast %add3A_227 : i32 to index
        %swap3A_471 = arith.constant 0 : index
        %swap3A_472 = tpu.vector_load %arg9[%swap3A_470, %swap3A_471] {strides = array<i32>} : memref<88x128xi32, #tpu.memory_space<vmem>>, vector<16xi32>,
        tpu.vector_store %arg9[%swap3A_470, %swap3A_471], %get3A_469 {strides = array<i32>} : memref<88x128xi32, #tpu.memory_space<vmem>>, vector<16xi32>,
        %get3A_473 = arith.constant 0 : index
        %get3A_474 = tpu.vector_load %arg12[%get3A_473] {strides = array<i32>} : memref<256xi32, #tpu.memory_space<vmem>>, vector<16xi32>,
        %swap3A_475 = arith.index_cast %add3A_227 : i32 to index
        %swap3A_476 = arith.constant 0 : index
        %swap3A_477 = tpu.vector_load %arg10[%swap3A_475, %swap3A_476] {strides = array<i32>} : memref<88x128xi32, #tpu.memory_space<vmem>>, vector<16xi32>,
        tpu.vector_store %arg10[%swap3A_475, %swap3A_476], %get3A_474 {strides = array<i32>} : memref<88x128xi32, #tpu.memory_space<vmem>>, vector<16xi32>,
        %get3A_478 = arith.constant 16 : index
        %get3A_479 = tpu.vector_load %arg11[%get3A_478] {strides = array<i32>} : memref<256xi32, #tpu.memory_space<vmem>>, vector<16xi32>,
        %swap3A_480 = arith.index_cast %add3A_227 : i32 to index
        %swap3A_481 = arith.constant 16 : index
        %swap3A_482 = tpu.vector_load %arg9[%swap3A_480, %swap3A_481] {strides = array<i32>} : memref<88x128xi32, #tpu.memory_space<vmem>>, vector<16xi32>,
        tpu.vector_store %arg9[%swap3A_480, %swap3A_481], %get3A_479 {strides = array<i32>} : memref<88x128xi32, #tpu.memory_space<vmem>>, vector<16xi32>,
        %get3A_483 = arith.constant 16 : index
        %get3A_484 = tpu.vector_load %arg12[%get3A_483] {strides = array<i32>} : memref<256xi32, #tpu.memory_space<vmem>>, vector<16xi32>,
        %swap3A_485 = arith.index_cast %add3A_227 : i32 to index
        %swap3A_486 = arith.constant 16 : index
        %swap3A_487 = tpu.vector_load %arg10[%swap3A_485, %swap3A_486] {strides = array<i32>} : memref<88x128xi32, #tpu.memory_space<vmem>>, vector<16xi32>,
        tpu.vector_store %arg10[%swap3A_485, %swap3A_486], %get3A_484 {strides = array<i32>} : memref<88x128xi32, #tpu.memory_space<vmem>>, vector<16xi32>,
        %get3A_488 = arith.constant 32 : index
        %get3A_489 = tpu.vector_load %arg11[%get3A_488] {strides = array<i32>} : memref<256xi32, #tpu.memory_space<vmem>>, vector<16xi32>,
        %swap3A_490 = arith.index_cast %add3A_227 : i32 to index
        %swap3A_491 = arith.constant 32 : index
        %swap3A_492 = tpu.vector_load %arg9[%swap3A_490, %swap3A_491] {strides = array<i32>} : memref<88x128xi32, #tpu.memory_space<vmem>>, vector<16xi32>,
        tpu.vector_store %arg9[%swap3A_490, %swap3A_491], %get3A_489 {strides = array<i32>} : memref<88x128xi32, #tpu.memory_space<vmem>>, vector<16xi32>,
        %get3A_493 = arith.constant 32 : index
        %get3A_494 = tpu.vector_load %arg12[%get3A_493] {strides = array<i32>} : memref<256xi32, #tpu.memory_space<vmem>>, vector<16xi32>,
        %swap3A_495 = arith.index_cast %add3A_227 : i32 to index
        %swap3A_496 = arith.constant 32 : index
        %swap3A_497 = tpu.vector_load %arg10[%swap3A_495, %swap3A_496] {strides = array<i32>} : memref<88x128xi32, #tpu.memory_space<vmem>>, vector<16xi32>,
        tpu.vector_store %arg10[%swap3A_495, %swap3A_496], %get3A_494 {strides = array<i32>} : memref<88x128xi32, #tpu.memory_space<vmem>>, vector<16xi32>,
        %get3A_498 = arith.constant 48 : index
        %get3A_499 = tpu.vector_load %arg11[%get3A_498] {strides = array<i32>} : memref<256xi32, #tpu.memory_space<vmem>>, vector<16xi32>,
        %swap3A_500 = arith.index_cast %add3A_227 : i32 to index
        %swap3A_501 = arith.constant 48 : index
        %swap3A_502 = tpu.vector_load %arg9[%swap3A_500, %swap3A_501] {strides = array<i32>} : memref<88x128xi32, #tpu.memory_space<vmem>>, vector<16xi32>,
        tpu.vector_store %arg9[%swap3A_500, %swap3A_501], %get3A_499 {strides = array<i32>} : memref<88x128xi32, #tpu.memory_space<vmem>>, vector<16xi32>,
        %get3A_503 = arith.constant 48 : index
        %get3A_504 = tpu.vector_load %arg12[%get3A_503] {strides = array<i32>} : memref<256xi32, #tpu.memory_space<vmem>>, vector<16xi32>,
        %swap3A_505 = arith.index_cast %add3A_227 : i32 to index
        %swap3A_506 = arith.constant 48 : index
        %swap3A_507 = tpu.vector_load %arg10[%swap3A_505, %swap3A_506] {strides = array<i32>} : memref<88x128xi32, #tpu.memory_space<vmem>>, vector<16xi32>,
        tpu.vector_store %arg10[%swap3A_505, %swap3A_506], %get3A_504 {strides = array<i32>} : memref<88x128xi32, #tpu.memory_space<vmem>>, vector<16xi32>,
        %get3A_508 = arith.constant 64 : index
        %get3A_509 = tpu.vector_load %arg11[%get3A_508] {strides = array<i32>} : memref<256xi32, #tpu.memory_space<vmem>>, vector<16xi32>,
        %swap3A_510 = arith.index_cast %add3A_227 : i32 to index
        %swap3A_511 = arith.constant 64 : index
        %swap3A_512 = tpu.vector_load %arg9[%swap3A_510, %swap3A_511] {strides = array<i32>} : memref<88x128xi32, #tpu.memory_space<vmem>>, vector<16xi32>,
        tpu.vector_store %arg9[%swap3A_510, %swap3A_511], %get3A_509 {strides = array<i32>} : memref<88x128xi32, #tpu.memory_space<vmem>>, vector<16xi32>,
        %get3A_513 = arith.constant 64 : index
        %get3A_514 = tpu.vector_load %arg12[%get3A_513] {strides = array<i32>} : memref<256xi32, #tpu.memory_space<vmem>>, vector<16xi32>,
        %swap3A_515 = arith.index_cast %add3A_227 : i32 to index
        %swap3A_516 = arith.constant 64 : index
        %swap3A_517 = tpu.vector_load %arg10[%swap3A_515, %swap3A_516] {strides = array<i32>} : memref<88x128xi32, #tpu.memory_space<vmem>>, vector<16xi32>,
        tpu.vector_store %arg10[%swap3A_515, %swap3A_516], %get3A_514 {strides = array<i32>} : memref<88x128xi32, #tpu.memory_space<vmem>>, vector<16xi32>,
        %get3A_518 = arith.constant 80 : index
        %get3A_519 = tpu.vector_load %arg11[%get3A_518] {strides = array<i32>} : memref<256xi32, #tpu.memory_space<vmem>>, vector<16xi32>,
        %swap3A_520 = arith.index_cast %add3A_227 : i32 to index
        %swap3A_521 = arith.constant 80 : index
        %swap3A_522 = tpu.vector_load %arg9[%swap3A_520, %swap3A_521] {strides = array<i32>} : memref<88x128xi32, #tpu.memory_space<vmem>>, vector<16xi32>,
        tpu.vector_store %arg9[%swap3A_520, %swap3A_521], %get3A_519 {strides = array<i32>} : memref<88x128xi32, #tpu.memory_space<vmem>>, vector<16xi32>,
        %get3A_523 = arith.constant 80 : index
        %get3A_524 = tpu.vector_load %arg12[%get3A_523] {strides = array<i32>} : memref<256xi32, #tpu.memory_space<vmem>>, vector<16xi32>,
        %swap3A_525 = arith.index_cast %add3A_227 : i32 to index
        %swap3A_526 = arith.constant 80 : index
        %swap3A_527 = tpu.vector_load %arg10[%swap3A_525, %swap3A_526] {strides = array<i32>} : memref<88x128xi32, #tpu.memory_space<vmem>>, vector<16xi32>,
        tpu.vector_store %arg10[%swap3A_525, %swap3A_526], %get3A_524 {strides = array<i32>} : memref<88x128xi32, #tpu.memory_space<vmem>>, vector<16xi32>,
        %get3A_528 = arith.constant 96 : index
        %get3A_529 = tpu.vector_load %arg11[%get3A_528] {strides = array<i32>} : memref<256xi32, #tpu.memory_space<vmem>>, vector<16xi32>,
        %swap3A_530 = arith.index_cast %add3A_227 : i32 to index
        %swap3A_531 = arith.constant 96 : index
        %swap3A_532 = tpu.vector_load %arg9[%swap3A_530, %swap3A_531] {strides = array<i32>} : memref<88x128xi32, #tpu.memory_space<vmem>>, vector<16xi32>,
        tpu.vector_store %arg9[%swap3A_530, %swap3A_531], %get3A_529 {strides = array<i32>} : memref<88x128xi32, #tpu.memory_space<vmem>>, vector<16xi32>,
        %get3A_533 = arith.constant 96 : index
        %get3A_534 = tpu.vector_load %arg12[%get3A_533] {strides = array<i32>} : memref<256xi32, #tpu.memory_space<vmem>>, vector<16xi32>,
        %swap3A_535 = arith.index_cast %add3A_227 : i32 to index
        %swap3A_536 = arith.constant 96 : index
        %swap3A_537 = tpu.vector_load %arg10[%swap3A_535, %swap3A_536] {strides = array<i32>} : memref<88x128xi32, #tpu.memory_space<vmem>>, vector<16xi32>,
        tpu.vector_store %arg10[%swap3A_535, %swap3A_536], %get3A_534 {strides = array<i32>} : memref<88x128xi32, #tpu.memory_space<vmem>>, vector<16xi32>,
        %get3A_538 = arith.constant 112 : index
        %get3A_539 = tpu.vector_load %arg11[%get3A_538] {strides = array<i32>} : memref<256xi32, #tpu.memory_space<vmem>>, vector<16xi32>,
        %swap3A_540 = arith.index_cast %add3A_227 : i32 to index
        %swap3A_541 = arith.constant 112 : index
        %swap3A_542 = tpu.vector_load %arg9[%swap3A_540, %swap3A_541] {strides = array<i32>} : memref<88x128xi32, #tpu.memory_space<vmem>>, vector<16xi32>,
        tpu.vector_store %arg9[%swap3A_540, %swap3A_541], %get3A_539 {strides = array<i32>} : memref<88x128xi32, #tpu.memory_space<vmem>>, vector<16xi32>,
        %get3A_543 = arith.constant 112 : index
        %get3A_544 = tpu.vector_load %arg12[%get3A_543] {strides = array<i32>} : memref<256xi32, #tpu.memory_space<vmem>>, vector<16xi32>,
        %swap3A_545 = arith.index_cast %add3A_227 : i32 to index
        %swap3A_546 = arith.constant 112 : index
        %swap3A_547 = tpu.vector_load %arg10[%swap3A_545, %swap3A_546] {strides = array<i32>} : memref<88x128xi32, #tpu.memory_space<vmem>>, vector<16xi32>,
        tpu.vector_store %arg10[%swap3A_545, %swap3A_546], %get3A_544 {strides = array<i32>} : memref<88x128xi32, #tpu.memory_space<vmem>>, vector<16xi32>,
        %get3A_548 = arith.constant 128 : index
        %get3A_549 = tpu.vector_load %arg11[%get3A_548] {strides = array<i32>} : memref<256xi32, #tpu.memory_space<vmem>>, vector<16xi32>,
        %swap3A_550 = arith.constant 0 : index
        %swap3A_551 = tpu.vector_load %arg11[%swap3A_550] {strides = array<i32>} : memref<256xi32, #tpu.memory_space<vmem>>, vector<16xi32>,
        tpu.vector_store %arg11[%swap3A_550], %get3A_549 {strides = array<i32>} : memref<256xi32, #tpu.memory_space<vmem>>, vector<16xi32>,
        %get3A_552 = arith.constant 128 : index
        %get3A_553 = tpu.vector_load %arg12[%get3A_552] {strides = array<i32>} : memref<256xi32, #tpu.memory_space<vmem>>, vector<16xi32>,
        %swap3A_554 = arith.constant 0 : index
        %swap3A_555 = tpu.vector_load %arg12[%swap3A_554] {strides = array<i32>} : memref<256xi32, #tpu.memory_space<vmem>>, vector<16xi32>,
        tpu.vector_store %arg12[%swap3A_554], %get3A_553 {strides = array<i32>} : memref<256xi32, #tpu.memory_space<vmem>>, vector<16xi32>,
      } else {
      }
      %sub3A_263 = arith.constant 128 : i32
      %sub3A_264 = arith.subi %add3A_257, %sub3A_263 : i32
      %select_n3A_265 = arith.select %ge3A_259, %sub3A_264, %add3A_257 : i32
      %convert_element_type3A_266 = arith.extui %ge3A_259 : i1 to i32
      %add3A_267 = arith.addi %add3A_227, %convert_element_type3A_266 : i32
      %get3A_268 = arith.index_cast %scan3A_154 : i32 to index
      %get3A_269 = arith.constant 48 : index
      %get3A_270 = tpu.vector_load %arg7[%get3A_268, %get3A_269] {strides = array<i32>} : memref<80x128xi32, #tpu.memory_space<vmem>>, vector<16xi32>,
      %get3A_271 = arith.index_cast %scan3A_154 : i32 to index
      %get3A_272 = arith.constant 48 : index
      %get3A_273 = tpu.vector_load %arg8[%get3A_271, %get3A_272] {strides = array<i32>} : memref<80x128xi32, #tpu.memory_space<vmem>>, vector<16xi32>,
      %sub3A_274 = vector.broadcast %mul3A_6 : i32 to vector<16xi32>
      %sub3A_275 = arith.subi %get3A_273, %sub3A_274 : vector<16xi32>
      %ge3A_276 = arith.constant 0 : i32
      %ge3A_277 = vector.broadcast %ge3A_276 : i32 to vector<16xi32>
      %ge3A_278 = arith.cmpi sge, %sub3A_275, %ge3A_277 : vector<16xi32>
      %lt3A_279 = arith.constant 5200 : i32
      %lt3A_280 = vector.broadcast %lt3A_279 : i32 to vector<16xi32>
      %lt3A_281 = arith.cmpi slt, %sub3A_275, %lt3A_280 : vector<16xi32>
      %and3A_282 = arith.andi %ge3A_278, %lt3A_281 : vector<16xi1>
      %select_n3A_283 = arith.select %and3A_282, %broadcast_in_dim3A_10, %broadcast_in_dim3A_12 : vector<16xi1>, vector<16xi32>
      %cumsum3A_284 = arith.constant true
      %cumsum3A_285 = vector.broadcast %cumsum3A_284 : i1 to vector<16xi1>
      %cumsum3A_286 = tpu.scan <sum>, %select_n3A_283 masked %cumsum3A_285 : vector<16xi32>, vector<16xi1> -> vector<16xi32>
      %add3A_287 = vector.broadcast %select_n3A_265 : i32 to vector<16xi32>
      %add3A_288 = arith.addi %add3A_287, %cumsum3A_286 : vector<16xi32>
      %sub3A_289 = arith.constant 1 : i32
      %sub3A_290 = vector.broadcast %sub3A_289 : i32 to vector<16xi32>
      %sub3A_291 = arith.subi %add3A_288, %sub3A_290 : vector<16xi32>
      %select_n3A_292 = arith.select %and3A_282, %sub3A_291, %add3A_9 : vector<16xi1>, vector<16xi32>
      tpu.vector_store_idx %arg11[%select_n3A_292], %get3A_270 : memref<256xi32, #tpu.memory_space<vmem>>[vector<16xi32>], vector<16xi32>,
      tpu.vector_store_idx %arg12[%select_n3A_292], %sub3A_275 : memref<256xi32, #tpu.memory_space<vmem>>[vector<16xi32>], vector<16xi32>,
      %reduce_sum3A_293 = arith.constant true
      %reduce_sum3A_294 = vector.broadcast %reduce_sum3A_293 : i1 to vector<16xi1>
      %reduce_sum3A_295 = tpu.scan <sum>, %select_n3A_283 masked %reduce_sum3A_294 : vector<16xi32>, vector<16xi1> -> vector<16xi32>
      %reduce_sum3A_296 = vector.extract %reduce_sum3A_295[15] : i32 from vector<16xi32>
      %add3A_297 = arith.addi %select_n3A_265, %reduce_sum3A_296 : i32
      %ge3A_298 = arith.constant 128 : i32
      %ge3A_299 = arith.cmpi sge, %add3A_297, %ge3A_298 : i32
      %convert_element_type3A_300 = arith.extui %ge3A_299 : i1 to i32
      %cond3A_301 = arith.constant 0 : i32
      %cond3A_302 = arith.cmpi ne, %convert_element_type3A_300, %cond3A_301 : i32
      scf.if %cond3A_302 {
        %get3A_468 = arith.constant 0 : index
        %get3A_469 = tpu.vector_load %arg11[%get3A_468] {strides = array<i32>} : memref<256xi32, #tpu.memory_space<vmem>>, vector<16xi32>,
        %swap3A_470 = arith.index_cast %add3A_267 : i32 to index
        %swap3A_471 = arith.constant 0 : index
        %swap3A_472 = tpu.vector_load %arg9[%swap3A_470, %swap3A_471] {strides = array<i32>} : memref<88x128xi32, #tpu.memory_space<vmem>>, vector<16xi32>,
        tpu.vector_store %arg9[%swap3A_470, %swap3A_471], %get3A_469 {strides = array<i32>} : memref<88x128xi32, #tpu.memory_space<vmem>>, vector<16xi32>,
        %get3A_473 = arith.constant 0 : index
        %get3A_474 = tpu.vector_load %arg12[%get3A_473] {strides = array<i32>} : memref<256xi32, #tpu.memory_space<vmem>>, vector<16xi32>,
        %swap3A_475 = arith.index_cast %add3A_267 : i32 to index
        %swap3A_476 = arith.constant 0 : index
        %swap3A_477 = tpu.vector_load %arg10[%swap3A_475, %swap3A_476] {strides = array<i32>} : memref<88x128xi32, #tpu.memory_space<vmem>>, vector<16xi32>,
        tpu.vector_store %arg10[%swap3A_475, %swap3A_476], %get3A_474 {strides = array<i32>} : memref<88x128xi32, #tpu.memory_space<vmem>>, vector<16xi32>,
        %get3A_478 = arith.constant 16 : index
        %get3A_479 = tpu.vector_load %arg11[%get3A_478] {strides = array<i32>} : memref<256xi32, #tpu.memory_space<vmem>>, vector<16xi32>,
        %swap3A_480 = arith.index_cast %add3A_267 : i32 to index
        %swap3A_481 = arith.constant 16 : index
        %swap3A_482 = tpu.vector_load %arg9[%swap3A_480, %swap3A_481] {strides = array<i32>} : memref<88x128xi32, #tpu.memory_space<vmem>>, vector<16xi32>,
        tpu.vector_store %arg9[%swap3A_480, %swap3A_481], %get3A_479 {strides = array<i32>} : memref<88x128xi32, #tpu.memory_space<vmem>>, vector<16xi32>,
        %get3A_483 = arith.constant 16 : index
        %get3A_484 = tpu.vector_load %arg12[%get3A_483] {strides = array<i32>} : memref<256xi32, #tpu.memory_space<vmem>>, vector<16xi32>,
        %swap3A_485 = arith.index_cast %add3A_267 : i32 to index
        %swap3A_486 = arith.constant 16 : index
        %swap3A_487 = tpu.vector_load %arg10[%swap3A_485, %swap3A_486] {strides = array<i32>} : memref<88x128xi32, #tpu.memory_space<vmem>>, vector<16xi32>,
        tpu.vector_store %arg10[%swap3A_485, %swap3A_486], %get3A_484 {strides = array<i32>} : memref<88x128xi32, #tpu.memory_space<vmem>>, vector<16xi32>,
        %get3A_488 = arith.constant 32 : index
        %get3A_489 = tpu.vector_load %arg11[%get3A_488] {strides = array<i32>} : memref<256xi32, #tpu.memory_space<vmem>>, vector<16xi32>,
        %swap3A_490 = arith.index_cast %add3A_267 : i32 to index
        %swap3A_491 = arith.constant 32 : index
        %swap3A_492 = tpu.vector_load %arg9[%swap3A_490, %swap3A_491] {strides = array<i32>} : memref<88x128xi32, #tpu.memory_space<vmem>>, vector<16xi32>,
        tpu.vector_store %arg9[%swap3A_490, %swap3A_491], %get3A_489 {strides = array<i32>} : memref<88x128xi32, #tpu.memory_space<vmem>>, vector<16xi32>,
        %get3A_493 = arith.constant 32 : index
        %get3A_494 = tpu.vector_load %arg12[%get3A_493] {strides = array<i32>} : memref<256xi32, #tpu.memory_space<vmem>>, vector<16xi32>,
        %swap3A_495 = arith.index_cast %add3A_267 : i32 to index
        %swap3A_496 = arith.constant 32 : index
        %swap3A_497 = tpu.vector_load %arg10[%swap3A_495, %swap3A_496] {strides = array<i32>} : memref<88x128xi32, #tpu.memory_space<vmem>>, vector<16xi32>,
        tpu.vector_store %arg10[%swap3A_495, %swap3A_496], %get3A_494 {strides = array<i32>} : memref<88x128xi32, #tpu.memory_space<vmem>>, vector<16xi32>,
        %get3A_498 = arith.constant 48 : index
        %get3A_499 = tpu.vector_load %arg11[%get3A_498] {strides = array<i32>} : memref<256xi32, #tpu.memory_space<vmem>>, vector<16xi32>,
        %swap3A_500 = arith.index_cast %add3A_267 : i32 to index
        %swap3A_501 = arith.constant 48 : index
        %swap3A_502 = tpu.vector_load %arg9[%swap3A_500, %swap3A_501] {strides = array<i32>} : memref<88x128xi32, #tpu.memory_space<vmem>>, vector<16xi32>,
        tpu.vector_store %arg9[%swap3A_500, %swap3A_501], %get3A_499 {strides = array<i32>} : memref<88x128xi32, #tpu.memory_space<vmem>>, vector<16xi32>,
        %get3A_503 = arith.constant 48 : index
        %get3A_504 = tpu.vector_load %arg12[%get3A_503] {strides = array<i32>} : memref<256xi32, #tpu.memory_space<vmem>>, vector<16xi32>,
        %swap3A_505 = arith.index_cast %add3A_267 : i32 to index
        %swap3A_506 = arith.constant 48 : index
        %swap3A_507 = tpu.vector_load %arg10[%swap3A_505, %swap3A_506] {strides = array<i32>} : memref<88x128xi32, #tpu.memory_space<vmem>>, vector<16xi32>,
        tpu.vector_store %arg10[%swap3A_505, %swap3A_506], %get3A_504 {strides = array<i32>} : memref<88x128xi32, #tpu.memory_space<vmem>>, vector<16xi32>,
        %get3A_508 = arith.constant 64 : index
        %get3A_509 = tpu.vector_load %arg11[%get3A_508] {strides = array<i32>} : memref<256xi32, #tpu.memory_space<vmem>>, vector<16xi32>,
        %swap3A_510 = arith.index_cast %add3A_267 : i32 to index
        %swap3A_511 = arith.constant 64 : index
        %swap3A_512 = tpu.vector_load %arg9[%swap3A_510, %swap3A_511] {strides = array<i32>} : memref<88x128xi32, #tpu.memory_space<vmem>>, vector<16xi32>,
        tpu.vector_store %arg9[%swap3A_510, %swap3A_511], %get3A_509 {strides = array<i32>} : memref<88x128xi32, #tpu.memory_space<vmem>>, vector<16xi32>,
        %get3A_513 = arith.constant 64 : index
        %get3A_514 = tpu.vector_load %arg12[%get3A_513] {strides = array<i32>} : memref<256xi32, #tpu.memory_space<vmem>>, vector<16xi32>,
        %swap3A_515 = arith.index_cast %add3A_267 : i32 to index
        %swap3A_516 = arith.constant 64 : index
        %swap3A_517 = tpu.vector_load %arg10[%swap3A_515, %swap3A_516] {strides = array<i32>} : memref<88x128xi32, #tpu.memory_space<vmem>>, vector<16xi32>,
        tpu.vector_store %arg10[%swap3A_515, %swap3A_516], %get3A_514 {strides = array<i32>} : memref<88x128xi32, #tpu.memory_space<vmem>>, vector<16xi32>,
        %get3A_518 = arith.constant 80 : index
        %get3A_519 = tpu.vector_load %arg11[%get3A_518] {strides = array<i32>} : memref<256xi32, #tpu.memory_space<vmem>>, vector<16xi32>,
        %swap3A_520 = arith.index_cast %add3A_267 : i32 to index
        %swap3A_521 = arith.constant 80 : index
        %swap3A_522 = tpu.vector_load %arg9[%swap3A_520, %swap3A_521] {strides = array<i32>} : memref<88x128xi32, #tpu.memory_space<vmem>>, vector<16xi32>,
        tpu.vector_store %arg9[%swap3A_520, %swap3A_521], %get3A_519 {strides = array<i32>} : memref<88x128xi32, #tpu.memory_space<vmem>>, vector<16xi32>,
        %get3A_523 = arith.constant 80 : index
        %get3A_524 = tpu.vector_load %arg12[%get3A_523] {strides = array<i32>} : memref<256xi32, #tpu.memory_space<vmem>>, vector<16xi32>,
        %swap3A_525 = arith.index_cast %add3A_267 : i32 to index
        %swap3A_526 = arith.constant 80 : index
        %swap3A_527 = tpu.vector_load %arg10[%swap3A_525, %swap3A_526] {strides = array<i32>} : memref<88x128xi32, #tpu.memory_space<vmem>>, vector<16xi32>,
        tpu.vector_store %arg10[%swap3A_525, %swap3A_526], %get3A_524 {strides = array<i32>} : memref<88x128xi32, #tpu.memory_space<vmem>>, vector<16xi32>,
        %get3A_528 = arith.constant 96 : index
        %get3A_529 = tpu.vector_load %arg11[%get3A_528] {strides = array<i32>} : memref<256xi32, #tpu.memory_space<vmem>>, vector<16xi32>,
        %swap3A_530 = arith.index_cast %add3A_267 : i32 to index
        %swap3A_531 = arith.constant 96 : index
        %swap3A_532 = tpu.vector_load %arg9[%swap3A_530, %swap3A_531] {strides = array<i32>} : memref<88x128xi32, #tpu.memory_space<vmem>>, vector<16xi32>,
        tpu.vector_store %arg9[%swap3A_530, %swap3A_531], %get3A_529 {strides = array<i32>} : memref<88x128xi32, #tpu.memory_space<vmem>>, vector<16xi32>,
        %get3A_533 = arith.constant 96 : index
        %get3A_534 = tpu.vector_load %arg12[%get3A_533] {strides = array<i32>} : memref<256xi32, #tpu.memory_space<vmem>>, vector<16xi32>,
        %swap3A_535 = arith.index_cast %add3A_267 : i32 to index
        %swap3A_536 = arith.constant 96 : index
        %swap3A_537 = tpu.vector_load %arg10[%swap3A_535, %swap3A_536] {strides = array<i32>} : memref<88x128xi32, #tpu.memory_space<vmem>>, vector<16xi32>,
        tpu.vector_store %arg10[%swap3A_535, %swap3A_536], %get3A_534 {strides = array<i32>} : memref<88x128xi32, #tpu.memory_space<vmem>>, vector<16xi32>,
        %get3A_538 = arith.constant 112 : index
        %get3A_539 = tpu.vector_load %arg11[%get3A_538] {strides = array<i32>} : memref<256xi32, #tpu.memory_space<vmem>>, vector<16xi32>,
        %swap3A_540 = arith.index_cast %add3A_267 : i32 to index
        %swap3A_541 = arith.constant 112 : index
        %swap3A_542 = tpu.vector_load %arg9[%swap3A_540, %swap3A_541] {strides = array<i32>} : memref<88x128xi32, #tpu.memory_space<vmem>>, vector<16xi32>,
        tpu.vector_store %arg9[%swap3A_540, %swap3A_541], %get3A_539 {strides = array<i32>} : memref<88x128xi32, #tpu.memory_space<vmem>>, vector<16xi32>,
        %get3A_543 = arith.constant 112 : index
        %get3A_544 = tpu.vector_load %arg12[%get3A_543] {strides = array<i32>} : memref<256xi32, #tpu.memory_space<vmem>>, vector<16xi32>,
        %swap3A_545 = arith.index_cast %add3A_267 : i32 to index
        %swap3A_546 = arith.constant 112 : index
        %swap3A_547 = tpu.vector_load %arg10[%swap3A_545, %swap3A_546] {strides = array<i32>} : memref<88x128xi32, #tpu.memory_space<vmem>>, vector<16xi32>,
        tpu.vector_store %arg10[%swap3A_545, %swap3A_546], %get3A_544 {strides = array<i32>} : memref<88x128xi32, #tpu.memory_space<vmem>>, vector<16xi32>,
        %get3A_548 = arith.constant 128 : index
        %get3A_549 = tpu.vector_load %arg11[%get3A_548] {strides = array<i32>} : memref<256xi32, #tpu.memory_space<vmem>>, vector<16xi32>,
        %swap3A_550 = arith.constant 0 : index
        %swap3A_551 = tpu.vector_load %arg11[%swap3A_550] {strides = array<i32>} : memref<256xi32, #tpu.memory_space<vmem>>, vector<16xi32>,
        tpu.vector_store %arg11[%swap3A_550], %get3A_549 {strides = array<i32>} : memref<256xi32, #tpu.memory_space<vmem>>, vector<16xi32>,
        %get3A_552 = arith.constant 128 : index
        %get3A_553 = tpu.vector_load %arg12[%get3A_552] {strides = array<i32>} : memref<256xi32, #tpu.memory_space<vmem>>, vector<16xi32>,
        %swap3A_554 = arith.constant 0 : index
        %swap3A_555 = tpu.vector_load %arg12[%swap3A_554] {strides = array<i32>} : memref<256xi32, #tpu.memory_space<vmem>>, vector<16xi32>,
        tpu.vector_store %arg12[%swap3A_554], %get3A_553 {strides = array<i32>} : memref<256xi32, #tpu.memory_space<vmem>>, vector<16xi32>,
      } else {
      }
      %sub3A_303 = arith.constant 128 : i32
      %sub3A_304 = arith.subi %add3A_297, %sub3A_303 : i32
      %select_n3A_305 = arith.select %ge3A_299, %sub3A_304, %add3A_297 : i32
      %convert_element_type3A_306 = arith.extui %ge3A_299 : i1 to i32
      %add3A_307 = arith.addi %add3A_267, %convert_element_type3A_306 : i32
      %get3A_308 = arith.index_cast %scan3A_154 : i32 to index
      %get3A_309 = arith.constant 64 : index
      %get3A_310 = tpu.vector_load %arg7[%get3A_308, %get3A_309] {strides = array<i32>} : memref<80x128xi32, #tpu.memory_space<vmem>>, vector<16xi32>,
      %get3A_311 = arith.index_cast %scan3A_154 : i32 to index
      %get3A_312 = arith.constant 64 : index
      %get3A_313 = tpu.vector_load %arg8[%get3A_311, %get3A_312] {strides = array<i32>} : memref<80x128xi32, #tpu.memory_space<vmem>>, vector<16xi32>,
      %sub3A_314 = vector.broadcast %mul3A_6 : i32 to vector<16xi32>
      %sub3A_315 = arith.subi %get3A_313, %sub3A_314 : vector<16xi32>
      %ge3A_316 = arith.constant 0 : i32
      %ge3A_317 = vector.broadcast %ge3A_316 : i32 to vector<16xi32>
      %ge3A_318 = arith.cmpi sge, %sub3A_315, %ge3A_317 : vector<16xi32>
      %lt3A_319 = arith.constant 5200 : i32
      %lt3A_320 = vector.broadcast %lt3A_319 : i32 to vector<16xi32>
      %lt3A_321 = arith.cmpi slt, %sub3A_315, %lt3A_320 : vector<16xi32>
      %and3A_322 = arith.andi %ge3A_318, %lt3A_321 : vector<16xi1>
      %select_n3A_323 = arith.select %and3A_322, %broadcast_in_dim3A_10, %broadcast_in_dim3A_12 : vector<16xi1>, vector<16xi32>
      %cumsum3A_324 = arith.constant true
      %cumsum3A_325 = vector.broadcast %cumsum3A_324 : i1 to vector<16xi1>
      %cumsum3A_326 = tpu.scan <sum>, %select_n3A_323 masked %cumsum3A_325 : vector<16xi32>, vector<16xi1> -> vector<16xi32>
      %add3A_327 = vector.broadcast %select_n3A_305 : i32 to vector<16xi32>
      %add3A_328 = arith.addi %add3A_327, %cumsum3A_326 : vector<16xi32>
      %sub3A_329 = arith.constant 1 : i32
      %sub3A_330 = vector.broadcast %sub3A_329 : i32 to vector<16xi32>
      %sub3A_331 = arith.subi %add3A_328, %sub3A_330 : vector<16xi32>
      %select_n3A_332 = arith.select %and3A_322, %sub3A_331, %add3A_9 : vector<16xi1>, vector<16xi32>
      tpu.vector_store_idx %arg11[%select_n3A_332], %get3A_310 : memref<256xi32, #tpu.memory_space<vmem>>[vector<16xi32>], vector<16xi32>,
      tpu.vector_store_idx %arg12[%select_n3A_332], %sub3A_315 : memref<256xi32, #tpu.memory_space<vmem>>[vector<16xi32>], vector<16xi32>,
      %reduce_sum3A_333 = arith.constant true
      %reduce_sum3A_334 = vector.broadcast %reduce_sum3A_333 : i1 to vector<16xi1>
      %reduce_sum3A_335 = tpu.scan <sum>, %select_n3A_323 masked %reduce_sum3A_334 : vector<16xi32>, vector<16xi1> -> vector<16xi32>
      %reduce_sum3A_336 = vector.extract %reduce_sum3A_335[15] : i32 from vector<16xi32>
      %add3A_337 = arith.addi %select_n3A_305, %reduce_sum3A_336 : i32
      %ge3A_338 = arith.constant 128 : i32
      %ge3A_339 = arith.cmpi sge, %add3A_337, %ge3A_338 : i32
      %convert_element_type3A_340 = arith.extui %ge3A_339 : i1 to i32
      %cond3A_341 = arith.constant 0 : i32
      %cond3A_342 = arith.cmpi ne, %convert_element_type3A_340, %cond3A_341 : i32
      scf.if %cond3A_342 {
        %get3A_468 = arith.constant 0 : index
        %get3A_469 = tpu.vector_load %arg11[%get3A_468] {strides = array<i32>} : memref<256xi32, #tpu.memory_space<vmem>>, vector<16xi32>,
        %swap3A_470 = arith.index_cast %add3A_307 : i32 to index
        %swap3A_471 = arith.constant 0 : index
        %swap3A_472 = tpu.vector_load %arg9[%swap3A_470, %swap3A_471] {strides = array<i32>} : memref<88x128xi32, #tpu.memory_space<vmem>>, vector<16xi32>,
        tpu.vector_store %arg9[%swap3A_470, %swap3A_471], %get3A_469 {strides = array<i32>} : memref<88x128xi32, #tpu.memory_space<vmem>>, vector<16xi32>,
        %get3A_473 = arith.constant 0 : index
        %get3A_474 = tpu.vector_load %arg12[%get3A_473] {strides = array<i32>} : memref<256xi32, #tpu.memory_space<vmem>>, vector<16xi32>,
        %swap3A_475 = arith.index_cast %add3A_307 : i32 to index
        %swap3A_476 = arith.constant 0 : index
        %swap3A_477 = tpu.vector_load %arg10[%swap3A_475, %swap3A_476] {strides = array<i32>} : memref<88x128xi32, #tpu.memory_space<vmem>>, vector<16xi32>,
        tpu.vector_store %arg10[%swap3A_475, %swap3A_476], %get3A_474 {strides = array<i32>} : memref<88x128xi32, #tpu.memory_space<vmem>>, vector<16xi32>,
        %get3A_478 = arith.constant 16 : index
        %get3A_479 = tpu.vector_load %arg11[%get3A_478] {strides = array<i32>} : memref<256xi32, #tpu.memory_space<vmem>>, vector<16xi32>,
        %swap3A_480 = arith.index_cast %add3A_307 : i32 to index
        %swap3A_481 = arith.constant 16 : index
        %swap3A_482 = tpu.vector_load %arg9[%swap3A_480, %swap3A_481] {strides = array<i32>} : memref<88x128xi32, #tpu.memory_space<vmem>>, vector<16xi32>,
        tpu.vector_store %arg9[%swap3A_480, %swap3A_481], %get3A_479 {strides = array<i32>} : memref<88x128xi32, #tpu.memory_space<vmem>>, vector<16xi32>,
        %get3A_483 = arith.constant 16 : index
        %get3A_484 = tpu.vector_load %arg12[%get3A_483] {strides = array<i32>} : memref<256xi32, #tpu.memory_space<vmem>>, vector<16xi32>,
        %swap3A_485 = arith.index_cast %add3A_307 : i32 to index
        %swap3A_486 = arith.constant 16 : index
        %swap3A_487 = tpu.vector_load %arg10[%swap3A_485, %swap3A_486] {strides = array<i32>} : memref<88x128xi32, #tpu.memory_space<vmem>>, vector<16xi32>,
        tpu.vector_store %arg10[%swap3A_485, %swap3A_486], %get3A_484 {strides = array<i32>} : memref<88x128xi32, #tpu.memory_space<vmem>>, vector<16xi32>,
        %get3A_488 = arith.constant 32 : index
        %get3A_489 = tpu.vector_load %arg11[%get3A_488] {strides = array<i32>} : memref<256xi32, #tpu.memory_space<vmem>>, vector<16xi32>,
        %swap3A_490 = arith.index_cast %add3A_307 : i32 to index
        %swap3A_491 = arith.constant 32 : index
        %swap3A_492 = tpu.vector_load %arg9[%swap3A_490, %swap3A_491] {strides = array<i32>} : memref<88x128xi32, #tpu.memory_space<vmem>>, vector<16xi32>,
        tpu.vector_store %arg9[%swap3A_490, %swap3A_491], %get3A_489 {strides = array<i32>} : memref<88x128xi32, #tpu.memory_space<vmem>>, vector<16xi32>,
        %get3A_493 = arith.constant 32 : index
        %get3A_494 = tpu.vector_load %arg12[%get3A_493] {strides = array<i32>} : memref<256xi32, #tpu.memory_space<vmem>>, vector<16xi32>,
        %swap3A_495 = arith.index_cast %add3A_307 : i32 to index
        %swap3A_496 = arith.constant 32 : index
        %swap3A_497 = tpu.vector_load %arg10[%swap3A_495, %swap3A_496] {strides = array<i32>} : memref<88x128xi32, #tpu.memory_space<vmem>>, vector<16xi32>,
        tpu.vector_store %arg10[%swap3A_495, %swap3A_496], %get3A_494 {strides = array<i32>} : memref<88x128xi32, #tpu.memory_space<vmem>>, vector<16xi32>,
        %get3A_498 = arith.constant 48 : index
        %get3A_499 = tpu.vector_load %arg11[%get3A_498] {strides = array<i32>} : memref<256xi32, #tpu.memory_space<vmem>>, vector<16xi32>,
        %swap3A_500 = arith.index_cast %add3A_307 : i32 to index
        %swap3A_501 = arith.constant 48 : index
        %swap3A_502 = tpu.vector_load %arg9[%swap3A_500, %swap3A_501] {strides = array<i32>} : memref<88x128xi32, #tpu.memory_space<vmem>>, vector<16xi32>,
        tpu.vector_store %arg9[%swap3A_500, %swap3A_501], %get3A_499 {strides = array<i32>} : memref<88x128xi32, #tpu.memory_space<vmem>>, vector<16xi32>,
        %get3A_503 = arith.constant 48 : index
        %get3A_504 = tpu.vector_load %arg12[%get3A_503] {strides = array<i32>} : memref<256xi32, #tpu.memory_space<vmem>>, vector<16xi32>,
        %swap3A_505 = arith.index_cast %add3A_307 : i32 to index
        %swap3A_506 = arith.constant 48 : index
        %swap3A_507 = tpu.vector_load %arg10[%swap3A_505, %swap3A_506] {strides = array<i32>} : memref<88x128xi32, #tpu.memory_space<vmem>>, vector<16xi32>,
        tpu.vector_store %arg10[%swap3A_505, %swap3A_506], %get3A_504 {strides = array<i32>} : memref<88x128xi32, #tpu.memory_space<vmem>>, vector<16xi32>,
        %get3A_508 = arith.constant 64 : index
        %get3A_509 = tpu.vector_load %arg11[%get3A_508] {strides = array<i32>} : memref<256xi32, #tpu.memory_space<vmem>>, vector<16xi32>,
        %swap3A_510 = arith.index_cast %add3A_307 : i32 to index
        %swap3A_511 = arith.constant 64 : index
        %swap3A_512 = tpu.vector_load %arg9[%swap3A_510, %swap3A_511] {strides = array<i32>} : memref<88x128xi32, #tpu.memory_space<vmem>>, vector<16xi32>,
        tpu.vector_store %arg9[%swap3A_510, %swap3A_511], %get3A_509 {strides = array<i32>} : memref<88x128xi32, #tpu.memory_space<vmem>>, vector<16xi32>,
        %get3A_513 = arith.constant 64 : index
        %get3A_514 = tpu.vector_load %arg12[%get3A_513] {strides = array<i32>} : memref<256xi32, #tpu.memory_space<vmem>>, vector<16xi32>,
        %swap3A_515 = arith.index_cast %add3A_307 : i32 to index
        %swap3A_516 = arith.constant 64 : index
        %swap3A_517 = tpu.vector_load %arg10[%swap3A_515, %swap3A_516] {strides = array<i32>} : memref<88x128xi32, #tpu.memory_space<vmem>>, vector<16xi32>,
        tpu.vector_store %arg10[%swap3A_515, %swap3A_516], %get3A_514 {strides = array<i32>} : memref<88x128xi32, #tpu.memory_space<vmem>>, vector<16xi32>,
        %get3A_518 = arith.constant 80 : index
        %get3A_519 = tpu.vector_load %arg11[%get3A_518] {strides = array<i32>} : memref<256xi32, #tpu.memory_space<vmem>>, vector<16xi32>,
        %swap3A_520 = arith.index_cast %add3A_307 : i32 to index
        %swap3A_521 = arith.constant 80 : index
        %swap3A_522 = tpu.vector_load %arg9[%swap3A_520, %swap3A_521] {strides = array<i32>} : memref<88x128xi32, #tpu.memory_space<vmem>>, vector<16xi32>,
        tpu.vector_store %arg9[%swap3A_520, %swap3A_521], %get3A_519 {strides = array<i32>} : memref<88x128xi32, #tpu.memory_space<vmem>>, vector<16xi32>,
        %get3A_523 = arith.constant 80 : index
        %get3A_524 = tpu.vector_load %arg12[%get3A_523] {strides = array<i32>} : memref<256xi32, #tpu.memory_space<vmem>>, vector<16xi32>,
        %swap3A_525 = arith.index_cast %add3A_307 : i32 to index
        %swap3A_526 = arith.constant 80 : index
        %swap3A_527 = tpu.vector_load %arg10[%swap3A_525, %swap3A_526] {strides = array<i32>} : memref<88x128xi32, #tpu.memory_space<vmem>>, vector<16xi32>,
        tpu.vector_store %arg10[%swap3A_525, %swap3A_526], %get3A_524 {strides = array<i32>} : memref<88x128xi32, #tpu.memory_space<vmem>>, vector<16xi32>,
        %get3A_528 = arith.constant 96 : index
        %get3A_529 = tpu.vector_load %arg11[%get3A_528] {strides = array<i32>} : memref<256xi32, #tpu.memory_space<vmem>>, vector<16xi32>,
        %swap3A_530 = arith.index_cast %add3A_307 : i32 to index
        %swap3A_531 = arith.constant 96 : index
        %swap3A_532 = tpu.vector_load %arg9[%swap3A_530, %swap3A_531] {strides = array<i32>} : memref<88x128xi32, #tpu.memory_space<vmem>>, vector<16xi32>,
        tpu.vector_store %arg9[%swap3A_530, %swap3A_531], %get3A_529 {strides = array<i32>} : memref<88x128xi32, #tpu.memory_space<vmem>>, vector<16xi32>,
        %get3A_533 = arith.constant 96 : index
        %get3A_534 = tpu.vector_load %arg12[%get3A_533] {strides = array<i32>} : memref<256xi32, #tpu.memory_space<vmem>>, vector<16xi32>,
        %swap3A_535 = arith.index_cast %add3A_307 : i32 to index
        %swap3A_536 = arith.constant 96 : index
        %swap3A_537 = tpu.vector_load %arg10[%swap3A_535, %swap3A_536] {strides = array<i32>} : memref<88x128xi32, #tpu.memory_space<vmem>>, vector<16xi32>,
        tpu.vector_store %arg10[%swap3A_535, %swap3A_536], %get3A_534 {strides = array<i32>} : memref<88x128xi32, #tpu.memory_space<vmem>>, vector<16xi32>,
        %get3A_538 = arith.constant 112 : index
        %get3A_539 = tpu.vector_load %arg11[%get3A_538] {strides = array<i32>} : memref<256xi32, #tpu.memory_space<vmem>>, vector<16xi32>,
        %swap3A_540 = arith.index_cast %add3A_307 : i32 to index
        %swap3A_541 = arith.constant 112 : index
        %swap3A_542 = tpu.vector_load %arg9[%swap3A_540, %swap3A_541] {strides = array<i32>} : memref<88x128xi32, #tpu.memory_space<vmem>>, vector<16xi32>,
        tpu.vector_store %arg9[%swap3A_540, %swap3A_541], %get3A_539 {strides = array<i32>} : memref<88x128xi32, #tpu.memory_space<vmem>>, vector<16xi32>,
        %get3A_543 = arith.constant 112 : index
        %get3A_544 = tpu.vector_load %arg12[%get3A_543] {strides = array<i32>} : memref<256xi32, #tpu.memory_space<vmem>>, vector<16xi32>,
        %swap3A_545 = arith.index_cast %add3A_307 : i32 to index
        %swap3A_546 = arith.constant 112 : index
        %swap3A_547 = tpu.vector_load %arg10[%swap3A_545, %swap3A_546] {strides = array<i32>} : memref<88x128xi32, #tpu.memory_space<vmem>>, vector<16xi32>,
        tpu.vector_store %arg10[%swap3A_545, %swap3A_546], %get3A_544 {strides = array<i32>} : memref<88x128xi32, #tpu.memory_space<vmem>>, vector<16xi32>,
        %get3A_548 = arith.constant 128 : index
        %get3A_549 = tpu.vector_load %arg11[%get3A_548] {strides = array<i32>} : memref<256xi32, #tpu.memory_space<vmem>>, vector<16xi32>,
        %swap3A_550 = arith.constant 0 : index
        %swap3A_551 = tpu.vector_load %arg11[%swap3A_550] {strides = array<i32>} : memref<256xi32, #tpu.memory_space<vmem>>, vector<16xi32>,
        tpu.vector_store %arg11[%swap3A_550], %get3A_549 {strides = array<i32>} : memref<256xi32, #tpu.memory_space<vmem>>, vector<16xi32>,
        %get3A_552 = arith.constant 128 : index
        %get3A_553 = tpu.vector_load %arg12[%get3A_552] {strides = array<i32>} : memref<256xi32, #tpu.memory_space<vmem>>, vector<16xi32>,
        %swap3A_554 = arith.constant 0 : index
        %swap3A_555 = tpu.vector_load %arg12[%swap3A_554] {strides = array<i32>} : memref<256xi32, #tpu.memory_space<vmem>>, vector<16xi32>,
        tpu.vector_store %arg12[%swap3A_554], %get3A_553 {strides = array<i32>} : memref<256xi32, #tpu.memory_space<vmem>>, vector<16xi32>,
      } else {
      }
      %sub3A_343 = arith.constant 128 : i32
      %sub3A_344 = arith.subi %add3A_337, %sub3A_343 : i32
      %select_n3A_345 = arith.select %ge3A_339, %sub3A_344, %add3A_337 : i32
      %convert_element_type3A_346 = arith.extui %ge3A_339 : i1 to i32
      %add3A_347 = arith.addi %add3A_307, %convert_element_type3A_346 : i32
      %get3A_348 = arith.index_cast %scan3A_154 : i32 to index
      %get3A_349 = arith.constant 80 : index
      %get3A_350 = tpu.vector_load %arg7[%get3A_348, %get3A_349] {strides = array<i32>} : memref<80x128xi32, #tpu.memory_space<vmem>>, vector<16xi32>,
      %get3A_351 = arith.index_cast %scan3A_154 : i32 to index
      %get3A_352 = arith.constant 80 : index
      %get3A_353 = tpu.vector_load %arg8[%get3A_351, %get3A_352] {strides = array<i32>} : memref<80x128xi32, #tpu.memory_space<vmem>>, vector<16xi32>,
      %sub3A_354 = vector.broadcast %mul3A_6 : i32 to vector<16xi32>
      %sub3A_355 = arith.subi %get3A_353, %sub3A_354 : vector<16xi32>
      %ge3A_356 = arith.constant 0 : i32
      %ge3A_357 = vector.broadcast %ge3A_356 : i32 to vector<16xi32>
      %ge3A_358 = arith.cmpi sge, %sub3A_355, %ge3A_357 : vector<16xi32>
      %lt3A_359 = arith.constant 5200 : i32
      %lt3A_360 = vector.broadcast %lt3A_359 : i32 to vector<16xi32>
      %lt3A_361 = arith.cmpi slt, %sub3A_355, %lt3A_360 : vector<16xi32>
      %and3A_362 = arith.andi %ge3A_358, %lt3A_361 : vector<16xi1>
      %select_n3A_363 = arith.select %and3A_362, %broadcast_in_dim3A_10, %broadcast_in_dim3A_12 : vector<16xi1>, vector<16xi32>
      %cumsum3A_364 = arith.constant true
      %cumsum3A_365 = vector.broadcast %cumsum3A_364 : i1 to vector<16xi1>
      %cumsum3A_366 = tpu.scan <sum>, %select_n3A_363 masked %cumsum3A_365 : vector<16xi32>, vector<16xi1> -> vector<16xi32>
      %add3A_367 = vector.broadcast %select_n3A_345 : i32 to vector<16xi32>
      %add3A_368 = arith.addi %add3A_367, %cumsum3A_366 : vector<16xi32>
      %sub3A_369 = arith.constant 1 : i32
      %sub3A_370 = vector.broadcast %sub3A_369 : i32 to vector<16xi32>
      %sub3A_371 = arith.subi %add3A_368, %sub3A_370 : vector<16xi32>
      %select_n3A_372 = arith.select %and3A_362, %sub3A_371, %add3A_9 : vector<16xi1>, vector<16xi32>
      tpu.vector_store_idx %arg11[%select_n3A_372], %get3A_350 : memref<256xi32, #tpu.memory_space<vmem>>[vector<16xi32>], vector<16xi32>,
      tpu.vector_store_idx %arg12[%select_n3A_372], %sub3A_355 : memref<256xi32, #tpu.memory_space<vmem>>[vector<16xi32>], vector<16xi32>,
      %reduce_sum3A_373 = arith.constant true
      %reduce_sum3A_374 = vector.broadcast %reduce_sum3A_373 : i1 to vector<16xi1>
      %reduce_sum3A_375 = tpu.scan <sum>, %select_n3A_363 masked %reduce_sum3A_374 : vector<16xi32>, vector<16xi1> -> vector<16xi32>
      %reduce_sum3A_376 = vector.extract %reduce_sum3A_375[15] : i32 from vector<16xi32>
      %add3A_377 = arith.addi %select_n3A_345, %reduce_sum3A_376 : i32
      %ge3A_378 = arith.constant 128 : i32
      %ge3A_379 = arith.cmpi sge, %add3A_377, %ge3A_378 : i32
      %convert_element_type3A_380 = arith.extui %ge3A_379 : i1 to i32
      %cond3A_381 = arith.constant 0 : i32
      %cond3A_382 = arith.cmpi ne, %convert_element_type3A_380, %cond3A_381 : i32
      scf.if %cond3A_382 {
        %get3A_468 = arith.constant 0 : index
        %get3A_469 = tpu.vector_load %arg11[%get3A_468] {strides = array<i32>} : memref<256xi32, #tpu.memory_space<vmem>>, vector<16xi32>,
        %swap3A_470 = arith.index_cast %add3A_347 : i32 to index
        %swap3A_471 = arith.constant 0 : index
        %swap3A_472 = tpu.vector_load %arg9[%swap3A_470, %swap3A_471] {strides = array<i32>} : memref<88x128xi32, #tpu.memory_space<vmem>>, vector<16xi32>,
        tpu.vector_store %arg9[%swap3A_470, %swap3A_471], %get3A_469 {strides = array<i32>} : memref<88x128xi32, #tpu.memory_space<vmem>>, vector<16xi32>,
        %get3A_473 = arith.constant 0 : index
        %get3A_474 = tpu.vector_load %arg12[%get3A_473] {strides = array<i32>} : memref<256xi32, #tpu.memory_space<vmem>>, vector<16xi32>,
        %swap3A_475 = arith.index_cast %add3A_347 : i32 to index
        %swap3A_476 = arith.constant 0 : index
        %swap3A_477 = tpu.vector_load %arg10[%swap3A_475, %swap3A_476] {strides = array<i32>} : memref<88x128xi32, #tpu.memory_space<vmem>>, vector<16xi32>,
        tpu.vector_store %arg10[%swap3A_475, %swap3A_476], %get3A_474 {strides = array<i32>} : memref<88x128xi32, #tpu.memory_space<vmem>>, vector<16xi32>,
        %get3A_478 = arith.constant 16 : index
        %get3A_479 = tpu.vector_load %arg11[%get3A_478] {strides = array<i32>} : memref<256xi32, #tpu.memory_space<vmem>>, vector<16xi32>,
        %swap3A_480 = arith.index_cast %add3A_347 : i32 to index
        %swap3A_481 = arith.constant 16 : index
        %swap3A_482 = tpu.vector_load %arg9[%swap3A_480, %swap3A_481] {strides = array<i32>} : memref<88x128xi32, #tpu.memory_space<vmem>>, vector<16xi32>,
        tpu.vector_store %arg9[%swap3A_480, %swap3A_481], %get3A_479 {strides = array<i32>} : memref<88x128xi32, #tpu.memory_space<vmem>>, vector<16xi32>,
        %get3A_483 = arith.constant 16 : index
        %get3A_484 = tpu.vector_load %arg12[%get3A_483] {strides = array<i32>} : memref<256xi32, #tpu.memory_space<vmem>>, vector<16xi32>,
        %swap3A_485 = arith.index_cast %add3A_347 : i32 to index
        %swap3A_486 = arith.constant 16 : index
        %swap3A_487 = tpu.vector_load %arg10[%swap3A_485, %swap3A_486] {strides = array<i32>} : memref<88x128xi32, #tpu.memory_space<vmem>>, vector<16xi32>,
        tpu.vector_store %arg10[%swap3A_485, %swap3A_486], %get3A_484 {strides = array<i32>} : memref<88x128xi32, #tpu.memory_space<vmem>>, vector<16xi32>,
        %get3A_488 = arith.constant 32 : index
        %get3A_489 = tpu.vector_load %arg11[%get3A_488] {strides = array<i32>} : memref<256xi32, #tpu.memory_space<vmem>>, vector<16xi32>,
        %swap3A_490 = arith.index_cast %add3A_347 : i32 to index
        %swap3A_491 = arith.constant 32 : index
        %swap3A_492 = tpu.vector_load %arg9[%swap3A_490, %swap3A_491] {strides = array<i32>} : memref<88x128xi32, #tpu.memory_space<vmem>>, vector<16xi32>,
        tpu.vector_store %arg9[%swap3A_490, %swap3A_491], %get3A_489 {strides = array<i32>} : memref<88x128xi32, #tpu.memory_space<vmem>>, vector<16xi32>,
        %get3A_493 = arith.constant 32 : index
        %get3A_494 = tpu.vector_load %arg12[%get3A_493] {strides = array<i32>} : memref<256xi32, #tpu.memory_space<vmem>>, vector<16xi32>,
        %swap3A_495 = arith.index_cast %add3A_347 : i32 to index
        %swap3A_496 = arith.constant 32 : index
        %swap3A_497 = tpu.vector_load %arg10[%swap3A_495, %swap3A_496] {strides = array<i32>} : memref<88x128xi32, #tpu.memory_space<vmem>>, vector<16xi32>,
        tpu.vector_store %arg10[%swap3A_495, %swap3A_496], %get3A_494 {strides = array<i32>} : memref<88x128xi32, #tpu.memory_space<vmem>>, vector<16xi32>,
        %get3A_498 = arith.constant 48 : index
        %get3A_499 = tpu.vector_load %arg11[%get3A_498] {strides = array<i32>} : memref<256xi32, #tpu.memory_space<vmem>>, vector<16xi32>,
        %swap3A_500 = arith.index_cast %add3A_347 : i32 to index
        %swap3A_501 = arith.constant 48 : index
        %swap3A_502 = tpu.vector_load %arg9[%swap3A_500, %swap3A_501] {strides = array<i32>} : memref<88x128xi32, #tpu.memory_space<vmem>>, vector<16xi32>,
        tpu.vector_store %arg9[%swap3A_500, %swap3A_501], %get3A_499 {strides = array<i32>} : memref<88x128xi32, #tpu.memory_space<vmem>>, vector<16xi32>,
        %get3A_503 = arith.constant 48 : index
        %get3A_504 = tpu.vector_load %arg12[%get3A_503] {strides = array<i32>} : memref<256xi32, #tpu.memory_space<vmem>>, vector<16xi32>,
        %swap3A_505 = arith.index_cast %add3A_347 : i32 to index
        %swap3A_506 = arith.constant 48 : index
        %swap3A_507 = tpu.vector_load %arg10[%swap3A_505, %swap3A_506] {strides = array<i32>} : memref<88x128xi32, #tpu.memory_space<vmem>>, vector<16xi32>,
        tpu.vector_store %arg10[%swap3A_505, %swap3A_506], %get3A_504 {strides = array<i32>} : memref<88x128xi32, #tpu.memory_space<vmem>>, vector<16xi32>,
        %get3A_508 = arith.constant 64 : index
        %get3A_509 = tpu.vector_load %arg11[%get3A_508] {strides = array<i32>} : memref<256xi32, #tpu.memory_space<vmem>>, vector<16xi32>,
        %swap3A_510 = arith.index_cast %add3A_347 : i32 to index
        %swap3A_511 = arith.constant 64 : index
        %swap3A_512 = tpu.vector_load %arg9[%swap3A_510, %swap3A_511] {strides = array<i32>} : memref<88x128xi32, #tpu.memory_space<vmem>>, vector<16xi32>,
        tpu.vector_store %arg9[%swap3A_510, %swap3A_511], %get3A_509 {strides = array<i32>} : memref<88x128xi32, #tpu.memory_space<vmem>>, vector<16xi32>,
        %get3A_513 = arith.constant 64 : index
        %get3A_514 = tpu.vector_load %arg12[%get3A_513] {strides = array<i32>} : memref<256xi32, #tpu.memory_space<vmem>>, vector<16xi32>,
        %swap3A_515 = arith.index_cast %add3A_347 : i32 to index
        %swap3A_516 = arith.constant 64 : index
        %swap3A_517 = tpu.vector_load %arg10[%swap3A_515, %swap3A_516] {strides = array<i32>} : memref<88x128xi32, #tpu.memory_space<vmem>>, vector<16xi32>,
        tpu.vector_store %arg10[%swap3A_515, %swap3A_516], %get3A_514 {strides = array<i32>} : memref<88x128xi32, #tpu.memory_space<vmem>>, vector<16xi32>,
        %get3A_518 = arith.constant 80 : index
        %get3A_519 = tpu.vector_load %arg11[%get3A_518] {strides = array<i32>} : memref<256xi32, #tpu.memory_space<vmem>>, vector<16xi32>,
        %swap3A_520 = arith.index_cast %add3A_347 : i32 to index
        %swap3A_521 = arith.constant 80 : index
        %swap3A_522 = tpu.vector_load %arg9[%swap3A_520, %swap3A_521] {strides = array<i32>} : memref<88x128xi32, #tpu.memory_space<vmem>>, vector<16xi32>,
        tpu.vector_store %arg9[%swap3A_520, %swap3A_521], %get3A_519 {strides = array<i32>} : memref<88x128xi32, #tpu.memory_space<vmem>>, vector<16xi32>,
        %get3A_523 = arith.constant 80 : index
        %get3A_524 = tpu.vector_load %arg12[%get3A_523] {strides = array<i32>} : memref<256xi32, #tpu.memory_space<vmem>>, vector<16xi32>,
        %swap3A_525 = arith.index_cast %add3A_347 : i32 to index
        %swap3A_526 = arith.constant 80 : index
        %swap3A_527 = tpu.vector_load %arg10[%swap3A_525, %swap3A_526] {strides = array<i32>} : memref<88x128xi32, #tpu.memory_space<vmem>>, vector<16xi32>,
        tpu.vector_store %arg10[%swap3A_525, %swap3A_526], %get3A_524 {strides = array<i32>} : memref<88x128xi32, #tpu.memory_space<vmem>>, vector<16xi32>,
        %get3A_528 = arith.constant 96 : index
        %get3A_529 = tpu.vector_load %arg11[%get3A_528] {strides = array<i32>} : memref<256xi32, #tpu.memory_space<vmem>>, vector<16xi32>,
        %swap3A_530 = arith.index_cast %add3A_347 : i32 to index
        %swap3A_531 = arith.constant 96 : index
        %swap3A_532 = tpu.vector_load %arg9[%swap3A_530, %swap3A_531] {strides = array<i32>} : memref<88x128xi32, #tpu.memory_space<vmem>>, vector<16xi32>,
        tpu.vector_store %arg9[%swap3A_530, %swap3A_531], %get3A_529 {strides = array<i32>} : memref<88x128xi32, #tpu.memory_space<vmem>>, vector<16xi32>,
        %get3A_533 = arith.constant 96 : index
        %get3A_534 = tpu.vector_load %arg12[%get3A_533] {strides = array<i32>} : memref<256xi32, #tpu.memory_space<vmem>>, vector<16xi32>,
        %swap3A_535 = arith.index_cast %add3A_347 : i32 to index
        %swap3A_536 = arith.constant 96 : index
        %swap3A_537 = tpu.vector_load %arg10[%swap3A_535, %swap3A_536] {strides = array<i32>} : memref<88x128xi32, #tpu.memory_space<vmem>>, vector<16xi32>,
        tpu.vector_store %arg10[%swap3A_535, %swap3A_536], %get3A_534 {strides = array<i32>} : memref<88x128xi32, #tpu.memory_space<vmem>>, vector<16xi32>,
        %get3A_538 = arith.constant 112 : index
        %get3A_539 = tpu.vector_load %arg11[%get3A_538] {strides = array<i32>} : memref<256xi32, #tpu.memory_space<vmem>>, vector<16xi32>,
        %swap3A_540 = arith.index_cast %add3A_347 : i32 to index
        %swap3A_541 = arith.constant 112 : index
        %swap3A_542 = tpu.vector_load %arg9[%swap3A_540, %swap3A_541] {strides = array<i32>} : memref<88x128xi32, #tpu.memory_space<vmem>>, vector<16xi32>,
        tpu.vector_store %arg9[%swap3A_540, %swap3A_541], %get3A_539 {strides = array<i32>} : memref<88x128xi32, #tpu.memory_space<vmem>>, vector<16xi32>,
        %get3A_543 = arith.constant 112 : index
        %get3A_544 = tpu.vector_load %arg12[%get3A_543] {strides = array<i32>} : memref<256xi32, #tpu.memory_space<vmem>>, vector<16xi32>,
        %swap3A_545 = arith.index_cast %add3A_347 : i32 to index
        %swap3A_546 = arith.constant 112 : index
        %swap3A_547 = tpu.vector_load %arg10[%swap3A_545, %swap3A_546] {strides = array<i32>} : memref<88x128xi32, #tpu.memory_space<vmem>>, vector<16xi32>,
        tpu.vector_store %arg10[%swap3A_545, %swap3A_546], %get3A_544 {strides = array<i32>} : memref<88x128xi32, #tpu.memory_space<vmem>>, vector<16xi32>,
        %get3A_548 = arith.constant 128 : index
        %get3A_549 = tpu.vector_load %arg11[%get3A_548] {strides = array<i32>} : memref<256xi32, #tpu.memory_space<vmem>>, vector<16xi32>,
        %swap3A_550 = arith.constant 0 : index
        %swap3A_551 = tpu.vector_load %arg11[%swap3A_550] {strides = array<i32>} : memref<256xi32, #tpu.memory_space<vmem>>, vector<16xi32>,
        tpu.vector_store %arg11[%swap3A_550], %get3A_549 {strides = array<i32>} : memref<256xi32, #tpu.memory_space<vmem>>, vector<16xi32>,
        %get3A_552 = arith.constant 128 : index
        %get3A_553 = tpu.vector_load %arg12[%get3A_552] {strides = array<i32>} : memref<256xi32, #tpu.memory_space<vmem>>, vector<16xi32>,
        %swap3A_554 = arith.constant 0 : index
        %swap3A_555 = tpu.vector_load %arg12[%swap3A_554] {strides = array<i32>} : memref<256xi32, #tpu.memory_space<vmem>>, vector<16xi32>,
        tpu.vector_store %arg12[%swap3A_554], %get3A_553 {strides = array<i32>} : memref<256xi32, #tpu.memory_space<vmem>>, vector<16xi32>,
      } else {
      }
      %sub3A_383 = arith.constant 128 : i32
      %sub3A_384 = arith.subi %add3A_377, %sub3A_383 : i32
      %select_n3A_385 = arith.select %ge3A_379, %sub3A_384, %add3A_377 : i32
      %convert_element_type3A_386 = arith.extui %ge3A_379 : i1 to i32
      %add3A_387 = arith.addi %add3A_347, %convert_element_type3A_386 : i32
      %get3A_388 = arith.index_cast %scan3A_154 : i32 to index
      %get3A_389 = arith.constant 96 : index
      %get3A_390 = tpu.vector_load %arg7[%get3A_388, %get3A_389] {strides = array<i32>} : memref<80x128xi32, #tpu.memory_space<vmem>>, vector<16xi32>,
      %get3A_391 = arith.index_cast %scan3A_154 : i32 to index
      %get3A_392 = arith.constant 96 : index
      %get3A_393 = tpu.vector_load %arg8[%get3A_391, %get3A_392] {strides = array<i32>} : memref<80x128xi32, #tpu.memory_space<vmem>>, vector<16xi32>,
      %sub3A_394 = vector.broadcast %mul3A_6 : i32 to vector<16xi32>
      %sub3A_395 = arith.subi %get3A_393, %sub3A_394 : vector<16xi32>
      %ge3A_396 = arith.constant 0 : i32
      %ge3A_397 = vector.broadcast %ge3A_396 : i32 to vector<16xi32>
      %ge3A_398 = arith.cmpi sge, %sub3A_395, %ge3A_397 : vector<16xi32>
      %lt3A_399 = arith.constant 5200 : i32
      %lt3A_400 = vector.broadcast %lt3A_399 : i32 to vector<16xi32>
      %lt3A_401 = arith.cmpi slt, %sub3A_395, %lt3A_400 : vector<16xi32>
      %and3A_402 = arith.andi %ge3A_398, %lt3A_401 : vector<16xi1>
      %select_n3A_403 = arith.select %and3A_402, %broadcast_in_dim3A_10, %broadcast_in_dim3A_12 : vector<16xi1>, vector<16xi32>
      %cumsum3A_404 = arith.constant true
      %cumsum3A_405 = vector.broadcast %cumsum3A_404 : i1 to vector<16xi1>
      %cumsum3A_406 = tpu.scan <sum>, %select_n3A_403 masked %cumsum3A_405 : vector<16xi32>, vector<16xi1> -> vector<16xi32>
      %add3A_407 = vector.broadcast %select_n3A_385 : i32 to vector<16xi32>
      %add3A_408 = arith.addi %add3A_407, %cumsum3A_406 : vector<16xi32>
      %sub3A_409 = arith.constant 1 : i32
      %sub3A_410 = vector.broadcast %sub3A_409 : i32 to vector<16xi32>
      %sub3A_411 = arith.subi %add3A_408, %sub3A_410 : vector<16xi32>
      %select_n3A_412 = arith.select %and3A_402, %sub3A_411, %add3A_9 : vector<16xi1>, vector<16xi32>
      tpu.vector_store_idx %arg11[%select_n3A_412], %get3A_390 : memref<256xi32, #tpu.memory_space<vmem>>[vector<16xi32>], vector<16xi32>,
      tpu.vector_store_idx %arg12[%select_n3A_412], %sub3A_395 : memref<256xi32, #tpu.memory_space<vmem>>[vector<16xi32>], vector<16xi32>,
      %reduce_sum3A_413 = arith.constant true
      %reduce_sum3A_414 = vector.broadcast %reduce_sum3A_413 : i1 to vector<16xi1>
      %reduce_sum3A_415 = tpu.scan <sum>, %select_n3A_403 masked %reduce_sum3A_414 : vector<16xi32>, vector<16xi1> -> vector<16xi32>
      %reduce_sum3A_416 = vector.extract %reduce_sum3A_415[15] : i32 from vector<16xi32>
      %add3A_417 = arith.addi %select_n3A_385, %reduce_sum3A_416 : i32
      %ge3A_418 = arith.constant 128 : i32
      %ge3A_419 = arith.cmpi sge, %add3A_417, %ge3A_418 : i32
      %convert_element_type3A_420 = arith.extui %ge3A_419 : i1 to i32
      %cond3A_421 = arith.constant 0 : i32
      %cond3A_422 = arith.cmpi ne, %convert_element_type3A_420, %cond3A_421 : i32
      scf.if %cond3A_422 {
        %get3A_468 = arith.constant 0 : index
        %get3A_469 = tpu.vector_load %arg11[%get3A_468] {strides = array<i32>} : memref<256xi32, #tpu.memory_space<vmem>>, vector<16xi32>,
        %swap3A_470 = arith.index_cast %add3A_387 : i32 to index
        %swap3A_471 = arith.constant 0 : index
        %swap3A_472 = tpu.vector_load %arg9[%swap3A_470, %swap3A_471] {strides = array<i32>} : memref<88x128xi32, #tpu.memory_space<vmem>>, vector<16xi32>,
        tpu.vector_store %arg9[%swap3A_470, %swap3A_471], %get3A_469 {strides = array<i32>} : memref<88x128xi32, #tpu.memory_space<vmem>>, vector<16xi32>,
        %get3A_473 = arith.constant 0 : index
        %get3A_474 = tpu.vector_load %arg12[%get3A_473] {strides = array<i32>} : memref<256xi32, #tpu.memory_space<vmem>>, vector<16xi32>,
        %swap3A_475 = arith.index_cast %add3A_387 : i32 to index
        %swap3A_476 = arith.constant 0 : index
        %swap3A_477 = tpu.vector_load %arg10[%swap3A_475, %swap3A_476] {strides = array<i32>} : memref<88x128xi32, #tpu.memory_space<vmem>>, vector<16xi32>,
        tpu.vector_store %arg10[%swap3A_475, %swap3A_476], %get3A_474 {strides = array<i32>} : memref<88x128xi32, #tpu.memory_space<vmem>>, vector<16xi32>,
        %get3A_478 = arith.constant 16 : index
        %get3A_479 = tpu.vector_load %arg11[%get3A_478] {strides = array<i32>} : memref<256xi32, #tpu.memory_space<vmem>>, vector<16xi32>,
        %swap3A_480 = arith.index_cast %add3A_387 : i32 to index
        %swap3A_481 = arith.constant 16 : index
        %swap3A_482 = tpu.vector_load %arg9[%swap3A_480, %swap3A_481] {strides = array<i32>} : memref<88x128xi32, #tpu.memory_space<vmem>>, vector<16xi32>,
        tpu.vector_store %arg9[%swap3A_480, %swap3A_481], %get3A_479 {strides = array<i32>} : memref<88x128xi32, #tpu.memory_space<vmem>>, vector<16xi32>,
        %get3A_483 = arith.constant 16 : index
        %get3A_484 = tpu.vector_load %arg12[%get3A_483] {strides = array<i32>} : memref<256xi32, #tpu.memory_space<vmem>>, vector<16xi32>,
        %swap3A_485 = arith.index_cast %add3A_387 : i32 to index
        %swap3A_486 = arith.constant 16 : index
        %swap3A_487 = tpu.vector_load %arg10[%swap3A_485, %swap3A_486] {strides = array<i32>} : memref<88x128xi32, #tpu.memory_space<vmem>>, vector<16xi32>,
        tpu.vector_store %arg10[%swap3A_485, %swap3A_486], %get3A_484 {strides = array<i32>} : memref<88x128xi32, #tpu.memory_space<vmem>>, vector<16xi32>,
        %get3A_488 = arith.constant 32 : index
        %get3A_489 = tpu.vector_load %arg11[%get3A_488] {strides = array<i32>} : memref<256xi32, #tpu.memory_space<vmem>>, vector<16xi32>,
        %swap3A_490 = arith.index_cast %add3A_387 : i32 to index
        %swap3A_491 = arith.constant 32 : index
        %swap3A_492 = tpu.vector_load %arg9[%swap3A_490, %swap3A_491] {strides = array<i32>} : memref<88x128xi32, #tpu.memory_space<vmem>>, vector<16xi32>,
        tpu.vector_store %arg9[%swap3A_490, %swap3A_491], %get3A_489 {strides = array<i32>} : memref<88x128xi32, #tpu.memory_space<vmem>>, vector<16xi32>,
        %get3A_493 = arith.constant 32 : index
        %get3A_494 = tpu.vector_load %arg12[%get3A_493] {strides = array<i32>} : memref<256xi32, #tpu.memory_space<vmem>>, vector<16xi32>,
        %swap3A_495 = arith.index_cast %add3A_387 : i32 to index
        %swap3A_496 = arith.constant 32 : index
        %swap3A_497 = tpu.vector_load %arg10[%swap3A_495, %swap3A_496] {strides = array<i32>} : memref<88x128xi32, #tpu.memory_space<vmem>>, vector<16xi32>,
        tpu.vector_store %arg10[%swap3A_495, %swap3A_496], %get3A_494 {strides = array<i32>} : memref<88x128xi32, #tpu.memory_space<vmem>>, vector<16xi32>,
        %get3A_498 = arith.constant 48 : index
        %get3A_499 = tpu.vector_load %arg11[%get3A_498] {strides = array<i32>} : memref<256xi32, #tpu.memory_space<vmem>>, vector<16xi32>,
        %swap3A_500 = arith.index_cast %add3A_387 : i32 to index
        %swap3A_501 = arith.constant 48 : index
        %swap3A_502 = tpu.vector_load %arg9[%swap3A_500, %swap3A_501] {strides = array<i32>} : memref<88x128xi32, #tpu.memory_space<vmem>>, vector<16xi32>,
        tpu.vector_store %arg9[%swap3A_500, %swap3A_501], %get3A_499 {strides = array<i32>} : memref<88x128xi32, #tpu.memory_space<vmem>>, vector<16xi32>,
        %get3A_503 = arith.constant 48 : index
        %get3A_504 = tpu.vector_load %arg12[%get3A_503] {strides = array<i32>} : memref<256xi32, #tpu.memory_space<vmem>>, vector<16xi32>,
        %swap3A_505 = arith.index_cast %add3A_387 : i32 to index
        %swap3A_506 = arith.constant 48 : index
        %swap3A_507 = tpu.vector_load %arg10[%swap3A_505, %swap3A_506] {strides = array<i32>} : memref<88x128xi32, #tpu.memory_space<vmem>>, vector<16xi32>,
        tpu.vector_store %arg10[%swap3A_505, %swap3A_506], %get3A_504 {strides = array<i32>} : memref<88x128xi32, #tpu.memory_space<vmem>>, vector<16xi32>,
        %get3A_508 = arith.constant 64 : index
        %get3A_509 = tpu.vector_load %arg11[%get3A_508] {strides = array<i32>} : memref<256xi32, #tpu.memory_space<vmem>>, vector<16xi32>,
        %swap3A_510 = arith.index_cast %add3A_387 : i32 to index
        %swap3A_511 = arith.constant 64 : index
        %swap3A_512 = tpu.vector_load %arg9[%swap3A_510, %swap3A_511] {strides = array<i32>} : memref<88x128xi32, #tpu.memory_space<vmem>>, vector<16xi32>,
        tpu.vector_store %arg9[%swap3A_510, %swap3A_511], %get3A_509 {strides = array<i32>} : memref<88x128xi32, #tpu.memory_space<vmem>>, vector<16xi32>,
        %get3A_513 = arith.constant 64 : index
        %get3A_514 = tpu.vector_load %arg12[%get3A_513] {strides = array<i32>} : memref<256xi32, #tpu.memory_space<vmem>>, vector<16xi32>,
        %swap3A_515 = arith.index_cast %add3A_387 : i32 to index
        %swap3A_516 = arith.constant 64 : index
        %swap3A_517 = tpu.vector_load %arg10[%swap3A_515, %swap3A_516] {strides = array<i32>} : memref<88x128xi32, #tpu.memory_space<vmem>>, vector<16xi32>,
        tpu.vector_store %arg10[%swap3A_515, %swap3A_516], %get3A_514 {strides = array<i32>} : memref<88x128xi32, #tpu.memory_space<vmem>>, vector<16xi32>,
        %get3A_518 = arith.constant 80 : index
        %get3A_519 = tpu.vector_load %arg11[%get3A_518] {strides = array<i32>} : memref<256xi32, #tpu.memory_space<vmem>>, vector<16xi32>,
        %swap3A_520 = arith.index_cast %add3A_387 : i32 to index
        %swap3A_521 = arith.constant 80 : index
        %swap3A_522 = tpu.vector_load %arg9[%swap3A_520, %swap3A_521] {strides = array<i32>} : memref<88x128xi32, #tpu.memory_space<vmem>>, vector<16xi32>,
        tpu.vector_store %arg9[%swap3A_520, %swap3A_521], %get3A_519 {strides = array<i32>} : memref<88x128xi32, #tpu.memory_space<vmem>>, vector<16xi32>,
        %get3A_523 = arith.constant 80 : index
        %get3A_524 = tpu.vector_load %arg12[%get3A_523] {strides = array<i32>} : memref<256xi32, #tpu.memory_space<vmem>>, vector<16xi32>,
        %swap3A_525 = arith.index_cast %add3A_387 : i32 to index
        %swap3A_526 = arith.constant 80 : index
        %swap3A_527 = tpu.vector_load %arg10[%swap3A_525, %swap3A_526] {strides = array<i32>} : memref<88x128xi32, #tpu.memory_space<vmem>>, vector<16xi32>,
        tpu.vector_store %arg10[%swap3A_525, %swap3A_526], %get3A_524 {strides = array<i32>} : memref<88x128xi32, #tpu.memory_space<vmem>>, vector<16xi32>,
        %get3A_528 = arith.constant 96 : index
        %get3A_529 = tpu.vector_load %arg11[%get3A_528] {strides = array<i32>} : memref<256xi32, #tpu.memory_space<vmem>>, vector<16xi32>,
        %swap3A_530 = arith.index_cast %add3A_387 : i32 to index
        %swap3A_531 = arith.constant 96 : index
        %swap3A_532 = tpu.vector_load %arg9[%swap3A_530, %swap3A_531] {strides = array<i32>} : memref<88x128xi32, #tpu.memory_space<vmem>>, vector<16xi32>,
        tpu.vector_store %arg9[%swap3A_530, %swap3A_531], %get3A_529 {strides = array<i32>} : memref<88x128xi32, #tpu.memory_space<vmem>>, vector<16xi32>,
        %get3A_533 = arith.constant 96 : index
        %get3A_534 = tpu.vector_load %arg12[%get3A_533] {strides = array<i32>} : memref<256xi32, #tpu.memory_space<vmem>>, vector<16xi32>,
        %swap3A_535 = arith.index_cast %add3A_387 : i32 to index
        %swap3A_536 = arith.constant 96 : index
        %swap3A_537 = tpu.vector_load %arg10[%swap3A_535, %swap3A_536] {strides = array<i32>} : memref<88x128xi32, #tpu.memory_space<vmem>>, vector<16xi32>,
        tpu.vector_store %arg10[%swap3A_535, %swap3A_536], %get3A_534 {strides = array<i32>} : memref<88x128xi32, #tpu.memory_space<vmem>>, vector<16xi32>,
        %get3A_538 = arith.constant 112 : index
        %get3A_539 = tpu.vector_load %arg11[%get3A_538] {strides = array<i32>} : memref<256xi32, #tpu.memory_space<vmem>>, vector<16xi32>,
        %swap3A_540 = arith.index_cast %add3A_387 : i32 to index
        %swap3A_541 = arith.constant 112 : index
        %swap3A_542 = tpu.vector_load %arg9[%swap3A_540, %swap3A_541] {strides = array<i32>} : memref<88x128xi32, #tpu.memory_space<vmem>>, vector<16xi32>,
        tpu.vector_store %arg9[%swap3A_540, %swap3A_541], %get3A_539 {strides = array<i32>} : memref<88x128xi32, #tpu.memory_space<vmem>>, vector<16xi32>,
        %get3A_543 = arith.constant 112 : index
        %get3A_544 = tpu.vector_load %arg12[%get3A_543] {strides = array<i32>} : memref<256xi32, #tpu.memory_space<vmem>>, vector<16xi32>,
        %swap3A_545 = arith.index_cast %add3A_387 : i32 to index
        %swap3A_546 = arith.constant 112 : index
        %swap3A_547 = tpu.vector_load %arg10[%swap3A_545, %swap3A_546] {strides = array<i32>} : memref<88x128xi32, #tpu.memory_space<vmem>>, vector<16xi32>,
        tpu.vector_store %arg10[%swap3A_545, %swap3A_546], %get3A_544 {strides = array<i32>} : memref<88x128xi32, #tpu.memory_space<vmem>>, vector<16xi32>,
        %get3A_548 = arith.constant 128 : index
        %get3A_549 = tpu.vector_load %arg11[%get3A_548] {strides = array<i32>} : memref<256xi32, #tpu.memory_space<vmem>>, vector<16xi32>,
        %swap3A_550 = arith.constant 0 : index
        %swap3A_551 = tpu.vector_load %arg11[%swap3A_550] {strides = array<i32>} : memref<256xi32, #tpu.memory_space<vmem>>, vector<16xi32>,
        tpu.vector_store %arg11[%swap3A_550], %get3A_549 {strides = array<i32>} : memref<256xi32, #tpu.memory_space<vmem>>, vector<16xi32>,
        %get3A_552 = arith.constant 128 : index
        %get3A_553 = tpu.vector_load %arg12[%get3A_552] {strides = array<i32>} : memref<256xi32, #tpu.memory_space<vmem>>, vector<16xi32>,
        %swap3A_554 = arith.constant 0 : index
        %swap3A_555 = tpu.vector_load %arg12[%swap3A_554] {strides = array<i32>} : memref<256xi32, #tpu.memory_space<vmem>>, vector<16xi32>,
        tpu.vector_store %arg12[%swap3A_554], %get3A_553 {strides = array<i32>} : memref<256xi32, #tpu.memory_space<vmem>>, vector<16xi32>,
      } else {
      }
      %sub3A_423 = arith.constant 128 : i32
      %sub3A_424 = arith.subi %add3A_417, %sub3A_423 : i32
      %select_n3A_425 = arith.select %ge3A_419, %sub3A_424, %add3A_417 : i32
      %convert_element_type3A_426 = arith.extui %ge3A_419 : i1 to i32
      %add3A_427 = arith.addi %add3A_387, %convert_element_type3A_426 : i32
      %get3A_428 = arith.index_cast %scan3A_154 : i32 to index
      %get3A_429 = arith.constant 112 : index
      %get3A_430 = tpu.vector_load %arg7[%get3A_428, %get3A_429] {strides = array<i32>} : memref<80x128xi32, #tpu.memory_space<vmem>>, vector<16xi32>,
      %get3A_431 = arith.index_cast %scan3A_154 : i32 to index
      %get3A_432 = arith.constant 112 : index
      %get3A_433 = tpu.vector_load %arg8[%get3A_431, %get3A_432] {strides = array<i32>} : memref<80x128xi32, #tpu.memory_space<vmem>>, vector<16xi32>,
      %sub3A_434 = vector.broadcast %mul3A_6 : i32 to vector<16xi32>
      %sub3A_435 = arith.subi %get3A_433, %sub3A_434 : vector<16xi32>
      %ge3A_436 = arith.constant 0 : i32
      %ge3A_437 = vector.broadcast %ge3A_436 : i32 to vector<16xi32>
      %ge3A_438 = arith.cmpi sge, %sub3A_435, %ge3A_437 : vector<16xi32>
      %lt3A_439 = arith.constant 5200 : i32
      %lt3A_440 = vector.broadcast %lt3A_439 : i32 to vector<16xi32>
      %lt3A_441 = arith.cmpi slt, %sub3A_435, %lt3A_440 : vector<16xi32>
      %and3A_442 = arith.andi %ge3A_438, %lt3A_441 : vector<16xi1>
      %select_n3A_443 = arith.select %and3A_442, %broadcast_in_dim3A_10, %broadcast_in_dim3A_12 : vector<16xi1>, vector<16xi32>
      %cumsum3A_444 = arith.constant true
      %cumsum3A_445 = vector.broadcast %cumsum3A_444 : i1 to vector<16xi1>
      %cumsum3A_446 = tpu.scan <sum>, %select_n3A_443 masked %cumsum3A_445 : vector<16xi32>, vector<16xi1> -> vector<16xi32>
      %add3A_447 = vector.broadcast %select_n3A_425 : i32 to vector<16xi32>
      %add3A_448 = arith.addi %add3A_447, %cumsum3A_446 : vector<16xi32>
      %sub3A_449 = arith.constant 1 : i32
      %sub3A_450 = vector.broadcast %sub3A_449 : i32 to vector<16xi32>
      %sub3A_451 = arith.subi %add3A_448, %sub3A_450 : vector<16xi32>
      %select_n3A_452 = arith.select %and3A_442, %sub3A_451, %add3A_9 : vector<16xi1>, vector<16xi32>
      tpu.vector_store_idx %arg11[%select_n3A_452], %get3A_430 : memref<256xi32, #tpu.memory_space<vmem>>[vector<16xi32>], vector<16xi32>,
      tpu.vector_store_idx %arg12[%select_n3A_452], %sub3A_435 : memref<256xi32, #tpu.memory_space<vmem>>[vector<16xi32>], vector<16xi32>,
      %reduce_sum3A_453 = arith.constant true
      %reduce_sum3A_454 = vector.broadcast %reduce_sum3A_453 : i1 to vector<16xi1>
      %reduce_sum3A_455 = tpu.scan <sum>, %select_n3A_443 masked %reduce_sum3A_454 : vector<16xi32>, vector<16xi1> -> vector<16xi32>
      %reduce_sum3A_456 = vector.extract %reduce_sum3A_455[15] : i32 from vector<16xi32>
      %add3A_457 = arith.addi %select_n3A_425, %reduce_sum3A_456 : i32
      %ge3A_458 = arith.constant 128 : i32
      %ge3A_459 = arith.cmpi sge, %add3A_457, %ge3A_458 : i32
      %convert_element_type3A_460 = arith.extui %ge3A_459 : i1 to i32
      %cond3A_461 = arith.constant 0 : i32
      %cond3A_462 = arith.cmpi ne, %convert_element_type3A_460, %cond3A_461 : i32
      scf.if %cond3A_462 {
        %get3A_468 = arith.constant 0 : index
        %get3A_469 = tpu.vector_load %arg11[%get3A_468] {strides = array<i32>} : memref<256xi32, #tpu.memory_space<vmem>>, vector<16xi32>,
        %swap3A_470 = arith.index_cast %add3A_427 : i32 to index
        %swap3A_471 = arith.constant 0 : index
        %swap3A_472 = tpu.vector_load %arg9[%swap3A_470, %swap3A_471] {strides = array<i32>} : memref<88x128xi32, #tpu.memory_space<vmem>>, vector<16xi32>,
        tpu.vector_store %arg9[%swap3A_470, %swap3A_471], %get3A_469 {strides = array<i32>} : memref<88x128xi32, #tpu.memory_space<vmem>>, vector<16xi32>,
        %get3A_473 = arith.constant 0 : index
        %get3A_474 = tpu.vector_load %arg12[%get3A_473] {strides = array<i32>} : memref<256xi32, #tpu.memory_space<vmem>>, vector<16xi32>,
        %swap3A_475 = arith.index_cast %add3A_427 : i32 to index
        %swap3A_476 = arith.constant 0 : index
        %swap3A_477 = tpu.vector_load %arg10[%swap3A_475, %swap3A_476] {strides = array<i32>} : memref<88x128xi32, #tpu.memory_space<vmem>>, vector<16xi32>,
        tpu.vector_store %arg10[%swap3A_475, %swap3A_476], %get3A_474 {strides = array<i32>} : memref<88x128xi32, #tpu.memory_space<vmem>>, vector<16xi32>,
        %get3A_478 = arith.constant 16 : index
        %get3A_479 = tpu.vector_load %arg11[%get3A_478] {strides = array<i32>} : memref<256xi32, #tpu.memory_space<vmem>>, vector<16xi32>,
        %swap3A_480 = arith.index_cast %add3A_427 : i32 to index
        %swap3A_481 = arith.constant 16 : index
        %swap3A_482 = tpu.vector_load %arg9[%swap3A_480, %swap3A_481] {strides = array<i32>} : memref<88x128xi32, #tpu.memory_space<vmem>>, vector<16xi32>,
        tpu.vector_store %arg9[%swap3A_480, %swap3A_481], %get3A_479 {strides = array<i32>} : memref<88x128xi32, #tpu.memory_space<vmem>>, vector<16xi32>,
        %get3A_483 = arith.constant 16 : index
        %get3A_484 = tpu.vector_load %arg12[%get3A_483] {strides = array<i32>} : memref<256xi32, #tpu.memory_space<vmem>>, vector<16xi32>,
        %swap3A_485 = arith.index_cast %add3A_427 : i32 to index
        %swap3A_486 = arith.constant 16 : index
        %swap3A_487 = tpu.vector_load %arg10[%swap3A_485, %swap3A_486] {strides = array<i32>} : memref<88x128xi32, #tpu.memory_space<vmem>>, vector<16xi32>,
        tpu.vector_store %arg10[%swap3A_485, %swap3A_486], %get3A_484 {strides = array<i32>} : memref<88x128xi32, #tpu.memory_space<vmem>>, vector<16xi32>,
        %get3A_488 = arith.constant 32 : index
        %get3A_489 = tpu.vector_load %arg11[%get3A_488] {strides = array<i32>} : memref<256xi32, #tpu.memory_space<vmem>>, vector<16xi32>,
        %swap3A_490 = arith.index_cast %add3A_427 : i32 to index
        %swap3A_491 = arith.constant 32 : index
        %swap3A_492 = tpu.vector_load %arg9[%swap3A_490, %swap3A_491] {strides = array<i32>} : memref<88x128xi32, #tpu.memory_space<vmem>>, vector<16xi32>,
        tpu.vector_store %arg9[%swap3A_490, %swap3A_491], %get3A_489 {strides = array<i32>} : memref<88x128xi32, #tpu.memory_space<vmem>>, vector<16xi32>,
        %get3A_493 = arith.constant 32 : index
        %get3A_494 = tpu.vector_load %arg12[%get3A_493] {strides = array<i32>} : memref<256xi32, #tpu.memory_space<vmem>>, vector<16xi32>,
        %swap3A_495 = arith.index_cast %add3A_427 : i32 to index
        %swap3A_496 = arith.constant 32 : index
        %swap3A_497 = tpu.vector_load %arg10[%swap3A_495, %swap3A_496] {strides = array<i32>} : memref<88x128xi32, #tpu.memory_space<vmem>>, vector<16xi32>,
        tpu.vector_store %arg10[%swap3A_495, %swap3A_496], %get3A_494 {strides = array<i32>} : memref<88x128xi32, #tpu.memory_space<vmem>>, vector<16xi32>,
        %get3A_498 = arith.constant 48 : index
        %get3A_499 = tpu.vector_load %arg11[%get3A_498] {strides = array<i32>} : memref<256xi32, #tpu.memory_space<vmem>>, vector<16xi32>,
        %swap3A_500 = arith.index_cast %add3A_427 : i32 to index
        %swap3A_501 = arith.constant 48 : index
        %swap3A_502 = tpu.vector_load %arg9[%swap3A_500, %swap3A_501] {strides = array<i32>} : memref<88x128xi32, #tpu.memory_space<vmem>>, vector<16xi32>,
        tpu.vector_store %arg9[%swap3A_500, %swap3A_501], %get3A_499 {strides = array<i32>} : memref<88x128xi32, #tpu.memory_space<vmem>>, vector<16xi32>,
        %get3A_503 = arith.constant 48 : index
        %get3A_504 = tpu.vector_load %arg12[%get3A_503] {strides = array<i32>} : memref<256xi32, #tpu.memory_space<vmem>>, vector<16xi32>,
        %swap3A_505 = arith.index_cast %add3A_427 : i32 to index
        %swap3A_506 = arith.constant 48 : index
        %swap3A_507 = tpu.vector_load %arg10[%swap3A_505, %swap3A_506] {strides = array<i32>} : memref<88x128xi32, #tpu.memory_space<vmem>>, vector<16xi32>,
        tpu.vector_store %arg10[%swap3A_505, %swap3A_506], %get3A_504 {strides = array<i32>} : memref<88x128xi32, #tpu.memory_space<vmem>>, vector<16xi32>,
        %get3A_508 = arith.constant 64 : index
        %get3A_509 = tpu.vector_load %arg11[%get3A_508] {strides = array<i32>} : memref<256xi32, #tpu.memory_space<vmem>>, vector<16xi32>,
        %swap3A_510 = arith.index_cast %add3A_427 : i32 to index
        %swap3A_511 = arith.constant 64 : index
        %swap3A_512 = tpu.vector_load %arg9[%swap3A_510, %swap3A_511] {strides = array<i32>} : memref<88x128xi32, #tpu.memory_space<vmem>>, vector<16xi32>,
        tpu.vector_store %arg9[%swap3A_510, %swap3A_511], %get3A_509 {strides = array<i32>} : memref<88x128xi32, #tpu.memory_space<vmem>>, vector<16xi32>,
        %get3A_513 = arith.constant 64 : index
        %get3A_514 = tpu.vector_load %arg12[%get3A_513] {strides = array<i32>} : memref<256xi32, #tpu.memory_space<vmem>>, vector<16xi32>,
        %swap3A_515 = arith.index_cast %add3A_427 : i32 to index
        %swap3A_516 = arith.constant 64 : index
        %swap3A_517 = tpu.vector_load %arg10[%swap3A_515, %swap3A_516] {strides = array<i32>} : memref<88x128xi32, #tpu.memory_space<vmem>>, vector<16xi32>,
        tpu.vector_store %arg10[%swap3A_515, %swap3A_516], %get3A_514 {strides = array<i32>} : memref<88x128xi32, #tpu.memory_space<vmem>>, vector<16xi32>,
        %get3A_518 = arith.constant 80 : index
        %get3A_519 = tpu.vector_load %arg11[%get3A_518] {strides = array<i32>} : memref<256xi32, #tpu.memory_space<vmem>>, vector<16xi32>,
        %swap3A_520 = arith.index_cast %add3A_427 : i32 to index
        %swap3A_521 = arith.constant 80 : index
        %swap3A_522 = tpu.vector_load %arg9[%swap3A_520, %swap3A_521] {strides = array<i32>} : memref<88x128xi32, #tpu.memory_space<vmem>>, vector<16xi32>,
        tpu.vector_store %arg9[%swap3A_520, %swap3A_521], %get3A_519 {strides = array<i32>} : memref<88x128xi32, #tpu.memory_space<vmem>>, vector<16xi32>,
        %get3A_523 = arith.constant 80 : index
        %get3A_524 = tpu.vector_load %arg12[%get3A_523] {strides = array<i32>} : memref<256xi32, #tpu.memory_space<vmem>>, vector<16xi32>,
        %swap3A_525 = arith.index_cast %add3A_427 : i32 to index
        %swap3A_526 = arith.constant 80 : index
        %swap3A_527 = tpu.vector_load %arg10[%swap3A_525, %swap3A_526] {strides = array<i32>} : memref<88x128xi32, #tpu.memory_space<vmem>>, vector<16xi32>,
        tpu.vector_store %arg10[%swap3A_525, %swap3A_526], %get3A_524 {strides = array<i32>} : memref<88x128xi32, #tpu.memory_space<vmem>>, vector<16xi32>,
        %get3A_528 = arith.constant 96 : index
        %get3A_529 = tpu.vector_load %arg11[%get3A_528] {strides = array<i32>} : memref<256xi32, #tpu.memory_space<vmem>>, vector<16xi32>,
        %swap3A_530 = arith.index_cast %add3A_427 : i32 to index
        %swap3A_531 = arith.constant 96 : index
        %swap3A_532 = tpu.vector_load %arg9[%swap3A_530, %swap3A_531] {strides = array<i32>} : memref<88x128xi32, #tpu.memory_space<vmem>>, vector<16xi32>,
        tpu.vector_store %arg9[%swap3A_530, %swap3A_531], %get3A_529 {strides = array<i32>} : memref<88x128xi32, #tpu.memory_space<vmem>>, vector<16xi32>,
        %get3A_533 = arith.constant 96 : index
        %get3A_534 = tpu.vector_load %arg12[%get3A_533] {strides = array<i32>} : memref<256xi32, #tpu.memory_space<vmem>>, vector<16xi32>,
        %swap3A_535 = arith.index_cast %add3A_427 : i32 to index
        %swap3A_536 = arith.constant 96 : index
        %swap3A_537 = tpu.vector_load %arg10[%swap3A_535, %swap3A_536] {strides = array<i32>} : memref<88x128xi32, #tpu.memory_space<vmem>>, vector<16xi32>,
        tpu.vector_store %arg10[%swap3A_535, %swap3A_536], %get3A_534 {strides = array<i32>} : memref<88x128xi32, #tpu.memory_space<vmem>>, vector<16xi32>,
        %get3A_538 = arith.constant 112 : index
        %get3A_539 = tpu.vector_load %arg11[%get3A_538] {strides = array<i32>} : memref<256xi32, #tpu.memory_space<vmem>>, vector<16xi32>,
        %swap3A_540 = arith.index_cast %add3A_427 : i32 to index
        %swap3A_541 = arith.constant 112 : index
        %swap3A_542 = tpu.vector_load %arg9[%swap3A_540, %swap3A_541] {strides = array<i32>} : memref<88x128xi32, #tpu.memory_space<vmem>>, vector<16xi32>,
        tpu.vector_store %arg9[%swap3A_540, %swap3A_541], %get3A_539 {strides = array<i32>} : memref<88x128xi32, #tpu.memory_space<vmem>>, vector<16xi32>,
        %get3A_543 = arith.constant 112 : index
        %get3A_544 = tpu.vector_load %arg12[%get3A_543] {strides = array<i32>} : memref<256xi32, #tpu.memory_space<vmem>>, vector<16xi32>,
        %swap3A_545 = arith.index_cast %add3A_427 : i32 to index
        %swap3A_546 = arith.constant 112 : index
        %swap3A_547 = tpu.vector_load %arg10[%swap3A_545, %swap3A_546] {strides = array<i32>} : memref<88x128xi32, #tpu.memory_space<vmem>>, vector<16xi32>,
        tpu.vector_store %arg10[%swap3A_545, %swap3A_546], %get3A_544 {strides = array<i32>} : memref<88x128xi32, #tpu.memory_space<vmem>>, vector<16xi32>,
        %get3A_548 = arith.constant 128 : index
        %get3A_549 = tpu.vector_load %arg11[%get3A_548] {strides = array<i32>} : memref<256xi32, #tpu.memory_space<vmem>>, vector<16xi32>,
        %swap3A_550 = arith.constant 0 : index
        %swap3A_551 = tpu.vector_load %arg11[%swap3A_550] {strides = array<i32>} : memref<256xi32, #tpu.memory_space<vmem>>, vector<16xi32>,
        tpu.vector_store %arg11[%swap3A_550], %get3A_549 {strides = array<i32>} : memref<256xi32, #tpu.memory_space<vmem>>, vector<16xi32>,
        %get3A_552 = arith.constant 128 : index
        %get3A_553 = tpu.vector_load %arg12[%get3A_552] {strides = array<i32>} : memref<256xi32, #tpu.memory_space<vmem>>, vector<16xi32>,
        %swap3A_554 = arith.constant 0 : index
        %swap3A_555 = tpu.vector_load %arg12[%swap3A_554] {strides = array<i32>} : memref<256xi32, #tpu.memory_space<vmem>>, vector<16xi32>,
        tpu.vector_store %arg12[%swap3A_554], %get3A_553 {strides = array<i32>} : memref<256xi32, #tpu.memory_space<vmem>>, vector<16xi32>,
      } else {
      }
      %sub3A_463 = arith.constant 128 : i32
      %sub3A_464 = arith.subi %add3A_457, %sub3A_463 : i32
      %select_n3A_465 = arith.select %ge3A_459, %sub3A_464, %add3A_457 : i32
      %convert_element_type3A_466 = arith.extui %ge3A_459 : i1 to i32
      %add3A_467 = arith.addi %add3A_427, %convert_element_type3A_466 : i32
      scf.yield %select_n3A_465, %add3A_467 : i32, i32
    }
    %scan3A_19 = arith.constant 80 : i32
    %broadcast_in_dim3A_20 = arith.constant 0 : i32
    %broadcast_in_dim3A_21 = vector.broadcast %broadcast_in_dim3A_20 : i32 to vector<16xi32>
    %broadcast_in_dim3A_22 = arith.constant 5216 : i32
    %broadcast_in_dim3A_23 = vector.broadcast %broadcast_in_dim3A_22 : i32 to vector<16xi32>
    %iota3A_24 = tpu.iota {dimensions = array<i32: 0>} : vector<16xi32>
    %add3A_25 = vector.broadcast %scan3A_18#0 : i32 to vector<16xi32>
    %add3A_26 = arith.addi %add3A_25, %iota3A_24 : vector<16xi32>
    %add3A_27 = arith.constant 0 : i32
    %add3A_28 = vector.broadcast %add3A_27 : i32 to vector<16xi32>
    %add3A_29 = arith.addi %add3A_26, %add3A_28 : vector<16xi32>
    tpu.vector_store_idx %arg11[%add3A_29], %broadcast_in_dim3A_21 : memref<256xi32, #tpu.memory_space<vmem>>[vector<16xi32>], vector<16xi32>,
    tpu.vector_store_idx %arg12[%add3A_29], %broadcast_in_dim3A_23 : memref<256xi32, #tpu.memory_space<vmem>>[vector<16xi32>], vector<16xi32>,
    %add3A_30 = vector.broadcast %scan3A_18#0 : i32 to vector<16xi32>
    %add3A_31 = arith.addi %add3A_30, %iota3A_24 : vector<16xi32>
    %add3A_32 = arith.constant 16 : i32
    %add3A_33 = vector.broadcast %add3A_32 : i32 to vector<16xi32>
    %add3A_34 = arith.addi %add3A_31, %add3A_33 : vector<16xi32>
    tpu.vector_store_idx %arg11[%add3A_34], %broadcast_in_dim3A_21 : memref<256xi32, #tpu.memory_space<vmem>>[vector<16xi32>], vector<16xi32>,
    tpu.vector_store_idx %arg12[%add3A_34], %broadcast_in_dim3A_23 : memref<256xi32, #tpu.memory_space<vmem>>[vector<16xi32>], vector<16xi32>,
    %add3A_35 = vector.broadcast %scan3A_18#0 : i32 to vector<16xi32>
    %add3A_36 = arith.addi %add3A_35, %iota3A_24 : vector<16xi32>
    %add3A_37 = arith.constant 32 : i32
    %add3A_38 = vector.broadcast %add3A_37 : i32 to vector<16xi32>
    %add3A_39 = arith.addi %add3A_36, %add3A_38 : vector<16xi32>
    tpu.vector_store_idx %arg11[%add3A_39], %broadcast_in_dim3A_21 : memref<256xi32, #tpu.memory_space<vmem>>[vector<16xi32>], vector<16xi32>,
    tpu.vector_store_idx %arg12[%add3A_39], %broadcast_in_dim3A_23 : memref<256xi32, #tpu.memory_space<vmem>>[vector<16xi32>], vector<16xi32>,
    %add3A_40 = vector.broadcast %scan3A_18#0 : i32 to vector<16xi32>
    %add3A_41 = arith.addi %add3A_40, %iota3A_24 : vector<16xi32>
    %add3A_42 = arith.constant 48 : i32
    %add3A_43 = vector.broadcast %add3A_42 : i32 to vector<16xi32>
    %add3A_44 = arith.addi %add3A_41, %add3A_43 : vector<16xi32>
    tpu.vector_store_idx %arg11[%add3A_44], %broadcast_in_dim3A_21 : memref<256xi32, #tpu.memory_space<vmem>>[vector<16xi32>], vector<16xi32>,
    tpu.vector_store_idx %arg12[%add3A_44], %broadcast_in_dim3A_23 : memref<256xi32, #tpu.memory_space<vmem>>[vector<16xi32>], vector<16xi32>,
    %add3A_45 = vector.broadcast %scan3A_18#0 : i32 to vector<16xi32>
    %add3A_46 = arith.addi %add3A_45, %iota3A_24 : vector<16xi32>
    %add3A_47 = arith.constant 64 : i32
    %add3A_48 = vector.broadcast %add3A_47 : i32 to vector<16xi32>
    %add3A_49 = arith.addi %add3A_46, %add3A_48 : vector<16xi32>
    tpu.vector_store_idx %arg11[%add3A_49], %broadcast_in_dim3A_21 : memref<256xi32, #tpu.memory_space<vmem>>[vector<16xi32>], vector<16xi32>,
    tpu.vector_store_idx %arg12[%add3A_49], %broadcast_in_dim3A_23 : memref<256xi32, #tpu.memory_space<vmem>>[vector<16xi32>], vector<16xi32>,
    %add3A_50 = vector.broadcast %scan3A_18#0 : i32 to vector<16xi32>
    %add3A_51 = arith.addi %add3A_50, %iota3A_24 : vector<16xi32>
    %add3A_52 = arith.constant 80 : i32
    %add3A_53 = vector.broadcast %add3A_52 : i32 to vector<16xi32>
    %add3A_54 = arith.addi %add3A_51, %add3A_53 : vector<16xi32>
    tpu.vector_store_idx %arg11[%add3A_54], %broadcast_in_dim3A_21 : memref<256xi32, #tpu.memory_space<vmem>>[vector<16xi32>], vector<16xi32>,
    tpu.vector_store_idx %arg12[%add3A_54], %broadcast_in_dim3A_23 : memref<256xi32, #tpu.memory_space<vmem>>[vector<16xi32>], vector<16xi32>,
    %add3A_55 = vector.broadcast %scan3A_18#0 : i32 to vector<16xi32>
    %add3A_56 = arith.addi %add3A_55, %iota3A_24 : vector<16xi32>
    %add3A_57 = arith.constant 96 : i32
    %add3A_58 = vector.broadcast %add3A_57 : i32 to vector<16xi32>
    %add3A_59 = arith.addi %add3A_56, %add3A_58 : vector<16xi32>
    tpu.vector_store_idx %arg11[%add3A_59], %broadcast_in_dim3A_21 : memref<256xi32, #tpu.memory_space<vmem>>[vector<16xi32>], vector<16xi32>,
    tpu.vector_store_idx %arg12[%add3A_59], %broadcast_in_dim3A_23 : memref<256xi32, #tpu.memory_space<vmem>>[vector<16xi32>], vector<16xi32>,
    %add3A_60 = vector.broadcast %scan3A_18#0 : i32 to vector<16xi32>
    %add3A_61 = arith.addi %add3A_60, %iota3A_24 : vector<16xi32>
    %add3A_62 = arith.constant 112 : i32
    %add3A_63 = vector.broadcast %add3A_62 : i32 to vector<16xi32>
    %add3A_64 = arith.addi %add3A_61, %add3A_63 : vector<16xi32>
    tpu.vector_store_idx %arg11[%add3A_64], %broadcast_in_dim3A_21 : memref<256xi32, #tpu.memory_space<vmem>>[vector<16xi32>], vector<16xi32>,
    tpu.vector_store_idx %arg12[%add3A_64], %broadcast_in_dim3A_23 : memref<256xi32, #tpu.memory_space<vmem>>[vector<16xi32>], vector<16xi32>,
    %get3A = arith.constant 0 : index
    %get3A_65 = tpu.vector_load %arg11[%get3A] {strides = array<i32>} : memref<256xi32, #tpu.memory_space<vmem>>, vector<16xi32>,
    %swap3A = arith.index_cast %scan3A_18#1 : i32 to index
    %swap3A_66 = arith.constant 0 : index
    %swap3A_67 = tpu.vector_load %arg9[%swap3A, %swap3A_66] {strides = array<i32>} : memref<88x128xi32, #tpu.memory_space<vmem>>, vector<16xi32>,
    tpu.vector_store %arg9[%swap3A, %swap3A_66], %get3A_65 {strides = array<i32>} : memref<88x128xi32, #tpu.memory_space<vmem>>, vector<16xi32>,
    %get3A_68 = arith.constant 0 : index
    %get3A_69 = tpu.vector_load %arg12[%get3A_68] {strides = array<i32>} : memref<256xi32, #tpu.memory_space<vmem>>, vector<16xi32>,
    %swap3A_70 = arith.index_cast %scan3A_18#1 : i32 to index
    %swap3A_71 = arith.constant 0 : index
    %swap3A_72 = tpu.vector_load %arg10[%swap3A_70, %swap3A_71] {strides = array<i32>} : memref<88x128xi32, #tpu.memory_space<vmem>>, vector<16xi32>,
    tpu.vector_store %arg10[%swap3A_70, %swap3A_71], %get3A_69 {strides = array<i32>} : memref<88x128xi32, #tpu.memory_space<vmem>>, vector<16xi32>,
    %get3A_73 = arith.constant 16 : index
    %get3A_74 = tpu.vector_load %arg11[%get3A_73] {strides = array<i32>} : memref<256xi32, #tpu.memory_space<vmem>>, vector<16xi32>,
    %swap3A_75 = arith.index_cast %scan3A_18#1 : i32 to index
    %swap3A_76 = arith.constant 16 : index
    %swap3A_77 = tpu.vector_load %arg9[%swap3A_75, %swap3A_76] {strides = array<i32>} : memref<88x128xi32, #tpu.memory_space<vmem>>, vector<16xi32>,
    tpu.vector_store %arg9[%swap3A_75, %swap3A_76], %get3A_74 {strides = array<i32>} : memref<88x128xi32, #tpu.memory_space<vmem>>, vector<16xi32>,
    %get3A_78 = arith.constant 16 : index
    %get3A_79 = tpu.vector_load %arg12[%get3A_78] {strides = array<i32>} : memref<256xi32, #tpu.memory_space<vmem>>, vector<16xi32>,
    %swap3A_80 = arith.index_cast %scan3A_18#1 : i32 to index
    %swap3A_81 = arith.constant 16 : index
    %swap3A_82 = tpu.vector_load %arg10[%swap3A_80, %swap3A_81] {strides = array<i32>} : memref<88x128xi32, #tpu.memory_space<vmem>>, vector<16xi32>,
    tpu.vector_store %arg10[%swap3A_80, %swap3A_81], %get3A_79 {strides = array<i32>} : memref<88x128xi32, #tpu.memory_space<vmem>>, vector<16xi32>,
    %get3A_83 = arith.constant 32 : index
    %get3A_84 = tpu.vector_load %arg11[%get3A_83] {strides = array<i32>} : memref<256xi32, #tpu.memory_space<vmem>>, vector<16xi32>,
    %swap3A_85 = arith.index_cast %scan3A_18#1 : i32 to index
    %swap3A_86 = arith.constant 32 : index
    %swap3A_87 = tpu.vector_load %arg9[%swap3A_85, %swap3A_86] {strides = array<i32>} : memref<88x128xi32, #tpu.memory_space<vmem>>, vector<16xi32>,
    tpu.vector_store %arg9[%swap3A_85, %swap3A_86], %get3A_84 {strides = array<i32>} : memref<88x128xi32, #tpu.memory_space<vmem>>, vector<16xi32>,
    %get3A_88 = arith.constant 32 : index
    %get3A_89 = tpu.vector_load %arg12[%get3A_88] {strides = array<i32>} : memref<256xi32, #tpu.memory_space<vmem>>, vector<16xi32>,
    %swap3A_90 = arith.index_cast %scan3A_18#1 : i32 to index
    %swap3A_91 = arith.constant 32 : index
    %swap3A_92 = tpu.vector_load %arg10[%swap3A_90, %swap3A_91] {strides = array<i32>} : memref<88x128xi32, #tpu.memory_space<vmem>>, vector<16xi32>,
    tpu.vector_store %arg10[%swap3A_90, %swap3A_91], %get3A_89 {strides = array<i32>} : memref<88x128xi32, #tpu.memory_space<vmem>>, vector<16xi32>,
    %get3A_93 = arith.constant 48 : index
    %get3A_94 = tpu.vector_load %arg11[%get3A_93] {strides = array<i32>} : memref<256xi32, #tpu.memory_space<vmem>>, vector<16xi32>,
    %swap3A_95 = arith.index_cast %scan3A_18#1 : i32 to index
    %swap3A_96 = arith.constant 48 : index
    %swap3A_97 = tpu.vector_load %arg9[%swap3A_95, %swap3A_96] {strides = array<i32>} : memref<88x128xi32, #tpu.memory_space<vmem>>, vector<16xi32>,
    tpu.vector_store %arg9[%swap3A_95, %swap3A_96], %get3A_94 {strides = array<i32>} : memref<88x128xi32, #tpu.memory_space<vmem>>, vector<16xi32>,
    %get3A_98 = arith.constant 48 : index
    %get3A_99 = tpu.vector_load %arg12[%get3A_98] {strides = array<i32>} : memref<256xi32, #tpu.memory_space<vmem>>, vector<16xi32>,
    %swap3A_100 = arith.index_cast %scan3A_18#1 : i32 to index
    %swap3A_101 = arith.constant 48 : index
    %swap3A_102 = tpu.vector_load %arg10[%swap3A_100, %swap3A_101] {strides = array<i32>} : memref<88x128xi32, #tpu.memory_space<vmem>>, vector<16xi32>,
    tpu.vector_store %arg10[%swap3A_100, %swap3A_101], %get3A_99 {strides = array<i32>} : memref<88x128xi32, #tpu.memory_space<vmem>>, vector<16xi32>,
    %get3A_103 = arith.constant 64 : index
    %get3A_104 = tpu.vector_load %arg11[%get3A_103] {strides = array<i32>} : memref<256xi32, #tpu.memory_space<vmem>>, vector<16xi32>,
    %swap3A_105 = arith.index_cast %scan3A_18#1 : i32 to index
    %swap3A_106 = arith.constant 64 : index
    %swap3A_107 = tpu.vector_load %arg9[%swap3A_105, %swap3A_106] {strides = array<i32>} : memref<88x128xi32, #tpu.memory_space<vmem>>, vector<16xi32>,
    tpu.vector_store %arg9[%swap3A_105, %swap3A_106], %get3A_104 {strides = array<i32>} : memref<88x128xi32, #tpu.memory_space<vmem>>, vector<16xi32>,
    %get3A_108 = arith.constant 64 : index
    %get3A_109 = tpu.vector_load %arg12[%get3A_108] {strides = array<i32>} : memref<256xi32, #tpu.memory_space<vmem>>, vector<16xi32>,
    %swap3A_110 = arith.index_cast %scan3A_18#1 : i32 to index
    %swap3A_111 = arith.constant 64 : index
    %swap3A_112 = tpu.vector_load %arg10[%swap3A_110, %swap3A_111] {strides = array<i32>} : memref<88x128xi32, #tpu.memory_space<vmem>>, vector<16xi32>,
    tpu.vector_store %arg10[%swap3A_110, %swap3A_111], %get3A_109 {strides = array<i32>} : memref<88x128xi32, #tpu.memory_space<vmem>>, vector<16xi32>,
    %get3A_113 = arith.constant 80 : index
    %get3A_114 = tpu.vector_load %arg11[%get3A_113] {strides = array<i32>} : memref<256xi32, #tpu.memory_space<vmem>>, vector<16xi32>,
    %swap3A_115 = arith.index_cast %scan3A_18#1 : i32 to index
    %swap3A_116 = arith.constant 80 : index
    %swap3A_117 = tpu.vector_load %arg9[%swap3A_115, %swap3A_116] {strides = array<i32>} : memref<88x128xi32, #tpu.memory_space<vmem>>, vector<16xi32>,
    tpu.vector_store %arg9[%swap3A_115, %swap3A_116], %get3A_114 {strides = array<i32>} : memref<88x128xi32, #tpu.memory_space<vmem>>, vector<16xi32>,
    %get3A_118 = arith.constant 80 : index
    %get3A_119 = tpu.vector_load %arg12[%get3A_118] {strides = array<i32>} : memref<256xi32, #tpu.memory_space<vmem>>, vector<16xi32>,
    %swap3A_120 = arith.index_cast %scan3A_18#1 : i32 to index
    %swap3A_121 = arith.constant 80 : index
    %swap3A_122 = tpu.vector_load %arg10[%swap3A_120, %swap3A_121] {strides = array<i32>} : memref<88x128xi32, #tpu.memory_space<vmem>>, vector<16xi32>,
    tpu.vector_store %arg10[%swap3A_120, %swap3A_121], %get3A_119 {strides = array<i32>} : memref<88x128xi32, #tpu.memory_space<vmem>>, vector<16xi32>,
    %get3A_123 = arith.constant 96 : index
    %get3A_124 = tpu.vector_load %arg11[%get3A_123] {strides = array<i32>} : memref<256xi32, #tpu.memory_space<vmem>>, vector<16xi32>,
    %swap3A_125 = arith.index_cast %scan3A_18#1 : i32 to index
    %swap3A_126 = arith.constant 96 : index
    %swap3A_127 = tpu.vector_load %arg9[%swap3A_125, %swap3A_126] {strides = array<i32>} : memref<88x128xi32, #tpu.memory_space<vmem>>, vector<16xi32>,
    tpu.vector_store %arg9[%swap3A_125, %swap3A_126], %get3A_124 {strides = array<i32>} : memref<88x128xi32, #tpu.memory_space<vmem>>, vector<16xi32>,
    %get3A_128 = arith.constant 96 : index
    %get3A_129 = tpu.vector_load %arg12[%get3A_128] {strides = array<i32>} : memref<256xi32, #tpu.memory_space<vmem>>, vector<16xi32>,
    %swap3A_130 = arith.index_cast %scan3A_18#1 : i32 to index
    %swap3A_131 = arith.constant 96 : index
    %swap3A_132 = tpu.vector_load %arg10[%swap3A_130, %swap3A_131] {strides = array<i32>} : memref<88x128xi32, #tpu.memory_space<vmem>>, vector<16xi32>,
    tpu.vector_store %arg10[%swap3A_130, %swap3A_131], %get3A_129 {strides = array<i32>} : memref<88x128xi32, #tpu.memory_space<vmem>>, vector<16xi32>,
    %get3A_133 = arith.constant 112 : index
    %get3A_134 = tpu.vector_load %arg11[%get3A_133] {strides = array<i32>} : memref<256xi32, #tpu.memory_space<vmem>>, vector<16xi32>,
    %swap3A_135 = arith.index_cast %scan3A_18#1 : i32 to index
    %swap3A_136 = arith.constant 112 : index
    %swap3A_137 = tpu.vector_load %arg9[%swap3A_135, %swap3A_136] {strides = array<i32>} : memref<88x128xi32, #tpu.memory_space<vmem>>, vector<16xi32>,
    tpu.vector_store %arg9[%swap3A_135, %swap3A_136], %get3A_134 {strides = array<i32>} : memref<88x128xi32, #tpu.memory_space<vmem>>, vector<16xi32>,
    %get3A_138 = arith.constant 112 : index
    %get3A_139 = tpu.vector_load %arg12[%get3A_138] {strides = array<i32>} : memref<256xi32, #tpu.memory_space<vmem>>, vector<16xi32>,
    %swap3A_140 = arith.index_cast %scan3A_18#1 : i32 to index
    %swap3A_141 = arith.constant 112 : index
    %swap3A_142 = tpu.vector_load %arg10[%swap3A_140, %swap3A_141] {strides = array<i32>} : memref<88x128xi32, #tpu.memory_space<vmem>>, vector<16xi32>,
    tpu.vector_store %arg10[%swap3A_140, %swap3A_141], %get3A_139 {strides = array<i32>} : memref<88x128xi32, #tpu.memory_space<vmem>>, vector<16xi32>,
    %add3A_143 = arith.constant 1 : i32
    %add3A_144 = arith.addi %scan3A_18#1, %add3A_143 : i32
    %broadcast_in_dim3A_145 = vector.broadcast %add3A_144 : i32 to vector<16xi32>
    %swap3A_146 = arith.constant 0 : index
    %swap3A_147 = tpu.vector_load %arg13[%swap3A_146] {strides = array<i32>} : memref<16xi32, #tpu.memory_space<vmem>>, vector<16xi32>,
    tpu.vector_store %arg13[%swap3A_146], %broadcast_in_dim3A_145 {strides = array<i32>} : memref<16xi32, #tpu.memory_space<vmem>>, vector<16xi32>,
    %mul3A_148 = arith.constant 88 : i32
    %mul3A_149 = arith.muli %add3A, %mul3A_148 : i32
    "tpu.region"() ({
      %run_scoped3A = tpu.sem_alloc : memref<!tpu.dma_semaphore, #tpu.memory_space<semaphore_mem>>
      %dma_start3A = arith.constant 0 : i32
      %dma_start3A_154 = tpu.memref_slice %arg4[%mul3A_149, %dma_start3A] : memref<2816x128xi32, #tpu.memory_space<hbm>> -> memref<88x128xi32, #tpu.memory_space<hbm>>
      %dma_start3A_155 = arith.constant 0 : i32
      %dma_start3A_156 = tpu.memref_slice %arg4[%mul3A_149, %dma_start3A_155] : memref<2816x128xi32, #tpu.memory_space<hbm>> -> memref<88x128xi32, #tpu.memory_space<hbm>>
      tpu.enqueue_dma source(%arg9 : memref<88x128xi32, #tpu.memory_space<vmem>>) target(%dma_start3A_156 : memref<88x128xi32, #tpu.memory_space<hbm>>) target_semaphore(%run_scoped3A : memref<!tpu.dma_semaphore, #tpu.memory_space<semaphore_mem>>)
      %dma_wait3A = arith.constant 0 : i32
      %dma_wait3A_157 = tpu.memref_slice %arg4[%mul3A_149, %dma_wait3A] : memref<2816x128xi32, #tpu.memory_space<hbm>> -> memref<88x128xi32, #tpu.memory_space<hbm>>
      %dma_wait3A_158 = arith.constant 0 : i32
      %dma_wait3A_159 = tpu.memref_slice %arg4[%mul3A_149, %dma_wait3A_158] : memref<2816x128xi32, #tpu.memory_space<hbm>> -> memref<88x128xi32, #tpu.memory_space<hbm>>
      tpu.wait_dma2 semaphore(%run_scoped3A : memref<!tpu.dma_semaphore, #tpu.memory_space<semaphore_mem>>) src(%arg9 : memref<88x128xi32, #tpu.memory_space<vmem>>) dst(%dma_wait3A_159 : memref<88x128xi32, #tpu.memory_space<hbm>>)
      tpu.yield
    }) : () -> ()
    %mul3A_150 = arith.constant 88 : i32
    %mul3A_151 = arith.muli %add3A, %mul3A_150 : i32
    "tpu.region"() ({
      %run_scoped3A = tpu.sem_alloc : memref<!tpu.dma_semaphore, #tpu.memory_space<semaphore_mem>>
      %dma_start3A = arith.constant 0 : i32
      %dma_start3A_154 = tpu.memref_slice %arg5[%mul3A_151, %dma_start3A] : memref<2816x128xi32, #tpu.memory_space<hbm>> -> memref<88x128xi32, #tpu.memory_space<hbm>>
      %dma_start3A_155 = arith.constant 0 : i32
      %dma_start3A_156 = tpu.memref_slice %arg5[%mul3A_151, %dma_start3A_155] : memref<2816x128xi32, #tpu.memory_space<hbm>> -> memref<88x128xi32, #tpu.memory_space<hbm>>
      tpu.enqueue_dma source(%arg10 : memref<88x128xi32, #tpu.memory_space<vmem>>) target(%dma_start3A_156 : memref<88x128xi32, #tpu.memory_space<hbm>>) target_semaphore(%run_scoped3A : memref<!tpu.dma_semaphore, #tpu.memory_space<semaphore_mem>>)
      %dma_wait3A = arith.constant 0 : i32
      %dma_wait3A_157 = tpu.memref_slice %arg5[%mul3A_151, %dma_wait3A] : memref<2816x128xi32, #tpu.memory_space<hbm>> -> memref<88x128xi32, #tpu.memory_space<hbm>>
      %dma_wait3A_158 = arith.constant 0 : i32
      %dma_wait3A_159 = tpu.memref_slice %arg5[%mul3A_151, %dma_wait3A_158] : memref<2816x128xi32, #tpu.memory_space<hbm>> -> memref<88x128xi32, #tpu.memory_space<hbm>>
      tpu.wait_dma2 semaphore(%run_scoped3A : memref<!tpu.dma_semaphore, #tpu.memory_space<semaphore_mem>>) src(%arg10 : memref<88x128xi32, #tpu.memory_space<vmem>>) dst(%dma_wait3A_159 : memref<88x128xi32, #tpu.memory_space<hbm>>)
      tpu.yield
    }) : () -> ()
    %mul3A_152 = arith.constant 16 : i32
    %mul3A_153 = arith.muli %add3A, %mul3A_152 : i32
    "tpu.region"() ({
      %run_scoped3A = tpu.sem_alloc : memref<!tpu.dma_semaphore, #tpu.memory_space<semaphore_mem>>
      %dma_start3A = tpu.memref_slice %arg6[%mul3A_153] : memref<512xi32, #tpu.memory_space<hbm>> -> memref<16xi32, #tpu.memory_space<hbm>>
      %dma_start3A_154 = tpu.memref_slice %arg6[%mul3A_153] : memref<512xi32, #tpu.memory_space<hbm>> -> memref<16xi32, #tpu.memory_space<hbm>>
      tpu.enqueue_dma source(%arg13 : memref<16xi32, #tpu.memory_space<vmem>>) target(%dma_start3A_154 : memref<16xi32, #tpu.memory_space<hbm>>) target_semaphore(%run_scoped3A : memref<!tpu.dma_semaphore, #tpu.memory_space<semaphore_mem>>)
      %dma_wait3A = tpu.memref_slice %arg6[%mul3A_153] : memref<512xi32, #tpu.memory_space<hbm>> -> memref<16xi32, #tpu.memory_space<hbm>>
      %dma_wait3A_155 = tpu.memref_slice %arg6[%mul3A_153] : memref<512xi32, #tpu.memory_space<hbm>> -> memref<16xi32, #tpu.memory_space<hbm>>
      tpu.wait_dma2 semaphore(%run_scoped3A : memref<!tpu.dma_semaphore, #tpu.memory_space<semaphore_mem>>) src(%arg13 : memref<16xi32, #tpu.memory_space<vmem>>) dst(%dma_wait3A_155 : memref<16xi32, #tpu.memory_space<hbm>>)
      tpu.yield
    }) : () -> ()
    return
  }
}

#map = affine_map<(d0, d1) -> (0, 0, 0)>
#map1 = affine_map<(d0, d1) -> (0, 0)>
#map2 = affine_map<(d0, d1) -> (0)>
module attributes {stable_mosaic.version = 14 : i64} {
  func.func @_sc_gather_scatter(%arg0: i32, %arg1: i32, %arg2: memref<10400x2x128xf32, #tpu.memory_space<hbm>>, %arg3: memref<2816x128xi32, #tpu.memory_space<hbm>>, %arg4: memref<2816x128xi32, #tpu.memory_space<hbm>>, %arg5: memref<512xi32, #tpu.memory_space<hbm>>, %arg6: memref<10848x2x128xf32, #tpu.memory_space<hbm>>, %arg7: memref<16x128xi32, #tpu.memory_space<vmem>>, %arg8: memref<16x128xi32, #tpu.memory_space<vmem>>, %arg9: memref<128x2x128xf32, #tpu.memory_space<vmem>>, %arg10: memref<16xi32, #tpu.memory_space<vmem>>, %arg11: memref<5248x2x128xf32, #tpu.memory_space<vmem_shared>>, %arg12: memref<!tpu.dma_semaphore, #tpu.memory_space<semaphore_mem>>, %arg13: memref<!tpu.dma_semaphore, #tpu.memory_space<semaphore_mem>>) attributes {dimension_semantics = [#tpu.dimension_semantics<core_parallel>, #tpu.dimension_semantics<subcore_parallel>], iteration_bounds = array<i64: 2, 16>, scalar_prefetch = 0 : i64, scratch_operands = 7 : i64, tpu.core_type = #tpu.core_type<sc_vector_subcore>, window_params = [{transform_indices = #map}, {transform_indices = #map1}, {transform_indices = #map1}, {transform_indices = #map2}, {transform_indices = #map}]} {
    %mul3A = arith.constant 16 : i32
    %mul3A_0 = arith.muli %arg0, %mul3A : i32
    %add3A = arith.addi %mul3A_0, %arg1 : i32
    %mul3A_1 = arith.constant 88 : i32
    %mul3A_2 = arith.muli %add3A, %mul3A_1 : i32
    %mul3A_3 = arith.constant 16 : i32
    %mul3A_4 = arith.muli %add3A, %mul3A_3 : i32
    "tpu.region"() ({
      %run_scoped3A = tpu.sem_alloc : memref<!tpu.dma_semaphore, #tpu.memory_space<semaphore_mem>>
      %dma_start3A = tpu.memref_slice %arg5[%mul3A_4] : memref<512xi32, #tpu.memory_space<hbm>> -> memref<16xi32, #tpu.memory_space<hbm>>
      %dma_start3A_48 = tpu.memref_slice %arg5[%mul3A_4] : memref<512xi32, #tpu.memory_space<hbm>> -> memref<16xi32, #tpu.memory_space<hbm>>
      tpu.enqueue_dma source(%dma_start3A_48 : memref<16xi32, #tpu.memory_space<hbm>>) target(%arg10 : memref<16xi32, #tpu.memory_space<vmem>>) target_semaphore(%run_scoped3A : memref<!tpu.dma_semaphore, #tpu.memory_space<semaphore_mem>>)
      %dma_wait3A = tpu.memref_slice %arg5[%mul3A_4] : memref<512xi32, #tpu.memory_space<hbm>> -> memref<16xi32, #tpu.memory_space<hbm>>
      %dma_wait3A_49 = tpu.memref_slice %arg5[%mul3A_4] : memref<512xi32, #tpu.memory_space<hbm>> -> memref<16xi32, #tpu.memory_space<hbm>>
      tpu.wait_dma2 semaphore(%run_scoped3A : memref<!tpu.dma_semaphore, #tpu.memory_space<semaphore_mem>>) src(%dma_wait3A_49 : memref<16xi32, #tpu.memory_space<hbm>>) dst(%arg10 : memref<16xi32, #tpu.memory_space<vmem>>)
      tpu.yield
    }) : () -> ()
    %get3A = arith.constant 0 : index
    %get3A_5 = tpu.vector_load %arg10[%get3A] {strides = array<i32>} : memref<16xi32, #tpu.memory_space<vmem>>, vector<16xi32>,
    %get3A_6 = vector.shape_cast %get3A_5 : vector<16xi32> to vector<16xi32>
    %slice3A = vector.extract_strided_slice %get3A_6 {offsets = [0], sizes = [1], strides = [1]} : vector<16xi32> to vector<1xi32>
    %squeeze3A = vector.extract %slice3A[0] : i32 from vector<1xi32>
    "tpu.region"() ({
      %run_scoped3A = tpu.sem_alloc : memref<!tpu.dma_semaphore, #tpu.memory_space<semaphore_mem>>
      %dma_start3A = arith.constant 0 : i32
      %dma_start3A_48 = tpu.memref_slice %arg3[%mul3A_2, %dma_start3A] : memref<2816x128xi32, #tpu.memory_space<hbm>> -> memref<16x128xi32, #tpu.memory_space<hbm>>
      %dma_start3A_49 = arith.constant 0 : i32
      %dma_start3A_50 = tpu.memref_slice %arg3[%mul3A_2, %dma_start3A_49] : memref<2816x128xi32, #tpu.memory_space<hbm>> -> memref<16x128xi32, #tpu.memory_space<hbm>>
      tpu.enqueue_dma source(%dma_start3A_50 : memref<16x128xi32, #tpu.memory_space<hbm>>) target(%arg7 : memref<16x128xi32, #tpu.memory_space<vmem>>) target_semaphore(%run_scoped3A : memref<!tpu.dma_semaphore, #tpu.memory_space<semaphore_mem>>)
      %dma_wait3A = arith.constant 0 : i32
      %dma_wait3A_51 = tpu.memref_slice %arg3[%mul3A_2, %dma_wait3A] : memref<2816x128xi32, #tpu.memory_space<hbm>> -> memref<16x128xi32, #tpu.memory_space<hbm>>
      %dma_wait3A_52 = arith.constant 0 : i32
      %dma_wait3A_53 = tpu.memref_slice %arg3[%mul3A_2, %dma_wait3A_52] : memref<2816x128xi32, #tpu.memory_space<hbm>> -> memref<16x128xi32, #tpu.memory_space<hbm>>
      tpu.wait_dma2 semaphore(%run_scoped3A : memref<!tpu.dma_semaphore, #tpu.memory_space<semaphore_mem>>) src(%dma_wait3A_53 : memref<16x128xi32, #tpu.memory_space<hbm>>) dst(%arg7 : memref<16x128xi32, #tpu.memory_space<vmem>>)
      tpu.yield
    }) : () -> ()
    "tpu.region"() ({
      %run_scoped3A = tpu.sem_alloc : memref<!tpu.dma_semaphore, #tpu.memory_space<semaphore_mem>>
      %dma_start3A = arith.constant 0 : i32
      %dma_start3A_48 = tpu.memref_slice %arg4[%mul3A_2, %dma_start3A] : memref<2816x128xi32, #tpu.memory_space<hbm>> -> memref<16x128xi32, #tpu.memory_space<hbm>>
      %dma_start3A_49 = arith.constant 0 : i32
      %dma_start3A_50 = tpu.memref_slice %arg4[%mul3A_2, %dma_start3A_49] : memref<2816x128xi32, #tpu.memory_space<hbm>> -> memref<16x128xi32, #tpu.memory_space<hbm>>
      tpu.enqueue_dma source(%dma_start3A_50 : memref<16x128xi32, #tpu.memory_space<hbm>>) target(%arg8 : memref<16x128xi32, #tpu.memory_space<vmem>>) target_semaphore(%run_scoped3A : memref<!tpu.dma_semaphore, #tpu.memory_space<semaphore_mem>>)
      %dma_wait3A = arith.constant 0 : i32
      %dma_wait3A_51 = tpu.memref_slice %arg4[%mul3A_2, %dma_wait3A] : memref<2816x128xi32, #tpu.memory_space<hbm>> -> memref<16x128xi32, #tpu.memory_space<hbm>>
      %dma_wait3A_52 = arith.constant 0 : i32
      %dma_wait3A_53 = tpu.memref_slice %arg4[%mul3A_2, %dma_wait3A_52] : memref<2816x128xi32, #tpu.memory_space<hbm>> -> memref<16x128xi32, #tpu.memory_space<hbm>>
      tpu.wait_dma2 semaphore(%run_scoped3A : memref<!tpu.dma_semaphore, #tpu.memory_space<semaphore_mem>>) src(%dma_wait3A_53 : memref<16x128xi32, #tpu.memory_space<hbm>>) dst(%arg8 : memref<16x128xi32, #tpu.memory_space<vmem>>)
      tpu.yield
    }) : () -> ()
    %broadcast_in_dim3A = arith.constant 0.000000e+00 : f32
    %broadcast_in_dim3A_7 = vector.broadcast %broadcast_in_dim3A : f32 to vector<16xf32>
    %scan3A = arith.constant 0 : i32
    %scan3A_8 = arith.constant 0 : i32
    %scan3A_9 = arith.constant 128 : i32
    %scan3A_10 = arith.addi %scan3A_8, %scan3A_9 : i32
    %scan3A_11 = arith.constant 1 : i32
    scf.for %scan3A_48 = %scan3A_8 to %scan3A_10 step %scan3A_11  : i32 {
      %swap3A = arith.constant 0 : i32
      %swap3A_49 = arith.index_cast %scan3A_48 : i32 to index
      %swap3A_50 = arith.index_cast %swap3A : i32 to index
      %swap3A_51 = arith.constant 0 : index
      %swap3A_52 = tpu.vector_load %arg9[%swap3A_49, %swap3A_50, %swap3A_51] {strides = array<i32>} : memref<128x2x128xf32, #tpu.memory_space<vmem>>, vector<1x1x16xf32>,
      %swap3A_53 = vector.shape_cast %swap3A_52 : vector<1x1x16xf32> to vector<16xf32>
      %swap3A_54 = vector.shape_cast %broadcast_in_dim3A_7 : vector<16xf32> to vector<1x1x16xf32>
      tpu.vector_store %arg9[%swap3A_49, %swap3A_50, %swap3A_51], %swap3A_54 {strides = array<i32>} : memref<128x2x128xf32, #tpu.memory_space<vmem>>, vector<1x1x16xf32>,
      %swap3A_55 = arith.constant 0 : i32
      %swap3A_56 = arith.index_cast %scan3A_48 : i32 to index
      %swap3A_57 = arith.index_cast %swap3A_55 : i32 to index
      %swap3A_58 = arith.constant 16 : index
      %swap3A_59 = tpu.vector_load %arg9[%swap3A_56, %swap3A_57, %swap3A_58] {strides = array<i32>} : memref<128x2x128xf32, #tpu.memory_space<vmem>>, vector<1x1x16xf32>,
      %swap3A_60 = vector.shape_cast %swap3A_59 : vector<1x1x16xf32> to vector<16xf32>
      %swap3A_61 = vector.shape_cast %broadcast_in_dim3A_7 : vector<16xf32> to vector<1x1x16xf32>
      tpu.vector_store %arg9[%swap3A_56, %swap3A_57, %swap3A_58], %swap3A_61 {strides = array<i32>} : memref<128x2x128xf32, #tpu.memory_space<vmem>>, vector<1x1x16xf32>,
      %swap3A_62 = arith.constant 0 : i32
      %swap3A_63 = arith.index_cast %scan3A_48 : i32 to index
      %swap3A_64 = arith.index_cast %swap3A_62 : i32 to index
      %swap3A_65 = arith.constant 32 : index
      %swap3A_66 = tpu.vector_load %arg9[%swap3A_63, %swap3A_64, %swap3A_65] {strides = array<i32>} : memref<128x2x128xf32, #tpu.memory_space<vmem>>, vector<1x1x16xf32>,
      %swap3A_67 = vector.shape_cast %swap3A_66 : vector<1x1x16xf32> to vector<16xf32>
      %swap3A_68 = vector.shape_cast %broadcast_in_dim3A_7 : vector<16xf32> to vector<1x1x16xf32>
      tpu.vector_store %arg9[%swap3A_63, %swap3A_64, %swap3A_65], %swap3A_68 {strides = array<i32>} : memref<128x2x128xf32, #tpu.memory_space<vmem>>, vector<1x1x16xf32>,
      %swap3A_69 = arith.constant 0 : i32
      %swap3A_70 = arith.index_cast %scan3A_48 : i32 to index
      %swap3A_71 = arith.index_cast %swap3A_69 : i32 to index
      %swap3A_72 = arith.constant 48 : index
      %swap3A_73 = tpu.vector_load %arg9[%swap3A_70, %swap3A_71, %swap3A_72] {strides = array<i32>} : memref<128x2x128xf32, #tpu.memory_space<vmem>>, vector<1x1x16xf32>,
      %swap3A_74 = vector.shape_cast %swap3A_73 : vector<1x1x16xf32> to vector<16xf32>
      %swap3A_75 = vector.shape_cast %broadcast_in_dim3A_7 : vector<16xf32> to vector<1x1x16xf32>
      tpu.vector_store %arg9[%swap3A_70, %swap3A_71, %swap3A_72], %swap3A_75 {strides = array<i32>} : memref<128x2x128xf32, #tpu.memory_space<vmem>>, vector<1x1x16xf32>,
      %swap3A_76 = arith.constant 0 : i32
      %swap3A_77 = arith.index_cast %scan3A_48 : i32 to index
      %swap3A_78 = arith.index_cast %swap3A_76 : i32 to index
      %swap3A_79 = arith.constant 64 : index
      %swap3A_80 = tpu.vector_load %arg9[%swap3A_77, %swap3A_78, %swap3A_79] {strides = array<i32>} : memref<128x2x128xf32, #tpu.memory_space<vmem>>, vector<1x1x16xf32>,
      %swap3A_81 = vector.shape_cast %swap3A_80 : vector<1x1x16xf32> to vector<16xf32>
      %swap3A_82 = vector.shape_cast %broadcast_in_dim3A_7 : vector<16xf32> to vector<1x1x16xf32>
      tpu.vector_store %arg9[%swap3A_77, %swap3A_78, %swap3A_79], %swap3A_82 {strides = array<i32>} : memref<128x2x128xf32, #tpu.memory_space<vmem>>, vector<1x1x16xf32>,
      %swap3A_83 = arith.constant 0 : i32
      %swap3A_84 = arith.index_cast %scan3A_48 : i32 to index
      %swap3A_85 = arith.index_cast %swap3A_83 : i32 to index
      %swap3A_86 = arith.constant 80 : index
      %swap3A_87 = tpu.vector_load %arg9[%swap3A_84, %swap3A_85, %swap3A_86] {strides = array<i32>} : memref<128x2x128xf32, #tpu.memory_space<vmem>>, vector<1x1x16xf32>,
      %swap3A_88 = vector.shape_cast %swap3A_87 : vector<1x1x16xf32> to vector<16xf32>
      %swap3A_89 = vector.shape_cast %broadcast_in_dim3A_7 : vector<16xf32> to vector<1x1x16xf32>
      tpu.vector_store %arg9[%swap3A_84, %swap3A_85, %swap3A_86], %swap3A_89 {strides = array<i32>} : memref<128x2x128xf32, #tpu.memory_space<vmem>>, vector<1x1x16xf32>,
      %swap3A_90 = arith.constant 0 : i32
      %swap3A_91 = arith.index_cast %scan3A_48 : i32 to index
      %swap3A_92 = arith.index_cast %swap3A_90 : i32 to index
      %swap3A_93 = arith.constant 96 : index
      %swap3A_94 = tpu.vector_load %arg9[%swap3A_91, %swap3A_92, %swap3A_93] {strides = array<i32>} : memref<128x2x128xf32, #tpu.memory_space<vmem>>, vector<1x1x16xf32>,
      %swap3A_95 = vector.shape_cast %swap3A_94 : vector<1x1x16xf32> to vector<16xf32>
      %swap3A_96 = vector.shape_cast %broadcast_in_dim3A_7 : vector<16xf32> to vector<1x1x16xf32>
      tpu.vector_store %arg9[%swap3A_91, %swap3A_92, %swap3A_93], %swap3A_96 {strides = array<i32>} : memref<128x2x128xf32, #tpu.memory_space<vmem>>, vector<1x1x16xf32>,
      %swap3A_97 = arith.constant 0 : i32
      %swap3A_98 = arith.index_cast %scan3A_48 : i32 to index
      %swap3A_99 = arith.index_cast %swap3A_97 : i32 to index
      %swap3A_100 = arith.constant 112 : index
      %swap3A_101 = tpu.vector_load %arg9[%swap3A_98, %swap3A_99, %swap3A_100] {strides = array<i32>} : memref<128x2x128xf32, #tpu.memory_space<vmem>>, vector<1x1x16xf32>,
      %swap3A_102 = vector.shape_cast %swap3A_101 : vector<1x1x16xf32> to vector<16xf32>
      %swap3A_103 = vector.shape_cast %broadcast_in_dim3A_7 : vector<16xf32> to vector<1x1x16xf32>
      tpu.vector_store %arg9[%swap3A_98, %swap3A_99, %swap3A_100], %swap3A_103 {strides = array<i32>} : memref<128x2x128xf32, #tpu.memory_space<vmem>>, vector<1x1x16xf32>,
      %swap3A_104 = arith.constant 1 : i32
      %swap3A_105 = arith.index_cast %scan3A_48 : i32 to index
      %swap3A_106 = arith.index_cast %swap3A_104 : i32 to index
      %swap3A_107 = arith.constant 0 : index
      %swap3A_108 = tpu.vector_load %arg9[%swap3A_105, %swap3A_106, %swap3A_107] {strides = array<i32>} : memref<128x2x128xf32, #tpu.memory_space<vmem>>, vector<1x1x16xf32>,
      %swap3A_109 = vector.shape_cast %swap3A_108 : vector<1x1x16xf32> to vector<16xf32>
      %swap3A_110 = vector.shape_cast %broadcast_in_dim3A_7 : vector<16xf32> to vector<1x1x16xf32>
      tpu.vector_store %arg9[%swap3A_105, %swap3A_106, %swap3A_107], %swap3A_110 {strides = array<i32>} : memref<128x2x128xf32, #tpu.memory_space<vmem>>, vector<1x1x16xf32>,
      %swap3A_111 = arith.constant 1 : i32
      %swap3A_112 = arith.index_cast %scan3A_48 : i32 to index
      %swap3A_113 = arith.index_cast %swap3A_111 : i32 to index
      %swap3A_114 = arith.constant 16 : index
      %swap3A_115 = tpu.vector_load %arg9[%swap3A_112, %swap3A_113, %swap3A_114] {strides = array<i32>} : memref<128x2x128xf32, #tpu.memory_space<vmem>>, vector<1x1x16xf32>,
      %swap3A_116 = vector.shape_cast %swap3A_115 : vector<1x1x16xf32> to vector<16xf32>
      %swap3A_117 = vector.shape_cast %broadcast_in_dim3A_7 : vector<16xf32> to vector<1x1x16xf32>
      tpu.vector_store %arg9[%swap3A_112, %swap3A_113, %swap3A_114], %swap3A_117 {strides = array<i32>} : memref<128x2x128xf32, #tpu.memory_space<vmem>>, vector<1x1x16xf32>,
      %swap3A_118 = arith.constant 1 : i32
      %swap3A_119 = arith.index_cast %scan3A_48 : i32 to index
      %swap3A_120 = arith.index_cast %swap3A_118 : i32 to index
      %swap3A_121 = arith.constant 32 : index
      %swap3A_122 = tpu.vector_load %arg9[%swap3A_119, %swap3A_120, %swap3A_121] {strides = array<i32>} : memref<128x2x128xf32, #tpu.memory_space<vmem>>, vector<1x1x16xf32>,
      %swap3A_123 = vector.shape_cast %swap3A_122 : vector<1x1x16xf32> to vector<16xf32>
      %swap3A_124 = vector.shape_cast %broadcast_in_dim3A_7 : vector<16xf32> to vector<1x1x16xf32>
      tpu.vector_store %arg9[%swap3A_119, %swap3A_120, %swap3A_121], %swap3A_124 {strides = array<i32>} : memref<128x2x128xf32, #tpu.memory_space<vmem>>, vector<1x1x16xf32>,
      %swap3A_125 = arith.constant 1 : i32
      %swap3A_126 = arith.index_cast %scan3A_48 : i32 to index
      %swap3A_127 = arith.index_cast %swap3A_125 : i32 to index
      %swap3A_128 = arith.constant 48 : index
      %swap3A_129 = tpu.vector_load %arg9[%swap3A_126, %swap3A_127, %swap3A_128] {strides = array<i32>} : memref<128x2x128xf32, #tpu.memory_space<vmem>>, vector<1x1x16xf32>,
      %swap3A_130 = vector.shape_cast %swap3A_129 : vector<1x1x16xf32> to vector<16xf32>
      %swap3A_131 = vector.shape_cast %broadcast_in_dim3A_7 : vector<16xf32> to vector<1x1x16xf32>
      tpu.vector_store %arg9[%swap3A_126, %swap3A_127, %swap3A_128], %swap3A_131 {strides = array<i32>} : memref<128x2x128xf32, #tpu.memory_space<vmem>>, vector<1x1x16xf32>,
      %swap3A_132 = arith.constant 1 : i32
      %swap3A_133 = arith.index_cast %scan3A_48 : i32 to index
      %swap3A_134 = arith.index_cast %swap3A_132 : i32 to index
      %swap3A_135 = arith.constant 64 : index
      %swap3A_136 = tpu.vector_load %arg9[%swap3A_133, %swap3A_134, %swap3A_135] {strides = array<i32>} : memref<128x2x128xf32, #tpu.memory_space<vmem>>, vector<1x1x16xf32>,
      %swap3A_137 = vector.shape_cast %swap3A_136 : vector<1x1x16xf32> to vector<16xf32>
      %swap3A_138 = vector.shape_cast %broadcast_in_dim3A_7 : vector<16xf32> to vector<1x1x16xf32>
      tpu.vector_store %arg9[%swap3A_133, %swap3A_134, %swap3A_135], %swap3A_138 {strides = array<i32>} : memref<128x2x128xf32, #tpu.memory_space<vmem>>, vector<1x1x16xf32>,
      %swap3A_139 = arith.constant 1 : i32
      %swap3A_140 = arith.index_cast %scan3A_48 : i32 to index
      %swap3A_141 = arith.index_cast %swap3A_139 : i32 to index
      %swap3A_142 = arith.constant 80 : index
      %swap3A_143 = tpu.vector_load %arg9[%swap3A_140, %swap3A_141, %swap3A_142] {strides = array<i32>} : memref<128x2x128xf32, #tpu.memory_space<vmem>>, vector<1x1x16xf32>,
      %swap3A_144 = vector.shape_cast %swap3A_143 : vector<1x1x16xf32> to vector<16xf32>
      %swap3A_145 = vector.shape_cast %broadcast_in_dim3A_7 : vector<16xf32> to vector<1x1x16xf32>
      tpu.vector_store %arg9[%swap3A_140, %swap3A_141, %swap3A_142], %swap3A_145 {strides = array<i32>} : memref<128x2x128xf32, #tpu.memory_space<vmem>>, vector<1x1x16xf32>,
      %swap3A_146 = arith.constant 1 : i32
      %swap3A_147 = arith.index_cast %scan3A_48 : i32 to index
      %swap3A_148 = arith.index_cast %swap3A_146 : i32 to index
      %swap3A_149 = arith.constant 96 : index
      %swap3A_150 = tpu.vector_load %arg9[%swap3A_147, %swap3A_148, %swap3A_149] {strides = array<i32>} : memref<128x2x128xf32, #tpu.memory_space<vmem>>, vector<1x1x16xf32>,
      %swap3A_151 = vector.shape_cast %swap3A_150 : vector<1x1x16xf32> to vector<16xf32>
      %swap3A_152 = vector.shape_cast %broadcast_in_dim3A_7 : vector<16xf32> to vector<1x1x16xf32>
      tpu.vector_store %arg9[%swap3A_147, %swap3A_148, %swap3A_149], %swap3A_152 {strides = array<i32>} : memref<128x2x128xf32, #tpu.memory_space<vmem>>, vector<1x1x16xf32>,
      %swap3A_153 = arith.constant 1 : i32
      %swap3A_154 = arith.index_cast %scan3A_48 : i32 to index
      %swap3A_155 = arith.index_cast %swap3A_153 : i32 to index
      %swap3A_156 = arith.constant 112 : index
      %swap3A_157 = tpu.vector_load %arg9[%swap3A_154, %swap3A_155, %swap3A_156] {strides = array<i32>} : memref<128x2x128xf32, #tpu.memory_space<vmem>>, vector<1x1x16xf32>,
      %swap3A_158 = vector.shape_cast %swap3A_157 : vector<1x1x16xf32> to vector<16xf32>
      %swap3A_159 = vector.shape_cast %broadcast_in_dim3A_7 : vector<16xf32> to vector<1x1x16xf32>
      tpu.vector_store %arg9[%swap3A_154, %swap3A_155, %swap3A_156], %swap3A_159 {strides = array<i32>} : memref<128x2x128xf32, #tpu.memory_space<vmem>>, vector<1x1x16xf32>,
    }
    %scan3A_12 = arith.constant 128 : i32
    %mul3A_13 = arith.constant 328 : i32
    %mul3A_14 = arith.muli %arg1, %mul3A_13 : i32
    %add3A_15 = arith.constant 0 : i32
    %add3A_16 = arith.addi %mul3A_14, %add3A_15 : i32
    "tpu.region"() ({
      %run_scoped3A = tpu.sem_alloc : memref<!tpu.dma_semaphore, #tpu.memory_space<semaphore_mem>>
      %dma_start3A = arith.constant 0 : i32
      %dma_start3A_48 = arith.constant 0 : i32
      %dma_start3A_49 = tpu.memref_slice %arg11[%add3A_16, %dma_start3A, %dma_start3A_48] : memref<5248x2x128xf32, #tpu.memory_space<vmem_shared>> -> memref<128x2x128xf32, #tpu.memory_space<vmem_shared>>
      %dma_start3A_50 = arith.constant 0 : i32
      %dma_start3A_51 = arith.constant 0 : i32
      %dma_start3A_52 = tpu.memref_slice %arg11[%add3A_16, %dma_start3A_50, %dma_start3A_51] : memref<5248x2x128xf32, #tpu.memory_space<vmem_shared>> -> memref<128x2x128xf32, #tpu.memory_space<vmem_shared>>
      tpu.enqueue_dma source(%arg9 : memref<128x2x128xf32, #tpu.memory_space<vmem>>) target(%dma_start3A_52 : memref<128x2x128xf32, #tpu.memory_space<vmem_shared>>) target_semaphore(%run_scoped3A : memref<!tpu.dma_semaphore, #tpu.memory_space<semaphore_mem>>)
      %dma_wait3A = arith.constant 0 : i32
      %dma_wait3A_53 = arith.constant 0 : i32
      %dma_wait3A_54 = tpu.memref_slice %arg11[%add3A_16, %dma_wait3A, %dma_wait3A_53] : memref<5248x2x128xf32, #tpu.memory_space<vmem_shared>> -> memref<128x2x128xf32, #tpu.memory_space<vmem_shared>>
      %dma_wait3A_55 = arith.constant 0 : i32
      %dma_wait3A_56 = arith.constant 0 : i32
      %dma_wait3A_57 = tpu.memref_slice %arg11[%add3A_16, %dma_wait3A_55, %dma_wait3A_56] : memref<5248x2x128xf32, #tpu.memory_space<vmem_shared>> -> memref<128x2x128xf32, #tpu.memory_space<vmem_shared>>
      tpu.wait_dma2 semaphore(%run_scoped3A : memref<!tpu.dma_semaphore, #tpu.memory_space<semaphore_mem>>) src(%arg9 : memref<128x2x128xf32, #tpu.memory_space<vmem>>) dst(%dma_wait3A_57 : memref<128x2x128xf32, #tpu.memory_space<vmem_shared>>)
      tpu.yield
    }) : () -> ()
    %add3A_17 = arith.constant 128 : i32
    %add3A_18 = arith.addi %mul3A_14, %add3A_17 : i32
    "tpu.region"() ({
      %run_scoped3A = tpu.sem_alloc : memref<!tpu.dma_semaphore, #tpu.memory_space<semaphore_mem>>
      %dma_start3A = arith.constant 0 : i32
      %dma_start3A_48 = arith.constant 0 : i32
      %dma_start3A_49 = tpu.memref_slice %arg11[%add3A_18, %dma_start3A, %dma_start3A_48] : memref<5248x2x128xf32, #tpu.memory_space<vmem_shared>> -> memref<128x2x128xf32, #tpu.memory_space<vmem_shared>>
      %dma_start3A_50 = arith.constant 0 : i32
      %dma_start3A_51 = arith.constant 0 : i32
      %dma_start3A_52 = tpu.memref_slice %arg11[%add3A_18, %dma_start3A_50, %dma_start3A_51] : memref<5248x2x128xf32, #tpu.memory_space<vmem_shared>> -> memref<128x2x128xf32, #tpu.memory_space<vmem_shared>>
      tpu.enqueue_dma source(%arg9 : memref<128x2x128xf32, #tpu.memory_space<vmem>>) target(%dma_start3A_52 : memref<128x2x128xf32, #tpu.memory_space<vmem_shared>>) target_semaphore(%run_scoped3A : memref<!tpu.dma_semaphore, #tpu.memory_space<semaphore_mem>>)
      %dma_wait3A = arith.constant 0 : i32
      %dma_wait3A_53 = arith.constant 0 : i32
      %dma_wait3A_54 = tpu.memref_slice %arg11[%add3A_18, %dma_wait3A, %dma_wait3A_53] : memref<5248x2x128xf32, #tpu.memory_space<vmem_shared>> -> memref<128x2x128xf32, #tpu.memory_space<vmem_shared>>
      %dma_wait3A_55 = arith.constant 0 : i32
      %dma_wait3A_56 = arith.constant 0 : i32
      %dma_wait3A_57 = tpu.memref_slice %arg11[%add3A_18, %dma_wait3A_55, %dma_wait3A_56] : memref<5248x2x128xf32, #tpu.memory_space<vmem_shared>> -> memref<128x2x128xf32, #tpu.memory_space<vmem_shared>>
      tpu.wait_dma2 semaphore(%run_scoped3A : memref<!tpu.dma_semaphore, #tpu.memory_space<semaphore_mem>>) src(%arg9 : memref<128x2x128xf32, #tpu.memory_space<vmem>>) dst(%dma_wait3A_57 : memref<128x2x128xf32, #tpu.memory_space<vmem_shared>>)
      tpu.yield
    }) : () -> ()
    %add3A_19 = arith.constant 256 : i32
    %add3A_20 = arith.addi %mul3A_14, %add3A_19 : i32
    "tpu.region"() ({
      %run_scoped3A = tpu.sem_alloc : memref<!tpu.dma_semaphore, #tpu.memory_space<semaphore_mem>>
      %dma_start3A = arith.constant 0 : i32
      %dma_start3A_48 = arith.constant 0 : i32
      %dma_start3A_49 = arith.constant 0 : i32
      %dma_start3A_50 = tpu.memref_slice %arg9[%dma_start3A, %dma_start3A_48, %dma_start3A_49] : memref<128x2x128xf32, #tpu.memory_space<vmem>> -> memref<72x2x128xf32, #tpu.memory_space<vmem>>
      %dma_start3A_51 = arith.constant 0 : i32
      %dma_start3A_52 = arith.constant 0 : i32
      %dma_start3A_53 = tpu.memref_slice %arg11[%add3A_20, %dma_start3A_51, %dma_start3A_52] : memref<5248x2x128xf32, #tpu.memory_space<vmem_shared>> -> memref<72x2x128xf32, #tpu.memory_space<vmem_shared>>
      %dma_start3A_54 = arith.constant 0 : i32
      %dma_start3A_55 = arith.constant 0 : i32
      %dma_start3A_56 = tpu.memref_slice %arg11[%add3A_20, %dma_start3A_54, %dma_start3A_55] : memref<5248x2x128xf32, #tpu.memory_space<vmem_shared>> -> memref<72x2x128xf32, #tpu.memory_space<vmem_shared>>
      %dma_start3A_57 = arith.constant 0 : i32
      %dma_start3A_58 = arith.constant 0 : i32
      %dma_start3A_59 = arith.constant 0 : i32
      %dma_start3A_60 = tpu.memref_slice %arg9[%dma_start3A_57, %dma_start3A_58, %dma_start3A_59] : memref<128x2x128xf32, #tpu.memory_space<vmem>> -> memref<72x2x128xf32, #tpu.memory_space<vmem>>
      tpu.enqueue_dma source(%dma_start3A_60 : memref<72x2x128xf32, #tpu.memory_space<vmem>>) target(%dma_start3A_56 : memref<72x2x128xf32, #tpu.memory_space<vmem_shared>>) target_semaphore(%run_scoped3A : memref<!tpu.dma_semaphore, #tpu.memory_space<semaphore_mem>>)
      %dma_wait3A = arith.constant 0 : i32
      %dma_wait3A_61 = arith.constant 0 : i32
      %dma_wait3A_62 = arith.constant 0 : i32
      %dma_wait3A_63 = tpu.memref_slice %arg9[%dma_wait3A, %dma_wait3A_61, %dma_wait3A_62] : memref<128x2x128xf32, #tpu.memory_space<vmem>> -> memref<72x2x128xf32, #tpu.memory_space<vmem>>
      %dma_wait3A_64 = arith.constant 0 : i32
      %dma_wait3A_65 = arith.constant 0 : i32
      %dma_wait3A_66 = tpu.memref_slice %arg11[%add3A_20, %dma_wait3A_64, %dma_wait3A_65] : memref<5248x2x128xf32, #tpu.memory_space<vmem_shared>> -> memref<72x2x128xf32, #tpu.memory_space<vmem_shared>>
      %dma_wait3A_67 = arith.constant 0 : i32
      %dma_wait3A_68 = arith.constant 0 : i32
      %dma_wait3A_69 = tpu.memref_slice %arg11[%add3A_20, %dma_wait3A_67, %dma_wait3A_68] : memref<5248x2x128xf32, #tpu.memory_space<vmem_shared>> -> memref<72x2x128xf32, #tpu.memory_space<vmem_shared>>
      %dma_wait3A_70 = arith.constant 0 : i32
      %dma_wait3A_71 = arith.constant 0 : i32
      %dma_wait3A_72 = arith.constant 0 : i32
      %dma_wait3A_73 = tpu.memref_slice %arg9[%dma_wait3A_70, %dma_wait3A_71, %dma_wait3A_72] : memref<128x2x128xf32, #tpu.memory_space<vmem>> -> memref<72x2x128xf32, #tpu.memory_space<vmem>>
      tpu.wait_dma2 semaphore(%run_scoped3A : memref<!tpu.dma_semaphore, #tpu.memory_space<semaphore_mem>>) src(%dma_wait3A_73 : memref<72x2x128xf32, #tpu.memory_space<vmem>>) dst(%dma_wait3A_69 : memref<72x2x128xf32, #tpu.memory_space<vmem_shared>>)
      tpu.yield
    }) : () -> ()
    %barrier3A = arith.constant 0 : index
    tpu.barrier barrier_id(%barrier3A)
    %while3A = arith.constant 0 : i32
    %while3A_21 = arith.constant 0 : i32
    %while3A_22 = arith.subi %squeeze3A, %while3A_21 : i32
    %while3A_23 = arith.addi %while3A_21, %while3A_22 : i32
    %while3A_24 = arith.constant 1 : i32
    %while3A_25 = arith.divsi %while3A_22, %while3A_24 : i32
    %while3A_26 = arith.muli %while3A_25, %while3A_24 : i32
    %while3A_27 = arith.addi %while3A_21, %while3A_26 : i32
    %while3A_28 = arith.constant 1 : i32
    scf.for %while3A_48 = %while3A_21 to %while3A_27 step %while3A_28  : i32 {
      %gt3A = arith.constant 0 : i32
      %gt3A_49 = arith.cmpi sgt, %while3A_48, %gt3A : i32
      %rem3A = arith.constant 16 : i32
      %rem3A_50 = arith.remsi %while3A_48, %rem3A : i32
      %eq3A = arith.constant 0 : i32
      %eq3A_51 = arith.cmpi eq, %rem3A_50, %eq3A : i32
      %and3A = arith.andi %gt3A_49, %eq3A_51 : i1
      %convert_element_type3A = arith.extui %and3A : i1 to i32
      %cond3A = arith.constant 0 : i32
      %cond3A_52 = arith.cmpi ne, %convert_element_type3A, %cond3A : i32
      scf.if %cond3A_52 {
        %jit3A = arith.constant 16 : i32
        %div3A = arith.divsi %while3A_48, %jit3A : i32
        %sign3A = arith.constant 0 : i32
        %sign3A_97 = arith.cmpi sgt, %while3A_48, %sign3A : i32
        %sign3A_98 = arith.extui %sign3A_97 : i1 to i32
        %sign3A_99 = arith.constant 0 : i32
        %sign3A_100 = arith.cmpi slt, %while3A_48, %sign3A_99 : i32
        %sign3A_101 = arith.extui %sign3A_100 : i1 to i32
        %sign3A_102 = arith.subi %sign3A_98, %sign3A_101 : i32
        %sign3A_103 = arith.constant 0 : i32
        %sign3A_104 = arith.cmpi sgt, %jit3A, %sign3A_103 : i32
        %sign3A_105 = arith.extui %sign3A_104 : i1 to i32
        %sign3A_106 = arith.constant 0 : i32
        %sign3A_107 = arith.cmpi slt, %jit3A, %sign3A_106 : i32
        %sign3A_108 = arith.extui %sign3A_107 : i1 to i32
        %sign3A_109 = arith.subi %sign3A_105, %sign3A_108 : i32
        %ne3A = arith.cmpi ne, %sign3A_102, %sign3A_109 : i32
        %rem3A_110 = arith.remsi %while3A_48, %jit3A : i32
        %ne3A_111 = arith.constant 0 : i32
        %ne3A_112 = arith.cmpi ne, %rem3A_110, %ne3A_111 : i32
        %and3A_113 = arith.andi %ne3A, %ne3A_112 : i1
        %sub3A = arith.constant 1 : i32
        %sub3A_114 = arith.subi %div3A, %sub3A : i32
        %select_n3A = arith.select %and3A_113, %sub3A_114, %div3A : i32
        %mul3A_115 = arith.constant 16 : i32
        %mul3A_116 = arith.muli %select_n3A, %mul3A_115 : i32
        %add3A_117 = arith.addi %mul3A_2, %mul3A_116 : i32
        "tpu.region"() ({
          %run_scoped3A = tpu.sem_alloc : memref<!tpu.dma_semaphore, #tpu.memory_space<semaphore_mem>>
          %dma_start3A_119 = arith.constant 0 : i32
          %dma_start3A_120 = tpu.memref_slice %arg3[%add3A_117, %dma_start3A_119] : memref<2816x128xi32, #tpu.memory_space<hbm>> -> memref<16x128xi32, #tpu.memory_space<hbm>>
          %dma_start3A_121 = arith.constant 0 : i32
          %dma_start3A_122 = tpu.memref_slice %arg3[%add3A_117, %dma_start3A_121] : memref<2816x128xi32, #tpu.memory_space<hbm>> -> memref<16x128xi32, #tpu.memory_space<hbm>>
          tpu.enqueue_dma source(%dma_start3A_122 : memref<16x128xi32, #tpu.memory_space<hbm>>) target(%arg7 : memref<16x128xi32, #tpu.memory_space<vmem>>) target_semaphore(%run_scoped3A : memref<!tpu.dma_semaphore, #tpu.memory_space<semaphore_mem>>)
          %dma_wait3A_123 = arith.constant 0 : i32
          %dma_wait3A_124 = tpu.memref_slice %arg3[%add3A_117, %dma_wait3A_123] : memref<2816x128xi32, #tpu.memory_space<hbm>> -> memref<16x128xi32, #tpu.memory_space<hbm>>
          %dma_wait3A_125 = arith.constant 0 : i32
          %dma_wait3A_126 = tpu.memref_slice %arg3[%add3A_117, %dma_wait3A_125] : memref<2816x128xi32, #tpu.memory_space<hbm>> -> memref<16x128xi32, #tpu.memory_space<hbm>>
          tpu.wait_dma2 semaphore(%run_scoped3A : memref<!tpu.dma_semaphore, #tpu.memory_space<semaphore_mem>>) src(%dma_wait3A_126 : memref<16x128xi32, #tpu.memory_space<hbm>>) dst(%arg7 : memref<16x128xi32, #tpu.memory_space<vmem>>)
          tpu.yield
        }) : () -> ()
        %add3A_118 = arith.addi %mul3A_2, %mul3A_116 : i32
        "tpu.region"() ({
          %run_scoped3A = tpu.sem_alloc : memref<!tpu.dma_semaphore, #tpu.memory_space<semaphore_mem>>
          %dma_start3A_119 = arith.constant 0 : i32
          %dma_start3A_120 = tpu.memref_slice %arg4[%add3A_118, %dma_start3A_119] : memref<2816x128xi32, #tpu.memory_space<hbm>> -> memref<16x128xi32, #tpu.memory_space<hbm>>
          %dma_start3A_121 = arith.constant 0 : i32
          %dma_start3A_122 = tpu.memref_slice %arg4[%add3A_118, %dma_start3A_121] : memref<2816x128xi32, #tpu.memory_space<hbm>> -> memref<16x128xi32, #tpu.memory_space<hbm>>
          tpu.enqueue_dma source(%dma_start3A_122 : memref<16x128xi32, #tpu.memory_space<hbm>>) target(%arg8 : memref<16x128xi32, #tpu.memory_space<vmem>>) target_semaphore(%run_scoped3A : memref<!tpu.dma_semaphore, #tpu.memory_space<semaphore_mem>>)
          %dma_wait3A_123 = arith.constant 0 : i32
          %dma_wait3A_124 = tpu.memref_slice %arg4[%add3A_118, %dma_wait3A_123] : memref<2816x128xi32, #tpu.memory_space<hbm>> -> memref<16x128xi32, #tpu.memory_space<hbm>>
          %dma_wait3A_125 = arith.constant 0 : i32
          %dma_wait3A_126 = tpu.memref_slice %arg4[%add3A_118, %dma_wait3A_125] : memref<2816x128xi32, #tpu.memory_space<hbm>> -> memref<16x128xi32, #tpu.memory_space<hbm>>
          tpu.wait_dma2 semaphore(%run_scoped3A : memref<!tpu.dma_semaphore, #tpu.memory_space<semaphore_mem>>) src(%dma_wait3A_126 : memref<16x128xi32, #tpu.memory_space<hbm>>) dst(%arg8 : memref<16x128xi32, #tpu.memory_space<vmem>>)
          tpu.yield
        }) : () -> ()
      } else {
      }
      %rem3A_53 = arith.constant 16 : i32
      %rem3A_54 = arith.remsi %while3A_48, %rem3A_53 : i32
      %dma_start3A = arith.constant 0 : i32
      %dma_start3A_55 = arith.constant 0 : i32
      %dma_start3A_56 = arith.constant 0 : i32
      %dma_start3A_57 = tpu.memref_slice %arg9[%dma_start3A, %dma_start3A_55, %dma_start3A_56] : memref<128x2x128xf32, #tpu.memory_space<vmem>> -> memref<64x2x128xf32, #tpu.memory_space<vmem>>
      %dma_start3A_58 = arith.constant 0 : i32
      %dma_start3A_59 = tpu.memref_slice %arg7[%rem3A_54, %dma_start3A_58] : memref<16x128xi32, #tpu.memory_space<vmem>> -> memref<1x64xi32, #tpu.memory_space<vmem>>
      %dma_start3A_60 = tpu.memref_squeeze %dma_start3A_59 : memref<1x64xi32, #tpu.memory_space<vmem>> -> memref<64xi32, #tpu.memory_space<vmem>>
      %dma_start3A_61 = arith.constant 0 : i32
      %dma_start3A_62 = arith.constant 0 : i32
      %dma_start3A_63 = arith.constant 0 : i32
      %dma_start3A_64 = tpu.memref_slice %arg2[%dma_start3A_61, %dma_start3A_62, %dma_start3A_63] : memref<10400x2x128xf32, #tpu.memory_space<hbm>> -> memref<10400x2x128xf32, #tpu.memory_space<hbm>>
      tpu.enqueue_indirect_dma source(%dma_start3A_64 : memref<10400x2x128xf32, #tpu.memory_space<hbm>>) target(%dma_start3A_57 : memref<64x2x128xf32, #tpu.memory_space<vmem>>) offsets(%dma_start3A_60 : memref<64xi32, #tpu.memory_space<vmem>>) semaphore(%arg12 : memref<!tpu.dma_semaphore, #tpu.memory_space<semaphore_mem>>)
      %dma_start3A_65 = arith.constant 64 : i32
      %dma_start3A_66 = arith.constant 0 : i32
      %dma_start3A_67 = arith.constant 0 : i32
      %dma_start3A_68 = tpu.memref_slice %arg9[%dma_start3A_65, %dma_start3A_66, %dma_start3A_67] : memref<128x2x128xf32, #tpu.memory_space<vmem>> -> memref<64x2x128xf32, #tpu.memory_space<vmem>>
      %dma_start3A_69 = arith.constant 64 : i32
      %dma_start3A_70 = tpu.memref_slice %arg7[%rem3A_54, %dma_start3A_69] : memref<16x128xi32, #tpu.memory_space<vmem>> -> memref<1x64xi32, #tpu.memory_space<vmem>>
      %dma_start3A_71 = tpu.memref_squeeze %dma_start3A_70 : memref<1x64xi32, #tpu.memory_space<vmem>> -> memref<64xi32, #tpu.memory_space<vmem>>
      %dma_start3A_72 = arith.constant 0 : i32
      %dma_start3A_73 = arith.constant 0 : i32
      %dma_start3A_74 = arith.constant 0 : i32
      %dma_start3A_75 = tpu.memref_slice %arg2[%dma_start3A_72, %dma_start3A_73, %dma_start3A_74] : memref<10400x2x128xf32, #tpu.memory_space<hbm>> -> memref<10400x2x128xf32, #tpu.memory_space<hbm>>
      tpu.enqueue_indirect_dma source(%dma_start3A_75 : memref<10400x2x128xf32, #tpu.memory_space<hbm>>) target(%dma_start3A_68 : memref<64x2x128xf32, #tpu.memory_space<vmem>>) offsets(%dma_start3A_71 : memref<64xi32, #tpu.memory_space<vmem>>) semaphore(%arg13 : memref<!tpu.dma_semaphore, #tpu.memory_space<semaphore_mem>>)
      %dma_wait3A = arith.constant 0 : i32
      %dma_wait3A_76 = arith.constant 0 : i32
      %dma_wait3A_77 = arith.constant 0 : i32
      %dma_wait3A_78 = tpu.memref_slice %arg9[%dma_wait3A, %dma_wait3A_76, %dma_wait3A_77] : memref<128x2x128xf32, #tpu.memory_space<vmem>> -> memref<64x2x128xf32, #tpu.memory_space<vmem>>
      %dma_wait3A_79 = arith.constant 0 : i32
      %dma_wait3A_80 = tpu.memref_slice %arg7[%rem3A_54, %dma_wait3A_79] : memref<16x128xi32, #tpu.memory_space<vmem>> -> memref<1x64xi32, #tpu.memory_space<vmem>>
      %dma_wait3A_81 = tpu.memref_squeeze %dma_wait3A_80 : memref<1x64xi32, #tpu.memory_space<vmem>> -> memref<64xi32, #tpu.memory_space<vmem>>
      %dma_wait3A_82 = arith.constant 0 : i32
      %dma_wait3A_83 = arith.constant 0 : i32
      %dma_wait3A_84 = arith.constant 0 : i32
      %dma_wait3A_85 = tpu.memref_slice %arg2[%dma_wait3A_82, %dma_wait3A_83, %dma_wait3A_84] : memref<10400x2x128xf32, #tpu.memory_space<hbm>> -> memref<10400x2x128xf32, #tpu.memory_space<hbm>>
      tpu.wait_indirect_dma semaphore(%arg12 : memref<!tpu.dma_semaphore, #tpu.memory_space<semaphore_mem>>) src(%dma_wait3A_85 : memref<10400x2x128xf32, #tpu.memory_space<hbm>>) dst(%dma_wait3A_78 : memref<64x2x128xf32, #tpu.memory_space<vmem>>)
      %dma_wait3A_86 = arith.constant 64 : i32
      %dma_wait3A_87 = arith.constant 0 : i32
      %dma_wait3A_88 = arith.constant 0 : i32
      %dma_wait3A_89 = tpu.memref_slice %arg9[%dma_wait3A_86, %dma_wait3A_87, %dma_wait3A_88] : memref<128x2x128xf32, #tpu.memory_space<vmem>> -> memref<64x2x128xf32, #tpu.memory_space<vmem>>
      %dma_wait3A_90 = arith.constant 64 : i32
      %dma_wait3A_91 = tpu.memref_slice %arg7[%rem3A_54, %dma_wait3A_90] : memref<16x128xi32, #tpu.memory_space<vmem>> -> memref<1x64xi32, #tpu.memory_space<vmem>>
      %dma_wait3A_92 = tpu.memref_squeeze %dma_wait3A_91 : memref<1x64xi32, #tpu.memory_space<vmem>> -> memref<64xi32, #tpu.memory_space<vmem>>
      %dma_wait3A_93 = arith.constant 0 : i32
      %dma_wait3A_94 = arith.constant 0 : i32
      %dma_wait3A_95 = arith.constant 0 : i32
      %dma_wait3A_96 = tpu.memref_slice %arg2[%dma_wait3A_93, %dma_wait3A_94, %dma_wait3A_95] : memref<10400x2x128xf32, #tpu.memory_space<hbm>> -> memref<10400x2x128xf32, #tpu.memory_space<hbm>>
      tpu.wait_indirect_dma semaphore(%arg13 : memref<!tpu.dma_semaphore, #tpu.memory_space<semaphore_mem>>) src(%dma_wait3A_96 : memref<10400x2x128xf32, #tpu.memory_space<hbm>>) dst(%dma_wait3A_89 : memref<64x2x128xf32, #tpu.memory_space<vmem>>)
      "tpu.region"() ({
        %run_scoped3A = tpu.sem_alloc : memref<!tpu.dma_semaphore, #tpu.memory_space<semaphore_mem>>
        %dma_start3A_97 = arith.constant 0 : i32
        %dma_start3A_98 = tpu.memref_slice %arg8[%rem3A_54, %dma_start3A_97] : memref<16x128xi32, #tpu.memory_space<vmem>> -> memref<1x128xi32, #tpu.memory_space<vmem>>
        %dma_start3A_99 = tpu.memref_squeeze %dma_start3A_98 : memref<1x128xi32, #tpu.memory_space<vmem>> -> memref<128xi32, #tpu.memory_space<vmem>>
        %dma_start3A_100 = arith.constant 0 : i32
        %dma_start3A_101 = arith.constant 0 : i32
        %dma_start3A_102 = arith.constant 0 : i32
        %dma_start3A_103 = tpu.memref_slice %arg11[%dma_start3A_100, %dma_start3A_101, %dma_start3A_102] : memref<5248x2x128xf32, #tpu.memory_space<vmem_shared>> -> memref<5248x2x128xf32, #tpu.memory_space<vmem_shared>>
        tpu.enqueue_indirect_dma source(%arg9 : memref<128x2x128xf32, #tpu.memory_space<vmem>>) target(%dma_start3A_103 : memref<5248x2x128xf32, #tpu.memory_space<vmem_shared>>) offsets(%dma_start3A_99 : memref<128xi32, #tpu.memory_space<vmem>>) semaphore(%run_scoped3A : memref<!tpu.dma_semaphore, #tpu.memory_space<semaphore_mem>>) {add = true}
        %dma_wait3A_104 = arith.constant 0 : i32
        %dma_wait3A_105 = tpu.memref_slice %arg8[%rem3A_54, %dma_wait3A_104] : memref<16x128xi32, #tpu.memory_space<vmem>> -> memref<1x128xi32, #tpu.memory_space<vmem>>
        %dma_wait3A_106 = tpu.memref_squeeze %dma_wait3A_105 : memref<1x128xi32, #tpu.memory_space<vmem>> -> memref<128xi32, #tpu.memory_space<vmem>>
        %dma_wait3A_107 = arith.constant 0 : i32
        %dma_wait3A_108 = arith.constant 0 : i32
        %dma_wait3A_109 = arith.constant 0 : i32
        %dma_wait3A_110 = tpu.memref_slice %arg11[%dma_wait3A_107, %dma_wait3A_108, %dma_wait3A_109] : memref<5248x2x128xf32, #tpu.memory_space<vmem_shared>> -> memref<5248x2x128xf32, #tpu.memory_space<vmem_shared>>
        tpu.wait_indirect_dma semaphore(%run_scoped3A : memref<!tpu.dma_semaphore, #tpu.memory_space<semaphore_mem>>) src(%arg9 : memref<128x2x128xf32, #tpu.memory_space<vmem>>) dst(%dma_wait3A_110 : memref<5248x2x128xf32, #tpu.memory_space<vmem_shared>>)
        tpu.yield
      }) : () -> ()
    }
    %while3A_29 = arith.constant 1 : i32
    scf.for %while3A_48 = %while3A_27 to %while3A_23 step %while3A_29  : i32 {
      %gt3A = arith.constant 0 : i32
      %gt3A_49 = arith.cmpi sgt, %while3A_48, %gt3A : i32
      %rem3A = arith.constant 16 : i32
      %rem3A_50 = arith.remsi %while3A_48, %rem3A : i32
      %eq3A = arith.constant 0 : i32
      %eq3A_51 = arith.cmpi eq, %rem3A_50, %eq3A : i32
      %and3A = arith.andi %gt3A_49, %eq3A_51 : i1
      %convert_element_type3A = arith.extui %and3A : i1 to i32
      %cond3A = arith.constant 0 : i32
      %cond3A_52 = arith.cmpi ne, %convert_element_type3A, %cond3A : i32
      scf.if %cond3A_52 {
        %jit3A = arith.constant 16 : i32
        %div3A = arith.divsi %while3A_48, %jit3A : i32
        %sign3A = arith.constant 0 : i32
        %sign3A_97 = arith.cmpi sgt, %while3A_48, %sign3A : i32
        %sign3A_98 = arith.extui %sign3A_97 : i1 to i32
        %sign3A_99 = arith.constant 0 : i32
        %sign3A_100 = arith.cmpi slt, %while3A_48, %sign3A_99 : i32
        %sign3A_101 = arith.extui %sign3A_100 : i1 to i32
        %sign3A_102 = arith.subi %sign3A_98, %sign3A_101 : i32
        %sign3A_103 = arith.constant 0 : i32
        %sign3A_104 = arith.cmpi sgt, %jit3A, %sign3A_103 : i32
        %sign3A_105 = arith.extui %sign3A_104 : i1 to i32
        %sign3A_106 = arith.constant 0 : i32
        %sign3A_107 = arith.cmpi slt, %jit3A, %sign3A_106 : i32
        %sign3A_108 = arith.extui %sign3A_107 : i1 to i32
        %sign3A_109 = arith.subi %sign3A_105, %sign3A_108 : i32
        %ne3A = arith.cmpi ne, %sign3A_102, %sign3A_109 : i32
        %rem3A_110 = arith.remsi %while3A_48, %jit3A : i32
        %ne3A_111 = arith.constant 0 : i32
        %ne3A_112 = arith.cmpi ne, %rem3A_110, %ne3A_111 : i32
        %and3A_113 = arith.andi %ne3A, %ne3A_112 : i1
        %sub3A = arith.constant 1 : i32
        %sub3A_114 = arith.subi %div3A, %sub3A : i32
        %select_n3A = arith.select %and3A_113, %sub3A_114, %div3A : i32
        %mul3A_115 = arith.constant 16 : i32
        %mul3A_116 = arith.muli %select_n3A, %mul3A_115 : i32
        %add3A_117 = arith.addi %mul3A_2, %mul3A_116 : i32
        "tpu.region"() ({
          %run_scoped3A = tpu.sem_alloc : memref<!tpu.dma_semaphore, #tpu.memory_space<semaphore_mem>>
          %dma_start3A_119 = arith.constant 0 : i32
          %dma_start3A_120 = tpu.memref_slice %arg3[%add3A_117, %dma_start3A_119] : memref<2816x128xi32, #tpu.memory_space<hbm>> -> memref<16x128xi32, #tpu.memory_space<hbm>>
          %dma_start3A_121 = arith.constant 0 : i32
          %dma_start3A_122 = tpu.memref_slice %arg3[%add3A_117, %dma_start3A_121] : memref<2816x128xi32, #tpu.memory_space<hbm>> -> memref<16x128xi32, #tpu.memory_space<hbm>>
          tpu.enqueue_dma source(%dma_start3A_122 : memref<16x128xi32, #tpu.memory_space<hbm>>) target(%arg7 : memref<16x128xi32, #tpu.memory_space<vmem>>) target_semaphore(%run_scoped3A : memref<!tpu.dma_semaphore, #tpu.memory_space<semaphore_mem>>)
          %dma_wait3A_123 = arith.constant 0 : i32
          %dma_wait3A_124 = tpu.memref_slice %arg3[%add3A_117, %dma_wait3A_123] : memref<2816x128xi32, #tpu.memory_space<hbm>> -> memref<16x128xi32, #tpu.memory_space<hbm>>
          %dma_wait3A_125 = arith.constant 0 : i32
          %dma_wait3A_126 = tpu.memref_slice %arg3[%add3A_117, %dma_wait3A_125] : memref<2816x128xi32, #tpu.memory_space<hbm>> -> memref<16x128xi32, #tpu.memory_space<hbm>>
          tpu.wait_dma2 semaphore(%run_scoped3A : memref<!tpu.dma_semaphore, #tpu.memory_space<semaphore_mem>>) src(%dma_wait3A_126 : memref<16x128xi32, #tpu.memory_space<hbm>>) dst(%arg7 : memref<16x128xi32, #tpu.memory_space<vmem>>)
          tpu.yield
        }) : () -> ()
        %add3A_118 = arith.addi %mul3A_2, %mul3A_116 : i32
        "tpu.region"() ({
          %run_scoped3A = tpu.sem_alloc : memref<!tpu.dma_semaphore, #tpu.memory_space<semaphore_mem>>
          %dma_start3A_119 = arith.constant 0 : i32
          %dma_start3A_120 = tpu.memref_slice %arg4[%add3A_118, %dma_start3A_119] : memref<2816x128xi32, #tpu.memory_space<hbm>> -> memref<16x128xi32, #tpu.memory_space<hbm>>
          %dma_start3A_121 = arith.constant 0 : i32
          %dma_start3A_122 = tpu.memref_slice %arg4[%add3A_118, %dma_start3A_121] : memref<2816x128xi32, #tpu.memory_space<hbm>> -> memref<16x128xi32, #tpu.memory_space<hbm>>
          tpu.enqueue_dma source(%dma_start3A_122 : memref<16x128xi32, #tpu.memory_space<hbm>>) target(%arg8 : memref<16x128xi32, #tpu.memory_space<vmem>>) target_semaphore(%run_scoped3A : memref<!tpu.dma_semaphore, #tpu.memory_space<semaphore_mem>>)
          %dma_wait3A_123 = arith.constant 0 : i32
          %dma_wait3A_124 = tpu.memref_slice %arg4[%add3A_118, %dma_wait3A_123] : memref<2816x128xi32, #tpu.memory_space<hbm>> -> memref<16x128xi32, #tpu.memory_space<hbm>>
          %dma_wait3A_125 = arith.constant 0 : i32
          %dma_wait3A_126 = tpu.memref_slice %arg4[%add3A_118, %dma_wait3A_125] : memref<2816x128xi32, #tpu.memory_space<hbm>> -> memref<16x128xi32, #tpu.memory_space<hbm>>
          tpu.wait_dma2 semaphore(%run_scoped3A : memref<!tpu.dma_semaphore, #tpu.memory_space<semaphore_mem>>) src(%dma_wait3A_126 : memref<16x128xi32, #tpu.memory_space<hbm>>) dst(%arg8 : memref<16x128xi32, #tpu.memory_space<vmem>>)
          tpu.yield
        }) : () -> ()
      } else {
      }
      %rem3A_53 = arith.constant 16 : i32
      %rem3A_54 = arith.remsi %while3A_48, %rem3A_53 : i32
      %dma_start3A = arith.constant 0 : i32
      %dma_start3A_55 = arith.constant 0 : i32
      %dma_start3A_56 = arith.constant 0 : i32
      %dma_start3A_57 = tpu.memref_slice %arg9[%dma_start3A, %dma_start3A_55, %dma_start3A_56] : memref<128x2x128xf32, #tpu.memory_space<vmem>> -> memref<64x2x128xf32, #tpu.memory_space<vmem>>
      %dma_start3A_58 = arith.constant 0 : i32
      %dma_start3A_59 = tpu.memref_slice %arg7[%rem3A_54, %dma_start3A_58] : memref<16x128xi32, #tpu.memory_space<vmem>> -> memref<1x64xi32, #tpu.memory_space<vmem>>
      %dma_start3A_60 = tpu.memref_squeeze %dma_start3A_59 : memref<1x64xi32, #tpu.memory_space<vmem>> -> memref<64xi32, #tpu.memory_space<vmem>>
      %dma_start3A_61 = arith.constant 0 : i32
      %dma_start3A_62 = arith.constant 0 : i32
      %dma_start3A_63 = arith.constant 0 : i32
      %dma_start3A_64 = tpu.memref_slice %arg2[%dma_start3A_61, %dma_start3A_62, %dma_start3A_63] : memref<10400x2x128xf32, #tpu.memory_space<hbm>> -> memref<10400x2x128xf32, #tpu.memory_space<hbm>>
      tpu.enqueue_indirect_dma source(%dma_start3A_64 : memref<10400x2x128xf32, #tpu.memory_space<hbm>>) target(%dma_start3A_57 : memref<64x2x128xf32, #tpu.memory_space<vmem>>) offsets(%dma_start3A_60 : memref<64xi32, #tpu.memory_space<vmem>>) semaphore(%arg12 : memref<!tpu.dma_semaphore, #tpu.memory_space<semaphore_mem>>)
      %dma_start3A_65 = arith.constant 64 : i32
      %dma_start3A_66 = arith.constant 0 : i32
      %dma_start3A_67 = arith.constant 0 : i32
      %dma_start3A_68 = tpu.memref_slice %arg9[%dma_start3A_65, %dma_start3A_66, %dma_start3A_67] : memref<128x2x128xf32, #tpu.memory_space<vmem>> -> memref<64x2x128xf32, #tpu.memory_space<vmem>>
      %dma_start3A_69 = arith.constant 64 : i32
      %dma_start3A_70 = tpu.memref_slice %arg7[%rem3A_54, %dma_start3A_69] : memref<16x128xi32, #tpu.memory_space<vmem>> -> memref<1x64xi32, #tpu.memory_space<vmem>>
      %dma_start3A_71 = tpu.memref_squeeze %dma_start3A_70 : memref<1x64xi32, #tpu.memory_space<vmem>> -> memref<64xi32, #tpu.memory_space<vmem>>
      %dma_start3A_72 = arith.constant 0 : i32
      %dma_start3A_73 = arith.constant 0 : i32
      %dma_start3A_74 = arith.constant 0 : i32
      %dma_start3A_75 = tpu.memref_slice %arg2[%dma_start3A_72, %dma_start3A_73, %dma_start3A_74] : memref<10400x2x128xf32, #tpu.memory_space<hbm>> -> memref<10400x2x128xf32, #tpu.memory_space<hbm>>
      tpu.enqueue_indirect_dma source(%dma_start3A_75 : memref<10400x2x128xf32, #tpu.memory_space<hbm>>) target(%dma_start3A_68 : memref<64x2x128xf32, #tpu.memory_space<vmem>>) offsets(%dma_start3A_71 : memref<64xi32, #tpu.memory_space<vmem>>) semaphore(%arg13 : memref<!tpu.dma_semaphore, #tpu.memory_space<semaphore_mem>>)
      %dma_wait3A = arith.constant 0 : i32
      %dma_wait3A_76 = arith.constant 0 : i32
      %dma_wait3A_77 = arith.constant 0 : i32
      %dma_wait3A_78 = tpu.memref_slice %arg9[%dma_wait3A, %dma_wait3A_76, %dma_wait3A_77] : memref<128x2x128xf32, #tpu.memory_space<vmem>> -> memref<64x2x128xf32, #tpu.memory_space<vmem>>
      %dma_wait3A_79 = arith.constant 0 : i32
      %dma_wait3A_80 = tpu.memref_slice %arg7[%rem3A_54, %dma_wait3A_79] : memref<16x128xi32, #tpu.memory_space<vmem>> -> memref<1x64xi32, #tpu.memory_space<vmem>>
      %dma_wait3A_81 = tpu.memref_squeeze %dma_wait3A_80 : memref<1x64xi32, #tpu.memory_space<vmem>> -> memref<64xi32, #tpu.memory_space<vmem>>
      %dma_wait3A_82 = arith.constant 0 : i32
      %dma_wait3A_83 = arith.constant 0 : i32
      %dma_wait3A_84 = arith.constant 0 : i32
      %dma_wait3A_85 = tpu.memref_slice %arg2[%dma_wait3A_82, %dma_wait3A_83, %dma_wait3A_84] : memref<10400x2x128xf32, #tpu.memory_space<hbm>> -> memref<10400x2x128xf32, #tpu.memory_space<hbm>>
      tpu.wait_indirect_dma semaphore(%arg12 : memref<!tpu.dma_semaphore, #tpu.memory_space<semaphore_mem>>) src(%dma_wait3A_85 : memref<10400x2x128xf32, #tpu.memory_space<hbm>>) dst(%dma_wait3A_78 : memref<64x2x128xf32, #tpu.memory_space<vmem>>)
      %dma_wait3A_86 = arith.constant 64 : i32
      %dma_wait3A_87 = arith.constant 0 : i32
      %dma_wait3A_88 = arith.constant 0 : i32
      %dma_wait3A_89 = tpu.memref_slice %arg9[%dma_wait3A_86, %dma_wait3A_87, %dma_wait3A_88] : memref<128x2x128xf32, #tpu.memory_space<vmem>> -> memref<64x2x128xf32, #tpu.memory_space<vmem>>
      %dma_wait3A_90 = arith.constant 64 : i32
      %dma_wait3A_91 = tpu.memref_slice %arg7[%rem3A_54, %dma_wait3A_90] : memref<16x128xi32, #tpu.memory_space<vmem>> -> memref<1x64xi32, #tpu.memory_space<vmem>>
      %dma_wait3A_92 = tpu.memref_squeeze %dma_wait3A_91 : memref<1x64xi32, #tpu.memory_space<vmem>> -> memref<64xi32, #tpu.memory_space<vmem>>
      %dma_wait3A_93 = arith.constant 0 : i32
      %dma_wait3A_94 = arith.constant 0 : i32
      %dma_wait3A_95 = arith.constant 0 : i32
      %dma_wait3A_96 = tpu.memref_slice %arg2[%dma_wait3A_93, %dma_wait3A_94, %dma_wait3A_95] : memref<10400x2x128xf32, #tpu.memory_space<hbm>> -> memref<10400x2x128xf32, #tpu.memory_space<hbm>>
      tpu.wait_indirect_dma semaphore(%arg13 : memref<!tpu.dma_semaphore, #tpu.memory_space<semaphore_mem>>) src(%dma_wait3A_96 : memref<10400x2x128xf32, #tpu.memory_space<hbm>>) dst(%dma_wait3A_89 : memref<64x2x128xf32, #tpu.memory_space<vmem>>)
      "tpu.region"() ({
        %run_scoped3A = tpu.sem_alloc : memref<!tpu.dma_semaphore, #tpu.memory_space<semaphore_mem>>
        %dma_start3A_97 = arith.constant 0 : i32
        %dma_start3A_98 = tpu.memref_slice %arg8[%rem3A_54, %dma_start3A_97] : memref<16x128xi32, #tpu.memory_space<vmem>> -> memref<1x128xi32, #tpu.memory_space<vmem>>
        %dma_start3A_99 = tpu.memref_squeeze %dma_start3A_98 : memref<1x128xi32, #tpu.memory_space<vmem>> -> memref<128xi32, #tpu.memory_space<vmem>>
        %dma_start3A_100 = arith.constant 0 : i32
        %dma_start3A_101 = arith.constant 0 : i32
        %dma_start3A_102 = arith.constant 0 : i32
        %dma_start3A_103 = tpu.memref_slice %arg11[%dma_start3A_100, %dma_start3A_101, %dma_start3A_102] : memref<5248x2x128xf32, #tpu.memory_space<vmem_shared>> -> memref<5248x2x128xf32, #tpu.memory_space<vmem_shared>>
        tpu.enqueue_indirect_dma source(%arg9 : memref<128x2x128xf32, #tpu.memory_space<vmem>>) target(%dma_start3A_103 : memref<5248x2x128xf32, #tpu.memory_space<vmem_shared>>) offsets(%dma_start3A_99 : memref<128xi32, #tpu.memory_space<vmem>>) semaphore(%run_scoped3A : memref<!tpu.dma_semaphore, #tpu.memory_space<semaphore_mem>>) {add = true}
        %dma_wait3A_104 = arith.constant 0 : i32
        %dma_wait3A_105 = tpu.memref_slice %arg8[%rem3A_54, %dma_wait3A_104] : memref<16x128xi32, #tpu.memory_space<vmem>> -> memref<1x128xi32, #tpu.memory_space<vmem>>
        %dma_wait3A_106 = tpu.memref_squeeze %dma_wait3A_105 : memref<1x128xi32, #tpu.memory_space<vmem>> -> memref<128xi32, #tpu.memory_space<vmem>>
        %dma_wait3A_107 = arith.constant 0 : i32
        %dma_wait3A_108 = arith.constant 0 : i32
        %dma_wait3A_109 = arith.constant 0 : i32
        %dma_wait3A_110 = tpu.memref_slice %arg11[%dma_wait3A_107, %dma_wait3A_108, %dma_wait3A_109] : memref<5248x2x128xf32, #tpu.memory_space<vmem_shared>> -> memref<5248x2x128xf32, #tpu.memory_space<vmem_shared>>
        tpu.wait_indirect_dma semaphore(%run_scoped3A : memref<!tpu.dma_semaphore, #tpu.memory_space<semaphore_mem>>) src(%arg9 : memref<128x2x128xf32, #tpu.memory_space<vmem>>) dst(%dma_wait3A_110 : memref<5248x2x128xf32, #tpu.memory_space<vmem_shared>>)
        tpu.yield
      }) : () -> ()
    }
    %barrier3A_30 = arith.constant 0 : index
    tpu.barrier barrier_id(%barrier3A_30)
    %mul3A_31 = arith.constant 5600 : i32
    %mul3A_32 = arith.muli %arg0, %mul3A_31 : i32
    %mul3A_33 = arith.constant 328 : i32
    %mul3A_34 = arith.muli %arg1, %mul3A_33 : i32
    %add3A_35 = arith.addi %mul3A_32, %mul3A_34 : i32
    %add3A_36 = arith.constant 0 : i32
    %add3A_37 = arith.addi %mul3A_14, %add3A_36 : i32
    %add3A_38 = arith.constant 0 : i32
    %add3A_39 = arith.addi %add3A_35, %add3A_38 : i32
    "tpu.region"() ({
      %run_scoped3A = tpu.sem_alloc : memref<!tpu.dma_semaphore, #tpu.memory_space<semaphore_mem>>
      %dma_start3A = arith.constant 0 : i32
      %dma_start3A_48 = arith.constant 0 : i32
      %dma_start3A_49 = tpu.memref_slice %arg6[%add3A_39, %dma_start3A, %dma_start3A_48] : memref<10848x2x128xf32, #tpu.memory_space<hbm>> -> memref<128x2x128xf32, #tpu.memory_space<hbm>>
      %dma_start3A_50 = arith.constant 0 : i32
      %dma_start3A_51 = arith.constant 0 : i32
      %dma_start3A_52 = tpu.memref_slice %arg11[%add3A_37, %dma_start3A_50, %dma_start3A_51] : memref<5248x2x128xf32, #tpu.memory_space<vmem_shared>> -> memref<128x2x128xf32, #tpu.memory_space<vmem_shared>>
      tpu.enqueue_dma source(%dma_start3A_52 : memref<128x2x128xf32, #tpu.memory_space<vmem_shared>>) target(%dma_start3A_49 : memref<128x2x128xf32, #tpu.memory_space<hbm>>) target_semaphore(%run_scoped3A : memref<!tpu.dma_semaphore, #tpu.memory_space<semaphore_mem>>)
      %dma_wait3A = arith.constant 0 : i32
      %dma_wait3A_53 = arith.constant 0 : i32
      %dma_wait3A_54 = tpu.memref_slice %arg6[%add3A_39, %dma_wait3A, %dma_wait3A_53] : memref<10848x2x128xf32, #tpu.memory_space<hbm>> -> memref<128x2x128xf32, #tpu.memory_space<hbm>>
      %dma_wait3A_55 = arith.constant 0 : i32
      %dma_wait3A_56 = arith.constant 0 : i32
      %dma_wait3A_57 = tpu.memref_slice %arg11[%add3A_37, %dma_wait3A_55, %dma_wait3A_56] : memref<5248x2x128xf32, #tpu.memory_space<vmem_shared>> -> memref<128x2x128xf32, #tpu.memory_space<vmem_shared>>
      tpu.wait_dma2 semaphore(%run_scoped3A : memref<!tpu.dma_semaphore, #tpu.memory_space<semaphore_mem>>) src(%dma_wait3A_57 : memref<128x2x128xf32, #tpu.memory_space<vmem_shared>>) dst(%dma_wait3A_54 : memref<128x2x128xf32, #tpu.memory_space<hbm>>)
      tpu.yield
    }) : () -> ()
    %add3A_40 = arith.constant 128 : i32
    %add3A_41 = arith.addi %mul3A_14, %add3A_40 : i32
    %add3A_42 = arith.constant 128 : i32
    %add3A_43 = arith.addi %add3A_35, %add3A_42 : i32
    "tpu.region"() ({
      %run_scoped3A = tpu.sem_alloc : memref<!tpu.dma_semaphore, #tpu.memory_space<semaphore_mem>>
      %dma_start3A = arith.constant 0 : i32
      %dma_start3A_48 = arith.constant 0 : i32
      %dma_start3A_49 = tpu.memref_slice %arg6[%add3A_43, %dma_start3A, %dma_start3A_48] : memref<10848x2x128xf32, #tpu.memory_space<hbm>> -> memref<128x2x128xf32, #tpu.memory_space<hbm>>
      %dma_start3A_50 = arith.constant 0 : i32
      %dma_start3A_51 = arith.constant 0 : i32
      %dma_start3A_52 = tpu.memref_slice %arg11[%add3A_41, %dma_start3A_50, %dma_start3A_51] : memref<5248x2x128xf32, #tpu.memory_space<vmem_shared>> -> memref<128x2x128xf32, #tpu.memory_space<vmem_shared>>
      tpu.enqueue_dma source(%dma_start3A_52 : memref<128x2x128xf32, #tpu.memory_space<vmem_shared>>) target(%dma_start3A_49 : memref<128x2x128xf32, #tpu.memory_space<hbm>>) target_semaphore(%run_scoped3A : memref<!tpu.dma_semaphore, #tpu.memory_space<semaphore_mem>>)
      %dma_wait3A = arith.constant 0 : i32
      %dma_wait3A_53 = arith.constant 0 : i32
      %dma_wait3A_54 = tpu.memref_slice %arg6[%add3A_43, %dma_wait3A, %dma_wait3A_53] : memref<10848x2x128xf32, #tpu.memory_space<hbm>> -> memref<128x2x128xf32, #tpu.memory_space<hbm>>
      %dma_wait3A_55 = arith.constant 0 : i32
      %dma_wait3A_56 = arith.constant 0 : i32
      %dma_wait3A_57 = tpu.memref_slice %arg11[%add3A_41, %dma_wait3A_55, %dma_wait3A_56] : memref<5248x2x128xf32, #tpu.memory_space<vmem_shared>> -> memref<128x2x128xf32, #tpu.memory_space<vmem_shared>>
      tpu.wait_dma2 semaphore(%run_scoped3A : memref<!tpu.dma_semaphore, #tpu.memory_space<semaphore_mem>>) src(%dma_wait3A_57 : memref<128x2x128xf32, #tpu.memory_space<vmem_shared>>) dst(%dma_wait3A_54 : memref<128x2x128xf32, #tpu.memory_space<hbm>>)
      tpu.yield
    }) : () -> ()
    %add3A_44 = arith.constant 256 : i32
    %add3A_45 = arith.addi %mul3A_14, %add3A_44 : i32
    %add3A_46 = arith.constant 256 : i32
    %add3A_47 = arith.addi %add3A_35, %add3A_46 : i32
    "tpu.region"() ({
      %run_scoped3A = tpu.sem_alloc : memref<!tpu.dma_semaphore, #tpu.memory_space<semaphore_mem>>
      %dma_start3A = arith.constant 0 : i32
      %dma_start3A_48 = arith.constant 0 : i32
      %dma_start3A_49 = tpu.memref_slice %arg6[%add3A_47, %dma_start3A, %dma_start3A_48] : memref<10848x2x128xf32, #tpu.memory_space<hbm>> -> memref<72x2x128xf32, #tpu.memory_space<hbm>>
      %dma_start3A_50 = arith.constant 0 : i32
      %dma_start3A_51 = arith.constant 0 : i32
      %dma_start3A_52 = tpu.memref_slice %arg11[%add3A_45, %dma_start3A_50, %dma_start3A_51] : memref<5248x2x128xf32, #tpu.memory_space<vmem_shared>> -> memref<72x2x128xf32, #tpu.memory_space<vmem_shared>>
      tpu.enqueue_dma source(%dma_start3A_52 : memref<72x2x128xf32, #tpu.memory_space<vmem_shared>>) target(%dma_start3A_49 : memref<72x2x128xf32, #tpu.memory_space<hbm>>) target_semaphore(%run_scoped3A : memref<!tpu.dma_semaphore, #tpu.memory_space<semaphore_mem>>)
      %dma_wait3A = arith.constant 0 : i32
      %dma_wait3A_53 = arith.constant 0 : i32
      %dma_wait3A_54 = tpu.memref_slice %arg6[%add3A_47, %dma_wait3A, %dma_wait3A_53] : memref<10848x2x128xf32, #tpu.memory_space<hbm>> -> memref<72x2x128xf32, #tpu.memory_space<hbm>>
      %dma_wait3A_55 = arith.constant 0 : i32
      %dma_wait3A_56 = arith.constant 0 : i32
      %dma_wait3A_57 = tpu.memref_slice %arg11[%add3A_45, %dma_wait3A_55, %dma_wait3A_56] : memref<5248x2x128xf32, #tpu.memory_space<vmem_shared>> -> memref<72x2x128xf32, #tpu.memory_space<vmem_shared>>
      tpu.wait_dma2 semaphore(%run_scoped3A : memref<!tpu.dma_semaphore, #tpu.memory_space<semaphore_mem>>) src(%dma_wait3A_57 : memref<72x2x128xf32, #tpu.memory_space<vmem_shared>>) dst(%dma_wait3A_54 : memref<72x2x128xf32, #tpu.memory_space<hbm>>)
      tpu.yield
    }) : () -> ()
    return
  }
}

#map = affine_map<(d0, d1) -> (0, 0, 0)>
#map1 = affine_map<(d0, d1) -> (0, 0)>
#map2 = affine_map<(d0, d1) -> (0)>
module attributes {stable_mosaic.version = 14 : i64} {
  func.func @_sc_gather_scatter(%arg0: i32, %arg1: i32, %arg2: memref<10400x2x128xf32, #tpu.memory_space<hbm>>, %arg3: memref<2816x128xi32, #tpu.memory_space<hbm>>, %arg4: memref<2816x128xi32, #tpu.memory_space<hbm>>, %arg5: memref<512xi32, #tpu.memory_space<hbm>>, %arg6: memref<10848x2x128xf32, #tpu.memory_space<hbm>>, %arg7: memref<16x128xi32, #tpu.memory_space<vmem>>, %arg8: memref<16x128xi32, #tpu.memory_space<vmem>>, %arg9: memref<128x2x128xf32, #tpu.memory_space<vmem>>, %arg10: memref<16xi32, #tpu.memory_space<vmem>>, %arg11: memref<5248x2x128xf32, #tpu.memory_space<vmem_shared>>, %arg12: memref<!tpu.dma_semaphore, #tpu.memory_space<semaphore_mem>>, %arg13: memref<!tpu.dma_semaphore, #tpu.memory_space<semaphore_mem>>) attributes {dimension_semantics = [#tpu.dimension_semantics<core_parallel>, #tpu.dimension_semantics<subcore_parallel>], iteration_bounds = array<i64: 2, 16>, scalar_prefetch = 0 : i64, scratch_operands = 7 : i64, tpu.core_type = #tpu.core_type<sc_vector_subcore>, window_params = [{transform_indices = #map}, {transform_indices = #map1}, {transform_indices = #map1}, {transform_indices = #map2}, {transform_indices = #map}]} {
    %mul3A = arith.constant 16 : i32
    %mul3A_0 = arith.muli %arg0, %mul3A : i32
    %add3A = arith.addi %mul3A_0, %arg1 : i32
    %mul3A_1 = arith.constant 88 : i32
    %mul3A_2 = arith.muli %add3A, %mul3A_1 : i32
    %mul3A_3 = arith.constant 16 : i32
    %mul3A_4 = arith.muli %add3A, %mul3A_3 : i32
    "tpu.region"() ({
      %run_scoped3A = tpu.sem_alloc : memref<!tpu.dma_semaphore, #tpu.memory_space<semaphore_mem>>
      %dma_start3A = tpu.memref_slice %arg5[%mul3A_4] : memref<512xi32, #tpu.memory_space<hbm>> -> memref<16xi32, #tpu.memory_space<hbm>>
      %dma_start3A_48 = tpu.memref_slice %arg5[%mul3A_4] : memref<512xi32, #tpu.memory_space<hbm>> -> memref<16xi32, #tpu.memory_space<hbm>>
      tpu.enqueue_dma source(%dma_start3A_48 : memref<16xi32, #tpu.memory_space<hbm>>) target(%arg10 : memref<16xi32, #tpu.memory_space<vmem>>) target_semaphore(%run_scoped3A : memref<!tpu.dma_semaphore, #tpu.memory_space<semaphore_mem>>)
      %dma_wait3A = tpu.memref_slice %arg5[%mul3A_4] : memref<512xi32, #tpu.memory_space<hbm>> -> memref<16xi32, #tpu.memory_space<hbm>>
      %dma_wait3A_49 = tpu.memref_slice %arg5[%mul3A_4] : memref<512xi32, #tpu.memory_space<hbm>> -> memref<16xi32, #tpu.memory_space<hbm>>
      tpu.wait_dma2 semaphore(%run_scoped3A : memref<!tpu.dma_semaphore, #tpu.memory_space<semaphore_mem>>) src(%dma_wait3A_49 : memref<16xi32, #tpu.memory_space<hbm>>) dst(%arg10 : memref<16xi32, #tpu.memory_space<vmem>>)
      tpu.yield
    }) : () -> ()
    %get3A = arith.constant 0 : index
    %get3A_5 = tpu.vector_load %arg10[%get3A] {strides = array<i32>} : memref<16xi32, #tpu.memory_space<vmem>>, vector<16xi32>,
    %get3A_6 = vector.shape_cast %get3A_5 : vector<16xi32> to vector<16xi32>
    %slice3A = vector.extract_strided_slice %get3A_6 {offsets = [0], sizes = [1], strides = [1]} : vector<16xi32> to vector<1xi32>
    %squeeze3A = vector.extract %slice3A[0] : i32 from vector<1xi32>
    "tpu.region"() ({
      %run_scoped3A = tpu.sem_alloc : memref<!tpu.dma_semaphore, #tpu.memory_space<semaphore_mem>>
      %dma_start3A = arith.constant 0 : i32
      %dma_start3A_48 = tpu.memref_slice %arg3[%mul3A_2, %dma_start3A] : memref<2816x128xi32, #tpu.memory_space<hbm>> -> memref<16x128xi32, #tpu.memory_space<hbm>>
      %dma_start3A_49 = arith.constant 0 : i32
      %dma_start3A_50 = tpu.memref_slice %arg3[%mul3A_2, %dma_start3A_49] : memref<2816x128xi32, #tpu.memory_space<hbm>> -> memref<16x128xi32, #tpu.memory_space<hbm>>
      tpu.enqueue_dma source(%dma_start3A_50 : memref<16x128xi32, #tpu.memory_space<hbm>>) target(%arg7 : memref<16x128xi32, #tpu.memory_space<vmem>>) target_semaphore(%run_scoped3A : memref<!tpu.dma_semaphore, #tpu.memory_space<semaphore_mem>>)
      %dma_wait3A = arith.constant 0 : i32
      %dma_wait3A_51 = tpu.memref_slice %arg3[%mul3A_2, %dma_wait3A] : memref<2816x128xi32, #tpu.memory_space<hbm>> -> memref<16x128xi32, #tpu.memory_space<hbm>>
      %dma_wait3A_52 = arith.constant 0 : i32
      %dma_wait3A_53 = tpu.memref_slice %arg3[%mul3A_2, %dma_wait3A_52] : memref<2816x128xi32, #tpu.memory_space<hbm>> -> memref<16x128xi32, #tpu.memory_space<hbm>>
      tpu.wait_dma2 semaphore(%run_scoped3A : memref<!tpu.dma_semaphore, #tpu.memory_space<semaphore_mem>>) src(%dma_wait3A_53 : memref<16x128xi32, #tpu.memory_space<hbm>>) dst(%arg7 : memref<16x128xi32, #tpu.memory_space<vmem>>)
      tpu.yield
    }) : () -> ()
    "tpu.region"() ({
      %run_scoped3A = tpu.sem_alloc : memref<!tpu.dma_semaphore, #tpu.memory_space<semaphore_mem>>
      %dma_start3A = arith.constant 0 : i32
      %dma_start3A_48 = tpu.memref_slice %arg4[%mul3A_2, %dma_start3A] : memref<2816x128xi32, #tpu.memory_space<hbm>> -> memref<16x128xi32, #tpu.memory_space<hbm>>
      %dma_start3A_49 = arith.constant 0 : i32
      %dma_start3A_50 = tpu.memref_slice %arg4[%mul3A_2, %dma_start3A_49] : memref<2816x128xi32, #tpu.memory_space<hbm>> -> memref<16x128xi32, #tpu.memory_space<hbm>>
      tpu.enqueue_dma source(%dma_start3A_50 : memref<16x128xi32, #tpu.memory_space<hbm>>) target(%arg8 : memref<16x128xi32, #tpu.memory_space<vmem>>) target_semaphore(%run_scoped3A : memref<!tpu.dma_semaphore, #tpu.memory_space<semaphore_mem>>)
      %dma_wait3A = arith.constant 0 : i32
      %dma_wait3A_51 = tpu.memref_slice %arg4[%mul3A_2, %dma_wait3A] : memref<2816x128xi32, #tpu.memory_space<hbm>> -> memref<16x128xi32, #tpu.memory_space<hbm>>
      %dma_wait3A_52 = arith.constant 0 : i32
      %dma_wait3A_53 = tpu.memref_slice %arg4[%mul3A_2, %dma_wait3A_52] : memref<2816x128xi32, #tpu.memory_space<hbm>> -> memref<16x128xi32, #tpu.memory_space<hbm>>
      tpu.wait_dma2 semaphore(%run_scoped3A : memref<!tpu.dma_semaphore, #tpu.memory_space<semaphore_mem>>) src(%dma_wait3A_53 : memref<16x128xi32, #tpu.memory_space<hbm>>) dst(%arg8 : memref<16x128xi32, #tpu.memory_space<vmem>>)
      tpu.yield
    }) : () -> ()
    %broadcast_in_dim3A = arith.constant 0.000000e+00 : f32
    %broadcast_in_dim3A_7 = vector.broadcast %broadcast_in_dim3A : f32 to vector<16xf32>
    %scan3A = arith.constant 0 : i32
    %scan3A_8 = arith.constant 0 : i32
    %scan3A_9 = arith.constant 128 : i32
    %scan3A_10 = arith.addi %scan3A_8, %scan3A_9 : i32
    %scan3A_11 = arith.constant 1 : i32
    scf.for %scan3A_48 = %scan3A_8 to %scan3A_10 step %scan3A_11  : i32 {
      %swap3A = arith.constant 0 : i32
      %swap3A_49 = arith.index_cast %scan3A_48 : i32 to index
      %swap3A_50 = arith.index_cast %swap3A : i32 to index
      %swap3A_51 = arith.constant 0 : index
      %swap3A_52 = tpu.vector_load %arg9[%swap3A_49, %swap3A_50, %swap3A_51] {strides = array<i32>} : memref<128x2x128xf32, #tpu.memory_space<vmem>>, vector<1x1x16xf32>,
      %swap3A_53 = vector.shape_cast %swap3A_52 : vector<1x1x16xf32> to vector<16xf32>
      %swap3A_54 = vector.shape_cast %broadcast_in_dim3A_7 : vector<16xf32> to vector<1x1x16xf32>
      tpu.vector_store %arg9[%swap3A_49, %swap3A_50, %swap3A_51], %swap3A_54 {strides = array<i32>} : memref<128x2x128xf32, #tpu.memory_space<vmem>>, vector<1x1x16xf32>,
      %swap3A_55 = arith.constant 0 : i32
      %swap3A_56 = arith.index_cast %scan3A_48 : i32 to index
      %swap3A_57 = arith.index_cast %swap3A_55 : i32 to index
      %swap3A_58 = arith.constant 16 : index
      %swap3A_59 = tpu.vector_load %arg9[%swap3A_56, %swap3A_57, %swap3A_58] {strides = array<i32>} : memref<128x2x128xf32, #tpu.memory_space<vmem>>, vector<1x1x16xf32>,
      %swap3A_60 = vector.shape_cast %swap3A_59 : vector<1x1x16xf32> to vector<16xf32>
      %swap3A_61 = vector.shape_cast %broadcast_in_dim3A_7 : vector<16xf32> to vector<1x1x16xf32>
      tpu.vector_store %arg9[%swap3A_56, %swap3A_57, %swap3A_58], %swap3A_61 {strides = array<i32>} : memref<128x2x128xf32, #tpu.memory_space<vmem>>, vector<1x1x16xf32>,
      %swap3A_62 = arith.constant 0 : i32
      %swap3A_63 = arith.index_cast %scan3A_48 : i32 to index
      %swap3A_64 = arith.index_cast %swap3A_62 : i32 to index
      %swap3A_65 = arith.constant 32 : index
      %swap3A_66 = tpu.vector_load %arg9[%swap3A_63, %swap3A_64, %swap3A_65] {strides = array<i32>} : memref<128x2x128xf32, #tpu.memory_space<vmem>>, vector<1x1x16xf32>,
      %swap3A_67 = vector.shape_cast %swap3A_66 : vector<1x1x16xf32> to vector<16xf32>
      %swap3A_68 = vector.shape_cast %broadcast_in_dim3A_7 : vector<16xf32> to vector<1x1x16xf32>
      tpu.vector_store %arg9[%swap3A_63, %swap3A_64, %swap3A_65], %swap3A_68 {strides = array<i32>} : memref<128x2x128xf32, #tpu.memory_space<vmem>>, vector<1x1x16xf32>,
      %swap3A_69 = arith.constant 0 : i32
      %swap3A_70 = arith.index_cast %scan3A_48 : i32 to index
      %swap3A_71 = arith.index_cast %swap3A_69 : i32 to index
      %swap3A_72 = arith.constant 48 : index
      %swap3A_73 = tpu.vector_load %arg9[%swap3A_70, %swap3A_71, %swap3A_72] {strides = array<i32>} : memref<128x2x128xf32, #tpu.memory_space<vmem>>, vector<1x1x16xf32>,
      %swap3A_74 = vector.shape_cast %swap3A_73 : vector<1x1x16xf32> to vector<16xf32>
      %swap3A_75 = vector.shape_cast %broadcast_in_dim3A_7 : vector<16xf32> to vector<1x1x16xf32>
      tpu.vector_store %arg9[%swap3A_70, %swap3A_71, %swap3A_72], %swap3A_75 {strides = array<i32>} : memref<128x2x128xf32, #tpu.memory_space<vmem>>, vector<1x1x16xf32>,
      %swap3A_76 = arith.constant 0 : i32
      %swap3A_77 = arith.index_cast %scan3A_48 : i32 to index
      %swap3A_78 = arith.index_cast %swap3A_76 : i32 to index
      %swap3A_79 = arith.constant 64 : index
      %swap3A_80 = tpu.vector_load %arg9[%swap3A_77, %swap3A_78, %swap3A_79] {strides = array<i32>} : memref<128x2x128xf32, #tpu.memory_space<vmem>>, vector<1x1x16xf32>,
      %swap3A_81 = vector.shape_cast %swap3A_80 : vector<1x1x16xf32> to vector<16xf32>
      %swap3A_82 = vector.shape_cast %broadcast_in_dim3A_7 : vector<16xf32> to vector<1x1x16xf32>
      tpu.vector_store %arg9[%swap3A_77, %swap3A_78, %swap3A_79], %swap3A_82 {strides = array<i32>} : memref<128x2x128xf32, #tpu.memory_space<vmem>>, vector<1x1x16xf32>,
      %swap3A_83 = arith.constant 0 : i32
      %swap3A_84 = arith.index_cast %scan3A_48 : i32 to index
      %swap3A_85 = arith.index_cast %swap3A_83 : i32 to index
      %swap3A_86 = arith.constant 80 : index
      %swap3A_87 = tpu.vector_load %arg9[%swap3A_84, %swap3A_85, %swap3A_86] {strides = array<i32>} : memref<128x2x128xf32, #tpu.memory_space<vmem>>, vector<1x1x16xf32>,
      %swap3A_88 = vector.shape_cast %swap3A_87 : vector<1x1x16xf32> to vector<16xf32>
      %swap3A_89 = vector.shape_cast %broadcast_in_dim3A_7 : vector<16xf32> to vector<1x1x16xf32>
      tpu.vector_store %arg9[%swap3A_84, %swap3A_85, %swap3A_86], %swap3A_89 {strides = array<i32>} : memref<128x2x128xf32, #tpu.memory_space<vmem>>, vector<1x1x16xf32>,
      %swap3A_90 = arith.constant 0 : i32
      %swap3A_91 = arith.index_cast %scan3A_48 : i32 to index
      %swap3A_92 = arith.index_cast %swap3A_90 : i32 to index
      %swap3A_93 = arith.constant 96 : index
      %swap3A_94 = tpu.vector_load %arg9[%swap3A_91, %swap3A_92, %swap3A_93] {strides = array<i32>} : memref<128x2x128xf32, #tpu.memory_space<vmem>>, vector<1x1x16xf32>,
      %swap3A_95 = vector.shape_cast %swap3A_94 : vector<1x1x16xf32> to vector<16xf32>
      %swap3A_96 = vector.shape_cast %broadcast_in_dim3A_7 : vector<16xf32> to vector<1x1x16xf32>
      tpu.vector_store %arg9[%swap3A_91, %swap3A_92, %swap3A_93], %swap3A_96 {strides = array<i32>} : memref<128x2x128xf32, #tpu.memory_space<vmem>>, vector<1x1x16xf32>,
      %swap3A_97 = arith.constant 0 : i32
      %swap3A_98 = arith.index_cast %scan3A_48 : i32 to index
      %swap3A_99 = arith.index_cast %swap3A_97 : i32 to index
      %swap3A_100 = arith.constant 112 : index
      %swap3A_101 = tpu.vector_load %arg9[%swap3A_98, %swap3A_99, %swap3A_100] {strides = array<i32>} : memref<128x2x128xf32, #tpu.memory_space<vmem>>, vector<1x1x16xf32>,
      %swap3A_102 = vector.shape_cast %swap3A_101 : vector<1x1x16xf32> to vector<16xf32>
      %swap3A_103 = vector.shape_cast %broadcast_in_dim3A_7 : vector<16xf32> to vector<1x1x16xf32>
      tpu.vector_store %arg9[%swap3A_98, %swap3A_99, %swap3A_100], %swap3A_103 {strides = array<i32>} : memref<128x2x128xf32, #tpu.memory_space<vmem>>, vector<1x1x16xf32>,
      %swap3A_104 = arith.constant 1 : i32
      %swap3A_105 = arith.index_cast %scan3A_48 : i32 to index
      %swap3A_106 = arith.index_cast %swap3A_104 : i32 to index
      %swap3A_107 = arith.constant 0 : index
      %swap3A_108 = tpu.vector_load %arg9[%swap3A_105, %swap3A_106, %swap3A_107] {strides = array<i32>} : memref<128x2x128xf32, #tpu.memory_space<vmem>>, vector<1x1x16xf32>,
      %swap3A_109 = vector.shape_cast %swap3A_108 : vector<1x1x16xf32> to vector<16xf32>
      %swap3A_110 = vector.shape_cast %broadcast_in_dim3A_7 : vector<16xf32> to vector<1x1x16xf32>
      tpu.vector_store %arg9[%swap3A_105, %swap3A_106, %swap3A_107], %swap3A_110 {strides = array<i32>} : memref<128x2x128xf32, #tpu.memory_space<vmem>>, vector<1x1x16xf32>,
      %swap3A_111 = arith.constant 1 : i32
      %swap3A_112 = arith.index_cast %scan3A_48 : i32 to index
      %swap3A_113 = arith.index_cast %swap3A_111 : i32 to index
      %swap3A_114 = arith.constant 16 : index
      %swap3A_115 = tpu.vector_load %arg9[%swap3A_112, %swap3A_113, %swap3A_114] {strides = array<i32>} : memref<128x2x128xf32, #tpu.memory_space<vmem>>, vector<1x1x16xf32>,
      %swap3A_116 = vector.shape_cast %swap3A_115 : vector<1x1x16xf32> to vector<16xf32>
      %swap3A_117 = vector.shape_cast %broadcast_in_dim3A_7 : vector<16xf32> to vector<1x1x16xf32>
      tpu.vector_store %arg9[%swap3A_112, %swap3A_113, %swap3A_114], %swap3A_117 {strides = array<i32>} : memref<128x2x128xf32, #tpu.memory_space<vmem>>, vector<1x1x16xf32>,
      %swap3A_118 = arith.constant 1 : i32
      %swap3A_119 = arith.index_cast %scan3A_48 : i32 to index
      %swap3A_120 = arith.index_cast %swap3A_118 : i32 to index
      %swap3A_121 = arith.constant 32 : index
      %swap3A_122 = tpu.vector_load %arg9[%swap3A_119, %swap3A_120, %swap3A_121] {strides = array<i32>} : memref<128x2x128xf32, #tpu.memory_space<vmem>>, vector<1x1x16xf32>,
      %swap3A_123 = vector.shape_cast %swap3A_122 : vector<1x1x16xf32> to vector<16xf32>
      %swap3A_124 = vector.shape_cast %broadcast_in_dim3A_7 : vector<16xf32> to vector<1x1x16xf32>
      tpu.vector_store %arg9[%swap3A_119, %swap3A_120, %swap3A_121], %swap3A_124 {strides = array<i32>} : memref<128x2x128xf32, #tpu.memory_space<vmem>>, vector<1x1x16xf32>,
      %swap3A_125 = arith.constant 1 : i32
      %swap3A_126 = arith.index_cast %scan3A_48 : i32 to index
      %swap3A_127 = arith.index_cast %swap3A_125 : i32 to index
      %swap3A_128 = arith.constant 48 : index
      %swap3A_129 = tpu.vector_load %arg9[%swap3A_126, %swap3A_127, %swap3A_128] {strides = array<i32>} : memref<128x2x128xf32, #tpu.memory_space<vmem>>, vector<1x1x16xf32>,
      %swap3A_130 = vector.shape_cast %swap3A_129 : vector<1x1x16xf32> to vector<16xf32>
      %swap3A_131 = vector.shape_cast %broadcast_in_dim3A_7 : vector<16xf32> to vector<1x1x16xf32>
      tpu.vector_store %arg9[%swap3A_126, %swap3A_127, %swap3A_128], %swap3A_131 {strides = array<i32>} : memref<128x2x128xf32, #tpu.memory_space<vmem>>, vector<1x1x16xf32>,
      %swap3A_132 = arith.constant 1 : i32
      %swap3A_133 = arith.index_cast %scan3A_48 : i32 to index
      %swap3A_134 = arith.index_cast %swap3A_132 : i32 to index
      %swap3A_135 = arith.constant 64 : index
      %swap3A_136 = tpu.vector_load %arg9[%swap3A_133, %swap3A_134, %swap3A_135] {strides = array<i32>} : memref<128x2x128xf32, #tpu.memory_space<vmem>>, vector<1x1x16xf32>,
      %swap3A_137 = vector.shape_cast %swap3A_136 : vector<1x1x16xf32> to vector<16xf32>
      %swap3A_138 = vector.shape_cast %broadcast_in_dim3A_7 : vector<16xf32> to vector<1x1x16xf32>
      tpu.vector_store %arg9[%swap3A_133, %swap3A_134, %swap3A_135], %swap3A_138 {strides = array<i32>} : memref<128x2x128xf32, #tpu.memory_space<vmem>>, vector<1x1x16xf32>,
      %swap3A_139 = arith.constant 1 : i32
      %swap3A_140 = arith.index_cast %scan3A_48 : i32 to index
      %swap3A_141 = arith.index_cast %swap3A_139 : i32 to index
      %swap3A_142 = arith.constant 80 : index
      %swap3A_143 = tpu.vector_load %arg9[%swap3A_140, %swap3A_141, %swap3A_142] {strides = array<i32>} : memref<128x2x128xf32, #tpu.memory_space<vmem>>, vector<1x1x16xf32>,
      %swap3A_144 = vector.shape_cast %swap3A_143 : vector<1x1x16xf32> to vector<16xf32>
      %swap3A_145 = vector.shape_cast %broadcast_in_dim3A_7 : vector<16xf32> to vector<1x1x16xf32>
      tpu.vector_store %arg9[%swap3A_140, %swap3A_141, %swap3A_142], %swap3A_145 {strides = array<i32>} : memref<128x2x128xf32, #tpu.memory_space<vmem>>, vector<1x1x16xf32>,
      %swap3A_146 = arith.constant 1 : i32
      %swap3A_147 = arith.index_cast %scan3A_48 : i32 to index
      %swap3A_148 = arith.index_cast %swap3A_146 : i32 to index
      %swap3A_149 = arith.constant 96 : index
      %swap3A_150 = tpu.vector_load %arg9[%swap3A_147, %swap3A_148, %swap3A_149] {strides = array<i32>} : memref<128x2x128xf32, #tpu.memory_space<vmem>>, vector<1x1x16xf32>,
      %swap3A_151 = vector.shape_cast %swap3A_150 : vector<1x1x16xf32> to vector<16xf32>
      %swap3A_152 = vector.shape_cast %broadcast_in_dim3A_7 : vector<16xf32> to vector<1x1x16xf32>
      tpu.vector_store %arg9[%swap3A_147, %swap3A_148, %swap3A_149], %swap3A_152 {strides = array<i32>} : memref<128x2x128xf32, #tpu.memory_space<vmem>>, vector<1x1x16xf32>,
      %swap3A_153 = arith.constant 1 : i32
      %swap3A_154 = arith.index_cast %scan3A_48 : i32 to index
      %swap3A_155 = arith.index_cast %swap3A_153 : i32 to index
      %swap3A_156 = arith.constant 112 : index
      %swap3A_157 = tpu.vector_load %arg9[%swap3A_154, %swap3A_155, %swap3A_156] {strides = array<i32>} : memref<128x2x128xf32, #tpu.memory_space<vmem>>, vector<1x1x16xf32>,
      %swap3A_158 = vector.shape_cast %swap3A_157 : vector<1x1x16xf32> to vector<16xf32>
      %swap3A_159 = vector.shape_cast %broadcast_in_dim3A_7 : vector<16xf32> to vector<1x1x16xf32>
      tpu.vector_store %arg9[%swap3A_154, %swap3A_155, %swap3A_156], %swap3A_159 {strides = array<i32>} : memref<128x2x128xf32, #tpu.memory_space<vmem>>, vector<1x1x16xf32>,
    }
    %scan3A_12 = arith.constant 128 : i32
    %mul3A_13 = arith.constant 328 : i32
    %mul3A_14 = arith.muli %arg1, %mul3A_13 : i32
    %add3A_15 = arith.constant 0 : i32
    %add3A_16 = arith.addi %mul3A_14, %add3A_15 : i32
    "tpu.region"() ({
      %run_scoped3A = tpu.sem_alloc : memref<!tpu.dma_semaphore, #tpu.memory_space<semaphore_mem>>
      %dma_start3A = arith.constant 0 : i32
      %dma_start3A_48 = arith.constant 0 : i32
      %dma_start3A_49 = tpu.memref_slice %arg11[%add3A_16, %dma_start3A, %dma_start3A_48] : memref<5248x2x128xf32, #tpu.memory_space<vmem_shared>> -> memref<128x2x128xf32, #tpu.memory_space<vmem_shared>>
      %dma_start3A_50 = arith.constant 0 : i32
      %dma_start3A_51 = arith.constant 0 : i32
      %dma_start3A_52 = tpu.memref_slice %arg11[%add3A_16, %dma_start3A_50, %dma_start3A_51] : memref<5248x2x128xf32, #tpu.memory_space<vmem_shared>> -> memref<128x2x128xf32, #tpu.memory_space<vmem_shared>>
      tpu.enqueue_dma source(%arg9 : memref<128x2x128xf32, #tpu.memory_space<vmem>>) target(%dma_start3A_52 : memref<128x2x128xf32, #tpu.memory_space<vmem_shared>>) target_semaphore(%run_scoped3A : memref<!tpu.dma_semaphore, #tpu.memory_space<semaphore_mem>>)
      %dma_wait3A = arith.constant 0 : i32
      %dma_wait3A_53 = arith.constant 0 : i32
      %dma_wait3A_54 = tpu.memref_slice %arg11[%add3A_16, %dma_wait3A, %dma_wait3A_53] : memref<5248x2x128xf32, #tpu.memory_space<vmem_shared>> -> memref<128x2x128xf32, #tpu.memory_space<vmem_shared>>
      %dma_wait3A_55 = arith.constant 0 : i32
      %dma_wait3A_56 = arith.constant 0 : i32
      %dma_wait3A_57 = tpu.memref_slice %arg11[%add3A_16, %dma_wait3A_55, %dma_wait3A_56] : memref<5248x2x128xf32, #tpu.memory_space<vmem_shared>> -> memref<128x2x128xf32, #tpu.memory_space<vmem_shared>>
      tpu.wait_dma2 semaphore(%run_scoped3A : memref<!tpu.dma_semaphore, #tpu.memory_space<semaphore_mem>>) src(%arg9 : memref<128x2x128xf32, #tpu.memory_space<vmem>>) dst(%dma_wait3A_57 : memref<128x2x128xf32, #tpu.memory_space<vmem_shared>>)
      tpu.yield
    }) : () -> ()
    %add3A_17 = arith.constant 128 : i32
    %add3A_18 = arith.addi %mul3A_14, %add3A_17 : i32
    "tpu.region"() ({
      %run_scoped3A = tpu.sem_alloc : memref<!tpu.dma_semaphore, #tpu.memory_space<semaphore_mem>>
      %dma_start3A = arith.constant 0 : i32
      %dma_start3A_48 = arith.constant 0 : i32
      %dma_start3A_49 = tpu.memref_slice %arg11[%add3A_18, %dma_start3A, %dma_start3A_48] : memref<5248x2x128xf32, #tpu.memory_space<vmem_shared>> -> memref<128x2x128xf32, #tpu.memory_space<vmem_shared>>
      %dma_start3A_50 = arith.constant 0 : i32
      %dma_start3A_51 = arith.constant 0 : i32
      %dma_start3A_52 = tpu.memref_slice %arg11[%add3A_18, %dma_start3A_50, %dma_start3A_51] : memref<5248x2x128xf32, #tpu.memory_space<vmem_shared>> -> memref<128x2x128xf32, #tpu.memory_space<vmem_shared>>
      tpu.enqueue_dma source(%arg9 : memref<128x2x128xf32, #tpu.memory_space<vmem>>) target(%dma_start3A_52 : memref<128x2x128xf32, #tpu.memory_space<vmem_shared>>) target_semaphore(%run_scoped3A : memref<!tpu.dma_semaphore, #tpu.memory_space<semaphore_mem>>)
      %dma_wait3A = arith.constant 0 : i32
      %dma_wait3A_53 = arith.constant 0 : i32
      %dma_wait3A_54 = tpu.memref_slice %arg11[%add3A_18, %dma_wait3A, %dma_wait3A_53] : memref<5248x2x128xf32, #tpu.memory_space<vmem_shared>> -> memref<128x2x128xf32, #tpu.memory_space<vmem_shared>>
      %dma_wait3A_55 = arith.constant 0 : i32
      %dma_wait3A_56 = arith.constant 0 : i32
      %dma_wait3A_57 = tpu.memref_slice %arg11[%add3A_18, %dma_wait3A_55, %dma_wait3A_56] : memref<5248x2x128xf32, #tpu.memory_space<vmem_shared>> -> memref<128x2x128xf32, #tpu.memory_space<vmem_shared>>
      tpu.wait_dma2 semaphore(%run_scoped3A : memref<!tpu.dma_semaphore, #tpu.memory_space<semaphore_mem>>) src(%arg9 : memref<128x2x128xf32, #tpu.memory_space<vmem>>) dst(%dma_wait3A_57 : memref<128x2x128xf32, #tpu.memory_space<vmem_shared>>)
      tpu.yield
    }) : () -> ()
    %add3A_19 = arith.constant 256 : i32
    %add3A_20 = arith.addi %mul3A_14, %add3A_19 : i32
    "tpu.region"() ({
      %run_scoped3A = tpu.sem_alloc : memref<!tpu.dma_semaphore, #tpu.memory_space<semaphore_mem>>
      %dma_start3A = arith.constant 0 : i32
      %dma_start3A_48 = arith.constant 0 : i32
      %dma_start3A_49 = arith.constant 0 : i32
      %dma_start3A_50 = tpu.memref_slice %arg9[%dma_start3A, %dma_start3A_48, %dma_start3A_49] : memref<128x2x128xf32, #tpu.memory_space<vmem>> -> memref<72x2x128xf32, #tpu.memory_space<vmem>>
      %dma_start3A_51 = arith.constant 0 : i32
      %dma_start3A_52 = arith.constant 0 : i32
      %dma_start3A_53 = tpu.memref_slice %arg11[%add3A_20, %dma_start3A_51, %dma_start3A_52] : memref<5248x2x128xf32, #tpu.memory_space<vmem_shared>> -> memref<72x2x128xf32, #tpu.memory_space<vmem_shared>>
      %dma_start3A_54 = arith.constant 0 : i32
      %dma_start3A_55 = arith.constant 0 : i32
      %dma_start3A_56 = tpu.memref_slice %arg11[%add3A_20, %dma_start3A_54, %dma_start3A_55] : memref<5248x2x128xf32, #tpu.memory_space<vmem_shared>> -> memref<72x2x128xf32, #tpu.memory_space<vmem_shared>>
      %dma_start3A_57 = arith.constant 0 : i32
      %dma_start3A_58 = arith.constant 0 : i32
      %dma_start3A_59 = arith.constant 0 : i32
      %dma_start3A_60 = tpu.memref_slice %arg9[%dma_start3A_57, %dma_start3A_58, %dma_start3A_59] : memref<128x2x128xf32, #tpu.memory_space<vmem>> -> memref<72x2x128xf32, #tpu.memory_space<vmem>>
      tpu.enqueue_dma source(%dma_start3A_60 : memref<72x2x128xf32, #tpu.memory_space<vmem>>) target(%dma_start3A_56 : memref<72x2x128xf32, #tpu.memory_space<vmem_shared>>) target_semaphore(%run_scoped3A : memref<!tpu.dma_semaphore, #tpu.memory_space<semaphore_mem>>)
      %dma_wait3A = arith.constant 0 : i32
      %dma_wait3A_61 = arith.constant 0 : i32
      %dma_wait3A_62 = arith.constant 0 : i32
      %dma_wait3A_63 = tpu.memref_slice %arg9[%dma_wait3A, %dma_wait3A_61, %dma_wait3A_62] : memref<128x2x128xf32, #tpu.memory_space<vmem>> -> memref<72x2x128xf32, #tpu.memory_space<vmem>>
      %dma_wait3A_64 = arith.constant 0 : i32
      %dma_wait3A_65 = arith.constant 0 : i32
      %dma_wait3A_66 = tpu.memref_slice %arg11[%add3A_20, %dma_wait3A_64, %dma_wait3A_65] : memref<5248x2x128xf32, #tpu.memory_space<vmem_shared>> -> memref<72x2x128xf32, #tpu.memory_space<vmem_shared>>
      %dma_wait3A_67 = arith.constant 0 : i32
      %dma_wait3A_68 = arith.constant 0 : i32
      %dma_wait3A_69 = tpu.memref_slice %arg11[%add3A_20, %dma_wait3A_67, %dma_wait3A_68] : memref<5248x2x128xf32, #tpu.memory_space<vmem_shared>> -> memref<72x2x128xf32, #tpu.memory_space<vmem_shared>>
      %dma_wait3A_70 = arith.constant 0 : i32
      %dma_wait3A_71 = arith.constant 0 : i32
      %dma_wait3A_72 = arith.constant 0 : i32
      %dma_wait3A_73 = tpu.memref_slice %arg9[%dma_wait3A_70, %dma_wait3A_71, %dma_wait3A_72] : memref<128x2x128xf32, #tpu.memory_space<vmem>> -> memref<72x2x128xf32, #tpu.memory_space<vmem>>
      tpu.wait_dma2 semaphore(%run_scoped3A : memref<!tpu.dma_semaphore, #tpu.memory_space<semaphore_mem>>) src(%dma_wait3A_73 : memref<72x2x128xf32, #tpu.memory_space<vmem>>) dst(%dma_wait3A_69 : memref<72x2x128xf32, #tpu.memory_space<vmem_shared>>)
      tpu.yield
    }) : () -> ()
    %barrier3A = arith.constant 0 : index
    tpu.barrier barrier_id(%barrier3A)
    %while3A = arith.constant 0 : i32
    %while3A_21 = arith.constant 0 : i32
    %while3A_22 = arith.subi %squeeze3A, %while3A_21 : i32
    %while3A_23 = arith.addi %while3A_21, %while3A_22 : i32
    %while3A_24 = arith.constant 1 : i32
    %while3A_25 = arith.divsi %while3A_22, %while3A_24 : i32
    %while3A_26 = arith.muli %while3A_25, %while3A_24 : i32
    %while3A_27 = arith.addi %while3A_21, %while3A_26 : i32
    %while3A_28 = arith.constant 1 : i32
    scf.for %while3A_48 = %while3A_21 to %while3A_27 step %while3A_28  : i32 {
      %gt3A = arith.constant 0 : i32
      %gt3A_49 = arith.cmpi sgt, %while3A_48, %gt3A : i32
      %rem3A = arith.constant 16 : i32
      %rem3A_50 = arith.remsi %while3A_48, %rem3A : i32
      %eq3A = arith.constant 0 : i32
      %eq3A_51 = arith.cmpi eq, %rem3A_50, %eq3A : i32
      %and3A = arith.andi %gt3A_49, %eq3A_51 : i1
      %convert_element_type3A = arith.extui %and3A : i1 to i32
      %cond3A = arith.constant 0 : i32
      %cond3A_52 = arith.cmpi ne, %convert_element_type3A, %cond3A : i32
      scf.if %cond3A_52 {
        %jit3A = arith.constant 16 : i32
        %div3A = arith.divsi %while3A_48, %jit3A : i32
        %sign3A = arith.constant 0 : i32
        %sign3A_97 = arith.cmpi sgt, %while3A_48, %sign3A : i32
        %sign3A_98 = arith.extui %sign3A_97 : i1 to i32
        %sign3A_99 = arith.constant 0 : i32
        %sign3A_100 = arith.cmpi slt, %while3A_48, %sign3A_99 : i32
        %sign3A_101 = arith.extui %sign3A_100 : i1 to i32
        %sign3A_102 = arith.subi %sign3A_98, %sign3A_101 : i32
        %sign3A_103 = arith.constant 0 : i32
        %sign3A_104 = arith.cmpi sgt, %jit3A, %sign3A_103 : i32
        %sign3A_105 = arith.extui %sign3A_104 : i1 to i32
        %sign3A_106 = arith.constant 0 : i32
        %sign3A_107 = arith.cmpi slt, %jit3A, %sign3A_106 : i32
        %sign3A_108 = arith.extui %sign3A_107 : i1 to i32
        %sign3A_109 = arith.subi %sign3A_105, %sign3A_108 : i32
        %ne3A = arith.cmpi ne, %sign3A_102, %sign3A_109 : i32
        %rem3A_110 = arith.remsi %while3A_48, %jit3A : i32
        %ne3A_111 = arith.constant 0 : i32
        %ne3A_112 = arith.cmpi ne, %rem3A_110, %ne3A_111 : i32
        %and3A_113 = arith.andi %ne3A, %ne3A_112 : i1
        %sub3A = arith.constant 1 : i32
        %sub3A_114 = arith.subi %div3A, %sub3A : i32
        %select_n3A = arith.select %and3A_113, %sub3A_114, %div3A : i32
        %mul3A_115 = arith.constant 16 : i32
        %mul3A_116 = arith.muli %select_n3A, %mul3A_115 : i32
        %add3A_117 = arith.addi %mul3A_2, %mul3A_116 : i32
        "tpu.region"() ({
          %run_scoped3A = tpu.sem_alloc : memref<!tpu.dma_semaphore, #tpu.memory_space<semaphore_mem>>
          %dma_start3A_119 = arith.constant 0 : i32
          %dma_start3A_120 = tpu.memref_slice %arg3[%add3A_117, %dma_start3A_119] : memref<2816x128xi32, #tpu.memory_space<hbm>> -> memref<16x128xi32, #tpu.memory_space<hbm>>
          %dma_start3A_121 = arith.constant 0 : i32
          %dma_start3A_122 = tpu.memref_slice %arg3[%add3A_117, %dma_start3A_121] : memref<2816x128xi32, #tpu.memory_space<hbm>> -> memref<16x128xi32, #tpu.memory_space<hbm>>
          tpu.enqueue_dma source(%dma_start3A_122 : memref<16x128xi32, #tpu.memory_space<hbm>>) target(%arg7 : memref<16x128xi32, #tpu.memory_space<vmem>>) target_semaphore(%run_scoped3A : memref<!tpu.dma_semaphore, #tpu.memory_space<semaphore_mem>>)
          %dma_wait3A_123 = arith.constant 0 : i32
          %dma_wait3A_124 = tpu.memref_slice %arg3[%add3A_117, %dma_wait3A_123] : memref<2816x128xi32, #tpu.memory_space<hbm>> -> memref<16x128xi32, #tpu.memory_space<hbm>>
          %dma_wait3A_125 = arith.constant 0 : i32
          %dma_wait3A_126 = tpu.memref_slice %arg3[%add3A_117, %dma_wait3A_125] : memref<2816x128xi32, #tpu.memory_space<hbm>> -> memref<16x128xi32, #tpu.memory_space<hbm>>
          tpu.wait_dma2 semaphore(%run_scoped3A : memref<!tpu.dma_semaphore, #tpu.memory_space<semaphore_mem>>) src(%dma_wait3A_126 : memref<16x128xi32, #tpu.memory_space<hbm>>) dst(%arg7 : memref<16x128xi32, #tpu.memory_space<vmem>>)
          tpu.yield
        }) : () -> ()
        %add3A_118 = arith.addi %mul3A_2, %mul3A_116 : i32
        "tpu.region"() ({
          %run_scoped3A = tpu.sem_alloc : memref<!tpu.dma_semaphore, #tpu.memory_space<semaphore_mem>>
          %dma_start3A_119 = arith.constant 0 : i32
          %dma_start3A_120 = tpu.memref_slice %arg4[%add3A_118, %dma_start3A_119] : memref<2816x128xi32, #tpu.memory_space<hbm>> -> memref<16x128xi32, #tpu.memory_space<hbm>>
          %dma_start3A_121 = arith.constant 0 : i32
          %dma_start3A_122 = tpu.memref_slice %arg4[%add3A_118, %dma_start3A_121] : memref<2816x128xi32, #tpu.memory_space<hbm>> -> memref<16x128xi32, #tpu.memory_space<hbm>>
          tpu.enqueue_dma source(%dma_start3A_122 : memref<16x128xi32, #tpu.memory_space<hbm>>) target(%arg8 : memref<16x128xi32, #tpu.memory_space<vmem>>) target_semaphore(%run_scoped3A : memref<!tpu.dma_semaphore, #tpu.memory_space<semaphore_mem>>)
          %dma_wait3A_123 = arith.constant 0 : i32
          %dma_wait3A_124 = tpu.memref_slice %arg4[%add3A_118, %dma_wait3A_123] : memref<2816x128xi32, #tpu.memory_space<hbm>> -> memref<16x128xi32, #tpu.memory_space<hbm>>
          %dma_wait3A_125 = arith.constant 0 : i32
          %dma_wait3A_126 = tpu.memref_slice %arg4[%add3A_118, %dma_wait3A_125] : memref<2816x128xi32, #tpu.memory_space<hbm>> -> memref<16x128xi32, #tpu.memory_space<hbm>>
          tpu.wait_dma2 semaphore(%run_scoped3A : memref<!tpu.dma_semaphore, #tpu.memory_space<semaphore_mem>>) src(%dma_wait3A_126 : memref<16x128xi32, #tpu.memory_space<hbm>>) dst(%arg8 : memref<16x128xi32, #tpu.memory_space<vmem>>)
          tpu.yield
        }) : () -> ()
      } else {
      }
      %rem3A_53 = arith.constant 16 : i32
      %rem3A_54 = arith.remsi %while3A_48, %rem3A_53 : i32
      %dma_start3A = arith.constant 0 : i32
      %dma_start3A_55 = arith.constant 0 : i32
      %dma_start3A_56 = arith.constant 0 : i32
      %dma_start3A_57 = tpu.memref_slice %arg9[%dma_start3A, %dma_start3A_55, %dma_start3A_56] : memref<128x2x128xf32, #tpu.memory_space<vmem>> -> memref<64x2x128xf32, #tpu.memory_space<vmem>>
      %dma_start3A_58 = arith.constant 0 : i32
      %dma_start3A_59 = tpu.memref_slice %arg7[%rem3A_54, %dma_start3A_58] : memref<16x128xi32, #tpu.memory_space<vmem>> -> memref<1x64xi32, #tpu.memory_space<vmem>>
      %dma_start3A_60 = tpu.memref_squeeze %dma_start3A_59 : memref<1x64xi32, #tpu.memory_space<vmem>> -> memref<64xi32, #tpu.memory_space<vmem>>
      %dma_start3A_61 = arith.constant 0 : i32
      %dma_start3A_62 = arith.constant 0 : i32
      %dma_start3A_63 = arith.constant 0 : i32
      %dma_start3A_64 = tpu.memref_slice %arg2[%dma_start3A_61, %dma_start3A_62, %dma_start3A_63] : memref<10400x2x128xf32, #tpu.memory_space<hbm>> -> memref<10400x2x128xf32, #tpu.memory_space<hbm>>
      tpu.enqueue_indirect_dma source(%dma_start3A_64 : memref<10400x2x128xf32, #tpu.memory_space<hbm>>) target(%dma_start3A_57 : memref<64x2x128xf32, #tpu.memory_space<vmem>>) offsets(%dma_start3A_60 : memref<64xi32, #tpu.memory_space<vmem>>) semaphore(%arg12 : memref<!tpu.dma_semaphore, #tpu.memory_space<semaphore_mem>>)
      %dma_start3A_65 = arith.constant 64 : i32
      %dma_start3A_66 = arith.constant 0 : i32
      %dma_start3A_67 = arith.constant 0 : i32
      %dma_start3A_68 = tpu.memref_slice %arg9[%dma_start3A_65, %dma_start3A_66, %dma_start3A_67] : memref<128x2x128xf32, #tpu.memory_space<vmem>> -> memref<64x2x128xf32, #tpu.memory_space<vmem>>
      %dma_start3A_69 = arith.constant 64 : i32
      %dma_start3A_70 = tpu.memref_slice %arg7[%rem3A_54, %dma_start3A_69] : memref<16x128xi32, #tpu.memory_space<vmem>> -> memref<1x64xi32, #tpu.memory_space<vmem>>
      %dma_start3A_71 = tpu.memref_squeeze %dma_start3A_70 : memref<1x64xi32, #tpu.memory_space<vmem>> -> memref<64xi32, #tpu.memory_space<vmem>>
      %dma_start3A_72 = arith.constant 0 : i32
      %dma_start3A_73 = arith.constant 0 : i32
      %dma_start3A_74 = arith.constant 0 : i32
      %dma_start3A_75 = tpu.memref_slice %arg2[%dma_start3A_72, %dma_start3A_73, %dma_start3A_74] : memref<10400x2x128xf32, #tpu.memory_space<hbm>> -> memref<10400x2x128xf32, #tpu.memory_space<hbm>>
      tpu.enqueue_indirect_dma source(%dma_start3A_75 : memref<10400x2x128xf32, #tpu.memory_space<hbm>>) target(%dma_start3A_68 : memref<64x2x128xf32, #tpu.memory_space<vmem>>) offsets(%dma_start3A_71 : memref<64xi32, #tpu.memory_space<vmem>>) semaphore(%arg13 : memref<!tpu.dma_semaphore, #tpu.memory_space<semaphore_mem>>)
      %dma_wait3A = arith.constant 0 : i32
      %dma_wait3A_76 = arith.constant 0 : i32
      %dma_wait3A_77 = arith.constant 0 : i32
      %dma_wait3A_78 = tpu.memref_slice %arg9[%dma_wait3A, %dma_wait3A_76, %dma_wait3A_77] : memref<128x2x128xf32, #tpu.memory_space<vmem>> -> memref<64x2x128xf32, #tpu.memory_space<vmem>>
      %dma_wait3A_79 = arith.constant 0 : i32
      %dma_wait3A_80 = tpu.memref_slice %arg7[%rem3A_54, %dma_wait3A_79] : memref<16x128xi32, #tpu.memory_space<vmem>> -> memref<1x64xi32, #tpu.memory_space<vmem>>
      %dma_wait3A_81 = tpu.memref_squeeze %dma_wait3A_80 : memref<1x64xi32, #tpu.memory_space<vmem>> -> memref<64xi32, #tpu.memory_space<vmem>>
      %dma_wait3A_82 = arith.constant 0 : i32
      %dma_wait3A_83 = arith.constant 0 : i32
      %dma_wait3A_84 = arith.constant 0 : i32
      %dma_wait3A_85 = tpu.memref_slice %arg2[%dma_wait3A_82, %dma_wait3A_83, %dma_wait3A_84] : memref<10400x2x128xf32, #tpu.memory_space<hbm>> -> memref<10400x2x128xf32, #tpu.memory_space<hbm>>
      tpu.wait_indirect_dma semaphore(%arg12 : memref<!tpu.dma_semaphore, #tpu.memory_space<semaphore_mem>>) src(%dma_wait3A_85 : memref<10400x2x128xf32, #tpu.memory_space<hbm>>) dst(%dma_wait3A_78 : memref<64x2x128xf32, #tpu.memory_space<vmem>>)
      %dma_wait3A_86 = arith.constant 64 : i32
      %dma_wait3A_87 = arith.constant 0 : i32
      %dma_wait3A_88 = arith.constant 0 : i32
      %dma_wait3A_89 = tpu.memref_slice %arg9[%dma_wait3A_86, %dma_wait3A_87, %dma_wait3A_88] : memref<128x2x128xf32, #tpu.memory_space<vmem>> -> memref<64x2x128xf32, #tpu.memory_space<vmem>>
      %dma_wait3A_90 = arith.constant 64 : i32
      %dma_wait3A_91 = tpu.memref_slice %arg7[%rem3A_54, %dma_wait3A_90] : memref<16x128xi32, #tpu.memory_space<vmem>> -> memref<1x64xi32, #tpu.memory_space<vmem>>
      %dma_wait3A_92 = tpu.memref_squeeze %dma_wait3A_91 : memref<1x64xi32, #tpu.memory_space<vmem>> -> memref<64xi32, #tpu.memory_space<vmem>>
      %dma_wait3A_93 = arith.constant 0 : i32
      %dma_wait3A_94 = arith.constant 0 : i32
      %dma_wait3A_95 = arith.constant 0 : i32
      %dma_wait3A_96 = tpu.memref_slice %arg2[%dma_wait3A_93, %dma_wait3A_94, %dma_wait3A_95] : memref<10400x2x128xf32, #tpu.memory_space<hbm>> -> memref<10400x2x128xf32, #tpu.memory_space<hbm>>
      tpu.wait_indirect_dma semaphore(%arg13 : memref<!tpu.dma_semaphore, #tpu.memory_space<semaphore_mem>>) src(%dma_wait3A_96 : memref<10400x2x128xf32, #tpu.memory_space<hbm>>) dst(%dma_wait3A_89 : memref<64x2x128xf32, #tpu.memory_space<vmem>>)
      "tpu.region"() ({
        %run_scoped3A = tpu.sem_alloc : memref<!tpu.dma_semaphore, #tpu.memory_space<semaphore_mem>>
        %dma_start3A_97 = arith.constant 0 : i32
        %dma_start3A_98 = tpu.memref_slice %arg8[%rem3A_54, %dma_start3A_97] : memref<16x128xi32, #tpu.memory_space<vmem>> -> memref<1x128xi32, #tpu.memory_space<vmem>>
        %dma_start3A_99 = tpu.memref_squeeze %dma_start3A_98 : memref<1x128xi32, #tpu.memory_space<vmem>> -> memref<128xi32, #tpu.memory_space<vmem>>
        %dma_start3A_100 = arith.constant 0 : i32
        %dma_start3A_101 = arith.constant 0 : i32
        %dma_start3A_102 = arith.constant 0 : i32
        %dma_start3A_103 = tpu.memref_slice %arg11[%dma_start3A_100, %dma_start3A_101, %dma_start3A_102] : memref<5248x2x128xf32, #tpu.memory_space<vmem_shared>> -> memref<5248x2x128xf32, #tpu.memory_space<vmem_shared>>
        tpu.enqueue_indirect_dma source(%arg9 : memref<128x2x128xf32, #tpu.memory_space<vmem>>) target(%dma_start3A_103 : memref<5248x2x128xf32, #tpu.memory_space<vmem_shared>>) offsets(%dma_start3A_99 : memref<128xi32, #tpu.memory_space<vmem>>) semaphore(%run_scoped3A : memref<!tpu.dma_semaphore, #tpu.memory_space<semaphore_mem>>) {add = true}
        %dma_wait3A_104 = arith.constant 0 : i32
        %dma_wait3A_105 = tpu.memref_slice %arg8[%rem3A_54, %dma_wait3A_104] : memref<16x128xi32, #tpu.memory_space<vmem>> -> memref<1x128xi32, #tpu.memory_space<vmem>>
        %dma_wait3A_106 = tpu.memref_squeeze %dma_wait3A_105 : memref<1x128xi32, #tpu.memory_space<vmem>> -> memref<128xi32, #tpu.memory_space<vmem>>
        %dma_wait3A_107 = arith.constant 0 : i32
        %dma_wait3A_108 = arith.constant 0 : i32
        %dma_wait3A_109 = arith.constant 0 : i32
        %dma_wait3A_110 = tpu.memref_slice %arg11[%dma_wait3A_107, %dma_wait3A_108, %dma_wait3A_109] : memref<5248x2x128xf32, #tpu.memory_space<vmem_shared>> -> memref<5248x2x128xf32, #tpu.memory_space<vmem_shared>>
        tpu.wait_indirect_dma semaphore(%run_scoped3A : memref<!tpu.dma_semaphore, #tpu.memory_space<semaphore_mem>>) src(%arg9 : memref<128x2x128xf32, #tpu.memory_space<vmem>>) dst(%dma_wait3A_110 : memref<5248x2x128xf32, #tpu.memory_space<vmem_shared>>)
        tpu.yield
      }) : () -> ()
    }
    %while3A_29 = arith.constant 1 : i32
    scf.for %while3A_48 = %while3A_27 to %while3A_23 step %while3A_29  : i32 {
      %gt3A = arith.constant 0 : i32
      %gt3A_49 = arith.cmpi sgt, %while3A_48, %gt3A : i32
      %rem3A = arith.constant 16 : i32
      %rem3A_50 = arith.remsi %while3A_48, %rem3A : i32
      %eq3A = arith.constant 0 : i32
      %eq3A_51 = arith.cmpi eq, %rem3A_50, %eq3A : i32
      %and3A = arith.andi %gt3A_49, %eq3A_51 : i1
      %convert_element_type3A = arith.extui %and3A : i1 to i32
      %cond3A = arith.constant 0 : i32
      %cond3A_52 = arith.cmpi ne, %convert_element_type3A, %cond3A : i32
      scf.if %cond3A_52 {
        %jit3A = arith.constant 16 : i32
        %div3A = arith.divsi %while3A_48, %jit3A : i32
        %sign3A = arith.constant 0 : i32
        %sign3A_97 = arith.cmpi sgt, %while3A_48, %sign3A : i32
        %sign3A_98 = arith.extui %sign3A_97 : i1 to i32
        %sign3A_99 = arith.constant 0 : i32
        %sign3A_100 = arith.cmpi slt, %while3A_48, %sign3A_99 : i32
        %sign3A_101 = arith.extui %sign3A_100 : i1 to i32
        %sign3A_102 = arith.subi %sign3A_98, %sign3A_101 : i32
        %sign3A_103 = arith.constant 0 : i32
        %sign3A_104 = arith.cmpi sgt, %jit3A, %sign3A_103 : i32
        %sign3A_105 = arith.extui %sign3A_104 : i1 to i32
        %sign3A_106 = arith.constant 0 : i32
        %sign3A_107 = arith.cmpi slt, %jit3A, %sign3A_106 : i32
        %sign3A_108 = arith.extui %sign3A_107 : i1 to i32
        %sign3A_109 = arith.subi %sign3A_105, %sign3A_108 : i32
        %ne3A = arith.cmpi ne, %sign3A_102, %sign3A_109 : i32
        %rem3A_110 = arith.remsi %while3A_48, %jit3A : i32
        %ne3A_111 = arith.constant 0 : i32
        %ne3A_112 = arith.cmpi ne, %rem3A_110, %ne3A_111 : i32
        %and3A_113 = arith.andi %ne3A, %ne3A_112 : i1
        %sub3A = arith.constant 1 : i32
        %sub3A_114 = arith.subi %div3A, %sub3A : i32
        %select_n3A = arith.select %and3A_113, %sub3A_114, %div3A : i32
        %mul3A_115 = arith.constant 16 : i32
        %mul3A_116 = arith.muli %select_n3A, %mul3A_115 : i32
        %add3A_117 = arith.addi %mul3A_2, %mul3A_116 : i32
        "tpu.region"() ({
          %run_scoped3A = tpu.sem_alloc : memref<!tpu.dma_semaphore, #tpu.memory_space<semaphore_mem>>
          %dma_start3A_119 = arith.constant 0 : i32
          %dma_start3A_120 = tpu.memref_slice %arg3[%add3A_117, %dma_start3A_119] : memref<2816x128xi32, #tpu.memory_space<hbm>> -> memref<16x128xi32, #tpu.memory_space<hbm>>
          %dma_start3A_121 = arith.constant 0 : i32
          %dma_start3A_122 = tpu.memref_slice %arg3[%add3A_117, %dma_start3A_121] : memref<2816x128xi32, #tpu.memory_space<hbm>> -> memref<16x128xi32, #tpu.memory_space<hbm>>
          tpu.enqueue_dma source(%dma_start3A_122 : memref<16x128xi32, #tpu.memory_space<hbm>>) target(%arg7 : memref<16x128xi32, #tpu.memory_space<vmem>>) target_semaphore(%run_scoped3A : memref<!tpu.dma_semaphore, #tpu.memory_space<semaphore_mem>>)
          %dma_wait3A_123 = arith.constant 0 : i32
          %dma_wait3A_124 = tpu.memref_slice %arg3[%add3A_117, %dma_wait3A_123] : memref<2816x128xi32, #tpu.memory_space<hbm>> -> memref<16x128xi32, #tpu.memory_space<hbm>>
          %dma_wait3A_125 = arith.constant 0 : i32
          %dma_wait3A_126 = tpu.memref_slice %arg3[%add3A_117, %dma_wait3A_125] : memref<2816x128xi32, #tpu.memory_space<hbm>> -> memref<16x128xi32, #tpu.memory_space<hbm>>
          tpu.wait_dma2 semaphore(%run_scoped3A : memref<!tpu.dma_semaphore, #tpu.memory_space<semaphore_mem>>) src(%dma_wait3A_126 : memref<16x128xi32, #tpu.memory_space<hbm>>) dst(%arg7 : memref<16x128xi32, #tpu.memory_space<vmem>>)
          tpu.yield
        }) : () -> ()
        %add3A_118 = arith.addi %mul3A_2, %mul3A_116 : i32
        "tpu.region"() ({
          %run_scoped3A = tpu.sem_alloc : memref<!tpu.dma_semaphore, #tpu.memory_space<semaphore_mem>>
          %dma_start3A_119 = arith.constant 0 : i32
          %dma_start3A_120 = tpu.memref_slice %arg4[%add3A_118, %dma_start3A_119] : memref<2816x128xi32, #tpu.memory_space<hbm>> -> memref<16x128xi32, #tpu.memory_space<hbm>>
          %dma_start3A_121 = arith.constant 0 : i32
          %dma_start3A_122 = tpu.memref_slice %arg4[%add3A_118, %dma_start3A_121] : memref<2816x128xi32, #tpu.memory_space<hbm>> -> memref<16x128xi32, #tpu.memory_space<hbm>>
          tpu.enqueue_dma source(%dma_start3A_122 : memref<16x128xi32, #tpu.memory_space<hbm>>) target(%arg8 : memref<16x128xi32, #tpu.memory_space<vmem>>) target_semaphore(%run_scoped3A : memref<!tpu.dma_semaphore, #tpu.memory_space<semaphore_mem>>)
          %dma_wait3A_123 = arith.constant 0 : i32
          %dma_wait3A_124 = tpu.memref_slice %arg4[%add3A_118, %dma_wait3A_123] : memref<2816x128xi32, #tpu.memory_space<hbm>> -> memref<16x128xi32, #tpu.memory_space<hbm>>
          %dma_wait3A_125 = arith.constant 0 : i32
          %dma_wait3A_126 = tpu.memref_slice %arg4[%add3A_118, %dma_wait3A_125] : memref<2816x128xi32, #tpu.memory_space<hbm>> -> memref<16x128xi32, #tpu.memory_space<hbm>>
          tpu.wait_dma2 semaphore(%run_scoped3A : memref<!tpu.dma_semaphore, #tpu.memory_space<semaphore_mem>>) src(%dma_wait3A_126 : memref<16x128xi32, #tpu.memory_space<hbm>>) dst(%arg8 : memref<16x128xi32, #tpu.memory_space<vmem>>)
          tpu.yield
        }) : () -> ()
      } else {
      }
      %rem3A_53 = arith.constant 16 : i32
      %rem3A_54 = arith.remsi %while3A_48, %rem3A_53 : i32
      %dma_start3A = arith.constant 0 : i32
      %dma_start3A_55 = arith.constant 0 : i32
      %dma_start3A_56 = arith.constant 0 : i32
      %dma_start3A_57 = tpu.memref_slice %arg9[%dma_start3A, %dma_start3A_55, %dma_start3A_56] : memref<128x2x128xf32, #tpu.memory_space<vmem>> -> memref<64x2x128xf32, #tpu.memory_space<vmem>>
      %dma_start3A_58 = arith.constant 0 : i32
      %dma_start3A_59 = tpu.memref_slice %arg7[%rem3A_54, %dma_start3A_58] : memref<16x128xi32, #tpu.memory_space<vmem>> -> memref<1x64xi32, #tpu.memory_space<vmem>>
      %dma_start3A_60 = tpu.memref_squeeze %dma_start3A_59 : memref<1x64xi32, #tpu.memory_space<vmem>> -> memref<64xi32, #tpu.memory_space<vmem>>
      %dma_start3A_61 = arith.constant 0 : i32
      %dma_start3A_62 = arith.constant 0 : i32
      %dma_start3A_63 = arith.constant 0 : i32
      %dma_start3A_64 = tpu.memref_slice %arg2[%dma_start3A_61, %dma_start3A_62, %dma_start3A_63] : memref<10400x2x128xf32, #tpu.memory_space<hbm>> -> memref<10400x2x128xf32, #tpu.memory_space<hbm>>
      tpu.enqueue_indirect_dma source(%dma_start3A_64 : memref<10400x2x128xf32, #tpu.memory_space<hbm>>) target(%dma_start3A_57 : memref<64x2x128xf32, #tpu.memory_space<vmem>>) offsets(%dma_start3A_60 : memref<64xi32, #tpu.memory_space<vmem>>) semaphore(%arg12 : memref<!tpu.dma_semaphore, #tpu.memory_space<semaphore_mem>>)
      %dma_start3A_65 = arith.constant 64 : i32
      %dma_start3A_66 = arith.constant 0 : i32
      %dma_start3A_67 = arith.constant 0 : i32
      %dma_start3A_68 = tpu.memref_slice %arg9[%dma_start3A_65, %dma_start3A_66, %dma_start3A_67] : memref<128x2x128xf32, #tpu.memory_space<vmem>> -> memref<64x2x128xf32, #tpu.memory_space<vmem>>
      %dma_start3A_69 = arith.constant 64 : i32
      %dma_start3A_70 = tpu.memref_slice %arg7[%rem3A_54, %dma_start3A_69] : memref<16x128xi32, #tpu.memory_space<vmem>> -> memref<1x64xi32, #tpu.memory_space<vmem>>
      %dma_start3A_71 = tpu.memref_squeeze %dma_start3A_70 : memref<1x64xi32, #tpu.memory_space<vmem>> -> memref<64xi32, #tpu.memory_space<vmem>>
      %dma_start3A_72 = arith.constant 0 : i32
      %dma_start3A_73 = arith.constant 0 : i32
      %dma_start3A_74 = arith.constant 0 : i32
      %dma_start3A_75 = tpu.memref_slice %arg2[%dma_start3A_72, %dma_start3A_73, %dma_start3A_74] : memref<10400x2x128xf32, #tpu.memory_space<hbm>> -> memref<10400x2x128xf32, #tpu.memory_space<hbm>>
      tpu.enqueue_indirect_dma source(%dma_start3A_75 : memref<10400x2x128xf32, #tpu.memory_space<hbm>>) target(%dma_start3A_68 : memref<64x2x128xf32, #tpu.memory_space<vmem>>) offsets(%dma_start3A_71 : memref<64xi32, #tpu.memory_space<vmem>>) semaphore(%arg13 : memref<!tpu.dma_semaphore, #tpu.memory_space<semaphore_mem>>)
      %dma_wait3A = arith.constant 0 : i32
      %dma_wait3A_76 = arith.constant 0 : i32
      %dma_wait3A_77 = arith.constant 0 : i32
      %dma_wait3A_78 = tpu.memref_slice %arg9[%dma_wait3A, %dma_wait3A_76, %dma_wait3A_77] : memref<128x2x128xf32, #tpu.memory_space<vmem>> -> memref<64x2x128xf32, #tpu.memory_space<vmem>>
      %dma_wait3A_79 = arith.constant 0 : i32
      %dma_wait3A_80 = tpu.memref_slice %arg7[%rem3A_54, %dma_wait3A_79] : memref<16x128xi32, #tpu.memory_space<vmem>> -> memref<1x64xi32, #tpu.memory_space<vmem>>
      %dma_wait3A_81 = tpu.memref_squeeze %dma_wait3A_80 : memref<1x64xi32, #tpu.memory_space<vmem>> -> memref<64xi32, #tpu.memory_space<vmem>>
      %dma_wait3A_82 = arith.constant 0 : i32
      %dma_wait3A_83 = arith.constant 0 : i32
      %dma_wait3A_84 = arith.constant 0 : i32
      %dma_wait3A_85 = tpu.memref_slice %arg2[%dma_wait3A_82, %dma_wait3A_83, %dma_wait3A_84] : memref<10400x2x128xf32, #tpu.memory_space<hbm>> -> memref<10400x2x128xf32, #tpu.memory_space<hbm>>
      tpu.wait_indirect_dma semaphore(%arg12 : memref<!tpu.dma_semaphore, #tpu.memory_space<semaphore_mem>>) src(%dma_wait3A_85 : memref<10400x2x128xf32, #tpu.memory_space<hbm>>) dst(%dma_wait3A_78 : memref<64x2x128xf32, #tpu.memory_space<vmem>>)
      %dma_wait3A_86 = arith.constant 64 : i32
      %dma_wait3A_87 = arith.constant 0 : i32
      %dma_wait3A_88 = arith.constant 0 : i32
      %dma_wait3A_89 = tpu.memref_slice %arg9[%dma_wait3A_86, %dma_wait3A_87, %dma_wait3A_88] : memref<128x2x128xf32, #tpu.memory_space<vmem>> -> memref<64x2x128xf32, #tpu.memory_space<vmem>>
      %dma_wait3A_90 = arith.constant 64 : i32
      %dma_wait3A_91 = tpu.memref_slice %arg7[%rem3A_54, %dma_wait3A_90] : memref<16x128xi32, #tpu.memory_space<vmem>> -> memref<1x64xi32, #tpu.memory_space<vmem>>
      %dma_wait3A_92 = tpu.memref_squeeze %dma_wait3A_91 : memref<1x64xi32, #tpu.memory_space<vmem>> -> memref<64xi32, #tpu.memory_space<vmem>>
      %dma_wait3A_93 = arith.constant 0 : i32
      %dma_wait3A_94 = arith.constant 0 : i32
      %dma_wait3A_95 = arith.constant 0 : i32
      %dma_wait3A_96 = tpu.memref_slice %arg2[%dma_wait3A_93, %dma_wait3A_94, %dma_wait3A_95] : memref<10400x2x128xf32, #tpu.memory_space<hbm>> -> memref<10400x2x128xf32, #tpu.memory_space<hbm>>
      tpu.wait_indirect_dma semaphore(%arg13 : memref<!tpu.dma_semaphore, #tpu.memory_space<semaphore_mem>>) src(%dma_wait3A_96 : memref<10400x2x128xf32, #tpu.memory_space<hbm>>) dst(%dma_wait3A_89 : memref<64x2x128xf32, #tpu.memory_space<vmem>>)
      "tpu.region"() ({
        %run_scoped3A = tpu.sem_alloc : memref<!tpu.dma_semaphore, #tpu.memory_space<semaphore_mem>>
        %dma_start3A_97 = arith.constant 0 : i32
        %dma_start3A_98 = tpu.memref_slice %arg8[%rem3A_54, %dma_start3A_97] : memref<16x128xi32, #tpu.memory_space<vmem>> -> memref<1x128xi32, #tpu.memory_space<vmem>>
        %dma_start3A_99 = tpu.memref_squeeze %dma_start3A_98 : memref<1x128xi32, #tpu.memory_space<vmem>> -> memref<128xi32, #tpu.memory_space<vmem>>
        %dma_start3A_100 = arith.constant 0 : i32
        %dma_start3A_101 = arith.constant 0 : i32
        %dma_start3A_102 = arith.constant 0 : i32
        %dma_start3A_103 = tpu.memref_slice %arg11[%dma_start3A_100, %dma_start3A_101, %dma_start3A_102] : memref<5248x2x128xf32, #tpu.memory_space<vmem_shared>> -> memref<5248x2x128xf32, #tpu.memory_space<vmem_shared>>
        tpu.enqueue_indirect_dma source(%arg9 : memref<128x2x128xf32, #tpu.memory_space<vmem>>) target(%dma_start3A_103 : memref<5248x2x128xf32, #tpu.memory_space<vmem_shared>>) offsets(%dma_start3A_99 : memref<128xi32, #tpu.memory_space<vmem>>) semaphore(%run_scoped3A : memref<!tpu.dma_semaphore, #tpu.memory_space<semaphore_mem>>) {add = true}
        %dma_wait3A_104 = arith.constant 0 : i32
        %dma_wait3A_105 = tpu.memref_slice %arg8[%rem3A_54, %dma_wait3A_104] : memref<16x128xi32, #tpu.memory_space<vmem>> -> memref<1x128xi32, #tpu.memory_space<vmem>>
        %dma_wait3A_106 = tpu.memref_squeeze %dma_wait3A_105 : memref<1x128xi32, #tpu.memory_space<vmem>> -> memref<128xi32, #tpu.memory_space<vmem>>
        %dma_wait3A_107 = arith.constant 0 : i32
        %dma_wait3A_108 = arith.constant 0 : i32
        %dma_wait3A_109 = arith.constant 0 : i32
        %dma_wait3A_110 = tpu.memref_slice %arg11[%dma_wait3A_107, %dma_wait3A_108, %dma_wait3A_109] : memref<5248x2x128xf32, #tpu.memory_space<vmem_shared>> -> memref<5248x2x128xf32, #tpu.memory_space<vmem_shared>>
        tpu.wait_indirect_dma semaphore(%run_scoped3A : memref<!tpu.dma_semaphore, #tpu.memory_space<semaphore_mem>>) src(%arg9 : memref<128x2x128xf32, #tpu.memory_space<vmem>>) dst(%dma_wait3A_110 : memref<5248x2x128xf32, #tpu.memory_space<vmem_shared>>)
        tpu.yield
      }) : () -> ()
    }
    %barrier3A_30 = arith.constant 0 : index
    tpu.barrier barrier_id(%barrier3A_30)
    %mul3A_31 = arith.constant 5600 : i32
    %mul3A_32 = arith.muli %arg0, %mul3A_31 : i32
    %mul3A_33 = arith.constant 328 : i32
    %mul3A_34 = arith.muli %arg1, %mul3A_33 : i32
    %add3A_35 = arith.addi %mul3A_32, %mul3A_34 : i32
    %add3A_36 = arith.constant 0 : i32
    %add3A_37 = arith.addi %mul3A_14, %add3A_36 : i32
    %add3A_38 = arith.constant 0 : i32
    %add3A_39 = arith.addi %add3A_35, %add3A_38 : i32
    "tpu.region"() ({
      %run_scoped3A = tpu.sem_alloc : memref<!tpu.dma_semaphore, #tpu.memory_space<semaphore_mem>>
      %dma_start3A = arith.constant 0 : i32
      %dma_start3A_48 = arith.constant 0 : i32
      %dma_start3A_49 = tpu.memref_slice %arg6[%add3A_39, %dma_start3A, %dma_start3A_48] : memref<10848x2x128xf32, #tpu.memory_space<hbm>> -> memref<128x2x128xf32, #tpu.memory_space<hbm>>
      %dma_start3A_50 = arith.constant 0 : i32
      %dma_start3A_51 = arith.constant 0 : i32
      %dma_start3A_52 = tpu.memref_slice %arg11[%add3A_37, %dma_start3A_50, %dma_start3A_51] : memref<5248x2x128xf32, #tpu.memory_space<vmem_shared>> -> memref<128x2x128xf32, #tpu.memory_space<vmem_shared>>
      tpu.enqueue_dma source(%dma_start3A_52 : memref<128x2x128xf32, #tpu.memory_space<vmem_shared>>) target(%dma_start3A_49 : memref<128x2x128xf32, #tpu.memory_space<hbm>>) target_semaphore(%run_scoped3A : memref<!tpu.dma_semaphore, #tpu.memory_space<semaphore_mem>>)
      %dma_wait3A = arith.constant 0 : i32
      %dma_wait3A_53 = arith.constant 0 : i32
      %dma_wait3A_54 = tpu.memref_slice %arg6[%add3A_39, %dma_wait3A, %dma_wait3A_53] : memref<10848x2x128xf32, #tpu.memory_space<hbm>> -> memref<128x2x128xf32, #tpu.memory_space<hbm>>
      %dma_wait3A_55 = arith.constant 0 : i32
      %dma_wait3A_56 = arith.constant 0 : i32
      %dma_wait3A_57 = tpu.memref_slice %arg11[%add3A_37, %dma_wait3A_55, %dma_wait3A_56] : memref<5248x2x128xf32, #tpu.memory_space<vmem_shared>> -> memref<128x2x128xf32, #tpu.memory_space<vmem_shared>>
      tpu.wait_dma2 semaphore(%run_scoped3A : memref<!tpu.dma_semaphore, #tpu.memory_space<semaphore_mem>>) src(%dma_wait3A_57 : memref<128x2x128xf32, #tpu.memory_space<vmem_shared>>) dst(%dma_wait3A_54 : memref<128x2x128xf32, #tpu.memory_space<hbm>>)
      tpu.yield
    }) : () -> ()
    %add3A_40 = arith.constant 128 : i32
    %add3A_41 = arith.addi %mul3A_14, %add3A_40 : i32
    %add3A_42 = arith.constant 128 : i32
    %add3A_43 = arith.addi %add3A_35, %add3A_42 : i32
    "tpu.region"() ({
      %run_scoped3A = tpu.sem_alloc : memref<!tpu.dma_semaphore, #tpu.memory_space<semaphore_mem>>
      %dma_start3A = arith.constant 0 : i32
      %dma_start3A_48 = arith.constant 0 : i32
      %dma_start3A_49 = tpu.memref_slice %arg6[%add3A_43, %dma_start3A, %dma_start3A_48] : memref<10848x2x128xf32, #tpu.memory_space<hbm>> -> memref<128x2x128xf32, #tpu.memory_space<hbm>>
      %dma_start3A_50 = arith.constant 0 : i32
      %dma_start3A_51 = arith.constant 0 : i32
      %dma_start3A_52 = tpu.memref_slice %arg11[%add3A_41, %dma_start3A_50, %dma_start3A_51] : memref<5248x2x128xf32, #tpu.memory_space<vmem_shared>> -> memref<128x2x128xf32, #tpu.memory_space<vmem_shared>>
      tpu.enqueue_dma source(%dma_start3A_52 : memref<128x2x128xf32, #tpu.memory_space<vmem_shared>>) target(%dma_start3A_49 : memref<128x2x128xf32, #tpu.memory_space<hbm>>) target_semaphore(%run_scoped3A : memref<!tpu.dma_semaphore, #tpu.memory_space<semaphore_mem>>)
      %dma_wait3A = arith.constant 0 : i32
      %dma_wait3A_53 = arith.constant 0 : i32
      %dma_wait3A_54 = tpu.memref_slice %arg6[%add3A_43, %dma_wait3A, %dma_wait3A_53] : memref<10848x2x128xf32, #tpu.memory_space<hbm>> -> memref<128x2x128xf32, #tpu.memory_space<hbm>>
      %dma_wait3A_55 = arith.constant 0 : i32
      %dma_wait3A_56 = arith.constant 0 : i32
      %dma_wait3A_57 = tpu.memref_slice %arg11[%add3A_41, %dma_wait3A_55, %dma_wait3A_56] : memref<5248x2x128xf32, #tpu.memory_space<vmem_shared>> -> memref<128x2x128xf32, #tpu.memory_space<vmem_shared>>
      tpu.wait_dma2 semaphore(%run_scoped3A : memref<!tpu.dma_semaphore, #tpu.memory_space<semaphore_mem>>) src(%dma_wait3A_57 : memref<128x2x128xf32, #tpu.memory_space<vmem_shared>>) dst(%dma_wait3A_54 : memref<128x2x128xf32, #tpu.memory_space<hbm>>)
      tpu.yield
    }) : () -> ()
    %add3A_44 = arith.constant 256 : i32
    %add3A_45 = arith.addi %mul3A_14, %add3A_44 : i32
    %add3A_46 = arith.constant 256 : i32
    %add3A_47 = arith.addi %add3A_35, %add3A_46 : i32
    "tpu.region"() ({
      %run_scoped3A = tpu.sem_alloc : memref<!tpu.dma_semaphore, #tpu.memory_space<semaphore_mem>>
      %dma_start3A = arith.constant 0 : i32
      %dma_start3A_48 = arith.constant 0 : i32
      %dma_start3A_49 = tpu.memref_slice %arg6[%add3A_47, %dma_start3A, %dma_start3A_48] : memref<10848x2x128xf32, #tpu.memory_space<hbm>> -> memref<72x2x128xf32, #tpu.memory_space<hbm>>
      %dma_start3A_50 = arith.constant 0 : i32
      %dma_start3A_51 = arith.constant 0 : i32
      %dma_start3A_52 = tpu.memref_slice %arg11[%add3A_45, %dma_start3A_50, %dma_start3A_51] : memref<5248x2x128xf32, #tpu.memory_space<vmem_shared>> -> memref<72x2x128xf32, #tpu.memory_space<vmem_shared>>
      tpu.enqueue_dma source(%dma_start3A_52 : memref<72x2x128xf32, #tpu.memory_space<vmem_shared>>) target(%dma_start3A_49 : memref<72x2x128xf32, #tpu.memory_space<hbm>>) target_semaphore(%run_scoped3A : memref<!tpu.dma_semaphore, #tpu.memory_space<semaphore_mem>>)
      %dma_wait3A = arith.constant 0 : i32
      %dma_wait3A_53 = arith.constant 0 : i32
      %dma_wait3A_54 = tpu.memref_slice %arg6[%add3A_47, %dma_wait3A, %dma_wait3A_53] : memref<10848x2x128xf32, #tpu.memory_space<hbm>> -> memref<72x2x128xf32, #tpu.memory_space<hbm>>
      %dma_wait3A_55 = arith.constant 0 : i32
      %dma_wait3A_56 = arith.constant 0 : i32
      %dma_wait3A_57 = tpu.memref_slice %arg11[%add3A_45, %dma_wait3A_55, %dma_wait3A_56] : memref<5248x2x128xf32, #tpu.memory_space<vmem_shared>> -> memref<72x2x128xf32, #tpu.memory_space<vmem_shared>>
      tpu.wait_dma2 semaphore(%run_scoped3A : memref<!tpu.dma_semaphore, #tpu.memory_space<semaphore_mem>>) src(%dma_wait3A_57 : memref<72x2x128xf32, #tpu.memory_space<vmem_shared>>) dst(%dma_wait3A_54 : memref<72x2x128xf32, #tpu.memory_space<hbm>>)
      tpu.yield
    }) : () -> ()
    return
  }
}

#map = affine_map<(d0, d1) -> (0, 0, 0)>
#map1 = affine_map<(d0, d1) -> (0, 0)>
#map2 = affine_map<(d0, d1) -> (0)>
module attributes {stable_mosaic.version = 14 : i64} {
  func.func @_sc_gather_scatter(%arg0: i32, %arg1: i32, %arg2: memref<10400x2x128xf32, #tpu.memory_space<hbm>>, %arg3: memref<2816x128xi32, #tpu.memory_space<hbm>>, %arg4: memref<2816x128xi32, #tpu.memory_space<hbm>>, %arg5: memref<512xi32, #tpu.memory_space<hbm>>, %arg6: memref<10848x2x128xf32, #tpu.memory_space<hbm>>, %arg7: memref<16x128xi32, #tpu.memory_space<vmem>>, %arg8: memref<16x128xi32, #tpu.memory_space<vmem>>, %arg9: memref<128x2x128xf32, #tpu.memory_space<vmem>>, %arg10: memref<16xi32, #tpu.memory_space<vmem>>, %arg11: memref<5248x2x128xf32, #tpu.memory_space<vmem_shared>>, %arg12: memref<!tpu.dma_semaphore, #tpu.memory_space<semaphore_mem>>, %arg13: memref<!tpu.dma_semaphore, #tpu.memory_space<semaphore_mem>>) attributes {dimension_semantics = [#tpu.dimension_semantics<core_parallel>, #tpu.dimension_semantics<subcore_parallel>], iteration_bounds = array<i64: 2, 16>, scalar_prefetch = 0 : i64, scratch_operands = 7 : i64, tpu.core_type = #tpu.core_type<sc_vector_subcore>, window_params = [{transform_indices = #map}, {transform_indices = #map1}, {transform_indices = #map1}, {transform_indices = #map2}, {transform_indices = #map}]} {
    %mul3A = arith.constant 16 : i32
    %mul3A_0 = arith.muli %arg0, %mul3A : i32
    %add3A = arith.addi %mul3A_0, %arg1 : i32
    %mul3A_1 = arith.constant 88 : i32
    %mul3A_2 = arith.muli %add3A, %mul3A_1 : i32
    %mul3A_3 = arith.constant 16 : i32
    %mul3A_4 = arith.muli %add3A, %mul3A_3 : i32
    "tpu.region"() ({
      %run_scoped3A = tpu.sem_alloc : memref<!tpu.dma_semaphore, #tpu.memory_space<semaphore_mem>>
      %dma_start3A = tpu.memref_slice %arg5[%mul3A_4] : memref<512xi32, #tpu.memory_space<hbm>> -> memref<16xi32, #tpu.memory_space<hbm>>
      %dma_start3A_48 = tpu.memref_slice %arg5[%mul3A_4] : memref<512xi32, #tpu.memory_space<hbm>> -> memref<16xi32, #tpu.memory_space<hbm>>
      tpu.enqueue_dma source(%dma_start3A_48 : memref<16xi32, #tpu.memory_space<hbm>>) target(%arg10 : memref<16xi32, #tpu.memory_space<vmem>>) target_semaphore(%run_scoped3A : memref<!tpu.dma_semaphore, #tpu.memory_space<semaphore_mem>>)
      %dma_wait3A = tpu.memref_slice %arg5[%mul3A_4] : memref<512xi32, #tpu.memory_space<hbm>> -> memref<16xi32, #tpu.memory_space<hbm>>
      %dma_wait3A_49 = tpu.memref_slice %arg5[%mul3A_4] : memref<512xi32, #tpu.memory_space<hbm>> -> memref<16xi32, #tpu.memory_space<hbm>>
      tpu.wait_dma2 semaphore(%run_scoped3A : memref<!tpu.dma_semaphore, #tpu.memory_space<semaphore_mem>>) src(%dma_wait3A_49 : memref<16xi32, #tpu.memory_space<hbm>>) dst(%arg10 : memref<16xi32, #tpu.memory_space<vmem>>)
      tpu.yield
    }) : () -> ()
    %get3A = arith.constant 0 : index
    %get3A_5 = tpu.vector_load %arg10[%get3A] {strides = array<i32>} : memref<16xi32, #tpu.memory_space<vmem>>, vector<16xi32>,
    %get3A_6 = vector.shape_cast %get3A_5 : vector<16xi32> to vector<16xi32>
    %slice3A = vector.extract_strided_slice %get3A_6 {offsets = [0], sizes = [1], strides = [1]} : vector<16xi32> to vector<1xi32>
    %squeeze3A = vector.extract %slice3A[0] : i32 from vector<1xi32>
    "tpu.region"() ({
      %run_scoped3A = tpu.sem_alloc : memref<!tpu.dma_semaphore, #tpu.memory_space<semaphore_mem>>
      %dma_start3A = arith.constant 0 : i32
      %dma_start3A_48 = tpu.memref_slice %arg3[%mul3A_2, %dma_start3A] : memref<2816x128xi32, #tpu.memory_space<hbm>> -> memref<16x128xi32, #tpu.memory_space<hbm>>
      %dma_start3A_49 = arith.constant 0 : i32
      %dma_start3A_50 = tpu.memref_slice %arg3[%mul3A_2, %dma_start3A_49] : memref<2816x128xi32, #tpu.memory_space<hbm>> -> memref<16x128xi32, #tpu.memory_space<hbm>>
      tpu.enqueue_dma source(%dma_start3A_50 : memref<16x128xi32, #tpu.memory_space<hbm>>) target(%arg7 : memref<16x128xi32, #tpu.memory_space<vmem>>) target_semaphore(%run_scoped3A : memref<!tpu.dma_semaphore, #tpu.memory_space<semaphore_mem>>)
      %dma_wait3A = arith.constant 0 : i32
      %dma_wait3A_51 = tpu.memref_slice %arg3[%mul3A_2, %dma_wait3A] : memref<2816x128xi32, #tpu.memory_space<hbm>> -> memref<16x128xi32, #tpu.memory_space<hbm>>
      %dma_wait3A_52 = arith.constant 0 : i32
      %dma_wait3A_53 = tpu.memref_slice %arg3[%mul3A_2, %dma_wait3A_52] : memref<2816x128xi32, #tpu.memory_space<hbm>> -> memref<16x128xi32, #tpu.memory_space<hbm>>
      tpu.wait_dma2 semaphore(%run_scoped3A : memref<!tpu.dma_semaphore, #tpu.memory_space<semaphore_mem>>) src(%dma_wait3A_53 : memref<16x128xi32, #tpu.memory_space<hbm>>) dst(%arg7 : memref<16x128xi32, #tpu.memory_space<vmem>>)
      tpu.yield
    }) : () -> ()
    "tpu.region"() ({
      %run_scoped3A = tpu.sem_alloc : memref<!tpu.dma_semaphore, #tpu.memory_space<semaphore_mem>>
      %dma_start3A = arith.constant 0 : i32
      %dma_start3A_48 = tpu.memref_slice %arg4[%mul3A_2, %dma_start3A] : memref<2816x128xi32, #tpu.memory_space<hbm>> -> memref<16x128xi32, #tpu.memory_space<hbm>>
      %dma_start3A_49 = arith.constant 0 : i32
      %dma_start3A_50 = tpu.memref_slice %arg4[%mul3A_2, %dma_start3A_49] : memref<2816x128xi32, #tpu.memory_space<hbm>> -> memref<16x128xi32, #tpu.memory_space<hbm>>
      tpu.enqueue_dma source(%dma_start3A_50 : memref<16x128xi32, #tpu.memory_space<hbm>>) target(%arg8 : memref<16x128xi32, #tpu.memory_space<vmem>>) target_semaphore(%run_scoped3A : memref<!tpu.dma_semaphore, #tpu.memory_space<semaphore_mem>>)
      %dma_wait3A = arith.constant 0 : i32
      %dma_wait3A_51 = tpu.memref_slice %arg4[%mul3A_2, %dma_wait3A] : memref<2816x128xi32, #tpu.memory_space<hbm>> -> memref<16x128xi32, #tpu.memory_space<hbm>>
      %dma_wait3A_52 = arith.constant 0 : i32
      %dma_wait3A_53 = tpu.memref_slice %arg4[%mul3A_2, %dma_wait3A_52] : memref<2816x128xi32, #tpu.memory_space<hbm>> -> memref<16x128xi32, #tpu.memory_space<hbm>>
      tpu.wait_dma2 semaphore(%run_scoped3A : memref<!tpu.dma_semaphore, #tpu.memory_space<semaphore_mem>>) src(%dma_wait3A_53 : memref<16x128xi32, #tpu.memory_space<hbm>>) dst(%arg8 : memref<16x128xi32, #tpu.memory_space<vmem>>)
      tpu.yield
    }) : () -> ()
    %broadcast_in_dim3A = arith.constant 0.000000e+00 : f32
    %broadcast_in_dim3A_7 = vector.broadcast %broadcast_in_dim3A : f32 to vector<16xf32>
    %scan3A = arith.constant 0 : i32
    %scan3A_8 = arith.constant 0 : i32
    %scan3A_9 = arith.constant 128 : i32
    %scan3A_10 = arith.addi %scan3A_8, %scan3A_9 : i32
    %scan3A_11 = arith.constant 1 : i32
    scf.for %scan3A_48 = %scan3A_8 to %scan3A_10 step %scan3A_11  : i32 {
      %swap3A = arith.constant 0 : i32
      %swap3A_49 = arith.index_cast %scan3A_48 : i32 to index
      %swap3A_50 = arith.index_cast %swap3A : i32 to index
      %swap3A_51 = arith.constant 0 : index
      %swap3A_52 = tpu.vector_load %arg9[%swap3A_49, %swap3A_50, %swap3A_51] {strides = array<i32>} : memref<128x2x128xf32, #tpu.memory_space<vmem>>, vector<1x1x16xf32>,
      %swap3A_53 = vector.shape_cast %swap3A_52 : vector<1x1x16xf32> to vector<16xf32>
      %swap3A_54 = vector.shape_cast %broadcast_in_dim3A_7 : vector<16xf32> to vector<1x1x16xf32>
      tpu.vector_store %arg9[%swap3A_49, %swap3A_50, %swap3A_51], %swap3A_54 {strides = array<i32>} : memref<128x2x128xf32, #tpu.memory_space<vmem>>, vector<1x1x16xf32>,
      %swap3A_55 = arith.constant 0 : i32
      %swap3A_56 = arith.index_cast %scan3A_48 : i32 to index
      %swap3A_57 = arith.index_cast %swap3A_55 : i32 to index
      %swap3A_58 = arith.constant 16 : index
      %swap3A_59 = tpu.vector_load %arg9[%swap3A_56, %swap3A_57, %swap3A_58] {strides = array<i32>} : memref<128x2x128xf32, #tpu.memory_space<vmem>>, vector<1x1x16xf32>,
      %swap3A_60 = vector.shape_cast %swap3A_59 : vector<1x1x16xf32> to vector<16xf32>
      %swap3A_61 = vector.shape_cast %broadcast_in_dim3A_7 : vector<16xf32> to vector<1x1x16xf32>
      tpu.vector_store %arg9[%swap3A_56, %swap3A_57, %swap3A_58], %swap3A_61 {strides = array<i32>} : memref<128x2x128xf32, #tpu.memory_space<vmem>>, vector<1x1x16xf32>,
      %swap3A_62 = arith.constant 0 : i32
      %swap3A_63 = arith.index_cast %scan3A_48 : i32 to index
      %swap3A_64 = arith.index_cast %swap3A_62 : i32 to index
      %swap3A_65 = arith.constant 32 : index
      %swap3A_66 = tpu.vector_load %arg9[%swap3A_63, %swap3A_64, %swap3A_65] {strides = array<i32>} : memref<128x2x128xf32, #tpu.memory_space<vmem>>, vector<1x1x16xf32>,
      %swap3A_67 = vector.shape_cast %swap3A_66 : vector<1x1x16xf32> to vector<16xf32>
      %swap3A_68 = vector.shape_cast %broadcast_in_dim3A_7 : vector<16xf32> to vector<1x1x16xf32>
      tpu.vector_store %arg9[%swap3A_63, %swap3A_64, %swap3A_65], %swap3A_68 {strides = array<i32>} : memref<128x2x128xf32, #tpu.memory_space<vmem>>, vector<1x1x16xf32>,
      %swap3A_69 = arith.constant 0 : i32
      %swap3A_70 = arith.index_cast %scan3A_48 : i32 to index
      %swap3A_71 = arith.index_cast %swap3A_69 : i32 to index
      %swap3A_72 = arith.constant 48 : index
      %swap3A_73 = tpu.vector_load %arg9[%swap3A_70, %swap3A_71, %swap3A_72] {strides = array<i32>} : memref<128x2x128xf32, #tpu.memory_space<vmem>>, vector<1x1x16xf32>,
      %swap3A_74 = vector.shape_cast %swap3A_73 : vector<1x1x16xf32> to vector<16xf32>
      %swap3A_75 = vector.shape_cast %broadcast_in_dim3A_7 : vector<16xf32> to vector<1x1x16xf32>
      tpu.vector_store %arg9[%swap3A_70, %swap3A_71, %swap3A_72], %swap3A_75 {strides = array<i32>} : memref<128x2x128xf32, #tpu.memory_space<vmem>>, vector<1x1x16xf32>,
      %swap3A_76 = arith.constant 0 : i32
      %swap3A_77 = arith.index_cast %scan3A_48 : i32 to index
      %swap3A_78 = arith.index_cast %swap3A_76 : i32 to index
      %swap3A_79 = arith.constant 64 : index
      %swap3A_80 = tpu.vector_load %arg9[%swap3A_77, %swap3A_78, %swap3A_79] {strides = array<i32>} : memref<128x2x128xf32, #tpu.memory_space<vmem>>, vector<1x1x16xf32>,
      %swap3A_81 = vector.shape_cast %swap3A_80 : vector<1x1x16xf32> to vector<16xf32>
      %swap3A_82 = vector.shape_cast %broadcast_in_dim3A_7 : vector<16xf32> to vector<1x1x16xf32>
      tpu.vector_store %arg9[%swap3A_77, %swap3A_78, %swap3A_79], %swap3A_82 {strides = array<i32>} : memref<128x2x128xf32, #tpu.memory_space<vmem>>, vector<1x1x16xf32>,
      %swap3A_83 = arith.constant 0 : i32
      %swap3A_84 = arith.index_cast %scan3A_48 : i32 to index
      %swap3A_85 = arith.index_cast %swap3A_83 : i32 to index
      %swap3A_86 = arith.constant 80 : index
      %swap3A_87 = tpu.vector_load %arg9[%swap3A_84, %swap3A_85, %swap3A_86] {strides = array<i32>} : memref<128x2x128xf32, #tpu.memory_space<vmem>>, vector<1x1x16xf32>,
      %swap3A_88 = vector.shape_cast %swap3A_87 : vector<1x1x16xf32> to vector<16xf32>
      %swap3A_89 = vector.shape_cast %broadcast_in_dim3A_7 : vector<16xf32> to vector<1x1x16xf32>
      tpu.vector_store %arg9[%swap3A_84, %swap3A_85, %swap3A_86], %swap3A_89 {strides = array<i32>} : memref<128x2x128xf32, #tpu.memory_space<vmem>>, vector<1x1x16xf32>,
      %swap3A_90 = arith.constant 0 : i32
      %swap3A_91 = arith.index_cast %scan3A_48 : i32 to index
      %swap3A_92 = arith.index_cast %swap3A_90 : i32 to index
      %swap3A_93 = arith.constant 96 : index
      %swap3A_94 = tpu.vector_load %arg9[%swap3A_91, %swap3A_92, %swap3A_93] {strides = array<i32>} : memref<128x2x128xf32, #tpu.memory_space<vmem>>, vector<1x1x16xf32>,
      %swap3A_95 = vector.shape_cast %swap3A_94 : vector<1x1x16xf32> to vector<16xf32>
      %swap3A_96 = vector.shape_cast %broadcast_in_dim3A_7 : vector<16xf32> to vector<1x1x16xf32>
      tpu.vector_store %arg9[%swap3A_91, %swap3A_92, %swap3A_93], %swap3A_96 {strides = array<i32>} : memref<128x2x128xf32, #tpu.memory_space<vmem>>, vector<1x1x16xf32>,
      %swap3A_97 = arith.constant 0 : i32
      %swap3A_98 = arith.index_cast %scan3A_48 : i32 to index
      %swap3A_99 = arith.index_cast %swap3A_97 : i32 to index
      %swap3A_100 = arith.constant 112 : index
      %swap3A_101 = tpu.vector_load %arg9[%swap3A_98, %swap3A_99, %swap3A_100] {strides = array<i32>} : memref<128x2x128xf32, #tpu.memory_space<vmem>>, vector<1x1x16xf32>,
      %swap3A_102 = vector.shape_cast %swap3A_101 : vector<1x1x16xf32> to vector<16xf32>
      %swap3A_103 = vector.shape_cast %broadcast_in_dim3A_7 : vector<16xf32> to vector<1x1x16xf32>
      tpu.vector_store %arg9[%swap3A_98, %swap3A_99, %swap3A_100], %swap3A_103 {strides = array<i32>} : memref<128x2x128xf32, #tpu.memory_space<vmem>>, vector<1x1x16xf32>,
      %swap3A_104 = arith.constant 1 : i32
      %swap3A_105 = arith.index_cast %scan3A_48 : i32 to index
      %swap3A_106 = arith.index_cast %swap3A_104 : i32 to index
      %swap3A_107 = arith.constant 0 : index
      %swap3A_108 = tpu.vector_load %arg9[%swap3A_105, %swap3A_106, %swap3A_107] {strides = array<i32>} : memref<128x2x128xf32, #tpu.memory_space<vmem>>, vector<1x1x16xf32>,
      %swap3A_109 = vector.shape_cast %swap3A_108 : vector<1x1x16xf32> to vector<16xf32>
      %swap3A_110 = vector.shape_cast %broadcast_in_dim3A_7 : vector<16xf32> to vector<1x1x16xf32>
      tpu.vector_store %arg9[%swap3A_105, %swap3A_106, %swap3A_107], %swap3A_110 {strides = array<i32>} : memref<128x2x128xf32, #tpu.memory_space<vmem>>, vector<1x1x16xf32>,
      %swap3A_111 = arith.constant 1 : i32
      %swap3A_112 = arith.index_cast %scan3A_48 : i32 to index
      %swap3A_113 = arith.index_cast %swap3A_111 : i32 to index
      %swap3A_114 = arith.constant 16 : index
      %swap3A_115 = tpu.vector_load %arg9[%swap3A_112, %swap3A_113, %swap3A_114] {strides = array<i32>} : memref<128x2x128xf32, #tpu.memory_space<vmem>>, vector<1x1x16xf32>,
      %swap3A_116 = vector.shape_cast %swap3A_115 : vector<1x1x16xf32> to vector<16xf32>
      %swap3A_117 = vector.shape_cast %broadcast_in_dim3A_7 : vector<16xf32> to vector<1x1x16xf32>
      tpu.vector_store %arg9[%swap3A_112, %swap3A_113, %swap3A_114], %swap3A_117 {strides = array<i32>} : memref<128x2x128xf32, #tpu.memory_space<vmem>>, vector<1x1x16xf32>,
      %swap3A_118 = arith.constant 1 : i32
      %swap3A_119 = arith.index_cast %scan3A_48 : i32 to index
      %swap3A_120 = arith.index_cast %swap3A_118 : i32 to index
      %swap3A_121 = arith.constant 32 : index
      %swap3A_122 = tpu.vector_load %arg9[%swap3A_119, %swap3A_120, %swap3A_121] {strides = array<i32>} : memref<128x2x128xf32, #tpu.memory_space<vmem>>, vector<1x1x16xf32>,
      %swap3A_123 = vector.shape_cast %swap3A_122 : vector<1x1x16xf32> to vector<16xf32>
      %swap3A_124 = vector.shape_cast %broadcast_in_dim3A_7 : vector<16xf32> to vector<1x1x16xf32>
      tpu.vector_store %arg9[%swap3A_119, %swap3A_120, %swap3A_121], %swap3A_124 {strides = array<i32>} : memref<128x2x128xf32, #tpu.memory_space<vmem>>, vector<1x1x16xf32>,
      %swap3A_125 = arith.constant 1 : i32
      %swap3A_126 = arith.index_cast %scan3A_48 : i32 to index
      %swap3A_127 = arith.index_cast %swap3A_125 : i32 to index
      %swap3A_128 = arith.constant 48 : index
      %swap3A_129 = tpu.vector_load %arg9[%swap3A_126, %swap3A_127, %swap3A_128] {strides = array<i32>} : memref<128x2x128xf32, #tpu.memory_space<vmem>>, vector<1x1x16xf32>,
      %swap3A_130 = vector.shape_cast %swap3A_129 : vector<1x1x16xf32> to vector<16xf32>
      %swap3A_131 = vector.shape_cast %broadcast_in_dim3A_7 : vector<16xf32> to vector<1x1x16xf32>
      tpu.vector_store %arg9[%swap3A_126, %swap3A_127, %swap3A_128], %swap3A_131 {strides = array<i32>} : memref<128x2x128xf32, #tpu.memory_space<vmem>>, vector<1x1x16xf32>,
      %swap3A_132 = arith.constant 1 : i32
      %swap3A_133 = arith.index_cast %scan3A_48 : i32 to index
      %swap3A_134 = arith.index_cast %swap3A_132 : i32 to index
      %swap3A_135 = arith.constant 64 : index
      %swap3A_136 = tpu.vector_load %arg9[%swap3A_133, %swap3A_134, %swap3A_135] {strides = array<i32>} : memref<128x2x128xf32, #tpu.memory_space<vmem>>, vector<1x1x16xf32>,
      %swap3A_137 = vector.shape_cast %swap3A_136 : vector<1x1x16xf32> to vector<16xf32>
      %swap3A_138 = vector.shape_cast %broadcast_in_dim3A_7 : vector<16xf32> to vector<1x1x16xf32>
      tpu.vector_store %arg9[%swap3A_133, %swap3A_134, %swap3A_135], %swap3A_138 {strides = array<i32>} : memref<128x2x128xf32, #tpu.memory_space<vmem>>, vector<1x1x16xf32>,
      %swap3A_139 = arith.constant 1 : i32
      %swap3A_140 = arith.index_cast %scan3A_48 : i32 to index
      %swap3A_141 = arith.index_cast %swap3A_139 : i32 to index
      %swap3A_142 = arith.constant 80 : index
      %swap3A_143 = tpu.vector_load %arg9[%swap3A_140, %swap3A_141, %swap3A_142] {strides = array<i32>} : memref<128x2x128xf32, #tpu.memory_space<vmem>>, vector<1x1x16xf32>,
      %swap3A_144 = vector.shape_cast %swap3A_143 : vector<1x1x16xf32> to vector<16xf32>
      %swap3A_145 = vector.shape_cast %broadcast_in_dim3A_7 : vector<16xf32> to vector<1x1x16xf32>
      tpu.vector_store %arg9[%swap3A_140, %swap3A_141, %swap3A_142], %swap3A_145 {strides = array<i32>} : memref<128x2x128xf32, #tpu.memory_space<vmem>>, vector<1x1x16xf32>,
      %swap3A_146 = arith.constant 1 : i32
      %swap3A_147 = arith.index_cast %scan3A_48 : i32 to index
      %swap3A_148 = arith.index_cast %swap3A_146 : i32 to index
      %swap3A_149 = arith.constant 96 : index
      %swap3A_150 = tpu.vector_load %arg9[%swap3A_147, %swap3A_148, %swap3A_149] {strides = array<i32>} : memref<128x2x128xf32, #tpu.memory_space<vmem>>, vector<1x1x16xf32>,
      %swap3A_151 = vector.shape_cast %swap3A_150 : vector<1x1x16xf32> to vector<16xf32>
      %swap3A_152 = vector.shape_cast %broadcast_in_dim3A_7 : vector<16xf32> to vector<1x1x16xf32>
      tpu.vector_store %arg9[%swap3A_147, %swap3A_148, %swap3A_149], %swap3A_152 {strides = array<i32>} : memref<128x2x128xf32, #tpu.memory_space<vmem>>, vector<1x1x16xf32>,
      %swap3A_153 = arith.constant 1 : i32
      %swap3A_154 = arith.index_cast %scan3A_48 : i32 to index
      %swap3A_155 = arith.index_cast %swap3A_153 : i32 to index
      %swap3A_156 = arith.constant 112 : index
      %swap3A_157 = tpu.vector_load %arg9[%swap3A_154, %swap3A_155, %swap3A_156] {strides = array<i32>} : memref<128x2x128xf32, #tpu.memory_space<vmem>>, vector<1x1x16xf32>,
      %swap3A_158 = vector.shape_cast %swap3A_157 : vector<1x1x16xf32> to vector<16xf32>
      %swap3A_159 = vector.shape_cast %broadcast_in_dim3A_7 : vector<16xf32> to vector<1x1x16xf32>
      tpu.vector_store %arg9[%swap3A_154, %swap3A_155, %swap3A_156], %swap3A_159 {strides = array<i32>} : memref<128x2x128xf32, #tpu.memory_space<vmem>>, vector<1x1x16xf32>,
    }
    %scan3A_12 = arith.constant 128 : i32
    %mul3A_13 = arith.constant 328 : i32
    %mul3A_14 = arith.muli %arg1, %mul3A_13 : i32
    %add3A_15 = arith.constant 0 : i32
    %add3A_16 = arith.addi %mul3A_14, %add3A_15 : i32
    "tpu.region"() ({
      %run_scoped3A = tpu.sem_alloc : memref<!tpu.dma_semaphore, #tpu.memory_space<semaphore_mem>>
      %dma_start3A = arith.constant 0 : i32
      %dma_start3A_48 = arith.constant 0 : i32
      %dma_start3A_49 = tpu.memref_slice %arg11[%add3A_16, %dma_start3A, %dma_start3A_48] : memref<5248x2x128xf32, #tpu.memory_space<vmem_shared>> -> memref<128x2x128xf32, #tpu.memory_space<vmem_shared>>
      %dma_start3A_50 = arith.constant 0 : i32
      %dma_start3A_51 = arith.constant 0 : i32
      %dma_start3A_52 = tpu.memref_slice %arg11[%add3A_16, %dma_start3A_50, %dma_start3A_51] : memref<5248x2x128xf32, #tpu.memory_space<vmem_shared>> -> memref<128x2x128xf32, #tpu.memory_space<vmem_shared>>
      tpu.enqueue_dma source(%arg9 : memref<128x2x128xf32, #tpu.memory_space<vmem>>) target(%dma_start3A_52 : memref<128x2x128xf32, #tpu.memory_space<vmem_shared>>) target_semaphore(%run_scoped3A : memref<!tpu.dma_semaphore, #tpu.memory_space<semaphore_mem>>)
      %dma_wait3A = arith.constant 0 : i32
      %dma_wait3A_53 = arith.constant 0 : i32
      %dma_wait3A_54 = tpu.memref_slice %arg11[%add3A_16, %dma_wait3A, %dma_wait3A_53] : memref<5248x2x128xf32, #tpu.memory_space<vmem_shared>> -> memref<128x2x128xf32, #tpu.memory_space<vmem_shared>>
      %dma_wait3A_55 = arith.constant 0 : i32
      %dma_wait3A_56 = arith.constant 0 : i32
      %dma_wait3A_57 = tpu.memref_slice %arg11[%add3A_16, %dma_wait3A_55, %dma_wait3A_56] : memref<5248x2x128xf32, #tpu.memory_space<vmem_shared>> -> memref<128x2x128xf32, #tpu.memory_space<vmem_shared>>
      tpu.wait_dma2 semaphore(%run_scoped3A : memref<!tpu.dma_semaphore, #tpu.memory_space<semaphore_mem>>) src(%arg9 : memref<128x2x128xf32, #tpu.memory_space<vmem>>) dst(%dma_wait3A_57 : memref<128x2x128xf32, #tpu.memory_space<vmem_shared>>)
      tpu.yield
    }) : () -> ()
    %add3A_17 = arith.constant 128 : i32
    %add3A_18 = arith.addi %mul3A_14, %add3A_17 : i32
    "tpu.region"() ({
      %run_scoped3A = tpu.sem_alloc : memref<!tpu.dma_semaphore, #tpu.memory_space<semaphore_mem>>
      %dma_start3A = arith.constant 0 : i32
      %dma_start3A_48 = arith.constant 0 : i32
      %dma_start3A_49 = tpu.memref_slice %arg11[%add3A_18, %dma_start3A, %dma_start3A_48] : memref<5248x2x128xf32, #tpu.memory_space<vmem_shared>> -> memref<128x2x128xf32, #tpu.memory_space<vmem_shared>>
      %dma_start3A_50 = arith.constant 0 : i32
      %dma_start3A_51 = arith.constant 0 : i32
      %dma_start3A_52 = tpu.memref_slice %arg11[%add3A_18, %dma_start3A_50, %dma_start3A_51] : memref<5248x2x128xf32, #tpu.memory_space<vmem_shared>> -> memref<128x2x128xf32, #tpu.memory_space<vmem_shared>>
      tpu.enqueue_dma source(%arg9 : memref<128x2x128xf32, #tpu.memory_space<vmem>>) target(%dma_start3A_52 : memref<128x2x128xf32, #tpu.memory_space<vmem_shared>>) target_semaphore(%run_scoped3A : memref<!tpu.dma_semaphore, #tpu.memory_space<semaphore_mem>>)
      %dma_wait3A = arith.constant 0 : i32
      %dma_wait3A_53 = arith.constant 0 : i32
      %dma_wait3A_54 = tpu.memref_slice %arg11[%add3A_18, %dma_wait3A, %dma_wait3A_53] : memref<5248x2x128xf32, #tpu.memory_space<vmem_shared>> -> memref<128x2x128xf32, #tpu.memory_space<vmem_shared>>
      %dma_wait3A_55 = arith.constant 0 : i32
      %dma_wait3A_56 = arith.constant 0 : i32
      %dma_wait3A_57 = tpu.memref_slice %arg11[%add3A_18, %dma_wait3A_55, %dma_wait3A_56] : memref<5248x2x128xf32, #tpu.memory_space<vmem_shared>> -> memref<128x2x128xf32, #tpu.memory_space<vmem_shared>>
      tpu.wait_dma2 semaphore(%run_scoped3A : memref<!tpu.dma_semaphore, #tpu.memory_space<semaphore_mem>>) src(%arg9 : memref<128x2x128xf32, #tpu.memory_space<vmem>>) dst(%dma_wait3A_57 : memref<128x2x128xf32, #tpu.memory_space<vmem_shared>>)
      tpu.yield
    }) : () -> ()
    %add3A_19 = arith.constant 256 : i32
    %add3A_20 = arith.addi %mul3A_14, %add3A_19 : i32
    "tpu.region"() ({
      %run_scoped3A = tpu.sem_alloc : memref<!tpu.dma_semaphore, #tpu.memory_space<semaphore_mem>>
      %dma_start3A = arith.constant 0 : i32
      %dma_start3A_48 = arith.constant 0 : i32
      %dma_start3A_49 = arith.constant 0 : i32
      %dma_start3A_50 = tpu.memref_slice %arg9[%dma_start3A, %dma_start3A_48, %dma_start3A_49] : memref<128x2x128xf32, #tpu.memory_space<vmem>> -> memref<72x2x128xf32, #tpu.memory_space<vmem>>
      %dma_start3A_51 = arith.constant 0 : i32
      %dma_start3A_52 = arith.constant 0 : i32
      %dma_start3A_53 = tpu.memref_slice %arg11[%add3A_20, %dma_start3A_51, %dma_start3A_52] : memref<5248x2x128xf32, #tpu.memory_space<vmem_shared>> -> memref<72x2x128xf32, #tpu.memory_space<vmem_shared>>
      %dma_start3A_54 = arith.constant 0 : i32
      %dma_start3A_55 = arith.constant 0 : i32
      %dma_start3A_56 = tpu.memref_slice %arg11[%add3A_20, %dma_start3A_54, %dma_start3A_55] : memref<5248x2x128xf32, #tpu.memory_space<vmem_shared>> -> memref<72x2x128xf32, #tpu.memory_space<vmem_shared>>
      %dma_start3A_57 = arith.constant 0 : i32
      %dma_start3A_58 = arith.constant 0 : i32
      %dma_start3A_59 = arith.constant 0 : i32
      %dma_start3A_60 = tpu.memref_slice %arg9[%dma_start3A_57, %dma_start3A_58, %dma_start3A_59] : memref<128x2x128xf32, #tpu.memory_space<vmem>> -> memref<72x2x128xf32, #tpu.memory_space<vmem>>
      tpu.enqueue_dma source(%dma_start3A_60 : memref<72x2x128xf32, #tpu.memory_space<vmem>>) target(%dma_start3A_56 : memref<72x2x128xf32, #tpu.memory_space<vmem_shared>>) target_semaphore(%run_scoped3A : memref<!tpu.dma_semaphore, #tpu.memory_space<semaphore_mem>>)
      %dma_wait3A = arith.constant 0 : i32
      %dma_wait3A_61 = arith.constant 0 : i32
      %dma_wait3A_62 = arith.constant 0 : i32
      %dma_wait3A_63 = tpu.memref_slice %arg9[%dma_wait3A, %dma_wait3A_61, %dma_wait3A_62] : memref<128x2x128xf32, #tpu.memory_space<vmem>> -> memref<72x2x128xf32, #tpu.memory_space<vmem>>
      %dma_wait3A_64 = arith.constant 0 : i32
      %dma_wait3A_65 = arith.constant 0 : i32
      %dma_wait3A_66 = tpu.memref_slice %arg11[%add3A_20, %dma_wait3A_64, %dma_wait3A_65] : memref<5248x2x128xf32, #tpu.memory_space<vmem_shared>> -> memref<72x2x128xf32, #tpu.memory_space<vmem_shared>>
      %dma_wait3A_67 = arith.constant 0 : i32
      %dma_wait3A_68 = arith.constant 0 : i32
      %dma_wait3A_69 = tpu.memref_slice %arg11[%add3A_20, %dma_wait3A_67, %dma_wait3A_68] : memref<5248x2x128xf32, #tpu.memory_space<vmem_shared>> -> memref<72x2x128xf32, #tpu.memory_space<vmem_shared>>
      %dma_wait3A_70 = arith.constant 0 : i32
      %dma_wait3A_71 = arith.constant 0 : i32
      %dma_wait3A_72 = arith.constant 0 : i32
      %dma_wait3A_73 = tpu.memref_slice %arg9[%dma_wait3A_70, %dma_wait3A_71, %dma_wait3A_72] : memref<128x2x128xf32, #tpu.memory_space<vmem>> -> memref<72x2x128xf32, #tpu.memory_space<vmem>>
      tpu.wait_dma2 semaphore(%run_scoped3A : memref<!tpu.dma_semaphore, #tpu.memory_space<semaphore_mem>>) src(%dma_wait3A_73 : memref<72x2x128xf32, #tpu.memory_space<vmem>>) dst(%dma_wait3A_69 : memref<72x2x128xf32, #tpu.memory_space<vmem_shared>>)
      tpu.yield
    }) : () -> ()
    %barrier3A = arith.constant 0 : index
    tpu.barrier barrier_id(%barrier3A)
    %while3A = arith.constant 0 : i32
    %while3A_21 = arith.constant 0 : i32
    %while3A_22 = arith.subi %squeeze3A, %while3A_21 : i32
    %while3A_23 = arith.addi %while3A_21, %while3A_22 : i32
    %while3A_24 = arith.constant 1 : i32
    %while3A_25 = arith.divsi %while3A_22, %while3A_24 : i32
    %while3A_26 = arith.muli %while3A_25, %while3A_24 : i32
    %while3A_27 = arith.addi %while3A_21, %while3A_26 : i32
    %while3A_28 = arith.constant 1 : i32
    scf.for %while3A_48 = %while3A_21 to %while3A_27 step %while3A_28  : i32 {
      %gt3A = arith.constant 0 : i32
      %gt3A_49 = arith.cmpi sgt, %while3A_48, %gt3A : i32
      %rem3A = arith.constant 16 : i32
      %rem3A_50 = arith.remsi %while3A_48, %rem3A : i32
      %eq3A = arith.constant 0 : i32
      %eq3A_51 = arith.cmpi eq, %rem3A_50, %eq3A : i32
      %and3A = arith.andi %gt3A_49, %eq3A_51 : i1
      %convert_element_type3A = arith.extui %and3A : i1 to i32
      %cond3A = arith.constant 0 : i32
      %cond3A_52 = arith.cmpi ne, %convert_element_type3A, %cond3A : i32
      scf.if %cond3A_52 {
        %jit3A = arith.constant 16 : i32
        %div3A = arith.divsi %while3A_48, %jit3A : i32
        %sign3A = arith.constant 0 : i32
        %sign3A_97 = arith.cmpi sgt, %while3A_48, %sign3A : i32
        %sign3A_98 = arith.extui %sign3A_97 : i1 to i32
        %sign3A_99 = arith.constant 0 : i32
        %sign3A_100 = arith.cmpi slt, %while3A_48, %sign3A_99 : i32
        %sign3A_101 = arith.extui %sign3A_100 : i1 to i32
        %sign3A_102 = arith.subi %sign3A_98, %sign3A_101 : i32
        %sign3A_103 = arith.constant 0 : i32
        %sign3A_104 = arith.cmpi sgt, %jit3A, %sign3A_103 : i32
        %sign3A_105 = arith.extui %sign3A_104 : i1 to i32
        %sign3A_106 = arith.constant 0 : i32
        %sign3A_107 = arith.cmpi slt, %jit3A, %sign3A_106 : i32
        %sign3A_108 = arith.extui %sign3A_107 : i1 to i32
        %sign3A_109 = arith.subi %sign3A_105, %sign3A_108 : i32
        %ne3A = arith.cmpi ne, %sign3A_102, %sign3A_109 : i32
        %rem3A_110 = arith.remsi %while3A_48, %jit3A : i32
        %ne3A_111 = arith.constant 0 : i32
        %ne3A_112 = arith.cmpi ne, %rem3A_110, %ne3A_111 : i32
        %and3A_113 = arith.andi %ne3A, %ne3A_112 : i1
        %sub3A = arith.constant 1 : i32
        %sub3A_114 = arith.subi %div3A, %sub3A : i32
        %select_n3A = arith.select %and3A_113, %sub3A_114, %div3A : i32
        %mul3A_115 = arith.constant 16 : i32
        %mul3A_116 = arith.muli %select_n3A, %mul3A_115 : i32
        %add3A_117 = arith.addi %mul3A_2, %mul3A_116 : i32
        "tpu.region"() ({
          %run_scoped3A = tpu.sem_alloc : memref<!tpu.dma_semaphore, #tpu.memory_space<semaphore_mem>>
          %dma_start3A_119 = arith.constant 0 : i32
          %dma_start3A_120 = tpu.memref_slice %arg3[%add3A_117, %dma_start3A_119] : memref<2816x128xi32, #tpu.memory_space<hbm>> -> memref<16x128xi32, #tpu.memory_space<hbm>>
          %dma_start3A_121 = arith.constant 0 : i32
          %dma_start3A_122 = tpu.memref_slice %arg3[%add3A_117, %dma_start3A_121] : memref<2816x128xi32, #tpu.memory_space<hbm>> -> memref<16x128xi32, #tpu.memory_space<hbm>>
          tpu.enqueue_dma source(%dma_start3A_122 : memref<16x128xi32, #tpu.memory_space<hbm>>) target(%arg7 : memref<16x128xi32, #tpu.memory_space<vmem>>) target_semaphore(%run_scoped3A : memref<!tpu.dma_semaphore, #tpu.memory_space<semaphore_mem>>)
          %dma_wait3A_123 = arith.constant 0 : i32
          %dma_wait3A_124 = tpu.memref_slice %arg3[%add3A_117, %dma_wait3A_123] : memref<2816x128xi32, #tpu.memory_space<hbm>> -> memref<16x128xi32, #tpu.memory_space<hbm>>
          %dma_wait3A_125 = arith.constant 0 : i32
          %dma_wait3A_126 = tpu.memref_slice %arg3[%add3A_117, %dma_wait3A_125] : memref<2816x128xi32, #tpu.memory_space<hbm>> -> memref<16x128xi32, #tpu.memory_space<hbm>>
          tpu.wait_dma2 semaphore(%run_scoped3A : memref<!tpu.dma_semaphore, #tpu.memory_space<semaphore_mem>>) src(%dma_wait3A_126 : memref<16x128xi32, #tpu.memory_space<hbm>>) dst(%arg7 : memref<16x128xi32, #tpu.memory_space<vmem>>)
          tpu.yield
        }) : () -> ()
        %add3A_118 = arith.addi %mul3A_2, %mul3A_116 : i32
        "tpu.region"() ({
          %run_scoped3A = tpu.sem_alloc : memref<!tpu.dma_semaphore, #tpu.memory_space<semaphore_mem>>
          %dma_start3A_119 = arith.constant 0 : i32
          %dma_start3A_120 = tpu.memref_slice %arg4[%add3A_118, %dma_start3A_119] : memref<2816x128xi32, #tpu.memory_space<hbm>> -> memref<16x128xi32, #tpu.memory_space<hbm>>
          %dma_start3A_121 = arith.constant 0 : i32
          %dma_start3A_122 = tpu.memref_slice %arg4[%add3A_118, %dma_start3A_121] : memref<2816x128xi32, #tpu.memory_space<hbm>> -> memref<16x128xi32, #tpu.memory_space<hbm>>
          tpu.enqueue_dma source(%dma_start3A_122 : memref<16x128xi32, #tpu.memory_space<hbm>>) target(%arg8 : memref<16x128xi32, #tpu.memory_space<vmem>>) target_semaphore(%run_scoped3A : memref<!tpu.dma_semaphore, #tpu.memory_space<semaphore_mem>>)
          %dma_wait3A_123 = arith.constant 0 : i32
          %dma_wait3A_124 = tpu.memref_slice %arg4[%add3A_118, %dma_wait3A_123] : memref<2816x128xi32, #tpu.memory_space<hbm>> -> memref<16x128xi32, #tpu.memory_space<hbm>>
          %dma_wait3A_125 = arith.constant 0 : i32
          %dma_wait3A_126 = tpu.memref_slice %arg4[%add3A_118, %dma_wait3A_125] : memref<2816x128xi32, #tpu.memory_space<hbm>> -> memref<16x128xi32, #tpu.memory_space<hbm>>
          tpu.wait_dma2 semaphore(%run_scoped3A : memref<!tpu.dma_semaphore, #tpu.memory_space<semaphore_mem>>) src(%dma_wait3A_126 : memref<16x128xi32, #tpu.memory_space<hbm>>) dst(%arg8 : memref<16x128xi32, #tpu.memory_space<vmem>>)
          tpu.yield
        }) : () -> ()
      } else {
      }
      %rem3A_53 = arith.constant 16 : i32
      %rem3A_54 = arith.remsi %while3A_48, %rem3A_53 : i32
      %dma_start3A = arith.constant 0 : i32
      %dma_start3A_55 = arith.constant 0 : i32
      %dma_start3A_56 = arith.constant 0 : i32
      %dma_start3A_57 = tpu.memref_slice %arg9[%dma_start3A, %dma_start3A_55, %dma_start3A_56] : memref<128x2x128xf32, #tpu.memory_space<vmem>> -> memref<64x2x128xf32, #tpu.memory_space<vmem>>
      %dma_start3A_58 = arith.constant 0 : i32
      %dma_start3A_59 = tpu.memref_slice %arg7[%rem3A_54, %dma_start3A_58] : memref<16x128xi32, #tpu.memory_space<vmem>> -> memref<1x64xi32, #tpu.memory_space<vmem>>
      %dma_start3A_60 = tpu.memref_squeeze %dma_start3A_59 : memref<1x64xi32, #tpu.memory_space<vmem>> -> memref<64xi32, #tpu.memory_space<vmem>>
      %dma_start3A_61 = arith.constant 0 : i32
      %dma_start3A_62 = arith.constant 0 : i32
      %dma_start3A_63 = arith.constant 0 : i32
      %dma_start3A_64 = tpu.memref_slice %arg2[%dma_start3A_61, %dma_start3A_62, %dma_start3A_63] : memref<10400x2x128xf32, #tpu.memory_space<hbm>> -> memref<10400x2x128xf32, #tpu.memory_space<hbm>>
      tpu.enqueue_indirect_dma source(%dma_start3A_64 : memref<10400x2x128xf32, #tpu.memory_space<hbm>>) target(%dma_start3A_57 : memref<64x2x128xf32, #tpu.memory_space<vmem>>) offsets(%dma_start3A_60 : memref<64xi32, #tpu.memory_space<vmem>>) semaphore(%arg12 : memref<!tpu.dma_semaphore, #tpu.memory_space<semaphore_mem>>)
      %dma_start3A_65 = arith.constant 64 : i32
      %dma_start3A_66 = arith.constant 0 : i32
      %dma_start3A_67 = arith.constant 0 : i32
      %dma_start3A_68 = tpu.memref_slice %arg9[%dma_start3A_65, %dma_start3A_66, %dma_start3A_67] : memref<128x2x128xf32, #tpu.memory_space<vmem>> -> memref<64x2x128xf32, #tpu.memory_space<vmem>>
      %dma_start3A_69 = arith.constant 64 : i32
      %dma_start3A_70 = tpu.memref_slice %arg7[%rem3A_54, %dma_start3A_69] : memref<16x128xi32, #tpu.memory_space<vmem>> -> memref<1x64xi32, #tpu.memory_space<vmem>>
      %dma_start3A_71 = tpu.memref_squeeze %dma_start3A_70 : memref<1x64xi32, #tpu.memory_space<vmem>> -> memref<64xi32, #tpu.memory_space<vmem>>
      %dma_start3A_72 = arith.constant 0 : i32
      %dma_start3A_73 = arith.constant 0 : i32
      %dma_start3A_74 = arith.constant 0 : i32
      %dma_start3A_75 = tpu.memref_slice %arg2[%dma_start3A_72, %dma_start3A_73, %dma_start3A_74] : memref<10400x2x128xf32, #tpu.memory_space<hbm>> -> memref<10400x2x128xf32, #tpu.memory_space<hbm>>
      tpu.enqueue_indirect_dma source(%dma_start3A_75 : memref<10400x2x128xf32, #tpu.memory_space<hbm>>) target(%dma_start3A_68 : memref<64x2x128xf32, #tpu.memory_space<vmem>>) offsets(%dma_start3A_71 : memref<64xi32, #tpu.memory_space<vmem>>) semaphore(%arg13 : memref<!tpu.dma_semaphore, #tpu.memory_space<semaphore_mem>>)
      %dma_wait3A = arith.constant 0 : i32
      %dma_wait3A_76 = arith.constant 0 : i32
      %dma_wait3A_77 = arith.constant 0 : i32
      %dma_wait3A_78 = tpu.memref_slice %arg9[%dma_wait3A, %dma_wait3A_76, %dma_wait3A_77] : memref<128x2x128xf32, #tpu.memory_space<vmem>> -> memref<64x2x128xf32, #tpu.memory_space<vmem>>
      %dma_wait3A_79 = arith.constant 0 : i32
      %dma_wait3A_80 = tpu.memref_slice %arg7[%rem3A_54, %dma_wait3A_79] : memref<16x128xi32, #tpu.memory_space<vmem>> -> memref<1x64xi32, #tpu.memory_space<vmem>>
      %dma_wait3A_81 = tpu.memref_squeeze %dma_wait3A_80 : memref<1x64xi32, #tpu.memory_space<vmem>> -> memref<64xi32, #tpu.memory_space<vmem>>
      %dma_wait3A_82 = arith.constant 0 : i32
      %dma_wait3A_83 = arith.constant 0 : i32
      %dma_wait3A_84 = arith.constant 0 : i32
      %dma_wait3A_85 = tpu.memref_slice %arg2[%dma_wait3A_82, %dma_wait3A_83, %dma_wait3A_84] : memref<10400x2x128xf32, #tpu.memory_space<hbm>> -> memref<10400x2x128xf32, #tpu.memory_space<hbm>>
      tpu.wait_indirect_dma semaphore(%arg12 : memref<!tpu.dma_semaphore, #tpu.memory_space<semaphore_mem>>) src(%dma_wait3A_85 : memref<10400x2x128xf32, #tpu.memory_space<hbm>>) dst(%dma_wait3A_78 : memref<64x2x128xf32, #tpu.memory_space<vmem>>)
      %dma_wait3A_86 = arith.constant 64 : i32
      %dma_wait3A_87 = arith.constant 0 : i32
      %dma_wait3A_88 = arith.constant 0 : i32
      %dma_wait3A_89 = tpu.memref_slice %arg9[%dma_wait3A_86, %dma_wait3A_87, %dma_wait3A_88] : memref<128x2x128xf32, #tpu.memory_space<vmem>> -> memref<64x2x128xf32, #tpu.memory_space<vmem>>
      %dma_wait3A_90 = arith.constant 64 : i32
      %dma_wait3A_91 = tpu.memref_slice %arg7[%rem3A_54, %dma_wait3A_90] : memref<16x128xi32, #tpu.memory_space<vmem>> -> memref<1x64xi32, #tpu.memory_space<vmem>>
      %dma_wait3A_92 = tpu.memref_squeeze %dma_wait3A_91 : memref<1x64xi32, #tpu.memory_space<vmem>> -> memref<64xi32, #tpu.memory_space<vmem>>
      %dma_wait3A_93 = arith.constant 0 : i32
      %dma_wait3A_94 = arith.constant 0 : i32
      %dma_wait3A_95 = arith.constant 0 : i32
      %dma_wait3A_96 = tpu.memref_slice %arg2[%dma_wait3A_93, %dma_wait3A_94, %dma_wait3A_95] : memref<10400x2x128xf32, #tpu.memory_space<hbm>> -> memref<10400x2x128xf32, #tpu.memory_space<hbm>>
      tpu.wait_indirect_dma semaphore(%arg13 : memref<!tpu.dma_semaphore, #tpu.memory_space<semaphore_mem>>) src(%dma_wait3A_96 : memref<10400x2x128xf32, #tpu.memory_space<hbm>>) dst(%dma_wait3A_89 : memref<64x2x128xf32, #tpu.memory_space<vmem>>)
      "tpu.region"() ({
        %run_scoped3A = tpu.sem_alloc : memref<!tpu.dma_semaphore, #tpu.memory_space<semaphore_mem>>
        %dma_start3A_97 = arith.constant 0 : i32
        %dma_start3A_98 = tpu.memref_slice %arg8[%rem3A_54, %dma_start3A_97] : memref<16x128xi32, #tpu.memory_space<vmem>> -> memref<1x128xi32, #tpu.memory_space<vmem>>
        %dma_start3A_99 = tpu.memref_squeeze %dma_start3A_98 : memref<1x128xi32, #tpu.memory_space<vmem>> -> memref<128xi32, #tpu.memory_space<vmem>>
        %dma_start3A_100 = arith.constant 0 : i32
        %dma_start3A_101 = arith.constant 0 : i32
        %dma_start3A_102 = arith.constant 0 : i32
        %dma_start3A_103 = tpu.memref_slice %arg11[%dma_start3A_100, %dma_start3A_101, %dma_start3A_102] : memref<5248x2x128xf32, #tpu.memory_space<vmem_shared>> -> memref<5248x2x128xf32, #tpu.memory_space<vmem_shared>>
        tpu.enqueue_indirect_dma source(%arg9 : memref<128x2x128xf32, #tpu.memory_space<vmem>>) target(%dma_start3A_103 : memref<5248x2x128xf32, #tpu.memory_space<vmem_shared>>) offsets(%dma_start3A_99 : memref<128xi32, #tpu.memory_space<vmem>>) semaphore(%run_scoped3A : memref<!tpu.dma_semaphore, #tpu.memory_space<semaphore_mem>>) {add = true}
        %dma_wait3A_104 = arith.constant 0 : i32
        %dma_wait3A_105 = tpu.memref_slice %arg8[%rem3A_54, %dma_wait3A_104] : memref<16x128xi32, #tpu.memory_space<vmem>> -> memref<1x128xi32, #tpu.memory_space<vmem>>
        %dma_wait3A_106 = tpu.memref_squeeze %dma_wait3A_105 : memref<1x128xi32, #tpu.memory_space<vmem>> -> memref<128xi32, #tpu.memory_space<vmem>>
        %dma_wait3A_107 = arith.constant 0 : i32
        %dma_wait3A_108 = arith.constant 0 : i32
        %dma_wait3A_109 = arith.constant 0 : i32
        %dma_wait3A_110 = tpu.memref_slice %arg11[%dma_wait3A_107, %dma_wait3A_108, %dma_wait3A_109] : memref<5248x2x128xf32, #tpu.memory_space<vmem_shared>> -> memref<5248x2x128xf32, #tpu.memory_space<vmem_shared>>
        tpu.wait_indirect_dma semaphore(%run_scoped3A : memref<!tpu.dma_semaphore, #tpu.memory_space<semaphore_mem>>) src(%arg9 : memref<128x2x128xf32, #tpu.memory_space<vmem>>) dst(%dma_wait3A_110 : memref<5248x2x128xf32, #tpu.memory_space<vmem_shared>>)
        tpu.yield
      }) : () -> ()
    }
    %while3A_29 = arith.constant 1 : i32
    scf.for %while3A_48 = %while3A_27 to %while3A_23 step %while3A_29  : i32 {
      %gt3A = arith.constant 0 : i32
      %gt3A_49 = arith.cmpi sgt, %while3A_48, %gt3A : i32
      %rem3A = arith.constant 16 : i32
      %rem3A_50 = arith.remsi %while3A_48, %rem3A : i32
      %eq3A = arith.constant 0 : i32
      %eq3A_51 = arith.cmpi eq, %rem3A_50, %eq3A : i32
      %and3A = arith.andi %gt3A_49, %eq3A_51 : i1
      %convert_element_type3A = arith.extui %and3A : i1 to i32
      %cond3A = arith.constant 0 : i32
      %cond3A_52 = arith.cmpi ne, %convert_element_type3A, %cond3A : i32
      scf.if %cond3A_52 {
        %jit3A = arith.constant 16 : i32
        %div3A = arith.divsi %while3A_48, %jit3A : i32
        %sign3A = arith.constant 0 : i32
        %sign3A_97 = arith.cmpi sgt, %while3A_48, %sign3A : i32
        %sign3A_98 = arith.extui %sign3A_97 : i1 to i32
        %sign3A_99 = arith.constant 0 : i32
        %sign3A_100 = arith.cmpi slt, %while3A_48, %sign3A_99 : i32
        %sign3A_101 = arith.extui %sign3A_100 : i1 to i32
        %sign3A_102 = arith.subi %sign3A_98, %sign3A_101 : i32
        %sign3A_103 = arith.constant 0 : i32
        %sign3A_104 = arith.cmpi sgt, %jit3A, %sign3A_103 : i32
        %sign3A_105 = arith.extui %sign3A_104 : i1 to i32
        %sign3A_106 = arith.constant 0 : i32
        %sign3A_107 = arith.cmpi slt, %jit3A, %sign3A_106 : i32
        %sign3A_108 = arith.extui %sign3A_107 : i1 to i32
        %sign3A_109 = arith.subi %sign3A_105, %sign3A_108 : i32
        %ne3A = arith.cmpi ne, %sign3A_102, %sign3A_109 : i32
        %rem3A_110 = arith.remsi %while3A_48, %jit3A : i32
        %ne3A_111 = arith.constant 0 : i32
        %ne3A_112 = arith.cmpi ne, %rem3A_110, %ne3A_111 : i32
        %and3A_113 = arith.andi %ne3A, %ne3A_112 : i1
        %sub3A = arith.constant 1 : i32
        %sub3A_114 = arith.subi %div3A, %sub3A : i32
        %select_n3A = arith.select %and3A_113, %sub3A_114, %div3A : i32
        %mul3A_115 = arith.constant 16 : i32
        %mul3A_116 = arith.muli %select_n3A, %mul3A_115 : i32
        %add3A_117 = arith.addi %mul3A_2, %mul3A_116 : i32
        "tpu.region"() ({
          %run_scoped3A = tpu.sem_alloc : memref<!tpu.dma_semaphore, #tpu.memory_space<semaphore_mem>>
          %dma_start3A_119 = arith.constant 0 : i32
          %dma_start3A_120 = tpu.memref_slice %arg3[%add3A_117, %dma_start3A_119] : memref<2816x128xi32, #tpu.memory_space<hbm>> -> memref<16x128xi32, #tpu.memory_space<hbm>>
          %dma_start3A_121 = arith.constant 0 : i32
          %dma_start3A_122 = tpu.memref_slice %arg3[%add3A_117, %dma_start3A_121] : memref<2816x128xi32, #tpu.memory_space<hbm>> -> memref<16x128xi32, #tpu.memory_space<hbm>>
          tpu.enqueue_dma source(%dma_start3A_122 : memref<16x128xi32, #tpu.memory_space<hbm>>) target(%arg7 : memref<16x128xi32, #tpu.memory_space<vmem>>) target_semaphore(%run_scoped3A : memref<!tpu.dma_semaphore, #tpu.memory_space<semaphore_mem>>)
          %dma_wait3A_123 = arith.constant 0 : i32
          %dma_wait3A_124 = tpu.memref_slice %arg3[%add3A_117, %dma_wait3A_123] : memref<2816x128xi32, #tpu.memory_space<hbm>> -> memref<16x128xi32, #tpu.memory_space<hbm>>
          %dma_wait3A_125 = arith.constant 0 : i32
          %dma_wait3A_126 = tpu.memref_slice %arg3[%add3A_117, %dma_wait3A_125] : memref<2816x128xi32, #tpu.memory_space<hbm>> -> memref<16x128xi32, #tpu.memory_space<hbm>>
          tpu.wait_dma2 semaphore(%run_scoped3A : memref<!tpu.dma_semaphore, #tpu.memory_space<semaphore_mem>>) src(%dma_wait3A_126 : memref<16x128xi32, #tpu.memory_space<hbm>>) dst(%arg7 : memref<16x128xi32, #tpu.memory_space<vmem>>)
          tpu.yield
        }) : () -> ()
        %add3A_118 = arith.addi %mul3A_2, %mul3A_116 : i32
        "tpu.region"() ({
          %run_scoped3A = tpu.sem_alloc : memref<!tpu.dma_semaphore, #tpu.memory_space<semaphore_mem>>
          %dma_start3A_119 = arith.constant 0 : i32
          %dma_start3A_120 = tpu.memref_slice %arg4[%add3A_118, %dma_start3A_119] : memref<2816x128xi32, #tpu.memory_space<hbm>> -> memref<16x128xi32, #tpu.memory_space<hbm>>
          %dma_start3A_121 = arith.constant 0 : i32
          %dma_start3A_122 = tpu.memref_slice %arg4[%add3A_118, %dma_start3A_121] : memref<2816x128xi32, #tpu.memory_space<hbm>> -> memref<16x128xi32, #tpu.memory_space<hbm>>
          tpu.enqueue_dma source(%dma_start3A_122 : memref<16x128xi32, #tpu.memory_space<hbm>>) target(%arg8 : memref<16x128xi32, #tpu.memory_space<vmem>>) target_semaphore(%run_scoped3A : memref<!tpu.dma_semaphore, #tpu.memory_space<semaphore_mem>>)
          %dma_wait3A_123 = arith.constant 0 : i32
          %dma_wait3A_124 = tpu.memref_slice %arg4[%add3A_118, %dma_wait3A_123] : memref<2816x128xi32, #tpu.memory_space<hbm>> -> memref<16x128xi32, #tpu.memory_space<hbm>>
          %dma_wait3A_125 = arith.constant 0 : i32
          %dma_wait3A_126 = tpu.memref_slice %arg4[%add3A_118, %dma_wait3A_125] : memref<2816x128xi32, #tpu.memory_space<hbm>> -> memref<16x128xi32, #tpu.memory_space<hbm>>
          tpu.wait_dma2 semaphore(%run_scoped3A : memref<!tpu.dma_semaphore, #tpu.memory_space<semaphore_mem>>) src(%dma_wait3A_126 : memref<16x128xi32, #tpu.memory_space<hbm>>) dst(%arg8 : memref<16x128xi32, #tpu.memory_space<vmem>>)
          tpu.yield
        }) : () -> ()
      } else {
      }
      %rem3A_53 = arith.constant 16 : i32
      %rem3A_54 = arith.remsi %while3A_48, %rem3A_53 : i32
      %dma_start3A = arith.constant 0 : i32
      %dma_start3A_55 = arith.constant 0 : i32
      %dma_start3A_56 = arith.constant 0 : i32
      %dma_start3A_57 = tpu.memref_slice %arg9[%dma_start3A, %dma_start3A_55, %dma_start3A_56] : memref<128x2x128xf32, #tpu.memory_space<vmem>> -> memref<64x2x128xf32, #tpu.memory_space<vmem>>
      %dma_start3A_58 = arith.constant 0 : i32
      %dma_start3A_59 = tpu.memref_slice %arg7[%rem3A_54, %dma_start3A_58] : memref<16x128xi32, #tpu.memory_space<vmem>> -> memref<1x64xi32, #tpu.memory_space<vmem>>
      %dma_start3A_60 = tpu.memref_squeeze %dma_start3A_59 : memref<1x64xi32, #tpu.memory_space<vmem>> -> memref<64xi32, #tpu.memory_space<vmem>>
      %dma_start3A_61 = arith.constant 0 : i32
      %dma_start3A_62 = arith.constant 0 : i32
      %dma_start3A_63 = arith.constant 0 : i32
      %dma_start3A_64 = tpu.memref_slice %arg2[%dma_start3A_61, %dma_start3A_62, %dma_start3A_63] : memref<10400x2x128xf32, #tpu.memory_space<hbm>> -> memref<10400x2x128xf32, #tpu.memory_space<hbm>>
      tpu.enqueue_indirect_dma source(%dma_start3A_64 : memref<10400x2x128xf32, #tpu.memory_space<hbm>>) target(%dma_start3A_57 : memref<64x2x128xf32, #tpu.memory_space<vmem>>) offsets(%dma_start3A_60 : memref<64xi32, #tpu.memory_space<vmem>>) semaphore(%arg12 : memref<!tpu.dma_semaphore, #tpu.memory_space<semaphore_mem>>)
      %dma_start3A_65 = arith.constant 64 : i32
      %dma_start3A_66 = arith.constant 0 : i32
      %dma_start3A_67 = arith.constant 0 : i32
      %dma_start3A_68 = tpu.memref_slice %arg9[%dma_start3A_65, %dma_start3A_66, %dma_start3A_67] : memref<128x2x128xf32, #tpu.memory_space<vmem>> -> memref<64x2x128xf32, #tpu.memory_space<vmem>>
      %dma_start3A_69 = arith.constant 64 : i32
      %dma_start3A_70 = tpu.memref_slice %arg7[%rem3A_54, %dma_start3A_69] : memref<16x128xi32, #tpu.memory_space<vmem>> -> memref<1x64xi32, #tpu.memory_space<vmem>>
      %dma_start3A_71 = tpu.memref_squeeze %dma_start3A_70 : memref<1x64xi32, #tpu.memory_space<vmem>> -> memref<64xi32, #tpu.memory_space<vmem>>
      %dma_start3A_72 = arith.constant 0 : i32
      %dma_start3A_73 = arith.constant 0 : i32
      %dma_start3A_74 = arith.constant 0 : i32
      %dma_start3A_75 = tpu.memref_slice %arg2[%dma_start3A_72, %dma_start3A_73, %dma_start3A_74] : memref<10400x2x128xf32, #tpu.memory_space<hbm>> -> memref<10400x2x128xf32, #tpu.memory_space<hbm>>
      tpu.enqueue_indirect_dma source(%dma_start3A_75 : memref<10400x2x128xf32, #tpu.memory_space<hbm>>) target(%dma_start3A_68 : memref<64x2x128xf32, #tpu.memory_space<vmem>>) offsets(%dma_start3A_71 : memref<64xi32, #tpu.memory_space<vmem>>) semaphore(%arg13 : memref<!tpu.dma_semaphore, #tpu.memory_space<semaphore_mem>>)
      %dma_wait3A = arith.constant 0 : i32
      %dma_wait3A_76 = arith.constant 0 : i32
      %dma_wait3A_77 = arith.constant 0 : i32
      %dma_wait3A_78 = tpu.memref_slice %arg9[%dma_wait3A, %dma_wait3A_76, %dma_wait3A_77] : memref<128x2x128xf32, #tpu.memory_space<vmem>> -> memref<64x2x128xf32, #tpu.memory_space<vmem>>
      %dma_wait3A_79 = arith.constant 0 : i32
      %dma_wait3A_80 = tpu.memref_slice %arg7[%rem3A_54, %dma_wait3A_79] : memref<16x128xi32, #tpu.memory_space<vmem>> -> memref<1x64xi32, #tpu.memory_space<vmem>>
      %dma_wait3A_81 = tpu.memref_squeeze %dma_wait3A_80 : memref<1x64xi32, #tpu.memory_space<vmem>> -> memref<64xi32, #tpu.memory_space<vmem>>
      %dma_wait3A_82 = arith.constant 0 : i32
      %dma_wait3A_83 = arith.constant 0 : i32
      %dma_wait3A_84 = arith.constant 0 : i32
      %dma_wait3A_85 = tpu.memref_slice %arg2[%dma_wait3A_82, %dma_wait3A_83, %dma_wait3A_84] : memref<10400x2x128xf32, #tpu.memory_space<hbm>> -> memref<10400x2x128xf32, #tpu.memory_space<hbm>>
      tpu.wait_indirect_dma semaphore(%arg12 : memref<!tpu.dma_semaphore, #tpu.memory_space<semaphore_mem>>) src(%dma_wait3A_85 : memref<10400x2x128xf32, #tpu.memory_space<hbm>>) dst(%dma_wait3A_78 : memref<64x2x128xf32, #tpu.memory_space<vmem>>)
      %dma_wait3A_86 = arith.constant 64 : i32
      %dma_wait3A_87 = arith.constant 0 : i32
      %dma_wait3A_88 = arith.constant 0 : i32
      %dma_wait3A_89 = tpu.memref_slice %arg9[%dma_wait3A_86, %dma_wait3A_87, %dma_wait3A_88] : memref<128x2x128xf32, #tpu.memory_space<vmem>> -> memref<64x2x128xf32, #tpu.memory_space<vmem>>
      %dma_wait3A_90 = arith.constant 64 : i32
      %dma_wait3A_91 = tpu.memref_slice %arg7[%rem3A_54, %dma_wait3A_90] : memref<16x128xi32, #tpu.memory_space<vmem>> -> memref<1x64xi32, #tpu.memory_space<vmem>>
      %dma_wait3A_92 = tpu.memref_squeeze %dma_wait3A_91 : memref<1x64xi32, #tpu.memory_space<vmem>> -> memref<64xi32, #tpu.memory_space<vmem>>
      %dma_wait3A_93 = arith.constant 0 : i32
      %dma_wait3A_94 = arith.constant 0 : i32
      %dma_wait3A_95 = arith.constant 0 : i32
      %dma_wait3A_96 = tpu.memref_slice %arg2[%dma_wait3A_93, %dma_wait3A_94, %dma_wait3A_95] : memref<10400x2x128xf32, #tpu.memory_space<hbm>> -> memref<10400x2x128xf32, #tpu.memory_space<hbm>>
      tpu.wait_indirect_dma semaphore(%arg13 : memref<!tpu.dma_semaphore, #tpu.memory_space<semaphore_mem>>) src(%dma_wait3A_96 : memref<10400x2x128xf32, #tpu.memory_space<hbm>>) dst(%dma_wait3A_89 : memref<64x2x128xf32, #tpu.memory_space<vmem>>)
      "tpu.region"() ({
        %run_scoped3A = tpu.sem_alloc : memref<!tpu.dma_semaphore, #tpu.memory_space<semaphore_mem>>
        %dma_start3A_97 = arith.constant 0 : i32
        %dma_start3A_98 = tpu.memref_slice %arg8[%rem3A_54, %dma_start3A_97] : memref<16x128xi32, #tpu.memory_space<vmem>> -> memref<1x128xi32, #tpu.memory_space<vmem>>
        %dma_start3A_99 = tpu.memref_squeeze %dma_start3A_98 : memref<1x128xi32, #tpu.memory_space<vmem>> -> memref<128xi32, #tpu.memory_space<vmem>>
        %dma_start3A_100 = arith.constant 0 : i32
        %dma_start3A_101 = arith.constant 0 : i32
        %dma_start3A_102 = arith.constant 0 : i32
        %dma_start3A_103 = tpu.memref_slice %arg11[%dma_start3A_100, %dma_start3A_101, %dma_start3A_102] : memref<5248x2x128xf32, #tpu.memory_space<vmem_shared>> -> memref<5248x2x128xf32, #tpu.memory_space<vmem_shared>>
        tpu.enqueue_indirect_dma source(%arg9 : memref<128x2x128xf32, #tpu.memory_space<vmem>>) target(%dma_start3A_103 : memref<5248x2x128xf32, #tpu.memory_space<vmem_shared>>) offsets(%dma_start3A_99 : memref<128xi32, #tpu.memory_space<vmem>>) semaphore(%run_scoped3A : memref<!tpu.dma_semaphore, #tpu.memory_space<semaphore_mem>>) {add = true}
        %dma_wait3A_104 = arith.constant 0 : i32
        %dma_wait3A_105 = tpu.memref_slice %arg8[%rem3A_54, %dma_wait3A_104] : memref<16x128xi32, #tpu.memory_space<vmem>> -> memref<1x128xi32, #tpu.memory_space<vmem>>
        %dma_wait3A_106 = tpu.memref_squeeze %dma_wait3A_105 : memref<1x128xi32, #tpu.memory_space<vmem>> -> memref<128xi32, #tpu.memory_space<vmem>>
        %dma_wait3A_107 = arith.constant 0 : i32
        %dma_wait3A_108 = arith.constant 0 : i32
        %dma_wait3A_109 = arith.constant 0 : i32
        %dma_wait3A_110 = tpu.memref_slice %arg11[%dma_wait3A_107, %dma_wait3A_108, %dma_wait3A_109] : memref<5248x2x128xf32, #tpu.memory_space<vmem_shared>> -> memref<5248x2x128xf32, #tpu.memory_space<vmem_shared>>
        tpu.wait_indirect_dma semaphore(%run_scoped3A : memref<!tpu.dma_semaphore, #tpu.memory_space<semaphore_mem>>) src(%arg9 : memref<128x2x128xf32, #tpu.memory_space<vmem>>) dst(%dma_wait3A_110 : memref<5248x2x128xf32, #tpu.memory_space<vmem_shared>>)
        tpu.yield
      }) : () -> ()
    }
    %barrier3A_30 = arith.constant 0 : index
    tpu.barrier barrier_id(%barrier3A_30)
    %mul3A_31 = arith.constant 5600 : i32
    %mul3A_32 = arith.muli %arg0, %mul3A_31 : i32
    %mul3A_33 = arith.constant 328 : i32
    %mul3A_34 = arith.muli %arg1, %mul3A_33 : i32
    %add3A_35 = arith.addi %mul3A_32, %mul3A_34 : i32
    %add3A_36 = arith.constant 0 : i32
    %add3A_37 = arith.addi %mul3A_14, %add3A_36 : i32
    %add3A_38 = arith.constant 0 : i32
    %add3A_39 = arith.addi %add3A_35, %add3A_38 : i32
    "tpu.region"() ({
      %run_scoped3A = tpu.sem_alloc : memref<!tpu.dma_semaphore, #tpu.memory_space<semaphore_mem>>
      %dma_start3A = arith.constant 0 : i32
      %dma_start3A_48 = arith.constant 0 : i32
      %dma_start3A_49 = tpu.memref_slice %arg6[%add3A_39, %dma_start3A, %dma_start3A_48] : memref<10848x2x128xf32, #tpu.memory_space<hbm>> -> memref<128x2x128xf32, #tpu.memory_space<hbm>>
      %dma_start3A_50 = arith.constant 0 : i32
      %dma_start3A_51 = arith.constant 0 : i32
      %dma_start3A_52 = tpu.memref_slice %arg11[%add3A_37, %dma_start3A_50, %dma_start3A_51] : memref<5248x2x128xf32, #tpu.memory_space<vmem_shared>> -> memref<128x2x128xf32, #tpu.memory_space<vmem_shared>>
      tpu.enqueue_dma source(%dma_start3A_52 : memref<128x2x128xf32, #tpu.memory_space<vmem_shared>>) target(%dma_start3A_49 : memref<128x2x128xf32, #tpu.memory_space<hbm>>) target_semaphore(%run_scoped3A : memref<!tpu.dma_semaphore, #tpu.memory_space<semaphore_mem>>)
      %dma_wait3A = arith.constant 0 : i32
      %dma_wait3A_53 = arith.constant 0 : i32
      %dma_wait3A_54 = tpu.memref_slice %arg6[%add3A_39, %dma_wait3A, %dma_wait3A_53] : memref<10848x2x128xf32, #tpu.memory_space<hbm>> -> memref<128x2x128xf32, #tpu.memory_space<hbm>>
      %dma_wait3A_55 = arith.constant 0 : i32
      %dma_wait3A_56 = arith.constant 0 : i32
      %dma_wait3A_57 = tpu.memref_slice %arg11[%add3A_37, %dma_wait3A_55, %dma_wait3A_56] : memref<5248x2x128xf32, #tpu.memory_space<vmem_shared>> -> memref<128x2x128xf32, #tpu.memory_space<vmem_shared>>
      tpu.wait_dma2 semaphore(%run_scoped3A : memref<!tpu.dma_semaphore, #tpu.memory_space<semaphore_mem>>) src(%dma_wait3A_57 : memref<128x2x128xf32, #tpu.memory_space<vmem_shared>>) dst(%dma_wait3A_54 : memref<128x2x128xf32, #tpu.memory_space<hbm>>)
      tpu.yield
    }) : () -> ()
    %add3A_40 = arith.constant 128 : i32
    %add3A_41 = arith.addi %mul3A_14, %add3A_40 : i32
    %add3A_42 = arith.constant 128 : i32
    %add3A_43 = arith.addi %add3A_35, %add3A_42 : i32
    "tpu.region"() ({
      %run_scoped3A = tpu.sem_alloc : memref<!tpu.dma_semaphore, #tpu.memory_space<semaphore_mem>>
      %dma_start3A = arith.constant 0 : i32
      %dma_start3A_48 = arith.constant 0 : i32
      %dma_start3A_49 = tpu.memref_slice %arg6[%add3A_43, %dma_start3A, %dma_start3A_48] : memref<10848x2x128xf32, #tpu.memory_space<hbm>> -> memref<128x2x128xf32, #tpu.memory_space<hbm>>
      %dma_start3A_50 = arith.constant 0 : i32
      %dma_start3A_51 = arith.constant 0 : i32
      %dma_start3A_52 = tpu.memref_slice %arg11[%add3A_41, %dma_start3A_50, %dma_start3A_51] : memref<5248x2x128xf32, #tpu.memory_space<vmem_shared>> -> memref<128x2x128xf32, #tpu.memory_space<vmem_shared>>
      tpu.enqueue_dma source(%dma_start3A_52 : memref<128x2x128xf32, #tpu.memory_space<vmem_shared>>) target(%dma_start3A_49 : memref<128x2x128xf32, #tpu.memory_space<hbm>>) target_semaphore(%run_scoped3A : memref<!tpu.dma_semaphore, #tpu.memory_space<semaphore_mem>>)
      %dma_wait3A = arith.constant 0 : i32
      %dma_wait3A_53 = arith.constant 0 : i32
      %dma_wait3A_54 = tpu.memref_slice %arg6[%add3A_43, %dma_wait3A, %dma_wait3A_53] : memref<10848x2x128xf32, #tpu.memory_space<hbm>> -> memref<128x2x128xf32, #tpu.memory_space<hbm>>
      %dma_wait3A_55 = arith.constant 0 : i32
      %dma_wait3A_56 = arith.constant 0 : i32
      %dma_wait3A_57 = tpu.memref_slice %arg11[%add3A_41, %dma_wait3A_55, %dma_wait3A_56] : memref<5248x2x128xf32, #tpu.memory_space<vmem_shared>> -> memref<128x2x128xf32, #tpu.memory_space<vmem_shared>>
      tpu.wait_dma2 semaphore(%run_scoped3A : memref<!tpu.dma_semaphore, #tpu.memory_space<semaphore_mem>>) src(%dma_wait3A_57 : memref<128x2x128xf32, #tpu.memory_space<vmem_shared>>) dst(%dma_wait3A_54 : memref<128x2x128xf32, #tpu.memory_space<hbm>>)
      tpu.yield
    }) : () -> ()
    %add3A_44 = arith.constant 256 : i32
    %add3A_45 = arith.addi %mul3A_14, %add3A_44 : i32
    %add3A_46 = arith.constant 256 : i32
    %add3A_47 = arith.addi %add3A_35, %add3A_46 : i32
    "tpu.region"() ({
      %run_scoped3A = tpu.sem_alloc : memref<!tpu.dma_semaphore, #tpu.memory_space<semaphore_mem>>
      %dma_start3A = arith.constant 0 : i32
      %dma_start3A_48 = arith.constant 0 : i32
      %dma_start3A_49 = tpu.memref_slice %arg6[%add3A_47, %dma_start3A, %dma_start3A_48] : memref<10848x2x128xf32, #tpu.memory_space<hbm>> -> memref<72x2x128xf32, #tpu.memory_space<hbm>>
      %dma_start3A_50 = arith.constant 0 : i32
      %dma_start3A_51 = arith.constant 0 : i32
      %dma_start3A_52 = tpu.memref_slice %arg11[%add3A_45, %dma_start3A_50, %dma_start3A_51] : memref<5248x2x128xf32, #tpu.memory_space<vmem_shared>> -> memref<72x2x128xf32, #tpu.memory_space<vmem_shared>>
      tpu.enqueue_dma source(%dma_start3A_52 : memref<72x2x128xf32, #tpu.memory_space<vmem_shared>>) target(%dma_start3A_49 : memref<72x2x128xf32, #tpu.memory_space<hbm>>) target_semaphore(%run_scoped3A : memref<!tpu.dma_semaphore, #tpu.memory_space<semaphore_mem>>)
      %dma_wait3A = arith.constant 0 : i32
      %dma_wait3A_53 = arith.constant 0 : i32
      %dma_wait3A_54 = tpu.memref_slice %arg6[%add3A_47, %dma_wait3A, %dma_wait3A_53] : memref<10848x2x128xf32, #tpu.memory_space<hbm>> -> memref<72x2x128xf32, #tpu.memory_space<hbm>>
      %dma_wait3A_55 = arith.constant 0 : i32
      %dma_wait3A_56 = arith.constant 0 : i32
      %dma_wait3A_57 = tpu.memref_slice %arg11[%add3A_45, %dma_wait3A_55, %dma_wait3A_56] : memref<5248x2x128xf32, #tpu.memory_space<vmem_shared>> -> memref<72x2x128xf32, #tpu.memory_space<vmem_shared>>
      tpu.wait_dma2 semaphore(%run_scoped3A : memref<!tpu.dma_semaphore, #tpu.memory_space<semaphore_mem>>) src(%dma_wait3A_57 : memref<72x2x128xf32, #tpu.memory_space<vmem_shared>>) dst(%dma_wait3A_54 : memref<72x2x128xf32, #tpu.memory_space<hbm>>)
      tpu.yield
    }) : () -> ()
    return
  }
}

module attributes {stable_mosaic.version = 14 : i64} {
  func.func @_tc_in_body(%arg0: i32, %arg1: memref<400x256xf32, #tpu.memory_space<vmem>>, %arg2: memref<256x256xf32, #tpu.memory_space<vmem>>, %arg3: memref<400x256xf32, #tpu.memory_space<vmem>>) attributes {dimension_semantics = [#tpu.dimension_semantics<arbitrary>], iteration_bounds = array<i64: 25>, scalar_prefetch = 0 : i64, scratch_operands = 0 : i64, tpu.core_type = #tpu.core_type<tc>, window_params = [{transform_indices = @transform_0, window_bounds = array<i64: 400, 256>}, {pipeline_mode = #tpu.pipeline_mode<synchronous>, transform_indices = @transform_1, window_bounds = array<i64: 256, 256>}, {transform_indices = @transform_2, window_bounds = array<i64: 400, 256>}]} {
    %get3A = arith.constant 0 : index
    %get3A_0 = arith.constant 0 : index
    %get3A_1 = vector.load %arg1[%get3A, %get3A_0] : memref<400x256xf32, #tpu.memory_space<vmem>>, vector<400x256xf32>
    %get3A_2 = arith.constant 0 : index
    %get3A_3 = arith.constant 0 : index
    %get3A_4 = vector.load %arg2[%get3A_2, %get3A_3] : memref<256x256xf32, #tpu.memory_space<vmem>>, vector<256x256xf32>
    %dot_general3A = arith.constant dense<0.000000e+00> : vector<400x256xf32>
    %dot_general3A_5 = tpu.matmul %get3A_1, %get3A_4, %dot_general3A {dimension_numbers = #tpu.dot_dimension_numbers<[1], [0], [0], [1], [0, 0, 1, 1], [], []>, transpose_lhs_hint = false} : vector<400x256xf32>, vector<256x256xf32>, vector<400x256xf32> -> vector<400x256xf32>
    %max3A = arith.constant 0.000000e+00 : f32
    %max3A_6 = vector.broadcast %max3A : f32 to vector<400x256xf32>
    %max3A_7 = arith.maximumf %dot_general3A_5, %max3A_6 : vector<400x256xf32>
    %swap3A = arith.constant 0 : index
    %swap3A_8 = arith.constant 0 : index
    %swap3A_9 = vector.load %arg3[%swap3A, %swap3A_8] : memref<400x256xf32, #tpu.memory_space<vmem>>, vector<400x256xf32>
    tpu.vector_store %arg3[%swap3A, %swap3A_8], %max3A_7 {strides = array<i32>} : memref<400x256xf32, #tpu.memory_space<vmem>>, vector<400x256xf32>,
    return
  }
  func.func @transform_0(%arg0: i32) -> (i32, i32) {
    %c0_i32 = arith.constant 0 : i32
    %c0_i32_0 = arith.constant 0 : i32
    return %arg0, %c0_i32 : i32, i32
  }
  func.func @transform_1(%arg0: i32) -> (i32, i32) {
    %c0_i32 = arith.constant 0 : i32
    %c0_i32_0 = arith.constant 0 : i32
    %c0_i32_1 = arith.constant 0 : i32
    return %c0_i32, %c0_i32_0 : i32, i32
  }
  func.func @transform_2(%arg0: i32) -> (i32, i32) {
    %c0_i32 = arith.constant 0 : i32
    %c0_i32_0 = arith.constant 0 : i32
    return %arg0, %c0_i32 : i32, i32
  }
}

module attributes {stable_mosaic.version = 14 : i64} {
  func.func @_tc_step_body(%arg0: i32, %arg1: memref<400x256xf32, #tpu.memory_space<vmem>>, %arg2: memref<400x256xf32, #tpu.memory_space<vmem>>, %arg3: memref<256x256xf32, #tpu.memory_space<vmem>>, %arg4: memref<400x256xf32, #tpu.memory_space<vmem>>) attributes {dimension_semantics = [#tpu.dimension_semantics<arbitrary>], iteration_bounds = array<i64: 25>, scalar_prefetch = 0 : i64, scratch_operands = 0 : i64, tpu.core_type = #tpu.core_type<tc>, window_params = [{transform_indices = @transform_0, window_bounds = array<i64: 400, 256>}, {transform_indices = @transform_1, window_bounds = array<i64: 400, 256>}, {pipeline_mode = #tpu.pipeline_mode<synchronous>, transform_indices = @transform_2, window_bounds = array<i64: 256, 256>}, {transform_indices = @transform_3, window_bounds = array<i64: 400, 256>}]} {
    %get3A = arith.constant 0 : index
    %get3A_0 = arith.constant 0 : index
    %get3A_1 = vector.load %arg1[%get3A, %get3A_0] : memref<400x256xf32, #tpu.memory_space<vmem>>, vector<400x256xf32>
    %get3A_2 = arith.constant 0 : index
    %get3A_3 = arith.constant 0 : index
    %get3A_4 = vector.load %arg2[%get3A_2, %get3A_3] : memref<400x256xf32, #tpu.memory_space<vmem>>, vector<400x256xf32>
    %get3A_5 = arith.constant 0 : index
    %get3A_6 = arith.constant 0 : index
    %get3A_7 = vector.load %arg3[%get3A_5, %get3A_6] : memref<256x256xf32, #tpu.memory_space<vmem>>, vector<256x256xf32>
    %dot_general3A = arith.constant dense<0.000000e+00> : vector<400x256xf32>
    %dot_general3A_8 = tpu.matmul %get3A_4, %get3A_7, %dot_general3A {dimension_numbers = #tpu.dot_dimension_numbers<[1], [0], [0], [1], [0, 0, 1, 1], [], []>, transpose_lhs_hint = false} : vector<400x256xf32>, vector<256x256xf32>, vector<400x256xf32> -> vector<400x256xf32>
    %add3A = arith.addf %get3A_1, %dot_general3A_8 : vector<400x256xf32>
    %max3A = arith.constant 0.000000e+00 : f32
    %max3A_9 = vector.broadcast %max3A : f32 to vector<400x256xf32>
    %max3A_10 = arith.maximumf %add3A, %max3A_9 : vector<400x256xf32>
    %swap3A = arith.constant 0 : index
    %swap3A_11 = arith.constant 0 : index
    %swap3A_12 = vector.load %arg4[%swap3A, %swap3A_11] : memref<400x256xf32, #tpu.memory_space<vmem>>, vector<400x256xf32>
    tpu.vector_store %arg4[%swap3A, %swap3A_11], %max3A_10 {strides = array<i32>} : memref<400x256xf32, #tpu.memory_space<vmem>>, vector<400x256xf32>,
    return
  }
  func.func @transform_0(%arg0: i32) -> (i32, i32) {
    %c0_i32 = arith.constant 0 : i32
    %c0_i32_0 = arith.constant 0 : i32
    return %arg0, %c0_i32 : i32, i32
  }
  func.func @transform_1(%arg0: i32) -> (i32, i32) {
    %lt3A = arith.constant 13 : i32
    %lt3A_0 = arith.cmpi slt, %arg0, %lt3A : i32
    %add3A = arith.constant 1 : i32
    %add3A_1 = arith.addi %arg0, %add3A : i32
    %select_n3A = arith.select %lt3A_0, %arg0, %add3A_1 : i32
    %c0_i32 = arith.constant 0 : i32
    %c0_i32_2 = arith.constant 0 : i32
    return %select_n3A, %c0_i32 : i32, i32
  }
  func.func @transform_2(%arg0: i32) -> (i32, i32) {
    %c0_i32 = arith.constant 0 : i32
    %c0_i32_0 = arith.constant 0 : i32
    %c0_i32_1 = arith.constant 0 : i32
    return %c0_i32, %c0_i32_0 : i32, i32
  }
  func.func @transform_3(%arg0: i32) -> (i32, i32) {
    %c0_i32 = arith.constant 0 : i32
    %c0_i32_0 = arith.constant 0 : i32
    return %arg0, %c0_i32 : i32, i32
  }
}

module attributes {stable_mosaic.version = 14 : i64} {
  func.func @_tc_head_body(%arg0: i32, %arg1: memref<400x256xf32, #tpu.memory_space<vmem>>, %arg2: memref<400x256xf32, #tpu.memory_space<vmem>>, %arg3: memref<256x256xf32, #tpu.memory_space<vmem>>, %arg4: memref<1x1x400xi32, #tpu.memory_space<vmem>>, %arg5: memref<256x512xf32, #tpu.memory_space<vmem>>, %arg6: memref<1x512xf32, #tpu.memory_space<vmem>>, %arg7: memref<512x128xf32, #tpu.memory_space<vmem>>, %arg8: memref<1x128xf32, #tpu.memory_space<vmem>>, %arg9: memref<512x128xf32, #tpu.memory_space<vmem>>, %arg10: memref<1x128xf32, #tpu.memory_space<vmem>>, %arg11: memref<256x128xf32, #tpu.memory_space<vmem>>, %arg12: memref<256x128xf32, #tpu.memory_space<vmem>>, %arg13: memref<256x256xf32, #tpu.memory_space<vmem>>, %arg14: memref<256x1xf32, #tpu.memory_space<vmem>>) attributes {dimension_semantics = [#tpu.dimension_semantics<arbitrary>], iteration_bounds = array<i64: 25>, scalar_prefetch = 0 : i64, scratch_operands = 2 : i64, tpu.core_type = #tpu.core_type<tc>, window_params = [{transform_indices = @transform_0, window_bounds = array<i64: 400, 256>}, {transform_indices = @transform_1, window_bounds = array<i64: 400, 256>}, {pipeline_mode = #tpu.pipeline_mode<synchronous>, transform_indices = @transform_2, window_bounds = array<i64: 256, 256>}, {transform_indices = @transform_3, window_bounds = array<i64: 1, 1, 400>}, {pipeline_mode = #tpu.pipeline_mode<synchronous>, transform_indices = @transform_4, window_bounds = array<i64: 256, 512>}, {pipeline_mode = #tpu.pipeline_mode<synchronous>, transform_indices = @transform_5, window_bounds = array<i64: 1, 512>}, {pipeline_mode = #tpu.pipeline_mode<synchronous>, transform_indices = @transform_6, window_bounds = array<i64: 512, 128>}, {pipeline_mode = #tpu.pipeline_mode<synchronous>, transform_indices = @transform_7, window_bounds = array<i64: 1, 128>}, {pipeline_mode = #tpu.pipeline_mode<synchronous>, transform_indices = @transform_8, window_bounds = array<i64: 512, 128>}, {pipeline_mode = #tpu.pipeline_mode<synchronous>, transform_indices = @transform_9, window_bounds = array<i64: 1, 128>}, {pipeline_mode = #tpu.pipeline_mode<synchronous>, transform_indices = @transform_10, window_bounds = array<i64: 256, 128>}, {pipeline_mode = #tpu.pipeline_mode<synchronous>, transform_indices = @transform_11, window_bounds = array<i64: 256, 128>}]} {
    %eq3A = arith.constant 0 : i32
    %eq3A_0 = arith.cmpi eq, %arg0, %eq3A : i32
    %convert_element_type3A = arith.extui %eq3A_0 : i1 to i32
    %cond3A = arith.constant 0 : i32
    %cond3A_1 = arith.cmpi ne, %convert_element_type3A, %cond3A : i32
    scf.if %cond3A_1 {
      %broadcast_in_dim3A_43 = arith.constant 0.000000e+00 : f32
      %broadcast_in_dim3A_44 = vector.broadcast %broadcast_in_dim3A_43 : f32 to vector<256x256xf32>
      %swap3A_45 = arith.constant 0 : index
      %swap3A_46 = arith.constant 0 : index
      %swap3A_47 = vector.load %arg13[%swap3A_45, %swap3A_46] : memref<256x256xf32, #tpu.memory_space<vmem>>, vector<256x256xf32>
      tpu.vector_store %arg13[%swap3A_45, %swap3A_46], %broadcast_in_dim3A_44 {strides = array<i32>} : memref<256x256xf32, #tpu.memory_space<vmem>>, vector<256x256xf32>,
      %broadcast_in_dim3A_48 = arith.constant 0.000000e+00 : f32
      %broadcast_in_dim3A_49 = vector.broadcast %broadcast_in_dim3A_48 : f32 to vector<256x1xf32>
      %swap3A_50 = arith.constant 0 : index
      %swap3A_51 = arith.constant 0 : index
      %swap3A_52 = vector.load %arg14[%swap3A_50, %swap3A_51] : memref<256x1xf32, #tpu.memory_space<vmem>>, vector<256x1xf32>
      tpu.vector_store %arg14[%swap3A_50, %swap3A_51], %broadcast_in_dim3A_49 {strides = array<i32>} : memref<256x1xf32, #tpu.memory_space<vmem>>, vector<256x1xf32>,
    } else {
    }
    %get3A = arith.constant 0 : index
    %get3A_2 = arith.constant 0 : index
    %get3A_3 = vector.load %arg1[%get3A, %get3A_2] : memref<400x256xf32, #tpu.memory_space<vmem>>, vector<400x256xf32>
    %get3A_4 = arith.constant 0 : index
    %get3A_5 = arith.constant 0 : index
    %get3A_6 = vector.load %arg2[%get3A_4, %get3A_5] : memref<400x256xf32, #tpu.memory_space<vmem>>, vector<400x256xf32>
    %get3A_7 = arith.constant 0 : index
    %get3A_8 = arith.constant 0 : index
    %get3A_9 = vector.load %arg3[%get3A_7, %get3A_8] : memref<256x256xf32, #tpu.memory_space<vmem>>, vector<256x256xf32>
    %dot_general3A = arith.constant dense<0.000000e+00> : vector<400x256xf32>
    %dot_general3A_10 = tpu.matmul %get3A_6, %get3A_9, %dot_general3A {dimension_numbers = #tpu.dot_dimension_numbers<[1], [0], [0], [1], [0, 0, 1, 1], [], []>, transpose_lhs_hint = false} : vector<400x256xf32>, vector<256x256xf32>, vector<400x256xf32> -> vector<400x256xf32>
    %add3A = arith.addf %get3A_3, %dot_general3A_10 : vector<400x256xf32>
    %max3A = arith.constant 0.000000e+00 : f32
    %max3A_11 = vector.broadcast %max3A : f32 to vector<400x256xf32>
    %max3A_12 = arith.maximumf %add3A, %max3A_11 : vector<400x256xf32>
    %get3A_13 = arith.constant 0 : index
    %get3A_14 = arith.constant 0 : index
    %get3A_15 = arith.constant 0 : index
    %get3A_16 = vector.load %arg4[%get3A_13, %get3A_14, %get3A_15] : memref<1x1x400xi32, #tpu.memory_space<vmem>>, vector<1x1x400xi32>
    %get3A_17 = vector.shape_cast %get3A_16 : vector<1x1x400xi32> to vector<1x400xi32>
    %iota3A = tpu.iota {dimensions = array<i32: 0>} : vector<256x400xi32>
    %eq3A_18 = vector.broadcast %get3A_17 : vector<1x400xi32> to vector<256x400xi32>
    %eq3A_19 = arith.cmpi eq, %iota3A, %eq3A_18 : vector<256x400xi32>
    %convert_element_type3A_20 = arith.extui %eq3A_19 : vector<256x400xi1> to vector<256x400xi32>
    %convert_element_type3A_21 = arith.sitofp %convert_element_type3A_20 : vector<256x400xi32> to vector<256x400xf32>
    %get3A_22 = arith.constant 0 : index
    %get3A_23 = arith.constant 0 : index
    %get3A_24 = vector.load %arg13[%get3A_22, %get3A_23] : memref<256x256xf32, #tpu.memory_space<vmem>>, vector<256x256xf32>
    %dot_general3A_25 = arith.constant dense<0.000000e+00> : vector<256x256xf32>
    %dot_general3A_26 = tpu.matmul %convert_element_type3A_21, %max3A_12, %dot_general3A_25 {dimension_numbers = #tpu.dot_dimension_numbers<[1], [0], [0], [1], [0, 0, 1, 1], [], []>, transpose_lhs_hint = false} : vector<256x400xf32>, vector<400x256xf32>, vector<256x256xf32> -> vector<256x256xf32>
    %add3A_27 = arith.addf %get3A_24, %dot_general3A_26 : vector<256x256xf32>
    %swap3A = arith.constant 0 : index
    %swap3A_28 = arith.constant 0 : index
    %swap3A_29 = vector.load %arg13[%swap3A, %swap3A_28] : memref<256x256xf32, #tpu.memory_space<vmem>>, vector<256x256xf32>
    tpu.vector_store %arg13[%swap3A, %swap3A_28], %add3A_27 {strides = array<i32>} : memref<256x256xf32, #tpu.memory_space<vmem>>, vector<256x256xf32>,
    %get3A_30 = arith.constant 0 : index
    %get3A_31 = arith.constant 0 : index
    %get3A_32 = vector.load %arg14[%get3A_30, %get3A_31] : memref<256x1xf32, #tpu.memory_space<vmem>>, vector<256x1xf32>
    %reduce_sum3A = arith.constant dense<0.000000e+00> : vector<256xf32>
    %reduce_sum3A_33 = vector.multi_reduction <add>, %convert_element_type3A_21, %reduce_sum3A [1] : vector<256x400xf32> to vector<256xf32>
    %broadcast_in_dim3A = vector.shape_cast %reduce_sum3A_33 : vector<256xf32> to vector<256x1xf32>
    %add3A_34 = arith.addf %get3A_32, %broadcast_in_dim3A : vector<256x1xf32>
    %swap3A_35 = arith.constant 0 : index
    %swap3A_36 = arith.constant 0 : index
    %swap3A_37 = vector.load %arg14[%swap3A_35, %swap3A_36] : memref<256x1xf32, #tpu.memory_space<vmem>>, vector<256x1xf32>
    tpu.vector_store %arg14[%swap3A_35, %swap3A_36], %add3A_34 {strides = array<i32>} : memref<256x1xf32, #tpu.memory_space<vmem>>, vector<256x1xf32>,
    %eq3A_38 = arith.constant 24 : i32
    %eq3A_39 = arith.cmpi eq, %arg0, %eq3A_38 : i32
    %convert_element_type3A_40 = arith.extui %eq3A_39 : i1 to i32
    %cond3A_41 = arith.constant 0 : i32
    %cond3A_42 = arith.cmpi ne, %convert_element_type3A_40, %cond3A_41 : i32
    scf.if %cond3A_42 {
      %get3A_43 = arith.constant 0 : index
      %get3A_44 = arith.constant 0 : index
      %get3A_45 = vector.load %arg14[%get3A_43, %get3A_44] : memref<256x1xf32, #tpu.memory_space<vmem>>, vector<256x1xf32>
      %max3A_46 = arith.constant 1.000000e+00 : f32
      %max3A_47 = vector.broadcast %max3A_46 : f32 to vector<256x1xf32>
      %max3A_48 = arith.maximumf %get3A_45, %max3A_47 : vector<256x1xf32>
      %get3A_49 = arith.constant 0 : index
      %get3A_50 = arith.constant 0 : index
      %get3A_51 = vector.load %arg13[%get3A_49, %get3A_50] : memref<256x256xf32, #tpu.memory_space<vmem>>, vector<256x256xf32>
      %div3A = vector.broadcast %max3A_48 : vector<256x1xf32> to vector<256x256xf32>
      %div3A_52 = arith.divf %get3A_51, %div3A : vector<256x256xf32>
      %get3A_53 = arith.constant 0 : index
      %get3A_54 = arith.constant 0 : index
      %get3A_55 = vector.load %arg5[%get3A_53, %get3A_54] : memref<256x512xf32, #tpu.memory_space<vmem>>, vector<256x512xf32>
      %dot_general3A_56 = arith.constant dense<0.000000e+00> : vector<256x512xf32>
      %dot_general3A_57 = tpu.matmul %div3A_52, %get3A_55, %dot_general3A_56 {dimension_numbers = #tpu.dot_dimension_numbers<[1], [0], [0], [1], [0, 0, 1, 1], [], []>, transpose_lhs_hint = false} : vector<256x256xf32>, vector<256x512xf32>, vector<256x512xf32> -> vector<256x512xf32>
      %get3A_58 = arith.constant 0 : index
      %get3A_59 = arith.constant 0 : index
      %get3A_60 = vector.load %arg6[%get3A_58, %get3A_59] : memref<1x512xf32, #tpu.memory_space<vmem>>, vector<1x512xf32>
      %add3A_61 = vector.broadcast %get3A_60 : vector<1x512xf32> to vector<256x512xf32>
      %add3A_62 = arith.addf %dot_general3A_57, %add3A_61 : vector<256x512xf32>
      %max3A_63 = arith.constant 0.000000e+00 : f32
      %max3A_64 = vector.broadcast %max3A_63 : f32 to vector<256x512xf32>
      %max3A_65 = arith.maximumf %add3A_62, %max3A_64 : vector<256x512xf32>
      %get3A_66 = arith.constant 0 : index
      %get3A_67 = arith.constant 0 : index
      %get3A_68 = vector.load %arg7[%get3A_66, %get3A_67] : memref<512x128xf32, #tpu.memory_space<vmem>>, vector<512x128xf32>
      %dot_general3A_69 = arith.constant dense<0.000000e+00> : vector<256x128xf32>
      %dot_general3A_70 = tpu.matmul %max3A_65, %get3A_68, %dot_general3A_69 {dimension_numbers = #tpu.dot_dimension_numbers<[1], [0], [0], [1], [0, 0, 1, 1], [], []>, transpose_lhs_hint = false} : vector<256x512xf32>, vector<512x128xf32>, vector<256x128xf32> -> vector<256x128xf32>
      %get3A_71 = arith.constant 0 : index
      %get3A_72 = arith.constant 0 : index
      %get3A_73 = vector.load %arg8[%get3A_71, %get3A_72] : memref<1x128xf32, #tpu.memory_space<vmem>>, vector<1x128xf32>
      %add3A_74 = vector.broadcast %get3A_73 : vector<1x128xf32> to vector<256x128xf32>
      %add3A_75 = arith.addf %dot_general3A_70, %add3A_74 : vector<256x128xf32>
      %swap3A_76 = arith.constant 0 : index
      %swap3A_77 = arith.constant 0 : index
      %swap3A_78 = vector.load %arg11[%swap3A_76, %swap3A_77] : memref<256x128xf32, #tpu.memory_space<vmem>>, vector<256x128xf32>
      tpu.vector_store %arg11[%swap3A_76, %swap3A_77], %add3A_75 {strides = array<i32>} : memref<256x128xf32, #tpu.memory_space<vmem>>, vector<256x128xf32>,
      %get3A_79 = arith.constant 0 : index
      %get3A_80 = arith.constant 0 : index
      %get3A_81 = vector.load %arg9[%get3A_79, %get3A_80] : memref<512x128xf32, #tpu.memory_space<vmem>>, vector<512x128xf32>
      %dot_general3A_82 = arith.constant dense<0.000000e+00> : vector<256x128xf32>
      %dot_general3A_83 = tpu.matmul %max3A_65, %get3A_81, %dot_general3A_82 {dimension_numbers = #tpu.dot_dimension_numbers<[1], [0], [0], [1], [0, 0, 1, 1], [], []>, transpose_lhs_hint = false} : vector<256x512xf32>, vector<512x128xf32>, vector<256x128xf32> -> vector<256x128xf32>
      %get3A_84 = arith.constant 0 : index
      %get3A_85 = arith.constant 0 : index
      %get3A_86 = vector.load %arg10[%get3A_84, %get3A_85] : memref<1x128xf32, #tpu.memory_space<vmem>>, vector<1x128xf32>
      %add3A_87 = vector.broadcast %get3A_86 : vector<1x128xf32> to vector<256x128xf32>
      %add3A_88 = arith.addf %dot_general3A_83, %add3A_87 : vector<256x128xf32>
      %swap3A_89 = arith.constant 0 : index
      %swap3A_90 = arith.constant 0 : index
      %swap3A_91 = vector.load %arg12[%swap3A_89, %swap3A_90] : memref<256x128xf32, #tpu.memory_space<vmem>>, vector<256x128xf32>
      tpu.vector_store %arg12[%swap3A_89, %swap3A_90], %add3A_88 {strides = array<i32>} : memref<256x128xf32, #tpu.memory_space<vmem>>, vector<256x128xf32>,
    } else {
    }
    return
  }
  func.func @transform_0(%arg0: i32) -> (i32, i32) {
    %c0_i32 = arith.constant 0 : i32
    %c0_i32_0 = arith.constant 0 : i32
    return %arg0, %c0_i32 : i32, i32
  }
  func.func @transform_1(%arg0: i32) -> (i32, i32) {
    %lt3A = arith.constant 13 : i32
    %lt3A_0 = arith.cmpi slt, %arg0, %lt3A : i32
    %add3A = arith.constant 1 : i32
    %add3A_1 = arith.addi %arg0, %add3A : i32
    %select_n3A = arith.select %lt3A_0, %arg0, %add3A_1 : i32
    %c0_i32 = arith.constant 0 : i32
    %c0_i32_2 = arith.constant 0 : i32
    return %select_n3A, %c0_i32 : i32, i32
  }
  func.func @transform_2(%arg0: i32) -> (i32, i32) {
    %c0_i32 = arith.constant 0 : i32
    %c0_i32_0 = arith.constant 0 : i32
    %c0_i32_1 = arith.constant 0 : i32
    return %c0_i32, %c0_i32_0 : i32, i32
  }
  func.func @transform_3(%arg0: i32) -> (i32, i32, i32) {
    %c0_i32 = arith.constant 0 : i32
    %c0_i32_0 = arith.constant 0 : i32
    %c0_i32_1 = arith.constant 0 : i32
    return %arg0, %c0_i32, %c0_i32_0 : i32, i32, i32
  }
  func.func @transform_4(%arg0: i32) -> (i32, i32) {
    %c0_i32 = arith.constant 0 : i32
    %c0_i32_0 = arith.constant 0 : i32
    %c0_i32_1 = arith.constant 0 : i32
    return %c0_i32, %c0_i32_0 : i32, i32
  }
  func.func @transform_5(%arg0: i32) -> (i32, i32) {
    %c0_i32 = arith.constant 0 : i32
    %c0_i32_0 = arith.constant 0 : i32
    %c0_i32_1 = arith.constant 0 : i32
    return %c0_i32, %c0_i32_0 : i32, i32
  }
  func.func @transform_6(%arg0: i32) -> (i32, i32) {
    %c0_i32 = arith.constant 0 : i32
    %c0_i32_0 = arith.constant 0 : i32
    %c0_i32_1 = arith.constant 0 : i32
    return %c0_i32, %c0_i32_0 : i32, i32
  }
  func.func @transform_7(%arg0: i32) -> (i32, i32) {
    %c0_i32 = arith.constant 0 : i32
    %c0_i32_0 = arith.constant 0 : i32
    %c0_i32_1 = arith.constant 0 : i32
    return %c0_i32, %c0_i32_0 : i32, i32
  }
  func.func @transform_8(%arg0: i32) -> (i32, i32) {
    %c0_i32 = arith.constant 0 : i32
    %c0_i32_0 = arith.constant 0 : i32
    %c0_i32_1 = arith.constant 0 : i32
    return %c0_i32, %c0_i32_0 : i32, i32
  }
  func.func @transform_9(%arg0: i32) -> (i32, i32) {
    %c0_i32 = arith.constant 0 : i32
    %c0_i32_0 = arith.constant 0 : i32
    %c0_i32_1 = arith.constant 0 : i32
    return %c0_i32, %c0_i32_0 : i32, i32
  }
  func.func @transform_10(%arg0: i32) -> (i32, i32) {
    %c0_i32 = arith.constant 0 : i32
    %c0_i32_0 = arith.constant 0 : i32
    %c0_i32_1 = arith.constant 0 : i32
    return %c0_i32, %c0_i32_0 : i32, i32
  }
  func.func @transform_11(%arg0: i32) -> (i32, i32) {
    %c0_i32 = arith.constant 0 : i32
    %c0_i32_0 = arith.constant 0 : i32
    %c0_i32_1 = arith.constant 0 : i32
    return %c0_i32, %c0_i32_0 : i32, i32
  }
}

</mosaic_0001>

<sc_bundles>
// kernel: kernel.10.cloned.1.call-start
scs
__scs_entry_jumppad:
0x0: {  	(pc) =	sbr.rel $0x88, $3  }
0x1: {  	(tag) =	ssettag $0x0;
	lr =	simm.s32 $0x1  }
0x2: {  	[smem:$0x3F96] =	sst lr;
	_ =	strace $0xD0000000  }
0x3: {  	_ = 	snop  }
0x4: {  	_ = 	snop  }
0x5: {  	_ = 	snop  }
0x6: {  	_ = 	snop  }
0x7: {  	_ = 	snop  }
__scs_overlays_trampoline_lowered:
0x8: {  	[smem:$0x3FA5] =	sst s0  }
0x9: {  	[smem:$0x3FA6] =	sst s1  }
0xa: {  	[smem:$0x3FA7] =	sst s2  }
0xb: {  	[smem:$0x3FA8] =	sst s3  }
0xc: {  	[smem:$0x3FA9] =	sst s4  }
0xd: {  	[smem:$0x3FAA] =	sst s5  }
0xe: {  	[smem:$0x3FAB] =	sst s6  }
0xf: {  	[smem:$0x3FAC] =	sst s7  }
0x10: {  	[smem:$0x3FAD] =	sst s8  }
0x11: {  	[smem:$0x3FAE] =	sst s9;
	s0 =	simm.s32 @!p0 $0x0  }
0x12: {  	s1 =	sld [smem:$0x3F94];
	s0 =	simm.s32 @p0 $0x1  }
0x13: {  	[smem:$0x3FAF] =	sst s0;
	s0 =	simm.s32 @!p1 $0x0  }
0x14: {  	s2 =	sld [smem:$0x3F93];
	s0 =	simm.s32 @p1 $0x1  }
0x15: {  	[smem:$0x3FB0] =	sst s0;
	s0 =	simm.s32 @!p2 $0x0  }
0x16: {  	s3 =	sld [smem:$0x3FDB];
	s0 =	simm.s32 @p2 $0x1  }
0x17: {  	s4 =	simm.s32 $0x1BF5;
	[smem:$0x3FB2] =	sst s0  }
0x18: {  	s0 =	sld [smem:$0x3F95];
	_ =	swait.ge [sflag:s4], $0x0  }
0x19: {  	s7 =	sld [smem:$0x3F96]  }
0x1a: {  	s8 =	sadd.s32 $0xFFFFE003, lr  }
0x1b: {  	s9 =	sadd.s32 $0xFFFFFEF7, lr;
	s5 =	simm.s32 $0xFFFFFFFF;
	p2 =	slt.u32 s8, $0xFFFFF086  }
0x1c: {  	p1 =	slt.u32 s9, $0xF7A;
	s5 =	simm.s32 @!p2 $0x0  }
0x1d: {  	s5 =	simm.s32 @p1 $0x1;
	p0 =	seq.s32 s7, s2  }
0x1e: {  	s7 =	smul.u32 @!p0 $0xF7A, s2;
	p2 =	seq.s32 @!p0 s5, $0x0  }
0x1f: {  	s9 =	smul.u32 $0xF7A, s1;
	s8 =	simm.s32 @!p0 $0x1BF5;
	p2 =	por !p2, p0  }
0x20: {  	[sflag:s8] =	ssyncset.s32 @!p0 $0xFFFFF086;
	s6 =	sadd.s32 @!p0 s3, s7;
	s7 =	simm.s32 @!p0 $0x108  }
0x21: {  	s3 =	sadd.s32 s3, s9;
	s6 =	sadd.s32 @!p0 $0x88, s6;
	s7 =	simm.s32 @p2 $0x1082  }
0x22: {  	[simem:s7], [sflag:s8] =	dma.local @!p0 [hbm:s6], $0xF7A  }
0x23: {  	s9 =	sor.u32 $0xD0000000, s2;
	s6 =	simm.s32 $0x108;
	_ =	swait.ge @!p0 [sflag:s8], $0x0  }
0x24: {  	s3 =	sadd.s32 $0x88, s3;
	s6 =	simm.s32 @!p1 $0x1082;
	[sflag:s4] =	ssyncset.s32 $0xFFFFF086  }
0x25: {  	[simem:s6], [sflag:s4] =	dma.local [hbm:s3], $0xF7A  }
0x26: {  	[smem:$0x3F96] =	sst s1;
	(tag) =	ssettag s2;
	_ =	strace s9  }
0x27: {  	s1 =	sld [smem:$0x3FA6]  }
0x28: {  	s2 =	sld [smem:$0x3FA7]  }
0x29: {  	s4 =	sld [smem:$0x3FA9]  }
0x2a: {  	p0 =	seq.s32 s5, $0x0;
	s5 =	sld [smem:$0x3FAA]  }
0x2b: {  	s6 =	sld [smem:$0x3FAB]  }
0x2c: {  	s7 =	sld [smem:$0x3FAC]  }
0x2d: {  	s3 =	simm.s32 $0x108;
	s8 =	sld [smem:$0x3FAD]  }
0x2e: {  	s3 =	simm.s32 @!p0 $0x1082;
	s9 =	sld [smem:$0x3FAE]  }
0x2f: {  	lr =	sadd.s32 s0, s3;
	s0 =	sld [smem:$0x3FA5]  }
0x30: {  	s3 =	sld [smem:$0x3FA8]  }
0x31: {  	[smem:$0x3FB1] =	sst s10  }
0x32: {  	s10 =	sld [smem:$0x3FAF];
	_ =	sdelay $0x3  }
0x33: {  	p0 =	seq.s32 s10, $0x1;
	s10 =	sld [smem:$0x3FB1];
	_ =	sdelay $0x3  }
0x34: {  	[smem:$0x3FB1] =	sst s10  }
0x35: {  	s10 =	sld [smem:$0x3FB0];
	_ =	sdelay $0x3  }
0x36: {  	p1 =	seq.s32 s10, $0x1;
	s10 =	sld [smem:$0x3FB1];
	_ =	sdelay $0x3  }
0x37: {  	[smem:$0x3FB1] =	sst s10  }
0x38: {  	s10 =	sld [smem:$0x3FB2]  }
0x39: {  	_ = 	snop;
	(pc) =	sbr.ind lr, $3  }
0x3a: {  	_ = 	snop  }
0x3b: {  	_ = 	snop  }
0x3c: {  	p2 =	seq.s32 s10, $0x1;
	s10 =	sld [smem:$0x3FB1]  }
0x3d: {  	_ =	shalt  }
0x3e: {  	_ =	shalt  }
0x3f: {  	_ =	shalt  }
0x40: {  	_ =	shalt  }
0x41: {  	_ =	shalt  }
0x42: {  	_ =	shalt  }
0x43: {  	_ =	shalt  }
0x44: {  	_ =	shalt  }
0x45: {  	_ =	shalt  }
0x46: {  	_ =	shalt  }
0x47: {  	_ =	shalt  }
0x48: {  	_ =	shalt  }
0x49: {  	_ =	shalt  }
0x4a: {  	_ =	shalt  }
0x4b: {  	_ =	shalt  }
0x4c: {  	_ =	shalt  }
0x4d: {  	_ =	shalt  }
0x4e: {  	_ =	shalt  }
0x4f: {  	_ =	shalt  }
0x50: {  	_ =	shalt  }
0x51: {  	_ =	shalt  }
0x52: {  	_ =	shalt  }
0x53: {  	_ =	shalt  }
0x54: {  	_ =	shalt  }
0x55: {  	_ =	shalt  }
0x56: {  	_ =	shalt  }
0x57: {  	_ =	shalt  }
0x58: {  	_ =	shalt  }
0x59: {  	_ =	shalt  }
0x5a: {  	_ =	shalt  }
0x5b: {  	_ =	shalt  }
0x5c: {  	_ =	shalt  }
0x5d: {  	_ =	shalt  }
0x5e: {  	_ =	shalt  }
0x5f: {  	_ =	shalt  }
0x60: {  	_ =	shalt  }
0x61: {  	_ =	shalt  }
0x62: {  	_ =	shalt  }
0x63: {  	_ =	shalt  }
0x64: {  	_ =	shalt  }
0x65: {  	_ =	shalt  }
0x66: {  	_ =	shalt  }
0x67: {  	_ =	shalt  }
0x68: {  	_ =	shalt  }
0x69: {  	_ =	shalt  }
0x6a: {  	_ =	shalt  }
0x6b: {  	_ =	shalt  }
0x6c: {  	_ =	shalt  }
0x6d: {  	_ =	shalt  }
0x6e: {  	_ =	shalt  }
0x6f: {  	_ =	shalt  }
0x70: {  	_ =	shalt  }
0x71: {  	_ =	shalt  }
0x72: {  	_ =	shalt  }
0x73: {  	_ =	shalt  }
0x74: {  	_ =	shalt  }
0x75: {  	_ =	shalt  }
0x76: {  	_ =	shalt  }
0x77: {  	_ =	shalt  }
0x78: {  	_ =	shalt  }
0x79: {  	_ =	shalt  }
0x7a: {  	_ =	shalt  }
0x7b: {  	_ =	shalt  }
0x7c: {  	_ =	shalt  }
0x7d: {  	_ =	shalt  }
0x7e: {  	_ =	shalt  }
0x7f: {  	_ =	shalt  }
0x80: {  	_ =	shalt  }
0x81: {  	_ =	shalt  }
0x82: {  	_ =	shalt  }
0x83: {  	_ =	shalt  }
0x84: {  	_ =	shalt  }
0x85: {  	_ =	shalt  }
0x86: {  	_ =	shalt  }
0x87: {  	_ =	shalt  }
.Lfunc_end0:
.L_simem_size_0:
called_computation_lowered:
.L_overlay_start_0:
0x88: {  	s2 =	sld [smem:$0x3FD9]  }
0x89: {  	s3 =	sld [smem:$0x3FFE];
	_ =	sdelay $0x1  }
0x8a: {  	s1 =	srdreg.scid  }
0x8b: {  	s0 =	sand.u32 $0x1, s1  }
0x8c: {  	s14 =	sshll.u32 s0, $0xA;
	s2 =	sadd.s32 s3, s2  }
0x8d: {  	s2 =	sadd.s32 s2, s14  }
0x8e: {  	[smem:$0x3FBD] =	sst s2  }
0x8f: {  	_ = 	snop  }
0x90: {  	s2 =	sld [smem:$0x3FD0];
	_ =	sdelay $0x2  }
0x91: {  	s15 =	simm.s32 $0xA;
	s4 =	simm.s32 $0x10  }
0x92: {  	[smem:s4], [sflag:s15] =	dma.local [hbm:s2], $0x1  }
0x93: {  	_ =	swait.eq [sflag:s15], $0x1  }
0x94: {  	[sflag:s15] =	ssyncset.done $0x0  }
0x95: {  	[sflag:s15] =	ssyncadd.s32 $0xFFFFFFFF  }
0x96: {  	s16 =	sld [smem:$0x11];
	(tm) =	ssettm $0x1  }
0x97: {  	s17 =	sld [smem:$0x3FFB];
	_ =	sdelay $0x3  }
0x98: {  	_ =	strace s17  }
0x99: {  	s3 =	sld [smem:$0x3FFC];
	_ =	sdelay $0x3  }
0x9a: {  	_ =	strace s3  }
0x9b: {  	s3 =	sld [smem:$0x3FFD];
	_ =	sdelay $0x3  }
0x9c: {  	_ =	strace s3  }
0x9d: {  	_ =	strace $0x8FFFFFFF  }
0x9e: {  	s18 =	sld [smem:$0x3FDB];
	_ =	sdelay $0x1  }
0x9f: {  	s19 =	simm.s32 $_scs_section_size  }
0xa0: {  	s5 =	simm.s32 $_size__tile_overlayer_lowered;
	s6 =	simm.s32 $_tile_overlayer_lowered  }
0xa1: {  	s22 =	simm.s32 $0x1BFF;
	s21 =	sshll.u32 s6, $0x1;
	s3 =	sadd.s32 s19, s18  }
0xa2: {  	s7 =	simm.s32 $0x0;
	s20 =	sshll.u32 s5, $0x1;
	s5 =	sadd.s32 s21, s3  }
0xa3: {  	[timem:s7], [sflag:s22] =	dma.local [hbm:s5], s20  }
0xa4: {  	_ =	swait.ge [sflag:s22], s20  }
0xa5: {  	s4 =	ssub.s32 $0x0, s20;
	[sflag:s22] =	ssyncset.done $0x0  }
0xa6: {  	[sflag:s22] =	ssyncadd.s32 s4;
	_ =	sdelay $0x1  }
0xa7: {  	s23 =	simm.s32 $0x1B8B  }
0xa8: {  	_ =	swait.ge [sflag:s23], $0x1  }
0xa9: {  	[sflag:s23] =	ssyncset.done $0x0  }
0xaa: {  	s25 =	simm.s32 $0x1B8E;
	s24 =	sld [smem:$0x3FFE];
	[sflag:s23] =	ssyncadd.s32 $0xFFFFFFFF  }
0xab: {  	s26 =	simm.s32 $execute0_lowered;
	[smem:$0x3FD2] =	sst s25  }
0xac: {  	s5 =	sshll.u32 s26, $0x1;
	_ =	strace $0x80000046;
	[dreg:$0x1] =	wrdreg $0xFFFFFFFF  }
0xad: {  	s28 =	simm.s32 $_size_execute0_lowered;
	s3 =	sadd.s32 s3, s5;
	[dreg:$0x0] =	wrdreg $0x0  }
0xae: {  	s5 =	sshll.u32 s28, $0x1;
	[dreg:$0x2] =	wrdreg s3  }
0xaf: {  	[dreg:$0x3] =	wrdreg s5  }
0xb0: {  	[dreg:$0x4] =	wrdreg $0xC0  }
0xb1: {  	_ =	task [dreg:s7], $0x5FFFF  }
0xb2: {  	[dreg:$0x1] =	wrdreg $0xFFFFFFFF  }
0xb3: {  	[dreg:$0x0] =	wrdreg $0x60  }
0xb4: {  	[dreg:$0x2] =	wrdreg s24  }
0xb5: {  	[dreg:$0x3] =	wrdreg s16  }
0xb6: {  	[dreg:$0x4] =	wrdreg $0x9  }
0xb7: {  	_ =	task.clear_ibuf [dreg:s7], $0x5FFFF;
	_ =	strace $0x90000046  }
0xb8: {  	s29 =	simm.s32 $0x9;
	_ =	strace $0x80000048  }
0xb9: {  	_ =	swait.ge [sflag:s29], $0x1  }
0xba: {  	[sflag:s29] =	ssyncadd.s32 $0xFFFFFFFF  }
0xbb: {  	_ =	strace $0x90000048  }
0xbc: {  	_ =	sfence  }
0xbd: {  	s30 =	sld [smem:$0x0];
	_ =	sdelay $0x2  }
0xbe: {  	s31 =	sshll.u32 s1, $0xD;
	s1 =	sshrl.u32 s1, $0x2  }
0xbf: {  	s3 =	sand.u32 $0x4000, s31;
	s1 =	sadd.s32 s1, s30  }
0xc0: {  	s0 =	sor.u32 s3, s0;
	s1 =	sshll.u32 s1, $0x11  }
0xc1: {  	s0 =	sor.u32 s1, s0  }
0xc2: {  	s0 =	sadd.s32 $0x8F2B, s0  }
0xc3: {  	[sflag:s0] =	ssyncadd.remote.s32 $0x1  }
0xc4: {  	_ =	sfence.sel $0xFFFF  }
0xc5: {  	[dreg:$0x0] =	wrdreg $0xFFFFFFFF;
	(pc) =	sbr.abs _section_cstart, $3  }
0xc6: {  	[dreg:$0x1] =	wrdreg $0xFFFFFFFF  }
0xc7: {  	_ =	task.clear_ibuf [dreg:s7], $0x2FFFF;
	_ =	strace $0x9FFFFFFF  }
0xc8: {  	(tm) =	ssettm $0x7FFFFFFF  }
0xc9: {  	_ =	shalt  }
tec
execute0_lowered:
.L_overlay_start_1:
0x0: {  	(tag) =	ssettag $0x1  }
0x1: {  	s3 =	rddreg [dreg:$0x0];
	s0 =	srdreg.scid  }
0x2: {  	s7 =	rddreg [dreg:$0x1];
	s1 =	stileid.u32  }
0x3: {  	s2 =	simm.s32 $0x0;
	s12 =	simm.s32 $0xA900;
	s13 =	simm.s32 $0x5000  }
0x4: {  	s14 =	simm.s32 $0x7C00;
	s15 =	simm.s32 $0xAA00;
	s16 =	simm.s32 $0x0  }
0x5: {  	s4 =	sand.u32 $0x1, s0;
	s0 =	rddreg [dreg:$0x2];
	s6 =	smul.u32 $0x500, s1  }
0x6: {  	[smem:$0x7FF] =	sst s2;
	s5 =	sshll.u32 s4, $0x4;
	s9 =	ssub.s32 $0x2, s4  }
0x7: {  	_ =	strace $0x80000047;
	s31 =	smul.u32 $0x1450, s4;
	s5 =	sor.u32 s1, s5  }
0x8: {  	s6 =	sadd.s32 s6, s3;
	s10 =	sshrl.u32 s9, $0x1;
	s8 =	smul.u32 $0x580, s5  }
0x9: {  	v1 =	vimm.s32 $0x0;
	v2 =	vlaneseq.u32;
	v4 =	vimm.s32 $0x1460;
	s9 =	ssub.s32 s9, s10;
	s4 =	sadd.s32 $0x2200, s6;
	s11 =	sshll.u32 s5, $0x1  }
0xa: {  	v3 =	vor.u32 $0xF0, v2;
	v5 =	vor.u32 $0x10, v2;
	v6 =	vor.u32 $0x20, v2;
	s10 =	simm.s32 $0x2800;
	s7 =	sadd.s32 s7, s11;
	s8 =	sadd.s32 s8, s3  }
0xb: {  	v7 =	vor.u32 $0x30, v2;
	v8 =	vor.u32 $0x40, v2;
	v9 =	vor.u32 $0x50, v2;
	s11 =	simm.s32 $0xA800;
	s3 =	sadd.s32 $0x7200, s6;
	s5 =	sadd.s32 $0xC200, s8  }
0xc: {  	v10 =	vor.u32 $0x60, v2;
	v11 =	vor.u32 $0x70, v2;
	v0 =	vmov s31;
	s6 =	sadd.s32 $0x17200, s8;
	s8 =	smax.u32 s9, $0x1;
	s9 =	simm.s32 $0x1  }
.LBB2_1:
0xd: {  	[tilespmem:s2], [sflag:$0x1] =	stream.linear.gather [hbm4b:s3+s2], $0x2800, $0x38;
	[tilespmem:$0xAA80] =	vst v63  }
0xe: {  	_ =	swait.ge [sflag:s9], $0x2800  }
0xf: {  	[sflag:s9] =	ssyncset.done $0x0  }
0x10: {  	[sflag:s9] =	ssyncadd.s32 $0xFFFFD800  }
0x11: {  	[tilespmem:s10], [sflag:$0x1] =	stream.linear.gather [hbm4b:s4+s2], $0x2800, $0x38;
	[tilespmem:$0xAA80] =	vst v63  }
0x12: {  	_ =	swait.ge [sflag:s9], $0x2800  }
0x13: {  	s17 =	simm.s32 $0x0;
	[sflag:s9] =	ssyncset.done $0x0  }
0x14: {  	s19 =	simm.s32 $0x0;
	s20 =	simm.s32 $0x0;
	[sflag:s9] =	ssyncadd.s32 $0xFFFFD800  }
.LBB2_2:
0x15: {  	s18 =	sshra.s32 s17, $0x2  }
0x16: {  	v12 =	vld [tilespmem:s18+$0x2800];
	_ =	sdelay $0x4  }
0x17: {  	v12 =	vsub.s32 v12, v0  }
0x18: {  	vm0 =	vlt.u32 v12, $0x1450  }
0x19: {  	v13 =	vsel vm0, $0x1, v1  }
0x1a: {  	(xrf0) =	vadd.scan.msk.s32 $0xffff, v13;
	_ =	sdelay $0x5  }
0x1b: {  	v13, _, _ =	vpop (xrf0)  }
0x1c: {  	(v2sf) =	vpush v13, $0xF;
	_ =	sdelay $0x5  }
0x1d: {  	v14 =	vmov s20  }
0x1e: {  	v14 =	vadd.s32 $0xFFFFFFFF, v14  }
0x1f: {  	v14 =	vbroadcast v14, $0x0;
	_ =	sdelay $0x1  }
0x20: {  	v13 =	vadd.s32 v13, v14  }
0x21: {  	v42 =	vld [tilespmem:s18+$0x0];
	v13 =	vsel vm0, v13, v3;
	_ =	sdelay $0x3  }
0x22: {  	s21 =	spop (v2sf)  }
0x23: {  	[tilespmem:v13+s11+$0x0] =	vst.idx.msk $0xffff, v42;
	s20 =	sadd.s32 s20, s21  }
0x24: {  	[tilespmem:v13+s12+$0x0] =	vst.idx.msk $0xffff, v12;
	p0 =	slt.s32 s20, $0x80  }
0x25: {  	v12 =	vld @!p0 [tilespmem:$0xA800];
	_ =	sdelay $0x3  }
0x26: {  	s21 =	sshll.u32 @!p0 s19, $0x7  }
0x27: {  	[tilespmem:s21+$0x5000] =	vst @!p0 v12  }
0x28: {  	v12 =	vld @!p0 [tilespmem:$0xA900];
	_ =	sdelay $0x4  }
0x29: {  	[tilespmem:s21+$0x7C00] =	vst @!p0 v12  }
0x2a: {  	v12 =	vld @!p0 [tilespmem:$0xA810];
	_ =	sdelay $0x4  }
0x2b: {  	[tilespmem:s21+$0x5010] =	vst @!p0 v12  }
0x2c: {  	v12 =	vld @!p0 [tilespmem:$0xA910];
	_ =	sdelay $0x4  }
0x2d: {  	[tilespmem:s21+$0x7C10] =	vst @!p0 v12  }
0x2e: {  	v12 =	vld @!p0 [tilespmem:$0xA820];
	_ =	sdelay $0x4  }
0x2f: {  	[tilespmem:s21+$0x5020] =	vst @!p0 v12  }
0x30: {  	v12 =	vld @!p0 [tilespmem:$0xA920];
	_ =	sdelay $0x4  }
0x31: {  	[tilespmem:s21+$0x7C20] =	vst @!p0 v12  }
0x32: {  	v12 =	vld @!p0 [tilespmem:$0xA830];
	_ =	sdelay $0x4  }
0x33: {  	[tilespmem:s21+$0x5030] =	vst @!p0 v12  }
0x34: {  	v12 =	vld @!p0 [tilespmem:$0xA930];
	_ =	sdelay $0x4  }
0x35: {  	[tilespmem:s21+$0x7C30] =	vst @!p0 v12  }
0x36: {  	v12 =	vld @!p0 [tilespmem:$0xA840];
	_ =	sdelay $0x4  }
0x37: {  	[tilespmem:s21+$0x5040] =	vst @!p0 v12  }
0x38: {  	v12 =	vld @!p0 [tilespmem:$0xA940];
	_ =	sdelay $0x4  }
0x39: {  	[tilespmem:s21+$0x7C40] =	vst @!p0 v12  }
0x3a: {  	v12 =	vld @!p0 [tilespmem:$0xA850];
	_ =	sdelay $0x4  }
0x3b: {  	[tilespmem:s21+$0x5050] =	vst @!p0 v12  }
0x3c: {  	v12 =	vld @!p0 [tilespmem:$0xA950];
	_ =	sdelay $0x4  }
0x3d: {  	[tilespmem:s21+$0x7C50] =	vst @!p0 v12  }
0x3e: {  	v12 =	vld @!p0 [tilespmem:$0xA860];
	_ =	sdelay $0x4  }
0x3f: {  	[tilespmem:s21+$0x5060] =	vst @!p0 v12  }
0x40: {  	v12 =	vld @!p0 [tilespmem:$0xA960];
	_ =	sdelay $0x4  }
0x41: {  	[tilespmem:s21+$0x7C60] =	vst @!p0 v12  }
0x42: {  	v12 =	vld @!p0 [tilespmem:$0xA870];
	_ =	sdelay $0x4  }
0x43: {  	[tilespmem:s21+$0x5070] =	vst @!p0 v12  }
0x44: {  	v12 =	vld @!p0 [tilespmem:$0xA970];
	_ =	sdelay $0x4  }
0x45: {  	[tilespmem:s21+$0x7C70] =	vst @!p0 v12  }
0x46: {  	v12 =	vld @!p0 [tilespmem:$0xA880]  }
0x47: {  	v13 =	vld @!p0 [tilespmem:$0xA980];
	_ =	sdelay $0x3  }
0x48: {  	[tilespmem:$0xA800] =	vst @!p0 v12  }
0x49: {  	[tilespmem:$0xA900] =	vst @!p0 v13  }
0x4a: {  	v12 =	vld [tilespmem:s18+$0x2810];
	_ =	sdelay $0x4  }
0x4b: {  	v12 =	vsub.s32 v12, v0  }
0x4c: {  	vm9 =	vlt.u32 v12, $0x1450  }
0x4d: {  	v43 =	vsel vm9, $0x1, v1  }
0x4e: {  	(xrf0) =	vadd.scan.msk.s32 $0xffff, v43;
	_ =	sdelay $0x5  }
0x4f: {  	v13, _, _ =	vpop (xrf0)  }
0x50: {  	(v2sf) =	vpush v13, $0xF;
	_ =	sdelay $0x3  }
0x51: {  	p1 =	sgt.s32 s20, $0x7F;
	s21 =	sadd.s32 $0xFFFFFF80, s20  }
0x52: {  	s20 =	smov.u32 @p1 s21  }
0x53: {  	v44 =	vmov s20  }
0x54: {  	v14 =	vadd.s32 $0xFFFFFFFF, v44  }
0x55: {  	v14 =	vbroadcast v14, $0x0;
	_ =	sdelay $0x1  }
0x56: {  	v13 =	vadd.s32 v13, v14  }
0x57: {  	v45 =	vld [tilespmem:s18+$0x10];
	v13 =	vsel vm9, v13, v3;
	_ =	sdelay $0x3  }
0x58: {  	s24 =	spop (v2sf)  }
0x59: {  	[tilespmem:v13+s11+$0x0] =	vst.idx.msk $0xffff, v45;
	s20 =	sadd.s32 s20, s24  }
0x5a: {  	[tilespmem:v13+s12+$0x0] =	vst.idx.msk $0xffff, v12;
	p0 =	slt.s32 s20, $0x80  }
0x5b: {  	v12 =	vld @!p0 [tilespmem:$0xA800]  }
0x5c: {  	s21 =	simm.s32 $0x1  }
0x5d: {  	s21 =	simm.s32 @!p1 $0x0  }
0x5e: {  	s19 =	sadd.s32 s21, s19  }
0x5f: {  	s21 =	sshll.u32 @!p0 s19, $0x7  }
0x60: {  	[tilespmem:s21+$0x5000] =	vst @!p0 v12  }
0x61: {  	v12 =	vld @!p0 [tilespmem:$0xA900];
	_ =	sdelay $0x4  }
0x62: {  	[tilespmem:s21+$0x7C00] =	vst @!p0 v12  }
0x63: {  	v12 =	vld @!p0 [tilespmem:$0xA810];
	_ =	sdelay $0x4  }
0x64: {  	[tilespmem:s21+$0x5010] =	vst @!p0 v12  }
0x65: {  	v12 =	vld @!p0 [tilespmem:$0xA910];
	_ =	sdelay $0x4  }
0x66: {  	[tilespmem:s21+$0x7C10] =	vst @!p0 v12  }
0x67: {  	v12 =	vld @!p0 [tilespmem:$0xA820];
	_ =	sdelay $0x4  }
0x68: {  	[tilespmem:s21+$0x5020] =	vst @!p0 v12  }
0x69: {  	v12 =	vld @!p0 [tilespmem:$0xA920];
	_ =	sdelay $0x4  }
0x6a: {  	[tilespmem:s21+$0x7C20] =	vst @!p0 v12  }
0x6b: {  	v12 =	vld @!p0 [tilespmem:$0xA830];
	_ =	sdelay $0x4  }
0x6c: {  	[tilespmem:s21+$0x5030] =	vst @!p0 v12  }
0x6d: {  	v12 =	vld @!p0 [tilespmem:$0xA930];
	_ =	sdelay $0x4  }
0x6e: {  	[tilespmem:s21+$0x7C30] =	vst @!p0 v12  }
0x6f: {  	v12 =	vld @!p0 [tilespmem:$0xA840];
	_ =	sdelay $0x4  }
0x70: {  	[tilespmem:s21+$0x5040] =	vst @!p0 v12  }
0x71: {  	v12 =	vld @!p0 [tilespmem:$0xA940];
	_ =	sdelay $0x4  }
0x72: {  	[tilespmem:s21+$0x7C40] =	vst @!p0 v12  }
0x73: {  	v12 =	vld @!p0 [tilespmem:$0xA850];
	_ =	sdelay $0x4  }
0x74: {  	[tilespmem:s21+$0x5050] =	vst @!p0 v12  }
0x75: {  	v12 =	vld @!p0 [tilespmem:$0xA950];
	_ =	sdelay $0x4  }
0x76: {  	[tilespmem:s21+$0x7C50] =	vst @!p0 v12  }
0x77: {  	v12 =	vld @!p0 [tilespmem:$0xA860];
	_ =	sdelay $0x4  }
0x78: {  	[tilespmem:s21+$0x5060] =	vst @!p0 v12  }
0x79: {  	v12 =	vld @!p0 [tilespmem:$0xA960];
	_ =	sdelay $0x4  }
0x7a: {  	[tilespmem:s21+$0x7C60] =	vst @!p0 v12  }
0x7b: {  	v12 =	vld @!p0 [tilespmem:$0xA870];
	_ =	sdelay $0x4  }
0x7c: {  	[tilespmem:s21+$0x5070] =	vst @!p0 v12  }
0x7d: {  	v12 =	vld @!p0 [tilespmem:$0xA970];
	_ =	sdelay $0x4  }
0x7e: {  	[tilespmem:s21+$0x7C70] =	vst @!p0 v12  }
0x7f: {  	v12 =	vld @!p0 [tilespmem:$0xA880]  }
0x80: {  	v13 =	vld @!p0 [tilespmem:$0xA980];
	_ =	sdelay $0x3  }
0x81: {  	[tilespmem:$0xA800] =	vst @!p0 v12  }
0x82: {  	[tilespmem:$0xA900] =	vst @!p0 v13  }
0x83: {  	v12 =	vld [tilespmem:s18+$0x2820];
	_ =	sdelay $0x4  }
0x84: {  	v12 =	vsub.s32 v12, v0  }
0x85: {  	vm10 =	vlt.u32 v12, $0x1450  }
0x86: {  	v46 =	vsel vm10, $0x1, v1  }
0x87: {  	(xrf0) =	vadd.scan.msk.s32 $0xffff, v46;
	_ =	sdelay $0x5  }
0x88: {  	v13, _, _ =	vpop (xrf0)  }
0x89: {  	(v2sf) =	vpush v13, $0xF;
	_ =	sdelay $0x3  }
0x8a: {  	p1 =	sgt.s32 s20, $0x7F;
	s21 =	sadd.s32 $0xFFFFFF80, s20  }
0x8b: {  	s20 =	smov.u32 @p1 s21  }
0x8c: {  	v47 =	vmov s20  }
0x8d: {  	v14 =	vadd.s32 $0xFFFFFFFF, v47  }
0x8e: {  	v14 =	vbroadcast v14, $0x0;
	_ =	sdelay $0x1  }
0x8f: {  	v13 =	vadd.s32 v13, v14  }
0x90: {  	v48 =	vld [tilespmem:s18+$0x20];
	v13 =	vsel vm10, v13, v3;
	_ =	sdelay $0x3  }
0x91: {  	s25 =	spop (v2sf)  }
0x92: {  	[tilespmem:v13+s11+$0x0] =	vst.idx.msk $0xffff, v48;
	s20 =	sadd.s32 s20, s25  }
0x93: {  	[tilespmem:v13+s12+$0x0] =	vst.idx.msk $0xffff, v12;
	p0 =	slt.s32 s20, $0x80  }
0x94: {  	v12 =	vld @!p0 [tilespmem:$0xA800]  }
0x95: {  	s21 =	simm.s32 $0x1  }
0x96: {  	s21 =	simm.s32 @!p1 $0x0  }
0x97: {  	s19 =	sadd.s32 s21, s19  }
0x98: {  	s21 =	sshll.u32 @!p0 s19, $0x7  }
0x99: {  	[tilespmem:s21+$0x5000] =	vst @!p0 v12  }
0x9a: {  	v12 =	vld @!p0 [tilespmem:$0xA900];
	_ =	sdelay $0x4  }
0x9b: {  	[tilespmem:s21+$0x7C00] =	vst @!p0 v12  }
0x9c: {  	v12 =	vld @!p0 [tilespmem:$0xA810];
	_ =	sdelay $0x4  }
0x9d: {  	[tilespmem:s21+$0x5010] =	vst @!p0 v12  }
0x9e: {  	v12 =	vld @!p0 [tilespmem:$0xA910];
	_ =	sdelay $0x4  }
0x9f: {  	[tilespmem:s21+$0x7C10] =	vst @!p0 v12  }
0xa0: {  	v12 =	vld @!p0 [tilespmem:$0xA820];
	_ =	sdelay $0x4  }
0xa1: {  	[tilespmem:s21+$0x5020] =	vst @!p0 v12  }
0xa2: {  	v12 =	vld @!p0 [tilespmem:$0xA920];
	_ =	sdelay $0x4  }
0xa3: {  	[tilespmem:s21+$0x7C20] =	vst @!p0 v12  }
0xa4: {  	v12 =	vld @!p0 [tilespmem:$0xA830];
	_ =	sdelay $0x4  }
0xa5: {  	[tilespmem:s21+$0x5030] =	vst @!p0 v12  }
0xa6: {  	v12 =	vld @!p0 [tilespmem:$0xA930];
	_ =	sdelay $0x4  }
0xa7: {  	[tilespmem:s21+$0x7C30] =	vst @!p0 v12  }
0xa8: {  	v12 =	vld @!p0 [tilespmem:$0xA840];
	_ =	sdelay $0x4  }
0xa9: {  	[tilespmem:s21+$0x5040] =	vst @!p0 v12  }
0xaa: {  	v12 =	vld @!p0 [tilespmem:$0xA940];
	_ =	sdelay $0x4  }
0xab: {  	[tilespmem:s21+$0x7C40] =	vst @!p0 v12  }
0xac: {  	v12 =	vld @!p0 [tilespmem:$0xA850];
	_ =	sdelay $0x4  }
0xad: {  	[tilespmem:s21+$0x5050] =	vst @!p0 v12  }
0xae: {  	v12 =	vld @!p0 [tilespmem:$0xA950];
	_ =	sdelay $0x4  }
0xaf: {  	[tilespmem:s21+$0x7C50] =	vst @!p0 v12  }
0xb0: {  	v12 =	vld @!p0 [tilespmem:$0xA860];
	_ =	sdelay $0x4  }
0xb1: {  	[tilespmem:s21+$0x5060] =	vst @!p0 v12  }
0xb2: {  	v12 =	vld @!p0 [tilespmem:$0xA960];
	_ =	sdelay $0x4  }
0xb3: {  	[tilespmem:s21+$0x7C60] =	vst @!p0 v12  }
0xb4: {  	v12 =	vld @!p0 [tilespmem:$0xA870];
	_ =	sdelay $0x4  }
0xb5: {  	[tilespmem:s21+$0x5070] =	vst @!p0 v12  }
0xb6: {  	v12 =	vld @!p0 [tilespmem:$0xA970];
	_ =	sdelay $0x4  }
0xb7: {  	[tilespmem:s21+$0x7C70] =	vst @!p0 v12  }
0xb8: {  	v12 =	vld @!p0 [tilespmem:$0xA880]  }
0xb9: {  	v13 =	vld @!p0 [tilespmem:$0xA980];
	_ =	sdelay $0x3  }
0xba: {  	[tilespmem:$0xA800] =	vst @!p0 v12  }
0xbb: {  	[tilespmem:$0xA900] =	vst @!p0 v13  }
0xbc: {  	v12 =	vld [tilespmem:s18+$0x2830];
	_ =	sdelay $0x4  }
0xbd: {  	v12 =	vsub.s32 v12, v0  }
0xbe: {  	vm11 =	vlt.u32 v12, $0x1450  }
0xbf: {  	v49 =	vsel vm11, $0x1, v1  }
0xc0: {  	(xrf0) =	vadd.scan.msk.s32 $0xffff, v49;
	_ =	sdelay $0x5  }
0xc1: {  	v13, _, _ =	vpop (xrf0)  }
0xc2: {  	(v2sf) =	vpush v13, $0xF;
	_ =	sdelay $0x3  }
0xc3: {  	p1 =	sgt.s32 s20, $0x7F;
	s21 =	sadd.s32 $0xFFFFFF80, s20  }
0xc4: {  	s20 =	smov.u32 @p1 s21  }
0xc5: {  	v50 =	vmov s20  }
0xc6: {  	v14 =	vadd.s32 $0xFFFFFFFF, v50  }
0xc7: {  	v14 =	vbroadcast v14, $0x0;
	_ =	sdelay $0x1  }
0xc8: {  	v13 =	vadd.s32 v13, v14  }
0xc9: {  	v51 =	vld [tilespmem:s18+$0x30];
	v13 =	vsel vm11, v13, v3;
	_ =	sdelay $0x3  }
0xca: {  	s26 =	spop (v2sf)  }
0xcb: {  	[tilespmem:v13+s11+$0x0] =	vst.idx.msk $0xffff, v51;
	s20 =	sadd.s32 s20, s26  }
0xcc: {  	[tilespmem:v13+s12+$0x0] =	vst.idx.msk $0xffff, v12;
	p0 =	slt.s32 s20, $0x80  }
0xcd: {  	v12 =	vld @!p0 [tilespmem:$0xA800]  }
0xce: {  	s21 =	simm.s32 $0x1  }
0xcf: {  	s21 =	simm.s32 @!p1 $0x0  }
0xd0: {  	s19 =	sadd.s32 s21, s19  }
0xd1: {  	s21 =	sshll.u32 @!p0 s19, $0x7  }
0xd2: {  	[tilespmem:s21+$0x5000] =	vst @!p0 v12  }
0xd3: {  	v12 =	vld @!p0 [tilespmem:$0xA900];
	_ =	sdelay $0x4  }
0xd4: {  	[tilespmem:s21+$0x7C00] =	vst @!p0 v12  }
0xd5: {  	v12 =	vld @!p0 [tilespmem:$0xA810];
	_ =	sdelay $0x4  }
0xd6: {  	[tilespmem:s21+$0x5010] =	vst @!p0 v12  }
0xd7: {  	v12 =	vld @!p0 [tilespmem:$0xA910];
	_ =	sdelay $0x4  }
0xd8: {  	[tilespmem:s21+$0x7C10] =	vst @!p0 v12  }
0xd9: {  	v12 =	vld @!p0 [tilespmem:$0xA820];
	_ =	sdelay $0x4  }
0xda: {  	[tilespmem:s21+$0x5020] =	vst @!p0 v12  }
0xdb: {  	v12 =	vld @!p0 [tilespmem:$0xA920];
	_ =	sdelay $0x4  }
0xdc: {  	[tilespmem:s21+$0x7C20] =	vst @!p0 v12  }
0xdd: {  	v12 =	vld @!p0 [tilespmem:$0xA830];
	_ =	sdelay $0x4  }
0xde: {  	[tilespmem:s21+$0x5030] =	vst @!p0 v12  }
0xdf: {  	v12 =	vld @!p0 [tilespmem:$0xA930];
	_ =	sdelay $0x4  }
0xe0: {  	[tilespmem:s21+$0x7C30] =	vst @!p0 v12  }
0xe1: {  	v12 =	vld @!p0 [tilespmem:$0xA840];
	_ =	sdelay $0x4  }
0xe2: {  	[tilespmem:s21+$0x5040] =	vst @!p0 v12  }
0xe3: {  	v12 =	vld @!p0 [tilespmem:$0xA940];
	_ =	sdelay $0x4  }
0xe4: {  	[tilespmem:s21+$0x7C40] =	vst @!p0 v12  }
0xe5: {  	v12 =	vld @!p0 [tilespmem:$0xA850];
	_ =	sdelay $0x4  }
0xe6: {  	[tilespmem:s21+$0x5050] =	vst @!p0 v12  }
0xe7: {  	v12 =	vld @!p0 [tilespmem:$0xA950];
	_ =	sdelay $0x4  }
0xe8: {  	[tilespmem:s21+$0x7C50] =	vst @!p0 v12  }
0xe9: {  	v12 =	vld @!p0 [tilespmem:$0xA860];
	_ =	sdelay $0x4  }
0xea: {  	[tilespmem:s21+$0x5060] =	vst @!p0 v12  }
0xeb: {  	v12 =	vld @!p0 [tilespmem:$0xA960];
	_ =	sdelay $0x4  }
0xec: {  	[tilespmem:s21+$0x7C60] =	vst @!p0 v12  }
0xed: {  	v12 =	vld @!p0 [tilespmem:$0xA870];
	_ =	sdelay $0x4  }
0xee: {  	[tilespmem:s21+$0x5070] =	vst @!p0 v12  }
0xef: {  	v12 =	vld @!p0 [tilespmem:$0xA970];
	_ =	sdelay $0x4  }
0xf0: {  	[tilespmem:s21+$0x7C70] =	vst @!p0 v12  }
0xf1: {  	v12 =	vld @!p0 [tilespmem:$0xA880]  }
0xf2: {  	v13 =	vld @!p0 [tilespmem:$0xA980];
	_ =	sdelay $0x3  }
0xf3: {  	[tilespmem:$0xA800] =	vst @!p0 v12  }
0xf4: {  	[tilespmem:$0xA900] =	vst @!p0 v13  }
0xf5: {  	v12 =	vld [tilespmem:s18+$0x2840];
	_ =	sdelay $0x4  }
0xf6: {  	v12 =	vsub.s32 v12, v0  }
0xf7: {  	vm12 =	vlt.u32 v12, $0x1450  }
0xf8: {  	v52 =	vsel vm12, $0x1, v1  }
0xf9: {  	(xrf0) =	vadd.scan.msk.s32 $0xffff, v52;
	_ =	sdelay $0x5  }
0xfa: {  	v13, _, _ =	vpop (xrf0)  }
0xfb: {  	(v2sf) =	vpush v13, $0xF;
	_ =	sdelay $0x3  }
0xfc: {  	p1 =	sgt.s32 s20, $0x7F;
	s21 =	sadd.s32 $0xFFFFFF80, s20  }
0xfd: {  	s20 =	smov.u32 @p1 s21  }
0xfe: {  	v53 =	vmov s20  }
0xff: {  	v14 =	vadd.s32 $0xFFFFFFFF, v53  }
0x100: {  	v14 =	vbroadcast v14, $0x0;
	_ =	sdelay $0x1  }
0x101: {  	v13 =	vadd.s32 v13, v14  }
0x102: {  	v54 =	vld [tilespmem:s18+$0x40];
	v13 =	vsel vm12, v13, v3;
	_ =	sdelay $0x3  }
0x103: {  	s28 =	spop (v2sf)  }
0x104: {  	[tilespmem:v13+s11+$0x0] =	vst.idx.msk $0xffff, v54;
	s20 =	sadd.s32 s20, s28  }
0x105: {  	[tilespmem:v13+s12+$0x0] =	vst.idx.msk $0xffff, v12;
	p0 =	slt.s32 s20, $0x80  }
0x106: {  	v12 =	vld @!p0 [tilespmem:$0xA800]  }
0x107: {  	s21 =	simm.s32 $0x1  }
0x108: {  	s21 =	simm.s32 @!p1 $0x0  }
0x109: {  	s19 =	sadd.s32 s21, s19  }
0x10a: {  	s21 =	sshll.u32 @!p0 s19, $0x7  }
0x10b: {  	[tilespmem:s21+$0x5000] =	vst @!p0 v12  }
0x10c: {  	v12 =	vld @!p0 [tilespmem:$0xA900];
	_ =	sdelay $0x4  }
0x10d: {  	[tilespmem:s21+$0x7C00] =	vst @!p0 v12  }
0x10e: {  	v12 =	vld @!p0 [tilespmem:$0xA810];
	_ =	sdelay $0x4  }
0x10f: {  	[tilespmem:s21+$0x5010] =	vst @!p0 v12  }
0x110: {  	v12 =	vld @!p0 [tilespmem:$0xA910];
	_ =	sdelay $0x4  }
0x111: {  	[tilespmem:s21+$0x7C10] =	vst @!p0 v12  }
0x112: {  	v12 =	vld @!p0 [tilespmem:$0xA820];
	_ =	sdelay $0x4  }
0x113: {  	[tilespmem:s21+$0x5020] =	vst @!p0 v12  }
0x114: {  	v12 =	vld @!p0 [tilespmem:$0xA920];
	_ =	sdelay $0x4  }
0x115: {  	[tilespmem:s21+$0x7C20] =	vst @!p0 v12  }
0x116: {  	v12 =	vld @!p0 [tilespmem:$0xA830];
	_ =	sdelay $0x4  }
0x117: {  	[tilespmem:s21+$0x5030] =	vst @!p0 v12  }
0x118: {  	v12 =	vld @!p0 [tilespmem:$0xA930];
	_ =	sdelay $0x4  }
0x119: {  	[tilespmem:s21+$0x7C30] =	vst @!p0 v12  }
0x11a: {  	v12 =	vld @!p0 [tilespmem:$0xA840];
	_ =	sdelay $0x4  }
0x11b: {  	[tilespmem:s21+$0x5040] =	vst @!p0 v12  }
0x11c: {  	v12 =	vld @!p0 [tilespmem:$0xA940];
	_ =	sdelay $0x4  }
0x11d: {  	[tilespmem:s21+$0x7C40] =	vst @!p0 v12  }
0x11e: {  	v12 =	vld @!p0 [tilespmem:$0xA850];
	_ =	sdelay $0x4  }
0x11f: {  	[tilespmem:s21+$0x5050] =	vst @!p0 v12  }
0x120: {  	v12 =	vld @!p0 [tilespmem:$0xA950];
	_ =	sdelay $0x4  }
0x121: {  	[tilespmem:s21+$0x7C50] =	vst @!p0 v12  }
0x122: {  	v12 =	vld @!p0 [tilespmem:$0xA860];
	_ =	sdelay $0x4  }
0x123: {  	[tilespmem:s21+$0x5060] =	vst @!p0 v12  }
0x124: {  	v12 =	vld @!p0 [tilespmem:$0xA960];
	_ =	sdelay $0x4  }
0x125: {  	[tilespmem:s21+$0x7C60] =	vst @!p0 v12  }
0x126: {  	v12 =	vld @!p0 [tilespmem:$0xA870];
	_ =	sdelay $0x4  }
0x127: {  	[tilespmem:s21+$0x5070] =	vst @!p0 v12  }
0x128: {  	v12 =	vld @!p0 [tilespmem:$0xA970];
	_ =	sdelay $0x4  }
0x129: {  	[tilespmem:s21+$0x7C70] =	vst @!p0 v12  }
0x12a: {  	v12 =	vld @!p0 [tilespmem:$0xA880]  }
0x12b: {  	v13 =	vld @!p0 [tilespmem:$0xA980];
	_ =	sdelay $0x3  }
0x12c: {  	[tilespmem:$0xA800] =	vst @!p0 v12  }
0x12d: {  	[tilespmem:$0xA900] =	vst @!p0 v13  }
0x12e: {  	v12 =	vld [tilespmem:s18+$0x2850];
	_ =	sdelay $0x4  }
0x12f: {  	v12 =	vsub.s32 v12, v0  }
0x130: {  	vm13 =	vlt.u32 v12, $0x1450  }
0x131: {  	v55 =	vsel vm13, $0x1, v1  }
0x132: {  	(xrf0) =	vadd.scan.msk.s32 $0xffff, v55;
	_ =	sdelay $0x5  }
0x133: {  	v13, _, _ =	vpop (xrf0)  }
0x134: {  	(v2sf) =	vpush v13, $0xF;
	_ =	sdelay $0x3  }
0x135: {  	p1 =	sgt.s32 s20, $0x7F;
	s21 =	sadd.s32 $0xFFFFFF80, s20  }
0x136: {  	s20 =	smov.u32 @p1 s21  }
0x137: {  	v56 =	vmov s20  }
0x138: {  	v14 =	vadd.s32 $0xFFFFFFFF, v56  }
0x139: {  	v14 =	vbroadcast v14, $0x0;
	_ =	sdelay $0x1  }
0x13a: {  	v13 =	vadd.s32 v13, v14  }
0x13b: {  	v57 =	vld [tilespmem:s18+$0x50];
	v13 =	vsel vm13, v13, v3;
	_ =	sdelay $0x3  }
0x13c: {  	s29 =	spop (v2sf)  }
0x13d: {  	[tilespmem:v13+s11+$0x0] =	vst.idx.msk $0xffff, v57;
	s20 =	sadd.s32 s20, s29  }
0x13e: {  	[tilespmem:v13+s12+$0x0] =	vst.idx.msk $0xffff, v12;
	p0 =	slt.s32 s20, $0x80  }
0x13f: {  	v12 =	vld @!p0 [tilespmem:$0xA800]  }
0x140: {  	s21 =	simm.s32 $0x1  }
0x141: {  	s21 =	simm.s32 @!p1 $0x0  }
0x142: {  	s19 =	sadd.s32 s21, s19  }
0x143: {  	s21 =	sshll.u32 @!p0 s19, $0x7  }
0x144: {  	[tilespmem:s21+$0x5000] =	vst @!p0 v12  }
0x145: {  	v12 =	vld @!p0 [tilespmem:$0xA900];
	_ =	sdelay $0x4  }
0x146: {  	[tilespmem:s21+$0x7C00] =	vst @!p0 v12  }
0x147: {  	v12 =	vld @!p0 [tilespmem:$0xA810];
	_ =	sdelay $0x4  }
0x148: {  	[tilespmem:s21+$0x5010] =	vst @!p0 v12  }
0x149: {  	v12 =	vld @!p0 [tilespmem:$0xA910];
	_ =	sdelay $0x4  }
0x14a: {  	[tilespmem:s21+$0x7C10] =	vst @!p0 v12  }
0x14b: {  	v12 =	vld @!p0 [tilespmem:$0xA820];
	_ =	sdelay $0x4  }
0x14c: {  	[tilespmem:s21+$0x5020] =	vst @!p0 v12  }
0x14d: {  	v12 =	vld @!p0 [tilespmem:$0xA920];
	_ =	sdelay $0x4  }
0x14e: {  	[tilespmem:s21+$0x7C20] =	vst @!p0 v12  }
0x14f: {  	v12 =	vld @!p0 [tilespmem:$0xA830];
	_ =	sdelay $0x4  }
0x150: {  	[tilespmem:s21+$0x5030] =	vst @!p0 v12  }
0x151: {  	v12 =	vld @!p0 [tilespmem:$0xA930];
	_ =	sdelay $0x4  }
0x152: {  	[tilespmem:s21+$0x7C30] =	vst @!p0 v12  }
0x153: {  	v12 =	vld @!p0 [tilespmem:$0xA840];
	_ =	sdelay $0x4  }
0x154: {  	[tilespmem:s21+$0x5040] =	vst @!p0 v12  }
0x155: {  	v12 =	vld @!p0 [tilespmem:$0xA940];
	_ =	sdelay $0x4  }
0x156: {  	[tilespmem:s21+$0x7C40] =	vst @!p0 v12  }
0x157: {  	v12 =	vld @!p0 [tilespmem:$0xA850];
	_ =	sdelay $0x4  }
0x158: {  	[tilespmem:s21+$0x5050] =	vst @!p0 v12  }
0x159: {  	v12 =	vld @!p0 [tilespmem:$0xA950];
	_ =	sdelay $0x4  }
0x15a: {  	[tilespmem:s21+$0x7C50] =	vst @!p0 v12  }
0x15b: {  	v12 =	vld @!p0 [tilespmem:$0xA860];
	_ =	sdelay $0x4  }
0x15c: {  	[tilespmem:s21+$0x5060] =	vst @!p0 v12  }
0x15d: {  	v12 =	vld @!p0 [tilespmem:$0xA960];
	_ =	sdelay $0x4  }
0x15e: {  	[tilespmem:s21+$0x7C60] =	vst @!p0 v12  }
0x15f: {  	v12 =	vld @!p0 [tilespmem:$0xA870];
	_ =	sdelay $0x4  }
0x160: {  	[tilespmem:s21+$0x5070] =	vst @!p0 v12  }
0x161: {  	v12 =	vld @!p0 [tilespmem:$0xA970];
	_ =	sdelay $0x4  }
0x162: {  	[tilespmem:s21+$0x7C70] =	vst @!p0 v12  }
0x163: {  	v12 =	vld @!p0 [tilespmem:$0xA880]  }
0x164: {  	v13 =	vld @!p0 [tilespmem:$0xA980];
	_ =	sdelay $0x3  }
0x165: {  	[tilespmem:$0xA800] =	vst @!p0 v12  }
0x166: {  	[tilespmem:$0xA900] =	vst @!p0 v13  }
0x167: {  	v12 =	vld [tilespmem:s18+$0x2860];
	_ =	sdelay $0x4  }
0x168: {  	v12 =	vsub.s32 v12, v0  }
0x169: {  	vm14 =	vlt.u32 v12, $0x1450  }
0x16a: {  	v58 =	vsel vm14, $0x1, v1  }
0x16b: {  	(xrf0) =	vadd.scan.msk.s32 $0xffff, v58;
	_ =	sdelay $0x5  }
0x16c: {  	v13, _, _ =	vpop (xrf0)  }
0x16d: {  	(v2sf) =	vpush v13, $0xF;
	_ =	sdelay $0x3  }
0x16e: {  	p1 =	sgt.s32 s20, $0x7F;
	s21 =	sadd.s32 $0xFFFFFF80, s20  }
0x16f: {  	s20 =	smov.u32 @p1 s21  }
0x170: {  	v59 =	vmov s20  }
0x171: {  	v14 =	vadd.s32 $0xFFFFFFFF, v59  }
0x172: {  	v14 =	vbroadcast v14, $0x0;
	_ =	sdelay $0x1  }
0x173: {  	v13 =	vadd.s32 v13, v14  }
0x174: {  	v60 =	vld [tilespmem:s18+$0x60];
	v13 =	vsel vm14, v13, v3;
	_ =	sdelay $0x3  }
0x175: {  	s30 =	spop (v2sf)  }
0x176: {  	[tilespmem:v13+s11+$0x0] =	vst.idx.msk $0xffff, v60;
	s20 =	sadd.s32 s20, s30  }
0x177: {  	[tilespmem:v13+s12+$0x0] =	vst.idx.msk $0xffff, v12;
	p0 =	slt.s32 s20, $0x80  }
0x178: {  	v12 =	vld @!p0 [tilespmem:$0xA800]  }
0x179: {  	s21 =	simm.s32 $0x1  }
0x17a: {  	s21 =	simm.s32 @!p1 $0x0  }
0x17b: {  	s19 =	sadd.s32 s21, s19  }
0x17c: {  	s21 =	sshll.u32 @!p0 s19, $0x7  }
0x17d: {  	[tilespmem:s21+$0x5000] =	vst @!p0 v12  }
0x17e: {  	v12 =	vld @!p0 [tilespmem:$0xA900];
	_ =	sdelay $0x4  }
0x17f: {  	[tilespmem:s21+$0x7C00] =	vst @!p0 v12  }
0x180: {  	v12 =	vld @!p0 [tilespmem:$0xA810];
	_ =	sdelay $0x4  }
0x181: {  	[tilespmem:s21+$0x5010] =	vst @!p0 v12  }
0x182: {  	v12 =	vld @!p0 [tilespmem:$0xA910];
	_ =	sdelay $0x4  }
0x183: {  	[tilespmem:s21+$0x7C10] =	vst @!p0 v12  }
0x184: {  	v12 =	vld @!p0 [tilespmem:$0xA820];
	_ =	sdelay $0x4  }
0x185: {  	[tilespmem:s21+$0x5020] =	vst @!p0 v12  }
0x186: {  	v12 =	vld @!p0 [tilespmem:$0xA920];
	_ =	sdelay $0x4  }
0x187: {  	[tilespmem:s21+$0x7C20] =	vst @!p0 v12  }
0x188: {  	v12 =	vld @!p0 [tilespmem:$0xA830];
	_ =	sdelay $0x4  }
0x189: {  	[tilespmem:s21+$0x5030] =	vst @!p0 v12  }
0x18a: {  	v12 =	vld @!p0 [tilespmem:$0xA930];
	_ =	sdelay $0x4  }
0x18b: {  	[tilespmem:s21+$0x7C30] =	vst @!p0 v12  }
0x18c: {  	v12 =	vld @!p0 [tilespmem:$0xA840];
	_ =	sdelay $0x4  }
0x18d: {  	[tilespmem:s21+$0x5040] =	vst @!p0 v12  }
0x18e: {  	v12 =	vld @!p0 [tilespmem:$0xA940];
	_ =	sdelay $0x4  }
0x18f: {  	[tilespmem:s21+$0x7C40] =	vst @!p0 v12  }
0x190: {  	v12 =	vld @!p0 [tilespmem:$0xA850];
	_ =	sdelay $0x4  }
0x191: {  	[tilespmem:s21+$0x5050] =	vst @!p0 v12  }
0x192: {  	v12 =	vld @!p0 [tilespmem:$0xA950];
	_ =	sdelay $0x4  }
0x193: {  	[tilespmem:s21+$0x7C50] =	vst @!p0 v12  }
0x194: {  	v12 =	vld @!p0 [tilespmem:$0xA860];
	_ =	sdelay $0x4  }
0x195: {  	[tilespmem:s21+$0x5060] =	vst @!p0 v12  }
0x196: {  	v12 =	vld @!p0 [tilespmem:$0xA960];
	_ =	sdelay $0x4  }
0x197: {  	[tilespmem:s21+$0x7C60] =	vst @!p0 v12  }
0x198: {  	v12 =	vld @!p0 [tilespmem:$0xA870];
	_ =	sdelay $0x4  }
0x199: {  	[tilespmem:s21+$0x5070] =	vst @!p0 v12  }
0x19a: {  	v12 =	vld @!p0 [tilespmem:$0xA970];
	_ =	sdelay $0x4  }
0x19b: {  	[tilespmem:s21+$0x7C70] =	vst @!p0 v12  }
0x19c: {  	v12 =	vld @!p0 [tilespmem:$0xA880]  }
0x19d: {  	v13 =	vld @!p0 [tilespmem:$0xA980];
	_ =	sdelay $0x3  }
0x19e: {  	[tilespmem:$0xA800] =	vst @!p0 v12  }
0x19f: {  	[tilespmem:$0xA900] =	vst @!p0 v13  }
0x1a0: {  	v12 =	vld [tilespmem:s18+$0x2870];
	_ =	sdelay $0x4  }
0x1a1: {  	v12 =	vsub.s32 v12, v0  }
0x1a2: {  	vm15 =	vlt.u32 v12, $0x1450  }
0x1a3: {  	v61 =	vsel vm15, $0x1, v1  }
0x1a4: {  	(xrf0) =	vadd.scan.msk.s32 $0xffff, v61;
	_ =	sdelay $0x5  }
0x1a5: {  	v13, _, _ =	vpop (xrf0)  }
0x1a6: {  	(v2sf) =	vpush v13, $0xF;
	_ =	sdelay $0x3  }
0x1a7: {  	p1 =	sgt.s32 s20, $0x7F;
	s21 =	sadd.s32 $0xFFFFFF80, s20  }
0x1a8: {  	s20 =	smov.u32 @p1 s21  }
0x1a9: {  	v62 =	vmov s20  }
0x1aa: {  	v14 =	vadd.s32 $0xFFFFFFFF, v62  }
0x1ab: {  	v14 =	vbroadcast v14, $0x0;
	_ =	sdelay $0x1  }
0x1ac: {  	v13 =	vadd.s32 v13, v14  }
0x1ad: {  	v63 =	vld [tilespmem:s18+$0x70];
	v13 =	vsel vm15, v13, v3;
	_ =	sdelay $0x3  }
0x1ae: {  	s31 =	spop (v2sf)  }
0x1af: {  	[tilespmem:v13+s11+$0x0] =	vst.idx.msk $0xffff, v63;
	s20 =	sadd.s32 s20, s31  }
0x1b0: {  	[tilespmem:v13+s12+$0x0] =	vst.idx.msk $0xffff, v12;
	p0 =	slt.s32 s20, $0x80  }
0x1b1: {  	v12 =	vld @!p0 [tilespmem:$0xA800]  }
0x1b2: {  	s18 =	simm.s32 $0x1  }
0x1b3: {  	s18 =	simm.s32 @!p1 $0x0  }
0x1b4: {  	s18 =	sadd.s32 s18, s19  }
0x1b5: {  	s19 =	sshll.u32 @!p0 s18, $0x7  }
0x1b6: {  	[tilespmem:s19+$0x5000] =	vst @!p0 v12  }
0x1b7: {  	v12 =	vld @!p0 [tilespmem:$0xA900];
	_ =	sdelay $0x4  }
0x1b8: {  	[tilespmem:s19+$0x7C00] =	vst @!p0 v12  }
0x1b9: {  	v12 =	vld @!p0 [tilespmem:$0xA810];
	_ =	sdelay $0x4  }
0x1ba: {  	[tilespmem:s19+$0x5010] =	vst @!p0 v12  }
0x1bb: {  	v12 =	vld @!p0 [tilespmem:$0xA910];
	_ =	sdelay $0x4  }
0x1bc: {  	[tilespmem:s19+$0x7C10] =	vst @!p0 v12  }
0x1bd: {  	v12 =	vld @!p0 [tilespmem:$0xA820];
	_ =	sdelay $0x4  }
0x1be: {  	[tilespmem:s19+$0x5020] =	vst @!p0 v12  }
0x1bf: {  	v12 =	vld @!p0 [tilespmem:$0xA920];
	_ =	sdelay $0x4  }
0x1c0: {  	[tilespmem:s19+$0x7C20] =	vst @!p0 v12  }
0x1c1: {  	v12 =	vld @!p0 [tilespmem:$0xA830];
	_ =	sdelay $0x4  }
0x1c2: {  	[tilespmem:s19+$0x5030] =	vst @!p0 v12  }
0x1c3: {  	v12 =	vld @!p0 [tilespmem:$0xA930];
	_ =	sdelay $0x4  }
0x1c4: {  	[tilespmem:s19+$0x7C30] =	vst @!p0 v12  }
0x1c5: {  	v12 =	vld @!p0 [tilespmem:$0xA840];
	_ =	sdelay $0x4  }
0x1c6: {  	[tilespmem:s19+$0x5040] =	vst @!p0 v12  }
0x1c7: {  	v12 =	vld @!p0 [tilespmem:$0xA940];
	_ =	sdelay $0x4  }
0x1c8: {  	[tilespmem:s19+$0x7C40] =	vst @!p0 v12  }
0x1c9: {  	v12 =	vld @!p0 [tilespmem:$0xA850];
	_ =	sdelay $0x4  }
0x1ca: {  	[tilespmem:s19+$0x5050] =	vst @!p0 v12  }
0x1cb: {  	v12 =	vld @!p0 [tilespmem:$0xA950];
	_ =	sdelay $0x4  }
0x1cc: {  	[tilespmem:s19+$0x7C50] =	vst @!p0 v12  }
0x1cd: {  	v12 =	vld @!p0 [tilespmem:$0xA860];
	_ =	sdelay $0x4  }
0x1ce: {  	[tilespmem:s19+$0x5060] =	vst @!p0 v12  }
0x1cf: {  	v12 =	vld @!p0 [tilespmem:$0xA960];
	_ =	sdelay $0x4  }
0x1d0: {  	[tilespmem:s19+$0x7C60] =	vst @!p0 v12  }
0x1d1: {  	v12 =	vld @!p0 [tilespmem:$0xA870];
	_ =	sdelay $0x4  }
0x1d2: {  	[tilespmem:s19+$0x5070] =	vst @!p0 v12  }
0x1d3: {  	v12 =	vld @!p0 [tilespmem:$0xA970];
	_ =	sdelay $0x4  }
0x1d4: {  	[tilespmem:s19+$0x7C70] =	vst @!p0 v12  }
0x1d5: {  	s17 =	sadd.s32 $0x200, s17;
	v12 =	vld @!p0 [tilespmem:$0xA880]  }
0x1d6: {  	p2 =	sne.s32 s17, $0xA000;
	v13 =	vld @!p0 [tilespmem:$0xA980]  }
.Ltmp0:
0x1d7: {  	_ = 	snop;
	(pc) =	sbr.rel @p2 .LBB2_2-.Ltmp0, $4  }
0x1d8: {  	_ = 	snop  }
0x1d9: {  	p1 =	sgt.s32 s20, $0x7F;
	s19 =	simm.s32 $0x1  }
0x1da: {  	s21 =	sadd.s32 $0xFFFFFF80, s20;
	s19 =	simm.s32 @!p1 $0x0;
	[tilespmem:$0xA800] =	vst @!p0 v12  }
0x1db: {  	s20 =	smov.u32 @p1 s21;
	s19 =	sadd.s32 s19, s18;
	[tilespmem:$0xA900] =	vst @!p0 v13  }
0x1dc: {  	v12 =	vadd.s32 s20, v2;
	_ =	sdelay $0x1  }
0x1dd: {  	v13 =	vadd.s32 s20, v5;
	_ =	sdelay $0x1  }
0x1de: {  	v14 =	vadd.s32 s20, v6  }
0x1df: {  	[tilespmem:v12+s11+$0x0] =	vst.idx.msk $0xffff, v1  }
0x1e0: {  	v58 =	vadd.s32 s20, v7;
	[tilespmem:v12+s12+$0x0] =	vst.idx.msk $0xffff, v4  }
0x1e1: {  	[tilespmem:v13+s11+$0x0] =	vst.idx.msk $0xffff, v1  }
0x1e2: {  	v59 =	vadd.s32 s20, v8;
	[tilespmem:v13+s12+$0x0] =	vst.idx.msk $0xffff, v4  }
0x1e3: {  	[tilespmem:v14+s11+$0x0] =	vst.idx.msk $0xffff, v1  }
0x1e4: {  	v60 =	vadd.s32 s20, v9;
	[tilespmem:v14+s12+$0x0] =	vst.idx.msk $0xffff, v4  }
0x1e5: {  	[tilespmem:v58+s11+$0x0] =	vst.idx.msk $0xffff, v1  }
0x1e6: {  	v61 =	vadd.s32 s20, v10;
	[tilespmem:v58+s12+$0x0] =	vst.idx.msk $0xffff, v4  }
0x1e7: {  	[tilespmem:v59+s11+$0x0] =	vst.idx.msk $0xffff, v1  }
0x1e8: {  	v62 =	vadd.s32 s20, v11;
	[tilespmem:v59+s12+$0x0] =	vst.idx.msk $0xffff, v4  }
0x1e9: {  	[tilespmem:v60+s11+$0x0] =	vst.idx.msk $0xffff, v1  }
0x1ea: {  	[tilespmem:v60+s12+$0x0] =	vst.idx.msk $0xffff, v4  }
0x1eb: {  	[tilespmem:v61+s11+$0x0] =	vst.idx.msk $0xffff, v1  }
0x1ec: {  	[tilespmem:v61+s12+$0x0] =	vst.idx.msk $0xffff, v4  }
0x1ed: {  	[tilespmem:v62+s11+$0x0] =	vst.idx.msk $0xffff, v1  }
0x1ee: {  	[tilespmem:v62+s12+$0x0] =	vst.idx.msk $0xffff, v4  }
0x1ef: {  	v12 =	vld [tilespmem:$0xA800];
	_ =	sdelay $0x3  }
0x1f0: {  	s17 =	sshll.u32 s19, $0x7  }
0x1f1: {  	[tilespmem:s17+$0x5000] =	vst v12  }
0x1f2: {  	v12 =	vld [tilespmem:$0xA900];
	_ =	sdelay $0x4  }
0x1f3: {  	[tilespmem:s17+$0x7C00] =	vst v12  }
0x1f4: {  	v12 =	vld [tilespmem:$0xA810];
	_ =	sdelay $0x4  }
0x1f5: {  	[tilespmem:s17+$0x5010] =	vst v12  }
0x1f6: {  	v12 =	vld [tilespmem:$0xA910];
	_ =	sdelay $0x4  }
0x1f7: {  	[tilespmem:s17+$0x7C10] =	vst v12  }
0x1f8: {  	v12 =	vld [tilespmem:$0xA820];
	_ =	sdelay $0x4  }
0x1f9: {  	[tilespmem:s17+$0x5020] =	vst v12  }
0x1fa: {  	v12 =	vld [tilespmem:$0xA920];
	_ =	sdelay $0x4  }
0x1fb: {  	[tilespmem:s17+$0x7C20] =	vst v12  }
0x1fc: {  	v12 =	vld [tilespmem:$0xA830];
	_ =	sdelay $0x4  }
0x1fd: {  	[tilespmem:s17+$0x5030] =	vst v12  }
0x1fe: {  	v12 =	vld [tilespmem:$0xA930];
	_ =	sdelay $0x4  }
0x1ff: {  	[tilespmem:s17+$0x7C30] =	vst v12  }
0x200: {  	v12 =	vld [tilespmem:$0xA840];
	_ =	sdelay $0x4  }
0x201: {  	[tilespmem:s17+$0x5040] =	vst v12  }
0x202: {  	v12 =	vld [tilespmem:$0xA940];
	_ =	sdelay $0x4  }
0x203: {  	[tilespmem:s17+$0x7C40] =	vst v12  }
0x204: {  	v12 =	vld [tilespmem:$0xA850];
	_ =	sdelay $0x4  }
0x205: {  	[tilespmem:s17+$0x5050] =	vst v12  }
0x206: {  	v12 =	vld [tilespmem:$0xA950];
	_ =	sdelay $0x4  }
0x207: {  	[tilespmem:s17+$0x7C50] =	vst v12  }
0x208: {  	v12 =	vld [tilespmem:$0xA860];
	_ =	sdelay $0x4  }
0x209: {  	[tilespmem:s17+$0x5060] =	vst v12  }
0x20a: {  	v12 =	vld [tilespmem:$0xA960];
	_ =	sdelay $0x4  }
0x20b: {  	[tilespmem:s17+$0x7C60] =	vst v12  }
0x20c: {  	v12 =	vld [tilespmem:$0xA870];
	_ =	sdelay $0x4  }
0x20d: {  	[tilespmem:s17+$0x5070] =	vst v12  }
0x20e: {  	v12 =	vld [tilespmem:$0xA970];
	_ =	sdelay $0x3  }
0x20f: {  	s18 =	sadd.s32 $0x1, s19  }
0x210: {  	v63 =	vmov s18;
	[tilespmem:s17+$0x7C70] =	vst v12  }
0x211: {  	[tilespmem:$0xAA00] =	vst v63  }
0x212: {  	[hbm4b:s5+s2] =	stream.linear.scatter [tilespmem:s13], [sflag:$0x1], $0x2C00, $0x38;
	[tilespmem:$0xAA80] =	vst v63  }
0x213: {  	_ =	swait.ge [sflag:s9], $0x2C00  }
0x214: {  	[sflag:s9] =	ssyncset.done $0x0  }
0x215: {  	[sflag:s9] =	ssyncadd.s32 $0xFFFFD400  }
0x216: {  	[hbm4b:s6+s2] =	stream.linear.scatter [tilespmem:s14], [sflag:$0x1], $0x2C00, $0x38;
	[tilespmem:$0xAA80] =	vst v63  }
0x217: {  	s16 =	sadd.s32 $0x1, s16;
	_ =	swait.ge [sflag:s9], $0x2C00  }
0x218: {  	p0 =	sne.s32 s16, s8;
	[sflag:s9] =	ssyncset.done $0x0  }
.Ltmp1:
0x219: {  	[sflag:s9] =	ssyncadd.s32 $0xFFFFD400;
	(pc) =	sbr.rel @p0 .LBB2_1-.Ltmp1, $4  }
0x21a: {  	[hbm4b:s7+s2] =	stream.linear.scatter [tilespmem:s15], [sflag:$0x1], $0x10, $0x38;
	[tilespmem:$0xAA80] =	vst v63  }
0x21b: {  	_ =	swait.ge [sflag:s9], $0x10  }
0x21c: {  	[sflag:s9] =	ssyncset.done $0x0  }
0x21d: {  	[sflag:s9] =	ssyncadd.s32 $0xFFFFFFF0  }
0x21e: {  	_ =	sfence.sel $0x180000  }
0x21f: {  	[bflag:$0x0] =	sbarrier.arrive $0xFFFF  }
0x220: {  	p0 =	sne.s32 s1, $0x0;
	_ =	strace $0x90000047  }
0x221: {  	s0 =	sadd.s32 @!p0 $0x100000, s0;
	[bflag:$0x2] =	sbarrier.arrive $0xFFFF  }
0x222: {  	[sflag:s0] =	ssyncadd.tile.s32 @!p0 $0x1;
	_ =	shalt  }
.Lfunc_end2:
_tile_overlayer_lowered:
.L_overlay_start_2:
0x223: {  	(tag) =	ssettag $0x2  }
0x224: {  	s0 =	rddreg [dreg:$0x0];
	s2 =	stileid.u32  }
0x225: {  	s1 =	rddreg [dreg:$0x1];
	p0 =	sne.s32 s2, $0x0  }
0x226: {  	s3 =	rddreg [dreg:$0x2];
	[bflag:$0x3] =	sbarrier.arrive $0xFFFF;
	s2 =	simm.s32 @!p0 $0x1C01  }
0x227: {  	[timem:s3], [sflag:s2] =	dma.local @!p0 [hbm:s0], s1  }
0x228: {  	s0 =	simm.s32 @!p0 $0x1  }
0x229: {  	_ =	swait.ge @!p0 [sflag:s0], s1  }
0x22a: {  	s1 =	ssub.s32 @!p0 $0x0, s1;
	[sflag:s0] =	ssyncset.done @!p0 $0x0  }
0x22b: {  	[sflag:s0] =	ssyncadd.s32 @!p0 s1  }
0x22c: {  	[bflag:$0x3] =	sbarrier.arrive $0xFFFF  }
0x22d: {  	_ =	shalt  }

// kernel: kernel.13.cloned.1.call-start
scs
__scs_entry_jumppad:
0x0: {  	(pc) =	sbr.rel $0x88, $3  }
0x1: {  	(tag) =	ssettag $0x0;
	lr =	simm.s32 $0x1  }
0x2: {  	[smem:$0x3F96] =	sst lr;
	_ =	strace $0xD0000000  }
0x3: {  	_ = 	snop  }
0x4: {  	_ = 	snop  }
0x5: {  	_ = 	snop  }
0x6: {  	_ = 	snop  }
0x7: {  	_ = 	snop  }
__scs_overlays_trampoline_lowered:
0x8: {  	[smem:$0x3FA5] =	sst s0  }
0x9: {  	[smem:$0x3FA6] =	sst s1  }
0xa: {  	[smem:$0x3FA7] =	sst s2  }
0xb: {  	[smem:$0x3FA8] =	sst s3  }
0xc: {  	[smem:$0x3FA9] =	sst s4  }
0xd: {  	[smem:$0x3FAA] =	sst s5  }
0xe: {  	[smem:$0x3FAB] =	sst s6  }
0xf: {  	[smem:$0x3FAC] =	sst s7  }
0x10: {  	[smem:$0x3FAD] =	sst s8  }
0x11: {  	[smem:$0x3FAE] =	sst s9;
	s0 =	simm.s32 @!p0 $0x0  }
0x12: {  	s1 =	sld [smem:$0x3F94];
	s0 =	simm.s32 @p0 $0x1  }
0x13: {  	[smem:$0x3FAF] =	sst s0;
	s0 =	simm.s32 @!p1 $0x0  }
0x14: {  	s2 =	sld [smem:$0x3F93];
	s0 =	simm.s32 @p1 $0x1  }
0x15: {  	[smem:$0x3FB0] =	sst s0;
	s0 =	simm.s32 @!p2 $0x0  }
0x16: {  	s3 =	sld [smem:$0x3FDB];
	s0 =	simm.s32 @p2 $0x1  }
0x17: {  	s4 =	simm.s32 $0x1BF5;
	[smem:$0x3FB2] =	sst s0  }
0x18: {  	s0 =	sld [smem:$0x3F95];
	_ =	swait.ge [sflag:s4], $0x0  }
0x19: {  	s7 =	sld [smem:$0x3F96]  }
0x1a: {  	s8 =	sadd.s32 $0xFFFFE003, lr  }
0x1b: {  	s9 =	sadd.s32 $0xFFFFFEF7, lr;
	s5 =	simm.s32 $0xFFFFFFFF;
	p2 =	slt.u32 s8, $0xFFFFF086  }
0x1c: {  	p1 =	slt.u32 s9, $0xF7A;
	s5 =	simm.s32 @!p2 $0x0  }
0x1d: {  	s5 =	simm.s32 @p1 $0x1;
	p0 =	seq.s32 s7, s2  }
0x1e: {  	s7 =	smul.u32 @!p0 $0xF7A, s2;
	p2 =	seq.s32 @!p0 s5, $0x0  }
0x1f: {  	s9 =	smul.u32 $0xF7A, s1;
	s8 =	simm.s32 @!p0 $0x1BF5;
	p2 =	por !p2, p0  }
0x20: {  	[sflag:s8] =	ssyncset.s32 @!p0 $0xFFFFF086;
	s6 =	sadd.s32 @!p0 s3, s7;
	s7 =	simm.s32 @!p0 $0x108  }
0x21: {  	s3 =	sadd.s32 s3, s9;
	s6 =	sadd.s32 @!p0 $0x88, s6;
	s7 =	simm.s32 @p2 $0x1082  }
0x22: {  	[simem:s7], [sflag:s8] =	dma.local @!p0 [hbm:s6], $0xF7A  }
0x23: {  	s9 =	sor.u32 $0xD0000000, s2;
	s6 =	simm.s32 $0x108;
	_ =	swait.ge @!p0 [sflag:s8], $0x0  }
0x24: {  	s3 =	sadd.s32 $0x88, s3;
	s6 =	simm.s32 @!p1 $0x1082;
	[sflag:s4] =	ssyncset.s32 $0xFFFFF086  }
0x25: {  	[simem:s6], [sflag:s4] =	dma.local [hbm:s3], $0xF7A  }
0x26: {  	[smem:$0x3F96] =	sst s1;
	(tag) =	ssettag s2;
	_ =	strace s9  }
0x27: {  	s1 =	sld [smem:$0x3FA6]  }
0x28: {  	s2 =	sld [smem:$0x3FA7]  }
0x29: {  	s4 =	sld [smem:$0x3FA9]  }
0x2a: {  	p0 =	seq.s32 s5, $0x0;
	s5 =	sld [smem:$0x3FAA]  }
0x2b: {  	s6 =	sld [smem:$0x3FAB]  }
0x2c: {  	s7 =	sld [smem:$0x3FAC]  }
0x2d: {  	s3 =	simm.s32 $0x108;
	s8 =	sld [smem:$0x3FAD]  }
0x2e: {  	s3 =	simm.s32 @!p0 $0x1082;
	s9 =	sld [smem:$0x3FAE]  }
0x2f: {  	lr =	sadd.s32 s0, s3;
	s0 =	sld [smem:$0x3FA5]  }
0x30: {  	s3 =	sld [smem:$0x3FA8]  }
0x31: {  	[smem:$0x3FB1] =	sst s10  }
0x32: {  	s10 =	sld [smem:$0x3FAF];
	_ =	sdelay $0x3  }
0x33: {  	p0 =	seq.s32 s10, $0x1;
	s10 =	sld [smem:$0x3FB1];
	_ =	sdelay $0x3  }
0x34: {  	[smem:$0x3FB1] =	sst s10  }
0x35: {  	s10 =	sld [smem:$0x3FB0];
	_ =	sdelay $0x3  }
0x36: {  	p1 =	seq.s32 s10, $0x1;
	s10 =	sld [smem:$0x3FB1];
	_ =	sdelay $0x3  }
0x37: {  	[smem:$0x3FB1] =	sst s10  }
0x38: {  	s10 =	sld [smem:$0x3FB2]  }
0x39: {  	_ = 	snop;
	(pc) =	sbr.ind lr, $3  }
0x3a: {  	_ = 	snop  }
0x3b: {  	_ = 	snop  }
0x3c: {  	p2 =	seq.s32 s10, $0x1;
	s10 =	sld [smem:$0x3FB1]  }
0x3d: {  	_ =	shalt  }
0x3e: {  	_ =	shalt  }
0x3f: {  	_ =	shalt  }
0x40: {  	_ =	shalt  }
0x41: {  	_ =	shalt  }
0x42: {  	_ =	shalt  }
0x43: {  	_ =	shalt  }
0x44: {  	_ =	shalt  }
0x45: {  	_ =	shalt  }
0x46: {  	_ =	shalt  }
0x47: {  	_ =	shalt  }
0x48: {  	_ =	shalt  }
0x49: {  	_ =	shalt  }
0x4a: {  	_ =	shalt  }
0x4b: {  	_ =	shalt  }
0x4c: {  	_ =	shalt  }
0x4d: {  	_ =	shalt  }
0x4e: {  	_ =	shalt  }
0x4f: {  	_ =	shalt  }
0x50: {  	_ =	shalt  }
0x51: {  	_ =	shalt  }
0x52: {  	_ =	shalt  }
0x53: {  	_ =	shalt  }
0x54: {  	_ =	shalt  }
0x55: {  	_ =	shalt  }
0x56: {  	_ =	shalt  }
0x57: {  	_ =	shalt  }
0x58: {  	_ =	shalt  }
0x59: {  	_ =	shalt  }
0x5a: {  	_ =	shalt  }
0x5b: {  	_ =	shalt  }
0x5c: {  	_ =	shalt  }
0x5d: {  	_ =	shalt  }
0x5e: {  	_ =	shalt  }
0x5f: {  	_ =	shalt  }
0x60: {  	_ =	shalt  }
0x61: {  	_ =	shalt  }
0x62: {  	_ =	shalt  }
0x63: {  	_ =	shalt  }
0x64: {  	_ =	shalt  }
0x65: {  	_ =	shalt  }
0x66: {  	_ =	shalt  }
0x67: {  	_ =	shalt  }
0x68: {  	_ =	shalt  }
0x69: {  	_ =	shalt  }
0x6a: {  	_ =	shalt  }
0x6b: {  	_ =	shalt  }
0x6c: {  	_ =	shalt  }
0x6d: {  	_ =	shalt  }
0x6e: {  	_ =	shalt  }
0x6f: {  	_ =	shalt  }
0x70: {  	_ =	shalt  }
0x71: {  	_ =	shalt  }
0x72: {  	_ =	shalt  }
0x73: {  	_ =	shalt  }
0x74: {  	_ =	shalt  }
0x75: {  	_ =	shalt  }
0x76: {  	_ =	shalt  }
0x77: {  	_ =	shalt  }
0x78: {  	_ =	shalt  }
0x79: {  	_ =	shalt  }
0x7a: {  	_ =	shalt  }
0x7b: {  	_ =	shalt  }
0x7c: {  	_ =	shalt  }
0x7d: {  	_ =	shalt  }
0x7e: {  	_ =	shalt  }
0x7f: {  	_ =	shalt  }
0x80: {  	_ =	shalt  }
0x81: {  	_ =	shalt  }
0x82: {  	_ =	shalt  }
0x83: {  	_ =	shalt  }
0x84: {  	_ =	shalt  }
0x85: {  	_ =	shalt  }
0x86: {  	_ =	shalt  }
0x87: {  	_ =	shalt  }
.Lfunc_end0:
.L_simem_size_0:
called_computation.1_lowered:
.L_overlay_start_0:
0x88: {  	s2 =	sld [smem:$0x3FD9]  }
0x89: {  	s3 =	sld [smem:$0x3FFE];
	_ =	sdelay $0x1  }
0x8a: {  	s1 =	srdreg.scid  }
0x8b: {  	s0 =	sand.u32 $0x1, s1  }
0x8c: {  	s14 =	sshll.u32 s0, $0xA;
	s2 =	sadd.s32 s3, s2  }
0x8d: {  	s2 =	sadd.s32 s2, s14  }
0x8e: {  	[smem:$0x3FBD] =	sst s2  }
0x8f: {  	_ = 	snop  }
0x90: {  	s2 =	sld [smem:$0x3FD0];
	_ =	sdelay $0x2  }
0x91: {  	s15 =	simm.s32 $0xA;
	s4 =	simm.s32 $0x10  }
0x92: {  	[smem:s4], [sflag:s15] =	dma.local [hbm:s2], $0x1  }
0x93: {  	_ =	swait.eq [sflag:s15], $0x1  }
0x94: {  	[sflag:s15] =	ssyncset.done $0x0  }
0x95: {  	[sflag:s15] =	ssyncadd.s32 $0xFFFFFFFF  }
0x96: {  	s16 =	sld [smem:$0x11];
	(tm) =	ssettm $0x1  }
0x97: {  	s17 =	sld [smem:$0x3FFB];
	_ =	sdelay $0x3  }
0x98: {  	_ =	strace s17  }
0x99: {  	s3 =	sld [smem:$0x3FFC];
	_ =	sdelay $0x3  }
0x9a: {  	_ =	strace s3  }
0x9b: {  	s3 =	sld [smem:$0x3FFD];
	_ =	sdelay $0x3  }
0x9c: {  	_ =	strace s3  }
0x9d: {  	_ =	strace $0x8FFFFFFF  }
0x9e: {  	s18 =	sld [smem:$0x3FDB];
	_ =	sdelay $0x1  }
0x9f: {  	s19 =	simm.s32 $_scs_section_size  }
0xa0: {  	s5 =	simm.s32 $_size__tile_overlayer_lowered;
	s6 =	simm.s32 $_tile_overlayer_lowered  }
0xa1: {  	s22 =	simm.s32 $0x1BFF;
	s21 =	sshll.u32 s6, $0x1;
	s3 =	sadd.s32 s19, s18  }
0xa2: {  	s7 =	simm.s32 $0x0;
	s20 =	sshll.u32 s5, $0x1;
	s5 =	sadd.s32 s21, s3  }
0xa3: {  	[timem:s7], [sflag:s22] =	dma.local [hbm:s5], s20  }
0xa4: {  	_ =	swait.ge [sflag:s22], s20  }
0xa5: {  	s4 =	ssub.s32 $0x0, s20;
	[sflag:s22] =	ssyncset.done $0x0  }
0xa6: {  	[sflag:s22] =	ssyncadd.s32 s4;
	_ =	sdelay $0x1  }
0xa7: {  	s23 =	simm.s32 $0x1B8B  }
0xa8: {  	_ =	swait.ge [sflag:s23], $0x1  }
0xa9: {  	[sflag:s23] =	ssyncset.done $0x0  }
0xaa: {  	s25 =	simm.s32 $0x1B8E;
	s24 =	sld [smem:$0x3FFE];
	[sflag:s23] =	ssyncadd.s32 $0xFFFFFFFF  }
0xab: {  	s26 =	simm.s32 $execute0_lowered;
	[smem:$0x3FD2] =	sst s25  }
0xac: {  	s5 =	sshll.u32 s26, $0x1;
	_ =	strace $0x80000049;
	[dreg:$0x1] =	wrdreg $0xFFFFFFFF  }
0xad: {  	s28 =	simm.s32 $_size_execute0_lowered;
	s3 =	sadd.s32 s3, s5;
	[dreg:$0x0] =	wrdreg $0x0  }
0xae: {  	s5 =	sshll.u32 s28, $0x1;
	[dreg:$0x2] =	wrdreg s3  }
0xaf: {  	[dreg:$0x3] =	wrdreg s5  }
0xb0: {  	[dreg:$0x4] =	wrdreg $0xC0  }
0xb1: {  	_ =	task [dreg:s7], $0x5FFFF  }
0xb2: {  	[dreg:$0x1] =	wrdreg $0xFFFFFFFF  }
0xb3: {  	[dreg:$0x0] =	wrdreg $0x60  }
0xb4: {  	[dreg:$0x2] =	wrdreg s24  }
0xb5: {  	[dreg:$0x3] =	wrdreg s16  }
0xb6: {  	[dreg:$0x4] =	wrdreg $0x90800  }
0xb7: {  	[dreg:$0x5] =	wrdreg $0x9  }
0xb8: {  	_ =	task.clear_ibuf [dreg:s7], $0x6FFFF;
	_ =	strace $0x90000049  }
0xb9: {  	s29 =	simm.s32 $0x9;
	_ =	strace $0x8000004B  }
0xba: {  	_ =	swait.ge [sflag:s29], $0x1  }
0xbb: {  	[sflag:s29] =	ssyncadd.s32 $0xFFFFFFFF  }
0xbc: {  	_ =	strace $0x9000004B  }
0xbd: {  	_ =	sfence  }
0xbe: {  	s30 =	sld [smem:$0x0];
	_ =	sdelay $0x2  }
0xbf: {  	s31 =	sshll.u32 s1, $0xD;
	s1 =	sshrl.u32 s1, $0x2  }
0xc0: {  	s3 =	sand.u32 $0x4000, s31;
	s1 =	sadd.s32 s1, s30  }
0xc1: {  	s0 =	sor.u32 s3, s0;
	s1 =	sshll.u32 s1, $0x11  }
0xc2: {  	s0 =	sor.u32 s1, s0  }
0xc3: {  	s0 =	sadd.s32 $0x8F2B, s0  }
0xc4: {  	[sflag:s0] =	ssyncadd.remote.s32 $0x1  }
0xc5: {  	_ =	sfence.sel $0xFFFF  }
0xc6: {  	[dreg:$0x0] =	wrdreg $0xFFFFFFFF;
	(pc) =	sbr.abs _section_cstart, $3  }
0xc7: {  	[dreg:$0x1] =	wrdreg $0xFFFFFFFF  }
0xc8: {  	_ =	task.clear_ibuf [dreg:s7], $0x2FFFF;
	_ =	strace $0x9FFFFFFF  }
0xc9: {  	(tm) =	ssettm $0x7FFFFFFF  }
tec
execute0_lowered:
.L_overlay_start_1:
0x0: {  	(tag) =	ssettag $0x1  }
0x1: {  	s1 =	rddreg [dreg:$0x0]  }
0x2: {  	s5 =	rddreg [dreg:$0x1];
	s3 =	srdreg.scid  }
0x3: {  	s19 =	stileid.u32;
	s2 =	rddreg [dreg:$0x2]  }
0x4: {  	s20 =	simm.s32 $0x1000;
	s21 =	simm.s32 $0x40;
	s22 =	simm.s32 $0x5000  }
0x5: {  	s23 =	simm.s32 $0x1;
	s24 =	simm.s32 $0x2;
	s4 =	smul.u32 $0x148, s19  }
0x6: {  	s25 =	simm.s32 $0x80;
	s26 =	simm.s32 $0x0;
	s8 =	smul.u32 $0x52000, s19  }
0x7: {  	s11 =	sand.u32 $0x1, s3;
	s3 =	simm.s32 $0x0;
	s18 =	smul.u32 $0x580, s19  }
0x8: {  	s14 =	sadd.s32 $0xC200, s1;
	s15 =	sadd.s32 $0x17200, s1;
	s6 =	smul.u32 $0x15E0, s11  }
0x9: {  	[smem:$0x7FF] =	sst s3;
	s29 =	sshll.u32 s11, $0x4;
	s7 =	ssub.s32 $0x2, s11  }
0xa: {  	s17 =	smul.u32 $0x5800, s11;
	_ =	strace $0x8000004A;
	s9 =	sshrl.u32 s7, $0x1  }
0xb: {  	s8 =	sshrl.u32 s8, $0x2;
	s6 =	sadd.s32 s4, s6;
	s4 =	sadd.s32 $0x22200, s1  }
0xc: {  	s16 =	ssub.s32 s7, s9;
	s8 =	sadd.s32 s8, s2;
	s6 =	sshll.u32 s6, $0x5  }
0xd: {  	s30 =	sadd.s32 s17, s14;
	s1 =	sadd.s32 s6, s1;
	s6 =	sor.u32 s19, s29  }
0xe: {  	s9 =	sadd.s32 $0x8000, s8;
	s10 =	sshll.u32 s6, $0x1;
	s12 =	smul.u32 $0x580, s6  }
0xf: {  	s11 =	sadd.s32 $0x73600, s1;
	s13 =	sadd.s32 $0x75600, s1;
	s5 =	sadd.s32 s5, s10  }
.Ltmp0:
0x10: {  	s10 =	sadd.s32 $0x10000, s8;
	s6 =	sadd.s32 s14, s12;
	(pc) =	sbr.rel .LBB2_1-.Ltmp0, $4  }
0x11: {  	s7 =	sadd.s32 s15, s12;
	s12 =	sadd.s32 $0x74600, s1;
	s15 =	sadd.s32 s17, s15  }
0x12: {  	s17 =	smax.u32 s16, $0x1;
	s1 =	sadd.s32 s18, s30;
	s14 =	simm.s32 $0x800  }
0x13: {  	s31 =	sadd.s32 s18, s15;
	s0 =	sadd.s32 $0x10, s1;
	s15 =	simm.s32 $0x9000  }
0x14: {  	v0 =	vimm.f32 $0.0e+00;
	s18 =	simm.s32 $0x3;
	[dreg:$0x4] =	wrdreg s0;
	s16 =	sadd.s32 $0x10, s31  }
.LBB2_5:
0x15: {  	s31 =	rddreg [dreg:$0x4];
	s30 =	smov.u32 s16  }
.LBB2_10:
0x16: {  	s0 =	simm.s32 @!p1 $0x0;
	s1 =	simm.s32 @!p1 $0x3;
	[sflag:s18] =	ssyncadd.s32 @p0 $0xFFFF8000  }
0x17: {  	[tilespmem:s0], [sflag:$0x3] =	stream.linear.gather @!p1 [hbm4b:s31+s0], $0x800, $0x38;
	[tilespmem:$0x1D880] =	vst v63  }
0x18: {  	_ =	swait.ge @!p1 [sflag:s1], $0x800  }
0x19: {  	[sflag:s1] =	ssyncset.done @!p1 $0x0  }
0x1a: {  	s5 =	simm.s32 @!p1 $0x800;
	[sflag:s1] =	ssyncadd.s32 @!p1 $0xFFFFF800  }
0x1b: {  	[tilespmem:s5], [sflag:$0x3] =	stream.linear.gather @!p1 [hbm4b:s30+s0], $0x800, $0x38;
	[tilespmem:$0x1D880] =	vst v63  }
0x1c: {  	_ =	swait.ge @!p1 [sflag:s1], $0x800  }
0x1d: {  	[sflag:s1] =	ssyncset.done @!p1 $0x0  }
0x1e: {  	s30 =	sshll.u32 s29, $0x7;
	[sflag:s1] =	ssyncadd.s32 @!p1 $0xFFFFF800  }
0x1f: {  	[tilespmem:s20], [sflag:$0x1] =	stream.indirect.gather [hbm4b:s4+s21], $0x100, s30, s21, $0xb8;
	[tilespmem:$0x1D880] =	vst v63  }
0x20: {  	s31 =	sor.u32 $0x40, s30  }
0x21: {  	[tilespmem:s22], [sflag:$0x2] =	stream.indirect.gather [hbm4b:s4+s21], $0x100, s31, s21, $0xb8;
	[tilespmem:$0x1D880] =	vst v63  }
0x22: {  	_ =	swait.ge [sflag:s23], $0x4000  }
0x23: {  	[sflag:s23] =	ssyncset.done $0x0  }
0x24: {  	[sflag:s23] =	ssyncadd.s32 $0xFFFFC000  }
0x25: {  	_ =	swait.ge [sflag:s24], $0x4000  }
0x26: {  	[sflag:s24] =	ssyncset.done $0x0  }
0x27: {  	s5 =	smov.u32 s6;
	s0 =	sor.u32 $0x800, s30;
	[sflag:s24] =	ssyncadd.s32 $0xFFFFC000  }
0x28: {  	[spmem:s2] =	stream.indirect.scatter.add.f32 [tilespmem:s20], [sflag:$0x3], $0x100, s0, s25, $0xb8;
	[tilespmem:$0x1D880] =	vst v63  }
0x29: {  	s6 =	smov.u32 s7;
	s7 =	smov.u32 s11;
	_ =	swait.ge [sflag:s18], $0x8000  }
0x2a: {  	s11 =	smov.u32 s12;
	s12 =	smov.u32 s13;
	[sflag:s18] =	ssyncset.done $0x0  }
0x2b: {  	s13 =	smov.u32 s14;
	s14 =	simm.s32 $0x800;
	[sflag:s18] =	ssyncadd.s32 $0xFFFF8000  }
.LBB2_11:
0x2c: {  	s0 =	sshll.u32 s19, $0x6  }
0x2d: {  	[bflag:$0x0] =	sbarrier.arrive $0xFFFF;
	s1 =	sshrl.u32 s8, $0x3;
	s0 =	sor.u32 $0x1C03, s0  }
0x2e: {  	[hbm:s11], [sflag:s0] =	dma.local [spmem:s1], $0x1000  }
0x2f: {  	_ =	swait.ge [sflag:s18], $0x1000  }
0x30: {  	[sflag:s18] =	ssyncset.done $0x0  }
0x31: {  	s30 =	sshrl.u32 s9, $0x3;
	[sflag:s18] =	ssyncadd.s32 $0xFFFFF000  }
0x32: {  	[hbm:s12], [sflag:s0] =	dma.local [spmem:s30], $0x1000  }
0x33: {  	s26 =	sadd.s32 $0x1, s26;
	_ =	swait.ge [sflag:s18], $0x1000  }
0x34: {  	p0 =	sne.s32 s26, s17;
	[sflag:s18] =	ssyncset.done $0x0  }
.Ltmp1:
0x35: {  	s31 =	sshrl.u32 s10, $0x3;
	[sflag:s18] =	ssyncadd.s32 $0xFFFFF000;
	(pc) =	sbr.rel @!p0 .LBB2_12-.Ltmp1, $4  }
0x36: {  	[hbm:s13], [sflag:s0] =	dma.local [spmem:s31], $0x900  }
0x37: {  	_ =	swait.ge [sflag:s18], $0x900  }
0x38: {  	[sflag:s18] =	ssyncset.done $0x0  }
0x39: {  	[sflag:s18] =	ssyncadd.s32 $0xFFFFF700  }
.LBB2_1:
0x3a: {  	[tilespmem:s15], [sflag:$0x3] =	stream.linear.gather [hbm4b:s5+s3], $0x10, $0x38;
	[tilespmem:$0x1D880] =	vst v63  }
0x3b: {  	_ =	swait.ge [sflag:s18], $0x10  }
0x3c: {  	[sflag:s18] =	ssyncset.done $0x0  }
0x3d: {  	[sflag:s18] =	ssyncadd.s32 $0xFFFFFFF0  }
0x3e: {  	v1 =	vld [tilespmem:$0x9000];
	[tilespmem:s3], [sflag:$0x3] =	stream.linear.gather [hbm4b:s6+s3], $0x800, $0x38  }
0x3f: {  	_ =	swait.ge [sflag:s18], $0x800  }
0x40: {  	[sflag:s18] =	ssyncset.done $0x0  }
0x41: {  	[sflag:s18] =	ssyncadd.s32 $0xFFFFF800  }
0x42: {  	[tilespmem:s14], [sflag:$0x3] =	stream.linear.gather [hbm4b:s7+s3], $0x800, $0x38;
	[tilespmem:$0x1D880] =	vst v63  }
0x43: {  	_ =	swait.ge [sflag:s18], $0x800  }
0x44: {  	[sflag:s18] =	ssyncset.done $0x0  }
0x45: {  	s1 =	simm.s32 $0x0;
	s28 =	simm.s32 $0x400;
	[sflag:s18] =	ssyncadd.s32 $0xFFFFF800  }
.LBB2_2:
0x46: {  	p0 =	sne.s32 s28, $0x1FC00;
	[tilespmem:s1+$0x10F0] =	vst v0  }
0x47: {  	[tilespmem:s1+$0x1000] =	vst v0  }
0x48: {  	[tilespmem:s1+$0x1010] =	vst v0  }
0x49: {  	[tilespmem:s1+$0x1020] =	vst v0  }
0x4a: {  	[tilespmem:s1+$0x1030] =	vst v0  }
0x4b: {  	[tilespmem:s1+$0x1040] =	vst v0  }
0x4c: {  	[tilespmem:s1+$0x1050] =	vst v0  }
0x4d: {  	[tilespmem:s1+$0x1060] =	vst v0  }
0x4e: {  	[tilespmem:s1+$0x1070] =	vst v0  }
0x4f: {  	[tilespmem:s1+$0x1080] =	vst v0  }
0x50: {  	[tilespmem:s1+$0x1090] =	vst v0  }
.Ltmp2:
0x51: {  	[tilespmem:s1+$0x10A0] =	vst v0;
	(pc) =	sbr.rel @p0 .LBB2_2-.Ltmp2, $4  }
0x52: {  	[tilespmem:s1+$0x10B0] =	vst v0  }
0x53: {  	[tilespmem:s1+$0x10C0] =	vst v0  }
0x54: {  	[tilespmem:s1+$0x10D0] =	vst v0  }
0x55: {  	[tilespmem:s1+$0x10E0] =	vst v0;
	s1 =	sshra.s32 s28, $0x2;
	s28 =	sadd.s32 $0x400, s28  }
0x56: {  	[tilespmem:s1+$0x10F0] =	vst v0  }
0x57: {  	[tilespmem:s1+$0x1000] =	vst v0  }
0x58: {  	(v2sf) =	vpush v1, $0x0;
	[tilespmem:s1+$0x1010] =	vst v0  }
0x59: {  	[tilespmem:s1+$0x1020] =	vst v0  }
0x5a: {  	[tilespmem:s1+$0x1030] =	vst v0  }
0x5b: {  	[tilespmem:s1+$0x1040] =	vst v0  }
0x5c: {  	[tilespmem:s1+$0x1050] =	vst v0  }
0x5d: {  	[tilespmem:s1+$0x1060] =	vst v0  }
0x5e: {  	[tilespmem:s1+$0x1070] =	vst v0  }
0x5f: {  	[tilespmem:s1+$0x1080] =	vst v0  }
0x60: {  	[tilespmem:s1+$0x1090] =	vst v0  }
0x61: {  	[tilespmem:s1+$0x10A0] =	vst v0  }
0x62: {  	[tilespmem:s1+$0x10B0] =	vst v0  }
0x63: {  	[tilespmem:s1+$0x10C0] =	vst v0  }
0x64: {  	[tilespmem:s1+$0x10D0] =	vst v0  }
0x65: {  	[tilespmem:s1+$0x10E0] =	vst v0  }
0x66: {  	[spmem:s8] =	stream.linear.scatter [tilespmem:s20], [sflag:$0x3], $0x8000, $0x38;
	[tilespmem:$0x1D880] =	vst v63  }
0x67: {  	s28 =	spop (v2sf)  }
0x68: {  	_ =	swait.ge [sflag:s18], $0x8000  }
0x69: {  	[sflag:s18] =	ssyncset.done $0x0  }
0x6a: {  	[sflag:s18] =	ssyncadd.s32 $0xFFFF8000  }
0x6b: {  	[spmem:s9] =	stream.linear.scatter [tilespmem:s20], [sflag:$0x3], $0x8000, $0x38;
	[tilespmem:$0x1D880] =	vst v63  }
0x6c: {  	_ =	swait.ge [sflag:s18], $0x8000  }
0x6d: {  	[sflag:s18] =	ssyncset.done $0x0  }
0x6e: {  	[sflag:s18] =	ssyncadd.s32 $0xFFFF8000  }
0x6f: {  	[spmem:s10] =	stream.linear.scatter [tilespmem:s20], [sflag:$0x3], $0x4800, $0x38;
	[tilespmem:$0x1D880] =	vst v63  }
0x70: {  	_ =	swait.ge [sflag:s18], $0x4800  }
0x71: {  	p0 =	slt.s32 s28, $0x1;
	[sflag:s18] =	ssyncset.done $0x0  }
0x72: {  	s1 =	simm.s32 @!p0 $0x40;
	[sflag:s18] =	ssyncadd.s32 $0xFFFFB800  }
0x73: {  	s29 =	simm.s32 @!p0 $0x0;
	s30 =	simm.s32 @!p0 $0x1000;
	[bflag:$0x0] =	sbarrier.arrive $0xFFFF  }
0x74: {  	[tilespmem:s30], [sflag:$0x1] =	stream.indirect.gather @!p0 [hbm4b:s4+s1], $0x100, s29, s1, $0xb8;
	[tilespmem:$0x1D880] =	vst v63  }
0x75: {  	s29 =	simm.s32 @!p0 $0x5000  }
0x76: {  	[tilespmem:s29], [sflag:$0x2] =	stream.indirect.gather @!p0 [hbm4b:s4+s1], $0x100, s1, s1, $0xb8;
	[tilespmem:$0x1D880] =	vst v63  }
0x77: {  	s1 =	simm.s32 @!p0 $0x1  }
0x78: {  	_ =	swait.ge @!p0 [sflag:s1], $0x4000  }
0x79: {  	[sflag:s1] =	ssyncset.done @!p0 $0x0  }
0x7a: {  	s29 =	simm.s32 @!p0 $0x2;
	[sflag:s1] =	ssyncadd.s32 @!p0 $0xFFFFC000  }
0x7b: {  	_ =	swait.ge @!p0 [sflag:s29], $0x4000  }
0x7c: {  	s31 =	simm.s32 @!p0 $0x800;
	p1 =	seq.s32 @!p0 s28, $0x1;
	[sflag:s29] =	ssyncset.done @!p0 $0x0  }
0x7d: {  	p1 =	por p0, p1;
	[sflag:s29] =	ssyncadd.s32 @!p0 $0xFFFFC000;
	s29 =	simm.s32 @!p0 $0x80  }
0x7e: {  	[spmem:s2] =	stream.indirect.scatter.add.f32 @!p0 [tilespmem:s30], [sflag:$0x3], $0x100, s31, s29, $0xb8;
	[tilespmem:$0x1D880] =	vst v63  }
.Ltmp3:
0x7f: {  	_ = 	snop;
	(pc) =	sbr.rel @p1 .LBB2_11-.Ltmp3, $4  }
0x80: {  	s29 =	simm.s32 @!p0 $0x3  }
0x81: {  	_ =	swait.ge @!p0 [sflag:s29], $0x8000  }
0x82: {  	[sflag:s29] =	ssyncset.done @!p0 $0x0  }
0x83: {  	[sflag:s29] =	ssyncadd.s32 @!p0 $0xFFFF8000  }
0x84: {  	p2 =	sne.s32 s28, $0x2  }
.Ltmp4:
0x85: {  	_ = 	snop;
	(pc) =	sbr.rel @!p2 .LBB2_5-.Ltmp4, $4  }
0x86: {  	s14 =	smov.u32 s13  }
0x87: {  	s13 =	smov.u32 s12;
	s12 =	smov.u32 s11;
	s11 =	smov.u32 s7  }
0x88: {  	s7 =	smov.u32 s6;
	s6 =	smov.u32 s5;
	s29 =	sand.u32 $0xF, s1  }
0x89: {  	s30 =	simm.s32 $0x2;
	p0 =	por $0x0, $0x0;
	p1 =	sne.s32 s29, $0x0  }
0x8a: {  	s1 =	simm.s32 @!p1 $0x0;
	s31 =	simm.s32 @!p1 $0x3;
	s5 =	rddreg [dreg:$0x4]  }
0x8b: {  	[tilespmem:s1], [sflag:$0x3] =	stream.linear.gather @!p1 [hbm4b:s5+s1], $0x800, $0x38;
	[tilespmem:$0x1D880] =	vst v63  }
0x8c: {  	_ =	swait.ge @!p1 [sflag:s31], $0x800  }
0x8d: {  	[sflag:s31] =	ssyncset.done @!p1 $0x0  }
0x8e: {  	s0 =	simm.s32 @!p1 $0x800;
	[sflag:s31] =	ssyncadd.s32 @!p1 $0xFFFFF800  }
0x8f: {  	[tilespmem:s0], [sflag:$0x3] =	stream.linear.gather @!p1 [hbm4b:s16+s1], $0x800, $0x38;
	[tilespmem:$0x1D880] =	vst v63  }
0x90: {  	_ =	swait.ge @!p1 [sflag:s31], $0x800  }
0x91: {  	[sflag:s31] =	ssyncset.done @!p1 $0x0  }
0x92: {  	s15 =	smov.u32 s17;
	s17 =	sshll.u32 s29, $0x7;
	[sflag:s31] =	ssyncadd.s32 @!p1 $0xFFFFF800  }
0x93: {  	[tilespmem:s20], [sflag:$0x1] =	stream.indirect.gather [hbm4b:s4+s21], $0x100, s17, s21, $0xb8;
	[tilespmem:$0x1D880] =	vst v63  }
0x94: {  	s19 =	sor.u32 $0x40, s17  }
0x95: {  	[tilespmem:s22], [sflag:$0x2] =	stream.indirect.gather [hbm4b:s4+s21], $0x100, s19, s21, $0xb8;
	[tilespmem:$0x1D880] =	vst v63  }
0x96: {  	_ =	swait.ge [sflag:s23], $0x4000  }
0x97: {  	[sflag:s23] =	ssyncset.done $0x0  }
0x98: {  	[sflag:s23] =	ssyncadd.s32 $0xFFFFC000  }
0x99: {  	p2 =	sne.s32 s28, $0x3;
	_ =	swait.ge [sflag:s24], $0x4000  }
.Ltmp5:
0x9a: {  	s29 =	sand.u32 $0xF, s30;
	[sflag:s24] =	ssyncset.done $0x0;
	(pc) =	sbr.rel @!p2 .LBB2_7-.Ltmp5, $4  }
0x9b: {  	s30 =	sadd.s32 $0x10, s16;
	s0 =	sor.u32 $0x800, s17;
	[sflag:s24] =	ssyncadd.s32 $0xFFFFC000  }
0x9c: {  	[spmem:s2] =	stream.indirect.scatter.add.f32 [tilespmem:s20], [sflag:$0x3], $0x100, s0, s25, $0xb8;
	[tilespmem:$0x1D880] =	vst v63  }
0x9d: {  	p0 =	por $0x1, $0x1;
	s1 =	simm.s32 $0x3;
	_ =	swait.ge [sflag:s18], $0x8000  }
0x9e: {  	p1 =	sne.s32 s29, $0x0;
	s31 =	sadd.s32 $0x10, s5;
	[sflag:s18] =	ssyncset.done $0x0  }
.LBB2_8:
0x9f: {  	s0 =	simm.s32 @!p1 $0x0;
	s17 =	simm.s32 @!p1 $0x3;
	[sflag:s18] =	ssyncadd.s32 $0xFFFF8000  }
0xa0: {  	[tilespmem:s0], [sflag:$0x3] =	stream.linear.gather @!p1 [hbm4b:s31+s0], $0x800, $0x38;
	[tilespmem:$0x1D880] =	vst v63  }
0xa1: {  	s19 =	smov.u32 s1;
	s1 =	sadd.s32 $0x1, s1;
	_ =	swait.ge @!p1 [sflag:s17], $0x800  }
0xa2: {  	p2 =	sne.s32 s28, s1;
	[sflag:s17] =	ssyncset.done @!p1 $0x0  }
0xa3: {  	s5 =	simm.s32 @!p1 $0x800;
	[sflag:s17] =	ssyncadd.s32 @!p1 $0xFFFFF800  }
0xa4: {  	[tilespmem:s5], [sflag:$0x3] =	stream.linear.gather @!p1 [hbm4b:s30+s0], $0x800, $0x38;
	[tilespmem:$0x1D880] =	vst v63  }
0xa5: {  	_ =	swait.ge @!p1 [sflag:s17], $0x800  }
0xa6: {  	[sflag:s17] =	ssyncset.done @!p1 $0x0  }
0xa7: {  	s0 =	sshll.u32 s29, $0x7;
	[sflag:s17] =	ssyncadd.s32 @!p1 $0xFFFFF800  }
0xa8: {  	[tilespmem:s20], [sflag:$0x1] =	stream.indirect.gather [hbm4b:s4+s21], $0x100, s0, s21, $0xb8;
	[tilespmem:$0x1D880] =	vst v63  }
0xa9: {  	s5 =	sor.u32 $0x40, s0  }
0xaa: {  	[tilespmem:s22], [sflag:$0x2] =	stream.indirect.gather [hbm4b:s4+s21], $0x100, s5, s21, $0xb8;
	[tilespmem:$0x1D880] =	vst v63  }
0xab: {  	_ =	swait.ge [sflag:s23], $0x4000  }
0xac: {  	[sflag:s23] =	ssyncset.done $0x0  }
0xad: {  	[sflag:s23] =	ssyncadd.s32 $0xFFFFC000  }
0xae: {  	_ =	swait.ge [sflag:s24], $0x4000  }
.Ltmp6:
0xaf: {  	[sflag:s24] =	ssyncset.done $0x0;
	(pc) =	sbr.rel @p2 .LBB2_8-.Ltmp6, $4  }
0xb0: {  	s0 =	sor.u32 $0x800, s0;
	[sflag:s24] =	ssyncadd.s32 $0xFFFFC000  }
0xb1: {  	[spmem:s2] =	stream.indirect.scatter.add.f32 [tilespmem:s20], [sflag:$0x3], $0x100, s0, s25, $0xb8;
	[tilespmem:$0x1D880] =	vst v63  }
0xb2: {  	s29 =	sand.u32 $0xF, s19;
	s30 =	sadd.s32 $0x10, s30;
	_ =	swait.ge [sflag:s18], $0x8000  }
0xb3: {  	s31 =	sadd.s32 $0x10, s31;
	p1 =	sne.s32 s29, $0x0;
	[sflag:s18] =	ssyncset.done $0x0  }
.Ltmp7:
0xb4: {  	(pc) =	sbr.rel .LBB2_10-.Ltmp7, $2  }
0xb5: {  	_ =	sdelay $0x2  }
0xb6: {  	s19 =	stileid.u32;
	s17 =	smov.u32 s15;
	s15 =	simm.s32 $0x9000  }
.LBB2_7:
.Ltmp8:
0xb7: {  	(pc) =	sbr.rel .LBB2_10-.Ltmp8, $2  }
0xb8: {  	_ =	sdelay $0x2  }
0xb9: {  	s19 =	stileid.u32;
	s17 =	smov.u32 s15;
	s15 =	simm.s32 $0x9000  }
.LBB2_12:
0xba: {  	_ =	sfence.sel $0x180000  }
0xbb: {  	[bflag:$0x0] =	sbarrier.arrive $0xFFFF  }
0xbc: {  	_ =	strace $0x9000004A  }
0xbd: {  	[bflag:$0x2] =	sbarrier.arrive $0xFFFF  }
0xbe: {  	p0 =	sne.s32 s19, $0x0;
	s0 =	rddreg [dreg:$0x3]  }
0xbf: {  	s0 =	sadd.s32 @!p0 $0x100000, s0  }
0xc0: {  	[sflag:s0] =	ssyncadd.tile.s32 @!p0 $0x1;
	_ =	shalt  }
.Lfunc_end2:
_tile_overlayer_lowered:
.L_overlay_start_2:
0xc1: {  	(tag) =	ssettag $0x2  }
0xc2: {  	s0 =	rddreg [dreg:$0x0];
	s2 =	stileid.u32  }
0xc3: {  	s1 =	rddreg [dreg:$0x1];
	p0 =	sne.s32 s2, $0x0  }
0xc4: {  	s3 =	rddreg [dreg:$0x2];
	[bflag:$0x3] =	sbarrier.arrive $0xFFFF;
	s2 =	simm.s32 @!p0 $0x1C03  }
0xc5: {  	[timem:s3], [sflag:s2] =	dma.local @!p0 [hbm:s0], s1  }
0xc6: {  	s0 =	simm.s32 @!p0 $0x3  }
0xc7: {  	_ =	swait.ge @!p0 [sflag:s0], s1  }
0xc8: {  	s1 =	ssub.s32 @!p0 $0x0, s1;
	[sflag:s0] =	ssyncset.done @!p0 $0x0  }
0xc9: {  	[sflag:s0] =	ssyncadd.s32 @!p0 s1  }
0xca: {  	[bflag:$0x3] =	sbarrier.arrive $0xFFFF  }
0xcb: {  	_ =	shalt  }

// kernel: kernel.16.cloned.1.call-start
scs
__scs_entry_jumppad:
0x0: {  	(pc) =	sbr.rel $0x88, $3  }
0x1: {  	(tag) =	ssettag $0x0;
	lr =	simm.s32 $0x1  }
0x2: {  	[smem:$0x3F96] =	sst lr;
	_ =	strace $0xD0000000  }
0x3: {  	_ = 	snop  }
0x4: {  	_ = 	snop  }
0x5: {  	_ = 	snop  }
0x6: {  	_ = 	snop  }
0x7: {  	_ = 	snop  }
__scs_overlays_trampoline_lowered:
0x8: {  	[smem:$0x3FA5] =	sst s0  }
0x9: {  	[smem:$0x3FA6] =	sst s1  }
0xa: {  	[smem:$0x3FA7] =	sst s2  }
0xb: {  	[smem:$0x3FA8] =	sst s3  }
0xc: {  	[smem:$0x3FA9] =	sst s4  }
0xd: {  	[smem:$0x3FAA] =	sst s5  }
0xe: {  	[smem:$0x3FAB] =	sst s6  }
0xf: {  	[smem:$0x3FAC] =	sst s7  }
0x10: {  	[smem:$0x3FAD] =	sst s8  }
0x11: {  	[smem:$0x3FAE] =	sst s9;
	s0 =	simm.s32 @!p0 $0x0  }
0x12: {  	s1 =	sld [smem:$0x3F94];
	s0 =	simm.s32 @p0 $0x1  }
0x13: {  	[smem:$0x3FAF] =	sst s0;
	s0 =	simm.s32 @!p1 $0x0  }
0x14: {  	s2 =	sld [smem:$0x3F93];
	s0 =	simm.s32 @p1 $0x1  }
0x15: {  	[smem:$0x3FB0] =	sst s0;
	s0 =	simm.s32 @!p2 $0x0  }
0x16: {  	s3 =	sld [smem:$0x3FDB];
	s0 =	simm.s32 @p2 $0x1  }
0x17: {  	s4 =	simm.s32 $0x1BF5;
	[smem:$0x3FB2] =	sst s0  }
0x18: {  	s0 =	sld [smem:$0x3F95];
	_ =	swait.ge [sflag:s4], $0x0  }
0x19: {  	s7 =	sld [smem:$0x3F96]  }
0x1a: {  	s8 =	sadd.s32 $0xFFFFE003, lr  }
0x1b: {  	s9 =	sadd.s32 $0xFFFFFEF7, lr;
	s5 =	simm.s32 $0xFFFFFFFF;
	p2 =	slt.u32 s8, $0xFFFFF086  }
0x1c: {  	p1 =	slt.u32 s9, $0xF7A;
	s5 =	simm.s32 @!p2 $0x0  }
0x1d: {  	s5 =	simm.s32 @p1 $0x1;
	p0 =	seq.s32 s7, s2  }
0x1e: {  	s7 =	smul.u32 @!p0 $0xF7A, s2;
	p2 =	seq.s32 @!p0 s5, $0x0  }
0x1f: {  	s9 =	smul.u32 $0xF7A, s1;
	s8 =	simm.s32 @!p0 $0x1BF5;
	p2 =	por !p2, p0  }
0x20: {  	[sflag:s8] =	ssyncset.s32 @!p0 $0xFFFFF086;
	s6 =	sadd.s32 @!p0 s3, s7;
	s7 =	simm.s32 @!p0 $0x108  }
0x21: {  	s3 =	sadd.s32 s3, s9;
	s6 =	sadd.s32 @!p0 $0x88, s6;
	s7 =	simm.s32 @p2 $0x1082  }
0x22: {  	[simem:s7], [sflag:s8] =	dma.local @!p0 [hbm:s6], $0xF7A  }
0x23: {  	s9 =	sor.u32 $0xD0000000, s2;
	s6 =	simm.s32 $0x108;
	_ =	swait.ge @!p0 [sflag:s8], $0x0  }
0x24: {  	s3 =	sadd.s32 $0x88, s3;
	s6 =	simm.s32 @!p1 $0x1082;
	[sflag:s4] =	ssyncset.s32 $0xFFFFF086  }
0x25: {  	[simem:s6], [sflag:s4] =	dma.local [hbm:s3], $0xF7A  }
0x26: {  	[smem:$0x3F96] =	sst s1;
	(tag) =	ssettag s2;
	_ =	strace s9  }
0x27: {  	s1 =	sld [smem:$0x3FA6]  }
0x28: {  	s2 =	sld [smem:$0x3FA7]  }
0x29: {  	s4 =	sld [smem:$0x3FA9]  }
0x2a: {  	p0 =	seq.s32 s5, $0x0;
	s5 =	sld [smem:$0x3FAA]  }
0x2b: {  	s6 =	sld [smem:$0x3FAB]  }
0x2c: {  	s7 =	sld [smem:$0x3FAC]  }
0x2d: {  	s3 =	simm.s32 $0x108;
	s8 =	sld [smem:$0x3FAD]  }
0x2e: {  	s3 =	simm.s32 @!p0 $0x1082;
	s9 =	sld [smem:$0x3FAE]  }
0x2f: {  	lr =	sadd.s32 s0, s3;
	s0 =	sld [smem:$0x3FA5]  }
0x30: {  	s3 =	sld [smem:$0x3FA8]  }
0x31: {  	[smem:$0x3FB1] =	sst s10  }
0x32: {  	s10 =	sld [smem:$0x3FAF];
	_ =	sdelay $0x3  }
0x33: {  	p0 =	seq.s32 s10, $0x1;
	s10 =	sld [smem:$0x3FB1];
	_ =	sdelay $0x3  }
0x34: {  	[smem:$0x3FB1] =	sst s10  }
0x35: {  	s10 =	sld [smem:$0x3FB0];
	_ =	sdelay $0x3  }
0x36: {  	p1 =	seq.s32 s10, $0x1;
	s10 =	sld [smem:$0x3FB1];
	_ =	sdelay $0x3  }
0x37: {  	[smem:$0x3FB1] =	sst s10  }
0x38: {  	s10 =	sld [smem:$0x3FB2]  }
0x39: {  	_ = 	snop;
	(pc) =	sbr.ind lr, $3  }
0x3a: {  	_ = 	snop  }
0x3b: {  	_ = 	snop  }
0x3c: {  	p2 =	seq.s32 s10, $0x1;
	s10 =	sld [smem:$0x3FB1]  }
0x3d: {  	_ =	shalt  }
0x3e: {  	_ =	shalt  }
0x3f: {  	_ =	shalt  }
0x40: {  	_ =	shalt  }
0x41: {  	_ =	shalt  }
0x42: {  	_ =	shalt  }
0x43: {  	_ =	shalt  }
0x44: {  	_ =	shalt  }
0x45: {  	_ =	shalt  }
0x46: {  	_ =	shalt  }
0x47: {  	_ =	shalt  }
0x48: {  	_ =	shalt  }
0x49: {  	_ =	shalt  }
0x4a: {  	_ =	shalt  }
0x4b: {  	_ =	shalt  }
0x4c: {  	_ =	shalt  }
0x4d: {  	_ =	shalt  }
0x4e: {  	_ =	shalt  }
0x4f: {  	_ =	shalt  }
0x50: {  	_ =	shalt  }
0x51: {  	_ =	shalt  }
0x52: {  	_ =	shalt  }
0x53: {  	_ =	shalt  }
0x54: {  	_ =	shalt  }
0x55: {  	_ =	shalt  }
0x56: {  	_ =	shalt  }
0x57: {  	_ =	shalt  }
0x58: {  	_ =	shalt  }
0x59: {  	_ =	shalt  }
0x5a: {  	_ =	shalt  }
0x5b: {  	_ =	shalt  }
0x5c: {  	_ =	shalt  }
0x5d: {  	_ =	shalt  }
0x5e: {  	_ =	shalt  }
0x5f: {  	_ =	shalt  }
0x60: {  	_ =	shalt  }
0x61: {  	_ =	shalt  }
0x62: {  	_ =	shalt  }
0x63: {  	_ =	shalt  }
0x64: {  	_ =	shalt  }
0x65: {  	_ =	shalt  }
0x66: {  	_ =	shalt  }
0x67: {  	_ =	shalt  }
0x68: {  	_ =	shalt  }
0x69: {  	_ =	shalt  }
0x6a: {  	_ =	shalt  }
0x6b: {  	_ =	shalt  }
0x6c: {  	_ =	shalt  }
0x6d: {  	_ =	shalt  }
0x6e: {  	_ =	shalt  }
0x6f: {  	_ =	shalt  }
0x70: {  	_ =	shalt  }
0x71: {  	_ =	shalt  }
0x72: {  	_ =	shalt  }
0x73: {  	_ =	shalt  }
0x74: {  	_ =	shalt  }
0x75: {  	_ =	shalt  }
0x76: {  	_ =	shalt  }
0x77: {  	_ =	shalt  }
0x78: {  	_ =	shalt  }
0x79: {  	_ =	shalt  }
0x7a: {  	_ =	shalt  }
0x7b: {  	_ =	shalt  }
0x7c: {  	_ =	shalt  }
0x7d: {  	_ =	shalt  }
0x7e: {  	_ =	shalt  }
0x7f: {  	_ =	shalt  }
0x80: {  	_ =	shalt  }
0x81: {  	_ =	shalt  }
0x82: {  	_ =	shalt  }
0x83: {  	_ =	shalt  }
0x84: {  	_ =	shalt  }
0x85: {  	_ =	shalt  }
0x86: {  	_ =	shalt  }
0x87: {  	_ =	shalt  }
.Lfunc_end0:
.L_simem_size_0:
called_computation.2_lowered:
.L_overlay_start_0:
0x88: {  	s2 =	sld [smem:$0x3FD9]  }
0x89: {  	s3 =	sld [smem:$0x3FFE];
	_ =	sdelay $0x1  }
0x8a: {  	s1 =	srdreg.scid  }
0x8b: {  	s0 =	sand.u32 $0x1, s1  }
0x8c: {  	s14 =	sshll.u32 s0, $0xA;
	s2 =	sadd.s32 s3, s2  }
0x8d: {  	s2 =	sadd.s32 s2, s14  }
0x8e: {  	[smem:$0x3FBD] =	sst s2  }
0x8f: {  	_ = 	snop  }
0x90: {  	s2 =	sld [smem:$0x3FD0];
	_ =	sdelay $0x2  }
0x91: {  	s15 =	simm.s32 $0xA;
	s4 =	simm.s32 $0x10  }
0x92: {  	[smem:s4], [sflag:s15] =	dma.local [hbm:s2], $0x1  }
0x93: {  	_ =	swait.eq [sflag:s15], $0x1  }
0x94: {  	[sflag:s15] =	ssyncset.done $0x0  }
0x95: {  	[sflag:s15] =	ssyncadd.s32 $0xFFFFFFFF  }
0x96: {  	s16 =	sld [smem:$0x11];
	(tm) =	ssettm $0x1  }
0x97: {  	s17 =	sld [smem:$0x3FFB];
	_ =	sdelay $0x3  }
0x98: {  	_ =	strace s17  }
0x99: {  	s3 =	sld [smem:$0x3FFC];
	_ =	sdelay $0x3  }
0x9a: {  	_ =	strace s3  }
0x9b: {  	s3 =	sld [smem:$0x3FFD];
	_ =	sdelay $0x3  }
0x9c: {  	_ =	strace s3  }
0x9d: {  	_ =	strace $0x8FFFFFFF  }
0x9e: {  	s18 =	sld [smem:$0x3FDB];
	_ =	sdelay $0x1  }
0x9f: {  	s19 =	simm.s32 $_scs_section_size  }
0xa0: {  	s5 =	simm.s32 $_size__tile_overlayer_lowered;
	s6 =	simm.s32 $_tile_overlayer_lowered  }
0xa1: {  	s22 =	simm.s32 $0x1BFF;
	s21 =	sshll.u32 s6, $0x1;
	s3 =	sadd.s32 s19, s18  }
0xa2: {  	s7 =	simm.s32 $0x0;
	s20 =	sshll.u32 s5, $0x1;
	s5 =	sadd.s32 s21, s3  }
0xa3: {  	[timem:s7], [sflag:s22] =	dma.local [hbm:s5], s20  }
0xa4: {  	_ =	swait.ge [sflag:s22], s20  }
0xa5: {  	s4 =	ssub.s32 $0x0, s20;
	[sflag:s22] =	ssyncset.done $0x0  }
0xa6: {  	[sflag:s22] =	ssyncadd.s32 s4;
	_ =	sdelay $0x1  }
0xa7: {  	s23 =	simm.s32 $0x1B8B  }
0xa8: {  	_ =	swait.ge [sflag:s23], $0x1  }
0xa9: {  	[sflag:s23] =	ssyncset.done $0x0  }
0xaa: {  	s25 =	simm.s32 $0x1B8E;
	s24 =	sld [smem:$0x3FFE];
	[sflag:s23] =	ssyncadd.s32 $0xFFFFFFFF  }
0xab: {  	s26 =	simm.s32 $execute0_lowered;
	[smem:$0x3FD2] =	sst s25  }
0xac: {  	s5 =	sshll.u32 s26, $0x1;
	_ =	strace $0x8000004C;
	[dreg:$0x1] =	wrdreg $0xFFFFFFFF  }
0xad: {  	s28 =	simm.s32 $_size_execute0_lowered;
	s3 =	sadd.s32 s3, s5;
	[dreg:$0x0] =	wrdreg $0x0  }
0xae: {  	s5 =	sshll.u32 s28, $0x1;
	[dreg:$0x2] =	wrdreg s3  }
0xaf: {  	[dreg:$0x3] =	wrdreg s5  }
0xb0: {  	[dreg:$0x4] =	wrdreg $0xC0  }
0xb1: {  	_ =	task [dreg:s7], $0x5FFFF  }
0xb2: {  	[dreg:$0x1] =	wrdreg $0xFFFFFFFF  }
0xb3: {  	[dreg:$0x0] =	wrdreg $0x60  }
0xb4: {  	[dreg:$0x2] =	wrdreg s24  }
0xb5: {  	[dreg:$0x3] =	wrdreg s16  }
0xb6: {  	[dreg:$0x4] =	wrdreg $0x90800  }
0xb7: {  	[dreg:$0x5] =	wrdreg $0x9  }
0xb8: {  	_ =	task.clear_ibuf [dreg:s7], $0x6FFFF;
	_ =	strace $0x9000004C  }
0xb9: {  	s29 =	simm.s32 $0x9;
	_ =	strace $0x8000004E  }
0xba: {  	_ =	swait.ge [sflag:s29], $0x1  }
0xbb: {  	[sflag:s29] =	ssyncadd.s32 $0xFFFFFFFF  }
0xbc: {  	_ =	strace $0x9000004E  }
0xbd: {  	_ =	sfence  }
0xbe: {  	s30 =	sld [smem:$0x0];
	_ =	sdelay $0x2  }
0xbf: {  	s31 =	sshll.u32 s1, $0xD;
	s1 =	sshrl.u32 s1, $0x2  }
0xc0: {  	s3 =	sand.u32 $0x4000, s31;
	s1 =	sadd.s32 s1, s30  }
0xc1: {  	s0 =	sor.u32 s3, s0;
	s1 =	sshll.u32 s1, $0x11  }
0xc2: {  	s0 =	sor.u32 s1, s0  }
0xc3: {  	s0 =	sadd.s32 $0x8F2B, s0  }
0xc4: {  	[sflag:s0] =	ssyncadd.remote.s32 $0x1  }
0xc5: {  	_ =	sfence.sel $0xFFFF  }
0xc6: {  	[dreg:$0x0] =	wrdreg $0xFFFFFFFF;
	(pc) =	sbr.abs _section_cstart, $3  }
0xc7: {  	[dreg:$0x1] =	wrdreg $0xFFFFFFFF  }
0xc8: {  	_ =	task.clear_ibuf [dreg:s7], $0x2FFFF;
	_ =	strace $0x9FFFFFFF  }
0xc9: {  	(tm) =	ssettm $0x7FFFFFFF  }
tec
execute0_lowered:
.L_overlay_start_1:
0x0: {  	(tag) =	ssettag $0x1  }
0x1: {  	s1 =	rddreg [dreg:$0x0]  }
0x2: {  	s5 =	rddreg [dreg:$0x1];
	s3 =	srdreg.scid  }
0x3: {  	s19 =	stileid.u32;
	s2 =	rddreg [dreg:$0x2]  }
0x4: {  	s20 =	simm.s32 $0x1000;
	s21 =	simm.s32 $0x40;
	s22 =	simm.s32 $0x5000  }
0x5: {  	s23 =	simm.s32 $0x1;
	s24 =	simm.s32 $0x2;
	s4 =	smul.u32 $0x148, s19  }
0x6: {  	s25 =	simm.s32 $0x80;
	s26 =	simm.s32 $0x0;
	s8 =	smul.u32 $0x52000, s19  }
0x7: {  	s11 =	sand.u32 $0x1, s3;
	s3 =	simm.s32 $0x0;
	s18 =	smul.u32 $0x580, s19  }
0x8: {  	s14 =	sadd.s32 $0xC200, s1;
	s15 =	sadd.s32 $0x17200, s1;
	s6 =	smul.u32 $0x15E0, s11  }
0x9: {  	[smem:$0x7FF] =	sst s3;
	s29 =	sshll.u32 s11, $0x4;
	s7 =	ssub.s32 $0x2, s11  }
0xa: {  	s17 =	smul.u32 $0x5800, s11;
	_ =	strace $0x8000004D;
	s9 =	sshrl.u32 s7, $0x1  }
0xb: {  	s8 =	sshrl.u32 s8, $0x2;
	s6 =	sadd.s32 s4, s6;
	s4 =	sadd.s32 $0x22200, s1  }
0xc: {  	s16 =	ssub.s32 s7, s9;
	s8 =	sadd.s32 s8, s2;
	s6 =	sshll.u32 s6, $0x5  }
0xd: {  	s30 =	sadd.s32 s17, s14;
	s1 =	sadd.s32 s6, s1;
	s6 =	sor.u32 s19, s29  }
0xe: {  	s9 =	sadd.s32 $0x8000, s8;
	s10 =	sshll.u32 s6, $0x1;
	s12 =	smul.u32 $0x580, s6  }
0xf: {  	s11 =	sadd.s32 $0x73600, s1;
	s13 =	sadd.s32 $0x75600, s1;
	s5 =	sadd.s32 s5, s10  }
.Ltmp0:
0x10: {  	s10 =	sadd.s32 $0x10000, s8;
	s6 =	sadd.s32 s14, s12;
	(pc) =	sbr.rel .LBB2_1-.Ltmp0, $4  }
0x11: {  	s7 =	sadd.s32 s15, s12;
	s12 =	sadd.s32 $0x74600, s1;
	s15 =	sadd.s32 s17, s15  }
0x12: {  	s17 =	smax.u32 s16, $0x1;
	s1 =	sadd.s32 s18, s30;
	s14 =	simm.s32 $0x800  }
0x13: {  	s31 =	sadd.s32 s18, s15;
	s0 =	sadd.s32 $0x10, s1;
	s15 =	simm.s32 $0x9000  }
0x14: {  	v0 =	vimm.f32 $0.0e+00;
	s18 =	simm.s32 $0x3;
	[dreg:$0x4] =	wrdreg s0;
	s16 =	sadd.s32 $0x10, s31  }
.LBB2_5:
0x15: {  	s31 =	rddreg [dreg:$0x4];
	s30 =	smov.u32 s16  }
.LBB2_10:
0x16: {  	s0 =	simm.s32 @!p1 $0x0;
	s1 =	simm.s32 @!p1 $0x3;
	[sflag:s18] =	ssyncadd.s32 @p0 $0xFFFF8000  }
0x17: {  	[tilespmem:s0], [sflag:$0x3] =	stream.linear.gather @!p1 [hbm4b:s31+s0], $0x800, $0x38;
	[tilespmem:$0x1D880] =	vst v63  }
0x18: {  	_ =	swait.ge @!p1 [sflag:s1], $0x800  }
0x19: {  	[sflag:s1] =	ssyncset.done @!p1 $0x0  }
0x1a: {  	s5 =	simm.s32 @!p1 $0x800;
	[sflag:s1] =	ssyncadd.s32 @!p1 $0xFFFFF800  }
0x1b: {  	[tilespmem:s5], [sflag:$0x3] =	stream.linear.gather @!p1 [hbm4b:s30+s0], $0x800, $0x38;
	[tilespmem:$0x1D880] =	vst v63  }
0x1c: {  	_ =	swait.ge @!p1 [sflag:s1], $0x800  }
0x1d: {  	[sflag:s1] =	ssyncset.done @!p1 $0x0  }
0x1e: {  	s30 =	sshll.u32 s29, $0x7;
	[sflag:s1] =	ssyncadd.s32 @!p1 $0xFFFFF800  }
0x1f: {  	[tilespmem:s20], [sflag:$0x1] =	stream.indirect.gather [hbm4b:s4+s21], $0x100, s30, s21, $0xb8;
	[tilespmem:$0x1D880] =	vst v63  }
0x20: {  	s31 =	sor.u32 $0x40, s30  }
0x21: {  	[tilespmem:s22], [sflag:$0x2] =	stream.indirect.gather [hbm4b:s4+s21], $0x100, s31, s21, $0xb8;
	[tilespmem:$0x1D880] =	vst v63  }
0x22: {  	_ =	swait.ge [sflag:s23], $0x4000  }
0x23: {  	[sflag:s23] =	ssyncset.done $0x0  }
0x24: {  	[sflag:s23] =	ssyncadd.s32 $0xFFFFC000  }
0x25: {  	_ =	swait.ge [sflag:s24], $0x4000  }
0x26: {  	[sflag:s24] =	ssyncset.done $0x0  }
0x27: {  	s5 =	smov.u32 s6;
	s0 =	sor.u32 $0x800, s30;
	[sflag:s24] =	ssyncadd.s32 $0xFFFFC000  }
0x28: {  	[spmem:s2] =	stream.indirect.scatter.add.f32 [tilespmem:s20], [sflag:$0x3], $0x100, s0, s25, $0xb8;
	[tilespmem:$0x1D880] =	vst v63  }
0x29: {  	s6 =	smov.u32 s7;
	s7 =	smov.u32 s11;
	_ =	swait.ge [sflag:s18], $0x8000  }
0x2a: {  	s11 =	smov.u32 s12;
	s12 =	smov.u32 s13;
	[sflag:s18] =	ssyncset.done $0x0  }
0x2b: {  	s13 =	smov.u32 s14;
	s14 =	simm.s32 $0x800;
	[sflag:s18] =	ssyncadd.s32 $0xFFFF8000  }
.LBB2_11:
0x2c: {  	s0 =	sshll.u32 s19, $0x6  }
0x2d: {  	[bflag:$0x0] =	sbarrier.arrive $0xFFFF;
	s1 =	sshrl.u32 s8, $0x3;
	s0 =	sor.u32 $0x1C03, s0  }
0x2e: {  	[hbm:s11], [sflag:s0] =	dma.local [spmem:s1], $0x1000  }
0x2f: {  	_ =	swait.ge [sflag:s18], $0x1000  }
0x30: {  	[sflag:s18] =	ssyncset.done $0x0  }
0x31: {  	s30 =	sshrl.u32 s9, $0x3;
	[sflag:s18] =	ssyncadd.s32 $0xFFFFF000  }
0x32: {  	[hbm:s12], [sflag:s0] =	dma.local [spmem:s30], $0x1000  }
0x33: {  	s26 =	sadd.s32 $0x1, s26;
	_ =	swait.ge [sflag:s18], $0x1000  }
0x34: {  	p0 =	sne.s32 s26, s17;
	[sflag:s18] =	ssyncset.done $0x0  }
.Ltmp1:
0x35: {  	s31 =	sshrl.u32 s10, $0x3;
	[sflag:s18] =	ssyncadd.s32 $0xFFFFF000;
	(pc) =	sbr.rel @!p0 .LBB2_12-.Ltmp1, $4  }
0x36: {  	[hbm:s13], [sflag:s0] =	dma.local [spmem:s31], $0x900  }
0x37: {  	_ =	swait.ge [sflag:s18], $0x900  }
0x38: {  	[sflag:s18] =	ssyncset.done $0x0  }
0x39: {  	[sflag:s18] =	ssyncadd.s32 $0xFFFFF700  }
.LBB2_1:
0x3a: {  	[tilespmem:s15], [sflag:$0x3] =	stream.linear.gather [hbm4b:s5+s3], $0x10, $0x38;
	[tilespmem:$0x1D880] =	vst v63  }
0x3b: {  	_ =	swait.ge [sflag:s18], $0x10  }
0x3c: {  	[sflag:s18] =	ssyncset.done $0x0  }
0x3d: {  	[sflag:s18] =	ssyncadd.s32 $0xFFFFFFF0  }
0x3e: {  	v1 =	vld [tilespmem:$0x9000];
	[tilespmem:s3], [sflag:$0x3] =	stream.linear.gather [hbm4b:s6+s3], $0x800, $0x38  }
0x3f: {  	_ =	swait.ge [sflag:s18], $0x800  }
0x40: {  	[sflag:s18] =	ssyncset.done $0x0  }
0x41: {  	[sflag:s18] =	ssyncadd.s32 $0xFFFFF800  }
0x42: {  	[tilespmem:s14], [sflag:$0x3] =	stream.linear.gather [hbm4b:s7+s3], $0x800, $0x38;
	[tilespmem:$0x1D880] =	vst v63  }
0x43: {  	_ =	swait.ge [sflag:s18], $0x800  }
0x44: {  	[sflag:s18] =	ssyncset.done $0x0  }
0x45: {  	s1 =	simm.s32 $0x0;
	s28 =	simm.s32 $0x400;
	[sflag:s18] =	ssyncadd.s32 $0xFFFFF800  }
.LBB2_2:
0x46: {  	p0 =	sne.s32 s28, $0x1FC00;
	[tilespmem:s1+$0x10F0] =	vst v0  }
0x47: {  	[tilespmem:s1+$0x1000] =	vst v0  }
0x48: {  	[tilespmem:s1+$0x1010] =	vst v0  }
0x49: {  	[tilespmem:s1+$0x1020] =	vst v0  }
0x4a: {  	[tilespmem:s1+$0x1030] =	vst v0  }
0x4b: {  	[tilespmem:s1+$0x1040] =	vst v0  }
0x4c: {  	[tilespmem:s1+$0x1050] =	vst v0  }
0x4d: {  	[tilespmem:s1+$0x1060] =	vst v0  }
0x4e: {  	[tilespmem:s1+$0x1070] =	vst v0  }
0x4f: {  	[tilespmem:s1+$0x1080] =	vst v0  }
0x50: {  	[tilespmem:s1+$0x1090] =	vst v0  }
.Ltmp2:
0x51: {  	[tilespmem:s1+$0x10A0] =	vst v0;
	(pc) =	sbr.rel @p0 .LBB2_2-.Ltmp2, $4  }
0x52: {  	[tilespmem:s1+$0x10B0] =	vst v0  }
0x53: {  	[tilespmem:s1+$0x10C0] =	vst v0  }
0x54: {  	[tilespmem:s1+$0x10D0] =	vst v0  }
0x55: {  	[tilespmem:s1+$0x10E0] =	vst v0;
	s1 =	sshra.s32 s28, $0x2;
	s28 =	sadd.s32 $0x400, s28  }
0x56: {  	[tilespmem:s1+$0x10F0] =	vst v0  }
0x57: {  	[tilespmem:s1+$0x1000] =	vst v0  }
0x58: {  	(v2sf) =	vpush v1, $0x0;
	[tilespmem:s1+$0x1010] =	vst v0  }
0x59: {  	[tilespmem:s1+$0x1020] =	vst v0  }
0x5a: {  	[tilespmem:s1+$0x1030] =	vst v0  }
0x5b: {  	[tilespmem:s1+$0x1040] =	vst v0  }
0x5c: {  	[tilespmem:s1+$0x1050] =	vst v0  }
0x5d: {  	[tilespmem:s1+$0x1060] =	vst v0  }
0x5e: {  	[tilespmem:s1+$0x1070] =	vst v0  }
0x5f: {  	[tilespmem:s1+$0x1080] =	vst v0  }
0x60: {  	[tilespmem:s1+$0x1090] =	vst v0  }
0x61: {  	[tilespmem:s1+$0x10A0] =	vst v0  }
0x62: {  	[tilespmem:s1+$0x10B0] =	vst v0  }
0x63: {  	[tilespmem:s1+$0x10C0] =	vst v0  }
0x64: {  	[tilespmem:s1+$0x10D0] =	vst v0  }
0x65: {  	[tilespmem:s1+$0x10E0] =	vst v0  }
0x66: {  	[spmem:s8] =	stream.linear.scatter [tilespmem:s20], [sflag:$0x3], $0x8000, $0x38;
	[tilespmem:$0x1D880] =	vst v63  }
0x67: {  	s28 =	spop (v2sf)  }
0x68: {  	_ =	swait.ge [sflag:s18], $0x8000  }
0x69: {  	[sflag:s18] =	ssyncset.done $0x0  }
0x6a: {  	[sflag:s18] =	ssyncadd.s32 $0xFFFF8000  }
0x6b: {  	[spmem:s9] =	stream.linear.scatter [tilespmem:s20], [sflag:$0x3], $0x8000, $0x38;
	[tilespmem:$0x1D880] =	vst v63  }
0x6c: {  	_ =	swait.ge [sflag:s18], $0x8000  }
0x6d: {  	[sflag:s18] =	ssyncset.done $0x0  }
0x6e: {  	[sflag:s18] =	ssyncadd.s32 $0xFFFF8000  }
0x6f: {  	[spmem:s10] =	stream.linear.scatter [tilespmem:s20], [sflag:$0x3], $0x4800, $0x38;
	[tilespmem:$0x1D880] =	vst v63  }
0x70: {  	_ =	swait.ge [sflag:s18], $0x4800  }
0x71: {  	p0 =	slt.s32 s28, $0x1;
	[sflag:s18] =	ssyncset.done $0x0  }
0x72: {  	s1 =	simm.s32 @!p0 $0x40;
	[sflag:s18] =	ssyncadd.s32 $0xFFFFB800  }
0x73: {  	s29 =	simm.s32 @!p0 $0x0;
	s30 =	simm.s32 @!p0 $0x1000;
	[bflag:$0x0] =	sbarrier.arrive $0xFFFF  }
0x74: {  	[tilespmem:s30], [sflag:$0x1] =	stream.indirect.gather @!p0 [hbm4b:s4+s1], $0x100, s29, s1, $0xb8;
	[tilespmem:$0x1D880] =	vst v63  }
0x75: {  	s29 =	simm.s32 @!p0 $0x5000  }
0x76: {  	[tilespmem:s29], [sflag:$0x2] =	stream.indirect.gather @!p0 [hbm4b:s4+s1], $0x100, s1, s1, $0xb8;
	[tilespmem:$0x1D880] =	vst v63  }
0x77: {  	s1 =	simm.s32 @!p0 $0x1  }
0x78: {  	_ =	swait.ge @!p0 [sflag:s1], $0x4000  }
0x79: {  	[sflag:s1] =	ssyncset.done @!p0 $0x0  }
0x7a: {  	s29 =	simm.s32 @!p0 $0x2;
	[sflag:s1] =	ssyncadd.s32 @!p0 $0xFFFFC000  }
0x7b: {  	_ =	swait.ge @!p0 [sflag:s29], $0x4000  }
0x7c: {  	s31 =	simm.s32 @!p0 $0x800;
	p1 =	seq.s32 @!p0 s28, $0x1;
	[sflag:s29] =	ssyncset.done @!p0 $0x0  }
0x7d: {  	p1 =	por p0, p1;
	[sflag:s29] =	ssyncadd.s32 @!p0 $0xFFFFC000;
	s29 =	simm.s32 @!p0 $0x80  }
0x7e: {  	[spmem:s2] =	stream.indirect.scatter.add.f32 @!p0 [tilespmem:s30], [sflag:$0x3], $0x100, s31, s29, $0xb8;
	[tilespmem:$0x1D880] =	vst v63  }
.Ltmp3:
0x7f: {  	_ = 	snop;
	(pc) =	sbr.rel @p1 .LBB2_11-.Ltmp3, $4  }
0x80: {  	s29 =	simm.s32 @!p0 $0x3  }
0x81: {  	_ =	swait.ge @!p0 [sflag:s29], $0x8000  }
0x82: {  	[sflag:s29] =	ssyncset.done @!p0 $0x0  }
0x83: {  	[sflag:s29] =	ssyncadd.s32 @!p0 $0xFFFF8000  }
0x84: {  	p2 =	sne.s32 s28, $0x2  }
.Ltmp4:
0x85: {  	_ = 	snop;
	(pc) =	sbr.rel @!p2 .LBB2_5-.Ltmp4, $4  }
0x86: {  	s14 =	smov.u32 s13  }
0x87: {  	s13 =	smov.u32 s12;
	s12 =	smov.u32 s11;
	s11 =	smov.u32 s7  }
0x88: {  	s7 =	smov.u32 s6;
	s6 =	smov.u32 s5;
	s29 =	sand.u32 $0xF, s1  }
0x89: {  	s30 =	simm.s32 $0x2;
	p0 =	por $0x0, $0x0;
	p1 =	sne.s32 s29, $0x0  }
0x8a: {  	s1 =	simm.s32 @!p1 $0x0;
	s31 =	simm.s32 @!p1 $0x3;
	s5 =	rddreg [dreg:$0x4]  }
0x8b: {  	[tilespmem:s1], [sflag:$0x3] =	stream.linear.gather @!p1 [hbm4b:s5+s1], $0x800, $0x38;
	[tilespmem:$0x1D880] =	vst v63  }
0x8c: {  	_ =	swait.ge @!p1 [sflag:s31], $0x800  }
0x8d: {  	[sflag:s31] =	ssyncset.done @!p1 $0x0  }
0x8e: {  	s0 =	simm.s32 @!p1 $0x800;
	[sflag:s31] =	ssyncadd.s32 @!p1 $0xFFFFF800  }
0x8f: {  	[tilespmem:s0], [sflag:$0x3] =	stream.linear.gather @!p1 [hbm4b:s16+s1], $0x800, $0x38;
	[tilespmem:$0x1D880] =	vst v63  }
0x90: {  	_ =	swait.ge @!p1 [sflag:s31], $0x800  }
0x91: {  	[sflag:s31] =	ssyncset.done @!p1 $0x0  }
0x92: {  	s15 =	smov.u32 s17;
	s17 =	sshll.u32 s29, $0x7;
	[sflag:s31] =	ssyncadd.s32 @!p1 $0xFFFFF800  }
0x93: {  	[tilespmem:s20], [sflag:$0x1] =	stream.indirect.gather [hbm4b:s4+s21], $0x100, s17, s21, $0xb8;
	[tilespmem:$0x1D880] =	vst v63  }
0x94: {  	s19 =	sor.u32 $0x40, s17  }
0x95: {  	[tilespmem:s22], [sflag:$0x2] =	stream.indirect.gather [hbm4b:s4+s21], $0x100, s19, s21, $0xb8;
	[tilespmem:$0x1D880] =	vst v63  }
0x96: {  	_ =	swait.ge [sflag:s23], $0x4000  }
0x97: {  	[sflag:s23] =	ssyncset.done $0x0  }
0x98: {  	[sflag:s23] =	ssyncadd.s32 $0xFFFFC000  }
0x99: {  	p2 =	sne.s32 s28, $0x3;
	_ =	swait.ge [sflag:s24], $0x4000  }
.Ltmp5:
0x9a: {  	s29 =	sand.u32 $0xF, s30;
	[sflag:s24] =	ssyncset.done $0x0;
	(pc) =	sbr.rel @!p2 .LBB2_7-.Ltmp5, $4  }
0x9b: {  	s30 =	sadd.s32 $0x10, s16;
	s0 =	sor.u32 $0x800, s17;
	[sflag:s24] =	ssyncadd.s32 $0xFFFFC000  }
0x9c: {  	[spmem:s2] =	stream.indirect.scatter.add.f32 [tilespmem:s20], [sflag:$0x3], $0x100, s0, s25, $0xb8;
	[tilespmem:$0x1D880] =	vst v63  }
0x9d: {  	p0 =	por $0x1, $0x1;
	s1 =	simm.s32 $0x3;
	_ =	swait.ge [sflag:s18], $0x8000  }
0x9e: {  	p1 =	sne.s32 s29, $0x0;
	s31 =	sadd.s32 $0x10, s5;
	[sflag:s18] =	ssyncset.done $0x0  }
.LBB2_8:
0x9f: {  	s0 =	simm.s32 @!p1 $0x0;
	s17 =	simm.s32 @!p1 $0x3;
	[sflag:s18] =	ssyncadd.s32 $0xFFFF8000  }
0xa0: {  	[tilespmem:s0], [sflag:$0x3] =	stream.linear.gather @!p1 [hbm4b:s31+s0], $0x800, $0x38;
	[tilespmem:$0x1D880] =	vst v63  }
0xa1: {  	s19 =	smov.u32 s1;
	s1 =	sadd.s32 $0x1, s1;
	_ =	swait.ge @!p1 [sflag:s17], $0x800  }
0xa2: {  	p2 =	sne.s32 s28, s1;
	[sflag:s17] =	ssyncset.done @!p1 $0x0  }
0xa3: {  	s5 =	simm.s32 @!p1 $0x800;
	[sflag:s17] =	ssyncadd.s32 @!p1 $0xFFFFF800  }
0xa4: {  	[tilespmem:s5], [sflag:$0x3] =	stream.linear.gather @!p1 [hbm4b:s30+s0], $0x800, $0x38;
	[tilespmem:$0x1D880] =	vst v63  }
0xa5: {  	_ =	swait.ge @!p1 [sflag:s17], $0x800  }
0xa6: {  	[sflag:s17] =	ssyncset.done @!p1 $0x0  }
0xa7: {  	s0 =	sshll.u32 s29, $0x7;
	[sflag:s17] =	ssyncadd.s32 @!p1 $0xFFFFF800  }
0xa8: {  	[tilespmem:s20], [sflag:$0x1] =	stream.indirect.gather [hbm4b:s4+s21], $0x100, s0, s21, $0xb8;
	[tilespmem:$0x1D880] =	vst v63  }
0xa9: {  	s5 =	sor.u32 $0x40, s0  }
0xaa: {  	[tilespmem:s22], [sflag:$0x2] =	stream.indirect.gather [hbm4b:s4+s21], $0x100, s5, s21, $0xb8;
	[tilespmem:$0x1D880] =	vst v63  }
0xab: {  	_ =	swait.ge [sflag:s23], $0x4000  }
0xac: {  	[sflag:s23] =	ssyncset.done $0x0  }
0xad: {  	[sflag:s23] =	ssyncadd.s32 $0xFFFFC000  }
0xae: {  	_ =	swait.ge [sflag:s24], $0x4000  }
.Ltmp6:
0xaf: {  	[sflag:s24] =	ssyncset.done $0x0;
	(pc) =	sbr.rel @p2 .LBB2_8-.Ltmp6, $4  }
0xb0: {  	s0 =	sor.u32 $0x800, s0;
	[sflag:s24] =	ssyncadd.s32 $0xFFFFC000  }
0xb1: {  	[spmem:s2] =	stream.indirect.scatter.add.f32 [tilespmem:s20], [sflag:$0x3], $0x100, s0, s25, $0xb8;
	[tilespmem:$0x1D880] =	vst v63  }
0xb2: {  	s29 =	sand.u32 $0xF, s19;
	s30 =	sadd.s32 $0x10, s30;
	_ =	swait.ge [sflag:s18], $0x8000  }
0xb3: {  	s31 =	sadd.s32 $0x10, s31;
	p1 =	sne.s32 s29, $0x0;
	[sflag:s18] =	ssyncset.done $0x0  }
.Ltmp7:
0xb4: {  	(pc) =	sbr.rel .LBB2_10-.Ltmp7, $2  }
0xb5: {  	_ =	sdelay $0x2  }
0xb6: {  	s19 =	stileid.u32;
	s17 =	smov.u32 s15;
	s15 =	simm.s32 $0x9000  }
.LBB2_7:
.Ltmp8:
0xb7: {  	(pc) =	sbr.rel .LBB2_10-.Ltmp8, $2  }
0xb8: {  	_ =	sdelay $0x2  }
0xb9: {  	s19 =	stileid.u32;
	s17 =	smov.u32 s15;
	s15 =	simm.s32 $0x9000  }
.LBB2_12:
0xba: {  	_ =	sfence.sel $0x180000  }
0xbb: {  	[bflag:$0x0] =	sbarrier.arrive $0xFFFF  }
0xbc: {  	_ =	strace $0x9000004D  }
0xbd: {  	[bflag:$0x2] =	sbarrier.arrive $0xFFFF  }
0xbe: {  	p0 =	sne.s32 s19, $0x0;
	s0 =	rddreg [dreg:$0x3]  }
0xbf: {  	s0 =	sadd.s32 @!p0 $0x100000, s0  }
0xc0: {  	[sflag:s0] =	ssyncadd.tile.s32 @!p0 $0x1;
	_ =	shalt  }
.Lfunc_end2:
_tile_overlayer_lowered:
.L_overlay_start_2:
0xc1: {  	(tag) =	ssettag $0x2  }
0xc2: {  	s0 =	rddreg [dreg:$0x0];
	s2 =	stileid.u32  }
0xc3: {  	s1 =	rddreg [dreg:$0x1];
	p0 =	sne.s32 s2, $0x0  }
0xc4: {  	s3 =	rddreg [dreg:$0x2];
	[bflag:$0x3] =	sbarrier.arrive $0xFFFF;
	s2 =	simm.s32 @!p0 $0x1C03  }
0xc5: {  	[timem:s3], [sflag:s2] =	dma.local @!p0 [hbm:s0], s1  }
0xc6: {  	s0 =	simm.s32 @!p0 $0x3  }
0xc7: {  	_ =	swait.ge @!p0 [sflag:s0], s1  }
0xc8: {  	s1 =	ssub.s32 @!p0 $0x0, s1;
	[sflag:s0] =	ssyncset.done @!p0 $0x0  }
0xc9: {  	[sflag:s0] =	ssyncadd.s32 @!p0 s1  }
0xca: {  	[bflag:$0x3] =	sbarrier.arrive $0xFFFF  }
0xcb: {  	_ =	shalt  }

// kernel: kernel.19.cloned.1.call-start
scs
__scs_entry_jumppad:
0x0: {  	(pc) =	sbr.rel $0x88, $3  }
0x1: {  	(tag) =	ssettag $0x0;
	lr =	simm.s32 $0x1  }
0x2: {  	[smem:$0x3F96] =	sst lr;
	_ =	strace $0xD0000000  }
0x3: {  	_ = 	snop  }
0x4: {  	_ = 	snop  }
0x5: {  	_ = 	snop  }
0x6: {  	_ = 	snop  }
0x7: {  	_ = 	snop  }
__scs_overlays_trampoline_lowered:
0x8: {  	[smem:$0x3FA5] =	sst s0  }
0x9: {  	[smem:$0x3FA6] =	sst s1  }
0xa: {  	[smem:$0x3FA7] =	sst s2  }
0xb: {  	[smem:$0x3FA8] =	sst s3  }
0xc: {  	[smem:$0x3FA9] =	sst s4  }
0xd: {  	[smem:$0x3FAA] =	sst s5  }
0xe: {  	[smem:$0x3FAB] =	sst s6  }
0xf: {  	[smem:$0x3FAC] =	sst s7  }
0x10: {  	[smem:$0x3FAD] =	sst s8  }
0x11: {  	[smem:$0x3FAE] =	sst s9;
	s0 =	simm.s32 @!p0 $0x0  }
0x12: {  	s1 =	sld [smem:$0x3F94];
	s0 =	simm.s32 @p0 $0x1  }
0x13: {  	[smem:$0x3FAF] =	sst s0;
	s0 =	simm.s32 @!p1 $0x0  }
0x14: {  	s2 =	sld [smem:$0x3F93];
	s0 =	simm.s32 @p1 $0x1  }
0x15: {  	[smem:$0x3FB0] =	sst s0;
	s0 =	simm.s32 @!p2 $0x0  }
0x16: {  	s3 =	sld [smem:$0x3FDB];
	s0 =	simm.s32 @p2 $0x1  }
0x17: {  	s4 =	simm.s32 $0x1BF5;
	[smem:$0x3FB2] =	sst s0  }
0x18: {  	s0 =	sld [smem:$0x3F95];
	_ =	swait.ge [sflag:s4], $0x0  }
0x19: {  	s7 =	sld [smem:$0x3F96]  }
0x1a: {  	s8 =	sadd.s32 $0xFFFFE003, lr  }
0x1b: {  	s9 =	sadd.s32 $0xFFFFFEF7, lr;
	s5 =	simm.s32 $0xFFFFFFFF;
	p2 =	slt.u32 s8, $0xFFFFF086  }
0x1c: {  	p1 =	slt.u32 s9, $0xF7A;
	s5 =	simm.s32 @!p2 $0x0  }
0x1d: {  	s5 =	simm.s32 @p1 $0x1;
	p0 =	seq.s32 s7, s2  }
0x1e: {  	s7 =	smul.u32 @!p0 $0xF7A, s2;
	p2 =	seq.s32 @!p0 s5, $0x0  }
0x1f: {  	s9 =	smul.u32 $0xF7A, s1;
	s8 =	simm.s32 @!p0 $0x1BF5;
	p2 =	por !p2, p0  }
0x20: {  	[sflag:s8] =	ssyncset.s32 @!p0 $0xFFFFF086;
	s6 =	sadd.s32 @!p0 s3, s7;
	s7 =	simm.s32 @!p0 $0x108  }
0x21: {  	s3 =	sadd.s32 s3, s9;
	s6 =	sadd.s32 @!p0 $0x88, s6;
	s7 =	simm.s32 @p2 $0x1082  }
0x22: {  	[simem:s7], [sflag:s8] =	dma.local @!p0 [hbm:s6], $0xF7A  }
0x23: {  	s9 =	sor.u32 $0xD0000000, s2;
	s6 =	simm.s32 $0x108;
	_ =	swait.ge @!p0 [sflag:s8], $0x0  }
0x24: {  	s3 =	sadd.s32 $0x88, s3;
	s6 =	simm.s32 @!p1 $0x1082;
	[sflag:s4] =	ssyncset.s32 $0xFFFFF086  }
0x25: {  	[simem:s6], [sflag:s4] =	dma.local [hbm:s3], $0xF7A  }
0x26: {  	[smem:$0x3F96] =	sst s1;
	(tag) =	ssettag s2;
	_ =	strace s9  }
0x27: {  	s1 =	sld [smem:$0x3FA6]  }
0x28: {  	s2 =	sld [smem:$0x3FA7]  }
0x29: {  	s4 =	sld [smem:$0x3FA9]  }
0x2a: {  	p0 =	seq.s32 s5, $0x0;
	s5 =	sld [smem:$0x3FAA]  }
0x2b: {  	s6 =	sld [smem:$0x3FAB]  }
0x2c: {  	s7 =	sld [smem:$0x3FAC]  }
0x2d: {  	s3 =	simm.s32 $0x108;
	s8 =	sld [smem:$0x3FAD]  }
0x2e: {  	s3 =	simm.s32 @!p0 $0x1082;
	s9 =	sld [smem:$0x3FAE]  }
0x2f: {  	lr =	sadd.s32 s0, s3;
	s0 =	sld [smem:$0x3FA5]  }
0x30: {  	s3 =	sld [smem:$0x3FA8]  }
0x31: {  	[smem:$0x3FB1] =	sst s10  }
0x32: {  	s10 =	sld [smem:$0x3FAF];
	_ =	sdelay $0x3  }
0x33: {  	p0 =	seq.s32 s10, $0x1;
	s10 =	sld [smem:$0x3FB1];
	_ =	sdelay $0x3  }
0x34: {  	[smem:$0x3FB1] =	sst s10  }
0x35: {  	s10 =	sld [smem:$0x3FB0];
	_ =	sdelay $0x3  }
0x36: {  	p1 =	seq.s32 s10, $0x1;
	s10 =	sld [smem:$0x3FB1];
	_ =	sdelay $0x3  }
0x37: {  	[smem:$0x3FB1] =	sst s10  }
0x38: {  	s10 =	sld [smem:$0x3FB2]  }
0x39: {  	_ = 	snop;
	(pc) =	sbr.ind lr, $3  }
0x3a: {  	_ = 	snop  }
0x3b: {  	_ = 	snop  }
0x3c: {  	p2 =	seq.s32 s10, $0x1;
	s10 =	sld [smem:$0x3FB1]  }
0x3d: {  	_ =	shalt  }
0x3e: {  	_ =	shalt  }
0x3f: {  	_ =	shalt  }
0x40: {  	_ =	shalt  }
0x41: {  	_ =	shalt  }
0x42: {  	_ =	shalt  }
0x43: {  	_ =	shalt  }
0x44: {  	_ =	shalt  }
0x45: {  	_ =	shalt  }
0x46: {  	_ =	shalt  }
0x47: {  	_ =	shalt  }
0x48: {  	_ =	shalt  }
0x49: {  	_ =	shalt  }
0x4a: {  	_ =	shalt  }
0x4b: {  	_ =	shalt  }
0x4c: {  	_ =	shalt  }
0x4d: {  	_ =	shalt  }
0x4e: {  	_ =	shalt  }
0x4f: {  	_ =	shalt  }
0x50: {  	_ =	shalt  }
0x51: {  	_ =	shalt  }
0x52: {  	_ =	shalt  }
0x53: {  	_ =	shalt  }
0x54: {  	_ =	shalt  }
0x55: {  	_ =	shalt  }
0x56: {  	_ =	shalt  }
0x57: {  	_ =	shalt  }
0x58: {  	_ =	shalt  }
0x59: {  	_ =	shalt  }
0x5a: {  	_ =	shalt  }
0x5b: {  	_ =	shalt  }
0x5c: {  	_ =	shalt  }
0x5d: {  	_ =	shalt  }
0x5e: {  	_ =	shalt  }
0x5f: {  	_ =	shalt  }
0x60: {  	_ =	shalt  }
0x61: {  	_ =	shalt  }
0x62: {  	_ =	shalt  }
0x63: {  	_ =	shalt  }
0x64: {  	_ =	shalt  }
0x65: {  	_ =	shalt  }
0x66: {  	_ =	shalt  }
0x67: {  	_ =	shalt  }
0x68: {  	_ =	shalt  }
0x69: {  	_ =	shalt  }
0x6a: {  	_ =	shalt  }
0x6b: {  	_ =	shalt  }
0x6c: {  	_ =	shalt  }
0x6d: {  	_ =	shalt  }
0x6e: {  	_ =	shalt  }
0x6f: {  	_ =	shalt  }
0x70: {  	_ =	shalt  }
0x71: {  	_ =	shalt  }
0x72: {  	_ =	shalt  }
0x73: {  	_ =	shalt  }
0x74: {  	_ =	shalt  }
0x75: {  	_ =	shalt  }
0x76: {  	_ =	shalt  }
0x77: {  	_ =	shalt  }
0x78: {  	_ =	shalt  }
0x79: {  	_ =	shalt  }
0x7a: {  	_ =	shalt  }
0x7b: {  	_ =	shalt  }
0x7c: {  	_ =	shalt  }
0x7d: {  	_ =	shalt  }
0x7e: {  	_ =	shalt  }
0x7f: {  	_ =	shalt  }
0x80: {  	_ =	shalt  }
0x81: {  	_ =	shalt  }
0x82: {  	_ =	shalt  }
0x83: {  	_ =	shalt  }
0x84: {  	_ =	shalt  }
0x85: {  	_ =	shalt  }
0x86: {  	_ =	shalt  }
0x87: {  	_ =	shalt  }
.Lfunc_end0:
.L_simem_size_0:
called_computation.3_lowered:
.L_overlay_start_0:
0x88: {  	s2 =	sld [smem:$0x3FD9]  }
0x89: {  	s3 =	sld [smem:$0x3FFE];
	_ =	sdelay $0x1  }
0x8a: {  	s1 =	srdreg.scid  }
0x8b: {  	s0 =	sand.u32 $0x1, s1  }
0x8c: {  	s14 =	sshll.u32 s0, $0xA;
	s2 =	sadd.s32 s3, s2  }
0x8d: {  	s2 =	sadd.s32 s2, s14  }
0x8e: {  	[smem:$0x3FBD] =	sst s2  }
0x8f: {  	_ = 	snop  }
0x90: {  	s2 =	sld [smem:$0x3FD0];
	_ =	sdelay $0x2  }
0x91: {  	s15 =	simm.s32 $0xA;
	s4 =	simm.s32 $0x10  }
0x92: {  	[smem:s4], [sflag:s15] =	dma.local [hbm:s2], $0x1  }
0x93: {  	_ =	swait.eq [sflag:s15], $0x1  }
0x94: {  	[sflag:s15] =	ssyncset.done $0x0  }
0x95: {  	[sflag:s15] =	ssyncadd.s32 $0xFFFFFFFF  }
0x96: {  	s16 =	sld [smem:$0x11];
	(tm) =	ssettm $0x1  }
0x97: {  	s17 =	sld [smem:$0x3FFB];
	_ =	sdelay $0x3  }
0x98: {  	_ =	strace s17  }
0x99: {  	s3 =	sld [smem:$0x3FFC];
	_ =	sdelay $0x3  }
0x9a: {  	_ =	strace s3  }
0x9b: {  	s3 =	sld [smem:$0x3FFD];
	_ =	sdelay $0x3  }
0x9c: {  	_ =	strace s3  }
0x9d: {  	_ =	strace $0x8FFFFFFF  }
0x9e: {  	s18 =	sld [smem:$0x3FDB];
	_ =	sdelay $0x1  }
0x9f: {  	s19 =	simm.s32 $_scs_section_size  }
0xa0: {  	s5 =	simm.s32 $_size__tile_overlayer_lowered;
	s6 =	simm.s32 $_tile_overlayer_lowered  }
0xa1: {  	s22 =	simm.s32 $0x1BFF;
	s21 =	sshll.u32 s6, $0x1;
	s3 =	sadd.s32 s19, s18  }
0xa2: {  	s7 =	simm.s32 $0x0;
	s20 =	sshll.u32 s5, $0x1;
	s5 =	sadd.s32 s21, s3  }
0xa3: {  	[timem:s7], [sflag:s22] =	dma.local [hbm:s5], s20  }
0xa4: {  	_ =	swait.ge [sflag:s22], s20  }
0xa5: {  	s4 =	ssub.s32 $0x0, s20;
	[sflag:s22] =	ssyncset.done $0x0  }
0xa6: {  	[sflag:s22] =	ssyncadd.s32 s4;
	_ =	sdelay $0x1  }
0xa7: {  	s23 =	simm.s32 $0x1B8B  }
0xa8: {  	_ =	swait.ge [sflag:s23], $0x1  }
0xa9: {  	[sflag:s23] =	ssyncset.done $0x0  }
0xaa: {  	s25 =	simm.s32 $0x1B8E;
	s24 =	sld [smem:$0x3FFE];
	[sflag:s23] =	ssyncadd.s32 $0xFFFFFFFF  }
0xab: {  	s26 =	simm.s32 $execute0_lowered;
	[smem:$0x3FD2] =	sst s25  }
0xac: {  	s5 =	sshll.u32 s26, $0x1;
	_ =	strace $0x8000004F;
	[dreg:$0x1] =	wrdreg $0xFFFFFFFF  }
0xad: {  	s28 =	simm.s32 $_size_execute0_lowered;
	s3 =	sadd.s32 s3, s5;
	[dreg:$0x0] =	wrdreg $0x0  }
0xae: {  	s5 =	sshll.u32 s28, $0x1;
	[dreg:$0x2] =	wrdreg s3  }
0xaf: {  	[dreg:$0x3] =	wrdreg s5  }
0xb0: {  	[dreg:$0x4] =	wrdreg $0xC0  }
0xb1: {  	_ =	task [dreg:s7], $0x5FFFF  }
0xb2: {  	[dreg:$0x1] =	wrdreg $0xFFFFFFFF  }
0xb3: {  	[dreg:$0x0] =	wrdreg $0x60  }
0xb4: {  	[dreg:$0x2] =	wrdreg s24  }
0xb5: {  	[dreg:$0x3] =	wrdreg s16  }
0xb6: {  	[dreg:$0x4] =	wrdreg $0x90800  }
0xb7: {  	[dreg:$0x5] =	wrdreg $0x9  }
0xb8: {  	_ =	task.clear_ibuf [dreg:s7], $0x6FFFF;
	_ =	strace $0x9000004F  }
0xb9: {  	s29 =	simm.s32 $0x9;
	_ =	strace $0x80000051  }
0xba: {  	_ =	swait.ge [sflag:s29], $0x1  }
0xbb: {  	[sflag:s29] =	ssyncadd.s32 $0xFFFFFFFF  }
0xbc: {  	_ =	strace $0x90000051  }
0xbd: {  	_ =	sfence  }
0xbe: {  	s30 =	sld [smem:$0x0];
	_ =	sdelay $0x2  }
0xbf: {  	s31 =	sshll.u32 s1, $0xD;
	s1 =	sshrl.u32 s1, $0x2  }
0xc0: {  	s3 =	sand.u32 $0x4000, s31;
	s1 =	sadd.s32 s1, s30  }
0xc1: {  	s0 =	sor.u32 s3, s0;
	s1 =	sshll.u32 s1, $0x11  }
0xc2: {  	s0 =	sor.u32 s1, s0  }
0xc3: {  	s0 =	sadd.s32 $0x8F2B, s0  }
0xc4: {  	[sflag:s0] =	ssyncadd.remote.s32 $0x1  }
0xc5: {  	_ =	sfence.sel $0xFFFF  }
0xc6: {  	[dreg:$0x0] =	wrdreg $0xFFFFFFFF;
	(pc) =	sbr.abs _section_cstart, $3  }
0xc7: {  	[dreg:$0x1] =	wrdreg $0xFFFFFFFF  }
0xc8: {  	_ =	task.clear_ibuf [dreg:s7], $0x2FFFF;
	_ =	strace $0x9FFFFFFF  }
0xc9: {  	(tm) =	ssettm $0x7FFFFFFF  }
tec
execute0_lowered:
.L_overlay_start_1:
0x0: {  	(tag) =	ssettag $0x1  }
0x1: {  	s1 =	rddreg [dreg:$0x0]  }
0x2: {  	s5 =	rddreg [dreg:$0x1];
	s3 =	srdreg.scid  }
0x3: {  	s19 =	stileid.u32;
	s2 =	rddreg [dreg:$0x2]  }
0x4: {  	s20 =	simm.s32 $0x1000;
	s21 =	simm.s32 $0x40;
	s22 =	simm.s32 $0x5000  }
0x5: {  	s23 =	simm.s32 $0x1;
	s24 =	simm.s32 $0x2;
	s4 =	smul.u32 $0x148, s19  }
0x6: {  	s25 =	simm.s32 $0x80;
	s26 =	simm.s32 $0x0;
	s8 =	smul.u32 $0x52000, s19  }
0x7: {  	s11 =	sand.u32 $0x1, s3;
	s3 =	simm.s32 $0x0;
	s18 =	smul.u32 $0x580, s19  }
0x8: {  	s14 =	sadd.s32 $0xC200, s1;
	s15 =	sadd.s32 $0x17200, s1;
	s6 =	smul.u32 $0x15E0, s11  }
0x9: {  	[smem:$0x7FF] =	sst s3;
	s29 =	sshll.u32 s11, $0x4;
	s7 =	ssub.s32 $0x2, s11  }
0xa: {  	s17 =	smul.u32 $0x5800, s11;
	_ =	strace $0x80000050;
	s9 =	sshrl.u32 s7, $0x1  }
0xb: {  	s8 =	sshrl.u32 s8, $0x2;
	s6 =	sadd.s32 s4, s6;
	s4 =	sadd.s32 $0x22200, s1  }
0xc: {  	s16 =	ssub.s32 s7, s9;
	s8 =	sadd.s32 s8, s2;
	s6 =	sshll.u32 s6, $0x5  }
0xd: {  	s30 =	sadd.s32 s17, s14;
	s1 =	sadd.s32 s6, s1;
	s6 =	sor.u32 s19, s29  }
0xe: {  	s9 =	sadd.s32 $0x8000, s8;
	s10 =	sshll.u32 s6, $0x1;
	s12 =	smul.u32 $0x580, s6  }
0xf: {  	s11 =	sadd.s32 $0x73600, s1;
	s13 =	sadd.s32 $0x75600, s1;
	s5 =	sadd.s32 s5, s10  }
.Ltmp0:
0x10: {  	s10 =	sadd.s32 $0x10000, s8;
	s6 =	sadd.s32 s14, s12;
	(pc) =	sbr.rel .LBB2_1-.Ltmp0, $4  }
0x11: {  	s7 =	sadd.s32 s15, s12;
	s12 =	sadd.s32 $0x74600, s1;
	s15 =	sadd.s32 s17, s15  }
0x12: {  	s17 =	smax.u32 s16, $0x1;
	s1 =	sadd.s32 s18, s30;
	s14 =	simm.s32 $0x800  }
0x13: {  	s31 =	sadd.s32 s18, s15;
	s0 =	sadd.s32 $0x10, s1;
	s15 =	simm.s32 $0x9000  }
0x14: {  	v0 =	vimm.f32 $0.0e+00;
	s18 =	simm.s32 $0x3;
	[dreg:$0x4] =	wrdreg s0;
	s16 =	sadd.s32 $0x10, s31  }
.LBB2_5:
0x15: {  	s31 =	rddreg [dreg:$0x4];
	s30 =	smov.u32 s16  }
.LBB2_10:
0x16: {  	s0 =	simm.s32 @!p1 $0x0;
	s1 =	simm.s32 @!p1 $0x3;
	[sflag:s18] =	ssyncadd.s32 @p0 $0xFFFF8000  }
0x17: {  	[tilespmem:s0], [sflag:$0x3] =	stream.linear.gather @!p1 [hbm4b:s31+s0], $0x800, $0x38;
	[tilespmem:$0x1D880] =	vst v63  }
0x18: {  	_ =	swait.ge @!p1 [sflag:s1], $0x800  }
0x19: {  	[sflag:s1] =	ssyncset.done @!p1 $0x0  }
0x1a: {  	s5 =	simm.s32 @!p1 $0x800;
	[sflag:s1] =	ssyncadd.s32 @!p1 $0xFFFFF800  }
0x1b: {  	[tilespmem:s5], [sflag:$0x3] =	stream.linear.gather @!p1 [hbm4b:s30+s0], $0x800, $0x38;
	[tilespmem:$0x1D880] =	vst v63  }
0x1c: {  	_ =	swait.ge @!p1 [sflag:s1], $0x800  }
0x1d: {  	[sflag:s1] =	ssyncset.done @!p1 $0x0  }
0x1e: {  	s30 =	sshll.u32 s29, $0x7;
	[sflag:s1] =	ssyncadd.s32 @!p1 $0xFFFFF800  }
0x1f: {  	[tilespmem:s20], [sflag:$0x1] =	stream.indirect.gather [hbm4b:s4+s21], $0x100, s30, s21, $0xb8;
	[tilespmem:$0x1D880] =	vst v63  }
0x20: {  	s31 =	sor.u32 $0x40, s30  }
0x21: {  	[tilespmem:s22], [sflag:$0x2] =	stream.indirect.gather [hbm4b:s4+s21], $0x100, s31, s21, $0xb8;
	[tilespmem:$0x1D880] =	vst v63  }
0x22: {  	_ =	swait.ge [sflag:s23], $0x4000  }
0x23: {  	[sflag:s23] =	ssyncset.done $0x0  }
0x24: {  	[sflag:s23] =	ssyncadd.s32 $0xFFFFC000  }
0x25: {  	_ =	swait.ge [sflag:s24], $0x4000  }
0x26: {  	[sflag:s24] =	ssyncset.done $0x0  }
0x27: {  	s5 =	smov.u32 s6;
	s0 =	sor.u32 $0x800, s30;
	[sflag:s24] =	ssyncadd.s32 $0xFFFFC000  }
0x28: {  	[spmem:s2] =	stream.indirect.scatter.add.f32 [tilespmem:s20], [sflag:$0x3], $0x100, s0, s25, $0xb8;
	[tilespmem:$0x1D880] =	vst v63  }
0x29: {  	s6 =	smov.u32 s7;
	s7 =	smov.u32 s11;
	_ =	swait.ge [sflag:s18], $0x8000  }
0x2a: {  	s11 =	smov.u32 s12;
	s12 =	smov.u32 s13;
	[sflag:s18] =	ssyncset.done $0x0  }
0x2b: {  	s13 =	smov.u32 s14;
	s14 =	simm.s32 $0x800;
	[sflag:s18] =	ssyncadd.s32 $0xFFFF8000  }
.LBB2_11:
0x2c: {  	s0 =	sshll.u32 s19, $0x6  }
0x2d: {  	[bflag:$0x0] =	sbarrier.arrive $0xFFFF;
	s1 =	sshrl.u32 s8, $0x3;
	s0 =	sor.u32 $0x1C03, s0  }
0x2e: {  	[hbm:s11], [sflag:s0] =	dma.local [spmem:s1], $0x1000  }
0x2f: {  	_ =	swait.ge [sflag:s18], $0x1000  }
0x30: {  	[sflag:s18] =	ssyncset.done $0x0  }
0x31: {  	s30 =	sshrl.u32 s9, $0x3;
	[sflag:s18] =	ssyncadd.s32 $0xFFFFF000  }
0x32: {  	[hbm:s12], [sflag:s0] =	dma.local [spmem:s30], $0x1000  }
0x33: {  	s26 =	sadd.s32 $0x1, s26;
	_ =	swait.ge [sflag:s18], $0x1000  }
0x34: {  	p0 =	sne.s32 s26, s17;
	[sflag:s18] =	ssyncset.done $0x0  }
.Ltmp1:
0x35: {  	s31 =	sshrl.u32 s10, $0x3;
	[sflag:s18] =	ssyncadd.s32 $0xFFFFF000;
	(pc) =	sbr.rel @!p0 .LBB2_12-.Ltmp1, $4  }
0x36: {  	[hbm:s13], [sflag:s0] =	dma.local [spmem:s31], $0x900  }
0x37: {  	_ =	swait.ge [sflag:s18], $0x900  }
0x38: {  	[sflag:s18] =	ssyncset.done $0x0  }
0x39: {  	[sflag:s18] =	ssyncadd.s32 $0xFFFFF700  }
.LBB2_1:
0x3a: {  	[tilespmem:s15], [sflag:$0x3] =	stream.linear.gather [hbm4b:s5+s3], $0x10, $0x38;
	[tilespmem:$0x1D880] =	vst v63  }
0x3b: {  	_ =	swait.ge [sflag:s18], $0x10  }
0x3c: {  	[sflag:s18] =	ssyncset.done $0x0  }
0x3d: {  	[sflag:s18] =	ssyncadd.s32 $0xFFFFFFF0  }
0x3e: {  	v1 =	vld [tilespmem:$0x9000];
	[tilespmem:s3], [sflag:$0x3] =	stream.linear.gather [hbm4b:s6+s3], $0x800, $0x38  }
0x3f: {  	_ =	swait.ge [sflag:s18], $0x800  }
0x40: {  	[sflag:s18] =	ssyncset.done $0x0  }
0x41: {  	[sflag:s18] =	ssyncadd.s32 $0xFFFFF800  }
0x42: {  	[tilespmem:s14], [sflag:$0x3] =	stream.linear.gather [hbm4b:s7+s3], $0x800, $0x38;
	[tilespmem:$0x1D880] =	vst v63  }
0x43: {  	_ =	swait.ge [sflag:s18], $0x800  }
0x44: {  	[sflag:s18] =	ssyncset.done $0x0  }
0x45: {  	s1 =	simm.s32 $0x0;
	s28 =	simm.s32 $0x400;
	[sflag:s18] =	ssyncadd.s32 $0xFFFFF800  }
.LBB2_2:
0x46: {  	p0 =	sne.s32 s28, $0x1FC00;
	[tilespmem:s1+$0x10F0] =	vst v0  }
0x47: {  	[tilespmem:s1+$0x1000] =	vst v0  }
0x48: {  	[tilespmem:s1+$0x1010] =	vst v0  }
0x49: {  	[tilespmem:s1+$0x1020] =	vst v0  }
0x4a: {  	[tilespmem:s1+$0x1030] =	vst v0  }
0x4b: {  	[tilespmem:s1+$0x1040] =	vst v0  }
0x4c: {  	[tilespmem:s1+$0x1050] =	vst v0  }
0x4d: {  	[tilespmem:s1+$0x1060] =	vst v0  }
0x4e: {  	[tilespmem:s1+$0x1070] =	vst v0  }
0x4f: {  	[tilespmem:s1+$0x1080] =	vst v0  }
0x50: {  	[tilespmem:s1+$0x1090] =	vst v0  }
.Ltmp2:
0x51: {  	[tilespmem:s1+$0x10A0] =	vst v0;
	(pc) =	sbr.rel @p0 .LBB2_2-.Ltmp2, $4  }
0x52: {  	[tilespmem:s1+$0x10B0] =	vst v0  }
0x53: {  	[tilespmem:s1+$0x10C0] =	vst v0  }
0x54: {  	[tilespmem:s1+$0x10D0] =	vst v0  }
0x55: {  	[tilespmem:s1+$0x10E0] =	vst v0;
	s1 =	sshra.s32 s28, $0x2;
	s28 =	sadd.s32 $0x400, s28  }
0x56: {  	[tilespmem:s1+$0x10F0] =	vst v0  }
0x57: {  	[tilespmem:s1+$0x1000] =	vst v0  }
0x58: {  	(v2sf) =	vpush v1, $0x0;
	[tilespmem:s1+$0x1010] =	vst v0  }
0x59: {  	[tilespmem:s1+$0x1020] =	vst v0  }
0x5a: {  	[tilespmem:s1+$0x1030] =	vst v0  }
0x5b: {  	[tilespmem:s1+$0x1040] =	vst v0  }
0x5c: {  	[tilespmem:s1+$0x1050] =	vst v0  }
0x5d: {  	[tilespmem:s1+$0x1060] =	vst v0  }
0x5e: {  	[tilespmem:s1+$0x1070] =	vst v0  }
0x5f: {  	[tilespmem:s1+$0x1080] =	vst v0  }
0x60: {  	[tilespmem:s1+$0x1090] =	vst v0  }
0x61: {  	[tilespmem:s1+$0x10A0] =	vst v0  }
0x62: {  	[tilespmem:s1+$0x10B0] =	vst v0  }
0x63: {  	[tilespmem:s1+$0x10C0] =	vst v0  }
0x64: {  	[tilespmem:s1+$0x10D0] =	vst v0  }
0x65: {  	[tilespmem:s1+$0x10E0] =	vst v0  }
0x66: {  	[spmem:s8] =	stream.linear.scatter [tilespmem:s20], [sflag:$0x3], $0x8000, $0x38;
	[tilespmem:$0x1D880] =	vst v63  }
0x67: {  	s28 =	spop (v2sf)  }
0x68: {  	_ =	swait.ge [sflag:s18], $0x8000  }
0x69: {  	[sflag:s18] =	ssyncset.done $0x0  }
0x6a: {  	[sflag:s18] =	ssyncadd.s32 $0xFFFF8000  }
0x6b: {  	[spmem:s9] =	stream.linear.scatter [tilespmem:s20], [sflag:$0x3], $0x8000, $0x38;
	[tilespmem:$0x1D880] =	vst v63  }
0x6c: {  	_ =	swait.ge [sflag:s18], $0x8000  }
0x6d: {  	[sflag:s18] =	ssyncset.done $0x0  }
0x6e: {  	[sflag:s18] =	ssyncadd.s32 $0xFFFF8000  }
0x6f: {  	[spmem:s10] =	stream.linear.scatter [tilespmem:s20], [sflag:$0x3], $0x4800, $0x38;
	[tilespmem:$0x1D880] =	vst v63  }
0x70: {  	_ =	swait.ge [sflag:s18], $0x4800  }
0x71: {  	p0 =	slt.s32 s28, $0x1;
	[sflag:s18] =	ssyncset.done $0x0  }
0x72: {  	s1 =	simm.s32 @!p0 $0x40;
	[sflag:s18] =	ssyncadd.s32 $0xFFFFB800  }
0x73: {  	s29 =	simm.s32 @!p0 $0x0;
	s30 =	simm.s32 @!p0 $0x1000;
	[bflag:$0x0] =	sbarrier.arrive $0xFFFF  }
0x74: {  	[tilespmem:s30], [sflag:$0x1] =	stream.indirect.gather @!p0 [hbm4b:s4+s1], $0x100, s29, s1, $0xb8;
	[tilespmem:$0x1D880] =	vst v63  }
0x75: {  	s29 =	simm.s32 @!p0 $0x5000  }
0x76: {  	[tilespmem:s29], [sflag:$0x2] =	stream.indirect.gather @!p0 [hbm4b:s4+s1], $0x100, s1, s1, $0xb8;
	[tilespmem:$0x1D880] =	vst v63  }
0x77: {  	s1 =	simm.s32 @!p0 $0x1  }
0x78: {  	_ =	swait.ge @!p0 [sflag:s1], $0x4000  }
0x79: {  	[sflag:s1] =	ssyncset.done @!p0 $0x0  }
0x7a: {  	s29 =	simm.s32 @!p0 $0x2;
	[sflag:s1] =	ssyncadd.s32 @!p0 $0xFFFFC000  }
0x7b: {  	_ =	swait.ge @!p0 [sflag:s29], $0x4000  }
0x7c: {  	s31 =	simm.s32 @!p0 $0x800;
	p1 =	seq.s32 @!p0 s28, $0x1;
	[sflag:s29] =	ssyncset.done @!p0 $0x0  }
0x7d: {  	p1 =	por p0, p1;
	[sflag:s29] =	ssyncadd.s32 @!p0 $0xFFFFC000;
	s29 =	simm.s32 @!p0 $0x80  }
0x7e: {  	[spmem:s2] =	stream.indirect.scatter.add.f32 @!p0 [tilespmem:s30], [sflag:$0x3], $0x100, s31, s29, $0xb8;
	[tilespmem:$0x1D880] =	vst v63  }
.Ltmp3:
0x7f: {  	_ = 	snop;
	(pc) =	sbr.rel @p1 .LBB2_11-.Ltmp3, $4  }
0x80: {  	s29 =	simm.s32 @!p0 $0x3  }
0x81: {  	_ =	swait.ge @!p0 [sflag:s29], $0x8000  }
0x82: {  	[sflag:s29] =	ssyncset.done @!p0 $0x0  }
0x83: {  	[sflag:s29] =	ssyncadd.s32 @!p0 $0xFFFF8000  }
0x84: {  	p2 =	sne.s32 s28, $0x2  }
.Ltmp4:
0x85: {  	_ = 	snop;
	(pc) =	sbr.rel @!p2 .LBB2_5-.Ltmp4, $4  }
0x86: {  	s14 =	smov.u32 s13  }
0x87: {  	s13 =	smov.u32 s12;
	s12 =	smov.u32 s11;
	s11 =	smov.u32 s7  }
0x88: {  	s7 =	smov.u32 s6;
	s6 =	smov.u32 s5;
	s29 =	sand.u32 $0xF, s1  }
0x89: {  	s30 =	simm.s32 $0x2;
	p0 =	por $0x0, $0x0;
	p1 =	sne.s32 s29, $0x0  }
0x8a: {  	s1 =	simm.s32 @!p1 $0x0;
	s31 =	simm.s32 @!p1 $0x3;
	s5 =	rddreg [dreg:$0x4]  }
0x8b: {  	[tilespmem:s1], [sflag:$0x3] =	stream.linear.gather @!p1 [hbm4b:s5+s1], $0x800, $0x38;
	[tilespmem:$0x1D880] =	vst v63  }
0x8c: {  	_ =	swait.ge @!p1 [sflag:s31], $0x800  }
0x8d: {  	[sflag:s31] =	ssyncset.done @!p1 $0x0  }
0x8e: {  	s0 =	simm.s32 @!p1 $0x800;
	[sflag:s31] =	ssyncadd.s32 @!p1 $0xFFFFF800  }
0x8f: {  	[tilespmem:s0], [sflag:$0x3] =	stream.linear.gather @!p1 [hbm4b:s16+s1], $0x800, $0x38;
	[tilespmem:$0x1D880] =	vst v63  }
0x90: {  	_ =	swait.ge @!p1 [sflag:s31], $0x800  }
0x91: {  	[sflag:s31] =	ssyncset.done @!p1 $0x0  }
0x92: {  	s15 =	smov.u32 s17;
	s17 =	sshll.u32 s29, $0x7;
	[sflag:s31] =	ssyncadd.s32 @!p1 $0xFFFFF800  }
0x93: {  	[tilespmem:s20], [sflag:$0x1] =	stream.indirect.gather [hbm4b:s4+s21], $0x100, s17, s21, $0xb8;
	[tilespmem:$0x1D880] =	vst v63  }
0x94: {  	s19 =	sor.u32 $0x40, s17  }
0x95: {  	[tilespmem:s22], [sflag:$0x2] =	stream.indirect.gather [hbm4b:s4+s21], $0x100, s19, s21, $0xb8;
	[tilespmem:$0x1D880] =	vst v63  }
0x96: {  	_ =	swait.ge [sflag:s23], $0x4000  }
0x97: {  	[sflag:s23] =	ssyncset.done $0x0  }
0x98: {  	[sflag:s23] =	ssyncadd.s32 $0xFFFFC000  }
0x99: {  	p2 =	sne.s32 s28, $0x3;
	_ =	swait.ge [sflag:s24], $0x4000  }
.Ltmp5:
0x9a: {  	s29 =	sand.u32 $0xF, s30;
	[sflag:s24] =	ssyncset.done $0x0;
	(pc) =	sbr.rel @!p2 .LBB2_7-.Ltmp5, $4  }
0x9b: {  	s30 =	sadd.s32 $0x10, s16;
	s0 =	sor.u32 $0x800, s17;
	[sflag:s24] =	ssyncadd.s32 $0xFFFFC000  }
0x9c: {  	[spmem:s2] =	stream.indirect.scatter.add.f32 [tilespmem:s20], [sflag:$0x3], $0x100, s0, s25, $0xb8;
	[tilespmem:$0x1D880] =	vst v63  }
0x9d: {  	p0 =	por $0x1, $0x1;
	s1 =	simm.s32 $0x3;
	_ =	swait.ge [sflag:s18], $0x8000  }
0x9e: {  	p1 =	sne.s32 s29, $0x0;
	s31 =	sadd.s32 $0x10, s5;
	[sflag:s18] =	ssyncset.done $0x0  }
.LBB2_8:
0x9f: {  	s0 =	simm.s32 @!p1 $0x0;
	s17 =	simm.s32 @!p1 $0x3;
	[sflag:s18] =	ssyncadd.s32 $0xFFFF8000  }
0xa0: {  	[tilespmem:s0], [sflag:$0x3] =	stream.linear.gather @!p1 [hbm4b:s31+s0], $0x800, $0x38;
	[tilespmem:$0x1D880] =	vst v63  }
0xa1: {  	s19 =	smov.u32 s1;
	s1 =	sadd.s32 $0x1, s1;
	_ =	swait.ge @!p1 [sflag:s17], $0x800  }
0xa2: {  	p2 =	sne.s32 s28, s1;
	[sflag:s17] =	ssyncset.done @!p1 $0x0  }
0xa3: {  	s5 =	simm.s32 @!p1 $0x800;
	[sflag:s17] =	ssyncadd.s32 @!p1 $0xFFFFF800  }
0xa4: {  	[tilespmem:s5], [sflag:$0x3] =	stream.linear.gather @!p1 [hbm4b:s30+s0], $0x800, $0x38;
	[tilespmem:$0x1D880] =	vst v63  }
0xa5: {  	_ =	swait.ge @!p1 [sflag:s17], $0x800  }
0xa6: {  	[sflag:s17] =	ssyncset.done @!p1 $0x0  }
0xa7: {  	s0 =	sshll.u32 s29, $0x7;
	[sflag:s17] =	ssyncadd.s32 @!p1 $0xFFFFF800  }
0xa8: {  	[tilespmem:s20], [sflag:$0x1] =	stream.indirect.gather [hbm4b:s4+s21], $0x100, s0, s21, $0xb8;
	[tilespmem:$0x1D880] =	vst v63  }
0xa9: {  	s5 =	sor.u32 $0x40, s0  }
0xaa: {  	[tilespmem:s22], [sflag:$0x2] =	stream.indirect.gather [hbm4b:s4+s21], $0x100, s5, s21, $0xb8;
	[tilespmem:$0x1D880] =	vst v63  }
0xab: {  	_ =	swait.ge [sflag:s23], $0x4000  }
0xac: {  	[sflag:s23] =	ssyncset.done $0x0  }
0xad: {  	[sflag:s23] =	ssyncadd.s32 $0xFFFFC000  }
0xae: {  	_ =	swait.ge [sflag:s24], $0x4000  }
.Ltmp6:
0xaf: {  	[sflag:s24] =	ssyncset.done $0x0;
	(pc) =	sbr.rel @p2 .LBB2_8-.Ltmp6, $4  }
0xb0: {  	s0 =	sor.u32 $0x800, s0;
	[sflag:s24] =	ssyncadd.s32 $0xFFFFC000  }
0xb1: {  	[spmem:s2] =	stream.indirect.scatter.add.f32 [tilespmem:s20], [sflag:$0x3], $0x100, s0, s25, $0xb8;
	[tilespmem:$0x1D880] =	vst v63  }
0xb2: {  	s29 =	sand.u32 $0xF, s19;
	s30 =	sadd.s32 $0x10, s30;
	_ =	swait.ge [sflag:s18], $0x8000  }
0xb3: {  	s31 =	sadd.s32 $0x10, s31;
	p1 =	sne.s32 s29, $0x0;
	[sflag:s18] =	ssyncset.done $0x0  }
.Ltmp7:
0xb4: {  	(pc) =	sbr.rel .LBB2_10-.Ltmp7, $2  }
0xb5: {  	_ =	sdelay $0x2  }
0xb6: {  	s19 =	stileid.u32;
	s17 =	smov.u32 s15;
	s15 =	simm.s32 $0x9000  }
.LBB2_7:
.Ltmp8:
0xb7: {  	(pc) =	sbr.rel .LBB2_10-.Ltmp8, $2  }
0xb8: {  	_ =	sdelay $0x2  }
0xb9: {  	s19 =	stileid.u32;
	s17 =	smov.u32 s15;
	s15 =	simm.s32 $0x9000  }
.LBB2_12:
0xba: {  	_ =	sfence.sel $0x180000  }
0xbb: {  	[bflag:$0x0] =	sbarrier.arrive $0xFFFF  }
0xbc: {  	_ =	strace $0x90000050  }
0xbd: {  	[bflag:$0x2] =	sbarrier.arrive $0xFFFF  }
0xbe: {  	p0 =	sne.s32 s19, $0x0;
	s0 =	rddreg [dreg:$0x3]  }
0xbf: {  	s0 =	sadd.s32 @!p0 $0x100000, s0  }
0xc0: {  	[sflag:s0] =	ssyncadd.tile.s32 @!p0 $0x1;
	_ =	shalt  }
.Lfunc_end2:
_tile_overlayer_lowered:
.L_overlay_start_2:
0xc1: {  	(tag) =	ssettag $0x2  }
0xc2: {  	s0 =	rddreg [dreg:$0x0];
	s2 =	stileid.u32  }
0xc3: {  	s1 =	rddreg [dreg:$0x1];
	p0 =	sne.s32 s2, $0x0  }
0xc4: {  	s3 =	rddreg [dreg:$0x2];
	[bflag:$0x3] =	sbarrier.arrive $0xFFFF;
	s2 =	simm.s32 @!p0 $0x1C03  }
0xc5: {  	[timem:s3], [sflag:s2] =	dma.local @!p0 [hbm:s0], s1  }
0xc6: {  	s0 =	simm.s32 @!p0 $0x3  }
0xc7: {  	_ =	swait.ge @!p0 [sflag:s0], s1  }
0xc8: {  	s1 =	ssub.s32 @!p0 $0x0, s1;
	[sflag:s0] =	ssyncset.done @!p0 $0x0  }
0xc9: {  	[sflag:s0] =	ssyncadd.s32 @!p0 s1  }
0xca: {  	[bflag:$0x3] =	sbarrier.arrive $0xFFFF  }
0xcb: {  	_ =	shalt  }

</sc_bundles>
